<compile_context>
chip_gen: v7x
topology: tpu7x:2x2x1
jax: 0.10.2.dev20260603
libtpu: 0.0.44.dev20260713+nightly
codegen_flags: <defaults>
</compile_context>

<pallas_src>
import functools

import jax
import jax.numpy as jnp
from jax import lax
from jax.experimental import pallas as pl
from jax.experimental.pallas import tpu as pltpu
from jax.experimental.pallas import tpu_sc as plsc

N = 10000
E = 320000
D = 128
H = 128
OUT = 10
G = 64

NC = 2
NS = 16
NTILES = NC * NS
CH = 128
MACRO = 4 * CH
NMACRO = E // MACRO
KMAX = -(-NMACRO // NTILES)
NPAD = 10240
ROWS_PER_TILE = NPAD // NS
DROWS = NPAD // CH

_F32 = jnp.float32


def _sc_scatter(x, e2, zeros_hbm):
    mesh = plsc.VectorSubcoreMesh(
        core_axis_name="c", subcore_axis_name="s", num_cores=NC, num_subcores=NS
    )

    @functools.partial(
        pl.kernel,
        out_type=(
            jax.ShapeDtypeStruct((NC * NPAD, D), _F32),
            jax.ShapeDtypeStruct((NC * DROWS, CH), _F32),
        ),
        mesh=mesh,
        compiler_params=pltpu.CompilerParams(
            needs_layout_passes=False, use_tc_tiling_on_sc=False),
        scratch_types=[
            pltpu.VMEM_SHARED((NPAD, D), _F32),
            pltpu.VMEM((8, CH), jnp.int32),
            pltpu.VMEM((8, CH), jnp.int32),
            pltpu.VMEM((8, CH), jnp.int32),
            pltpu.VMEM((8, CH), jnp.int32),
            pltpu.VMEM((CH, D), _F32),
            pltpu.VMEM((CH, D), _F32),
            pltpu.VMEM((DROWS, CH), _F32),
            pltpu.VMEM((DROWS,), jnp.int32),
            pltpu.VMEM_SHARED((DROWS, CH), _F32),
            pltpu.SemaphoreType.DMA,
            pltpu.SemaphoreType.DMA,
            pltpu.SemaphoreType.DMA,
            pltpu.SemaphoreType.DMA,
            pltpu.SemaphoreType.DMA,
            pltpu.SemaphoreType.DMA,
        ],
    )
    def k(x_hbm, e2_hbm, z_hbm, part_hbm, deg_hbm, acc, ed0_v, ed1_v, ed2_v,
          ed3_v, rows0_v, rows1_v, deg_v, idx80_v, dacc, sem0, sem1,
          si0, si1, si2, si3):
        zrow_v = rows0_v
        c = lax.axis_index("c")
        s = lax.axis_index("s")
        wid = s * NC + c
        base_r = s * ROWS_PER_TILE

        pltpu.sync_copy(z_hbm, zrow_v)
        for j in range(ROWS_PER_TILE // CH):
            pltpu.sync_copy(zrow_v, acc.at[pl.ds(base_r + j * CH, CH)])
        pltpu.sync_copy(z_hbm.at[pl.ds(0, DROWS)], deg_v)
        for i in range(DROWS // 16):
            idx80_v[pl.ds(i * 16, 16)] = lax.iota(jnp.int32, 16) + i * 16

        @pl.when(s == 0)
        def _():
            pltpu.sync_copy(deg_v, dacc)

        plsc.subcore_barrier()

        rbufs = ((rows0_v, sem0), (rows1_v, sem1))
        ebufs = ((ed0_v, si0), (ed1_v, si1), (ed2_v, si2), (ed3_v, si3))
        ones16 = jnp.full((16,), 1.0, _F32)

        def valid(kk):
            return kk * NTILES + wid < NMACRO

        def idx_fire(kk, e):
            ed_v, si = ebufs[e]

            @pl.when(valid(kk))
            def _():
                pltpu.async_copy(e2_hbm.at[kk * NTILES + wid], ed_v, si)

        def idx_wait(kk, e):
            ed_v, si = ebufs[e]

            @pl.when(valid(kk))
            def _():
                pltpu.make_async_copy(
                    e2_hbm.at[kk * NTILES + wid], ed_v, si).wait()

        def fire(kk, e, j, b):
            ed_v, _ = ebufs[e]
            rows_v, sem = rbufs[b]

            @pl.when(valid(kk))
            def _():
                pltpu.async_copy(x_hbm.at[ed_v.at[j]], rows_v, sem)

        def drain(kk, e, j, b):
            ed_v, _ = ebufs[e]
            rows_v, sem = rbufs[b]

            @pl.when(valid(kk))
            def _():
                pltpu.make_async_copy(x_hbm.at[ed_v.at[j]], rows_v, sem).wait()
                pltpu.sync_copy(rows_v, acc.at[ed_v.at[4 + j]], add=True)

        def deghist(kk, e):
            ed_v, _ = ebufs[e]

            @pl.when(valid(kk))
            def _():
                for j in range(4):
                    for i in range(CH // 16):
                        d16 = ed_v[4 + j, pl.ds(i * 16, 16)]
                        plsc.addupdate_scatter(
                            deg_v,
                            [lax.shift_right_logical(d16, 7),
                             jnp.bitwise_and(d16, 127)],
                            ones16,
                        )

        idx_fire(0, 0)
        idx_wait(0, 0)
        idx_fire(1, 1)
        fire(0, 0, 0, 0)

        def body(k4, carry):
            a = 4 * k4
            b, c, d, n0, n1 = a + 1, a + 2, a + 3, a + 4, a + 5
            fire(a, 0, 1, 1)
            deghist(a, 0)
            idx_wait(b, 1)
            idx_fire(c, 2)
            drain(a, 0, 0, 0)
            fire(a, 0, 2, 0)
            drain(a, 0, 1, 1)
            fire(a, 0, 3, 1)
            drain(a, 0, 2, 0)
            fire(b, 1, 0, 0)
            deghist(b, 1)
            idx_fire(d, 3)
            drain(a, 0, 3, 1)
            fire(b, 1, 1, 1)
            drain(b, 1, 0, 0)
            fire(b, 1, 2, 0)
            idx_wait(c, 2)
            drain(b, 1, 1, 1)
            fire(b, 1, 3, 1)
            drain(b, 1, 2, 0)
            fire(c, 2, 0, 0)
            deghist(c, 2)
            idx_fire(n0, 0)
            drain(b, 1, 3, 1)
            fire(c, 2, 1, 1)
            drain(c, 2, 0, 0)
            fire(c, 2, 2, 0)
            idx_wait(d, 3)
            drain(c, 2, 1, 1)
            fire(c, 2, 3, 1)
            drain(c, 2, 2, 0)
            fire(d, 3, 0, 0)
            deghist(d, 3)
            idx_fire(n1, 1)
            drain(c, 2, 3, 1)
            fire(d, 3, 1, 1)
            drain(d, 3, 0, 0)
            fire(d, 3, 2, 0)
            idx_wait(n0, 0)
            drain(d, 3, 1, 1)
            fire(d, 3, 3, 1)
            drain(d, 3, 2, 0)
            fire(n0, 0, 0, 0)
            drain(d, 3, 3, 1)
            return carry

        lax.fori_loop(0, KMAX // 4, body, 0)

        pltpu.sync_copy(deg_v, dacc.at[idx80_v], add=True)
        plsc.subcore_barrier()
        for j in range(ROWS_PER_TILE // CH):
            r0 = base_r + j * CH
            pltpu.sync_copy(acc.at[pl.ds(r0, CH)], zrow_v)
            pltpu.sync_copy(zrow_v, part_hbm.at[pl.ds(c * NPAD + r0, CH)])

        @pl.when(s == 0)
        def _():
            pltpu.sync_copy(dacc, deg_v)
            pltpu.sync_copy(deg_v, deg_hbm.at[pl.ds(c * DROWS, DROWS)])

    return k(x, e2, zeros_hbm)


NB = 8
BN = NPAD // NB


def _tc_self(x, batch_p, W_r, b_l):
    hi = jax.lax.Precision.HIGHEST

    def body(x_ref, b_ref, wr_ref, bl_ref, xr_ref, cnt_ref):
        xr_ref[...] = jnp.dot(x_ref[...], wr_ref[...], precision=hi) + bl_ref[...]
        gids = lax.broadcasted_iota(jnp.int32, (G, 1), 0)
        onehot_t = (gids == b_ref[...]).astype(_F32)
        cnt_ref[...] = jnp.sum(onehot_t, axis=1, keepdims=True)

    return pl.pallas_call(
        body,
        out_shape=(
            jax.ShapeDtypeStruct((N, H), _F32),
            jax.ShapeDtypeStruct((G, 1), _F32),
        ),
    )(x, batch_p, W_r, b_l)


def _tc_dense(part, degp, xr, cnt, batch_p, W_l, W1, b1, W2, b2):
    hi = jax.lax.Precision.HIGHEST

    def body(part_ref, deg_ref, xr_ref, cnt_ref, b_ref, wl_ref, w1_ref,
             b1_ref, w2_ref, b2_ref, emb_ref, logp_ref, pool_acc):
        i = pl.program_id(0)
        agg = part_ref[0] + part_ref[1]
        hrows = pl.ds(i * (BN // CH), BN // CH)
        dhb = deg_ref[0, hrows] + deg_ref[1, hrows]
        sel = (lax.broadcasted_iota(jnp.int32, (BN, CH), 0) % CH
               == lax.broadcasted_iota(jnp.int32, (BN, CH), 1))
        dhrep = jnp.broadcast_to(
            dhb[:, None, :], (BN // CH, CH, CH)).reshape(BN, CH)
        deg = jnp.sum(jnp.where(sel, dhrep, 0.0), axis=1, keepdims=True)
        mean = agg / jnp.maximum(deg, 1.0)
        emb = jnp.dot(mean, wl_ref[...], precision=hi) + xr_ref[...]
        emb_ref[...] = emb
        rid = lax.broadcasted_iota(jnp.int32, (BN, 1), 0) + i * BN
        h = jnp.where(rid < N, jnp.maximum(emb, 0.0), 0.0)
        gids = lax.broadcasted_iota(jnp.int32, (G, 1), 0)
        onehot_t = (gids == b_ref[...]).astype(_F32)
        psum = jnp.dot(onehot_t, h, precision=hi)

        @pl.when(i == 0)
        def _():
            pool_acc[...] = jnp.zeros_like(pool_acc)

        pool_acc[...] += psum

        @pl.when(i == NB - 1)
        def _():
            pooled = pool_acc[...] / jnp.maximum(cnt_ref[...], 1.0)
            z1 = jnp.maximum(
                jnp.dot(pooled, w1_ref[...], precision=hi) + b1_ref[...], 0.0)
            z = jnp.dot(z1, w2_ref[...], precision=hi) + b2_ref[...]
            m = jnp.max(z, axis=1, keepdims=True)
            lse = jnp.log(jnp.sum(jnp.exp(z - m), axis=1, keepdims=True)) + m
            logp_ref[...] = z - lse

    full = lambda *shape: pl.BlockSpec(shape, lambda i: (0,) * len(shape))
    return pl.pallas_call(
        body,
        grid=(NB,),
        in_specs=[
            pl.BlockSpec((NC, BN, D), lambda i: (0, i, 0)),
            full(NC, DROWS, CH),
            pl.BlockSpec((BN, H), lambda i: (i, 0)),
            full(G, 1),
            pl.BlockSpec((1, BN), lambda i: (0, i)),
            full(D, H),
            full(H, 50),
            full(1, 50),
            full(50, OUT),
            full(1, OUT),
        ],
        out_specs=(
            pl.BlockSpec((BN, H), lambda i: (i, 0)),
            pl.BlockSpec((G, OUT), lambda i: (0, 0)),
        ),
        out_shape=(
            jax.ShapeDtypeStruct((N, H), _F32),
            jax.ShapeDtypeStruct((G, OUT), _F32),
        ),
        scratch_shapes=[pltpu.VMEM((G, H), _F32)],
    )(part, degp, xr, cnt, batch_p, W_l, W1, b1, W2, b2)


def kernel(x, edge_index, batch, W_l, b_l, W_r, W1, b1, W2, b2):
    src = edge_index[0].reshape(NMACRO, 4, CH)
    dst = edge_index[1].reshape(NMACRO, 4, CH)
    e2 = jnp.concatenate([src, dst], axis=1)
    zeros_hbm = jnp.zeros((CH, D), _F32)
    batch_p = jnp.concatenate(
        [batch, jnp.full((NPAD - N,), G, jnp.int32)]).reshape(1, NPAD)
    part, degp = _sc_scatter(x, e2, zeros_hbm)
    xr, cnt = _tc_self(x, batch_p, W_r, b_l.reshape(1, H))
    part = part.reshape(NC, NPAD, D)
    degp = degp.reshape(NC, DROWS, CH)
    emb, logp = _tc_dense(
        part, degp, xr, cnt, batch_p, W_l,
        W1, b1.reshape(1, 50), W2, b2.reshape(1, OUT))
    return emb, logp

# --- scband reference (transcript-rebuilt; emitter-appended) ---
"""Pipeline reference for scband-gnnstack-36137854828757 (READ-ONLY COPY).

The authoritative reference and input builder live on the scoring server;
editing this copy changes nothing except your own understanding.
"""

import jax, jax.numpy as jnp
import numpy as np

N = 10000
E = 320000
D = 128
H = 128
OUT = 10
G = 64


def setup_inputs(seed: int = 0) -> dict:
    key = jax.random.key(seed)
    ks = jax.random.split(key, 12)
    x = jax.random.normal(ks[0], (N, D), dtype=jnp.float32)
    edge_index = jax.random.randint(ks[1], (2, E), 0, N, dtype=jnp.int32)
    batch = jnp.sort(jax.random.randint(ks[2], (N,), 0, G, dtype=jnp.int32))
    # SAGEConv params: lin_l applied to mean-aggregated neighbors (with bias),
    # lin_r applied to the root/self features (no bias), following PyG SAGEConv.
    W_l = jax.random.normal(ks[3], (D, H), dtype=jnp.float32) * (1.0 / np.sqrt(D))
    b_l = jnp.zeros((H,), dtype=jnp.float32)
    W_r = jax.random.normal(ks[4], (D, H), dtype=jnp.float32) * (1.0 / np.sqrt(D))
    # post_mp: Linear(H, 50) -> ReLU -> Linear(50, OUT)
    W1 = jax.random.normal(ks[5], (H, 50), dtype=jnp.float32) * (1.0 / np.sqrt(H))
    b1 = jnp.zeros((50,), dtype=jnp.float32)
    W2 = jax.random.normal(ks[6], (50, OUT), dtype=jnp.float32) * (1.0 / np.sqrt(50))
    b2 = jnp.zeros((OUT,), dtype=jnp.float32)
    return {"x": x, "edge_index": edge_index, "batch": batch,
            "W_l": W_l, "b_l": b_l, "W_r": W_r,
            "W1": W1, "b1": b1, "W2": W2, "b2": b2}


def reference(x, edge_index, batch, W_l, b_l, W_r, W1, b1, W2, b2):
    # num_layers == 1, so only net[0] = SageConv(input_dim, hidden_dim) runs.
    src = edge_index[0]
    dst = edge_index[1]
    # mean aggregation of neighbor (source) features at destination nodes
    agg = jax.ops.segment_sum(jnp.take(x, src, axis=0), dst, num_segments=N)
    deg = jax.ops.segment_sum(jnp.ones((E,), dtype=jnp.float32), dst, num_segments=N)
    mean_agg = agg / jnp.clip(deg, 1.0)[:, None]
    emb = mean_agg @ W_l + b_l + x @ W_r  # SAGEConv output, returned as emb
    h = jax.nn.relu(emb)
    # task == 'graph': global_mean_pool over batch segment ids
    pooled_sum = jax.ops.segment_sum(h, batch, num_segments=G)
    cnt = jax.ops.segment_sum(jnp.ones((N,), dtype=jnp.float32), batch, num_segments=G)
    pooled = pooled_sum / jnp.clip(cnt, 1.0)[:, None]
    # post_mp
    z = jax.nn.relu(pooled @ W1 + b1) @ W2 + b2
    logp = jax.nn.log_softmax(z, axis=1)
    return (emb, logp)

if __name__ == "__main__":
    import jax
    _d = setup_inputs()
    print(jax.jit(kernel)(*tuple(_d.values())))

</pallas_src>

<mosaic_0001>
#map = affine_map<(d0, d1) -> (0, 0)>
#map1 = affine_map<(d0, d1) -> (0, 0, 0)>
module attributes {stable_mosaic.version = 14 : i64} {
  func.func @k(%arg0: i32, %arg1: i32, %arg2: memref<10000x128xf32, #tpu.memory_space<hbm>>, %arg3: memref<625x8x128xi32, #tpu.memory_space<hbm>>, %arg4: memref<128x128xf32, #tpu.memory_space<hbm>>, %arg5: memref<20480x128xf32, #tpu.memory_space<hbm>>, %arg6: memref<160x128xf32, #tpu.memory_space<hbm>>, %arg7: memref<10240x128xf32, #tpu.memory_space<vmem_shared>>, %arg8: memref<8x128xi32, #tpu.memory_space<vmem>>, %arg9: memref<8x128xi32, #tpu.memory_space<vmem>>, %arg10: memref<8x128xi32, #tpu.memory_space<vmem>>, %arg11: memref<8x128xi32, #tpu.memory_space<vmem>>, %arg12: memref<128x128xf32, #tpu.memory_space<vmem>>, %arg13: memref<128x128xf32, #tpu.memory_space<vmem>>, %arg14: memref<80x128xf32, #tpu.memory_space<vmem>>, %arg15: memref<80xi32, #tpu.memory_space<vmem>>, %arg16: memref<80x128xf32, #tpu.memory_space<vmem_shared>>, %arg17: memref<!tpu.dma_semaphore, #tpu.memory_space<semaphore_mem>>, %arg18: memref<!tpu.dma_semaphore, #tpu.memory_space<semaphore_mem>>, %arg19: memref<!tpu.dma_semaphore, #tpu.memory_space<semaphore_mem>>, %arg20: memref<!tpu.dma_semaphore, #tpu.memory_space<semaphore_mem>>, %arg21: memref<!tpu.dma_semaphore, #tpu.memory_space<semaphore_mem>>, %arg22: memref<!tpu.dma_semaphore, #tpu.memory_space<semaphore_mem>>) attributes {dimension_semantics = [#tpu.dimension_semantics<core_parallel>, #tpu.dimension_semantics<subcore_parallel>], iteration_bounds = array<i64: 2, 16>, scalar_prefetch = 0 : i64, scratch_operands = 16 : i64, tpu.core_type = #tpu.core_type<sc_vector_subcore>, window_params = [{transform_indices = #map}, {transform_indices = #map1}, {transform_indices = #map}, {transform_indices = #map}, {transform_indices = #map}]} {
    %mul3A = arith.constant 2 : i32
    %mul3A_0 = arith.muli %arg1, %mul3A : i32
    %add3A = arith.addi %mul3A_0, %arg0 : i32
    %mul3A_1 = arith.constant 640 : i32
    %mul3A_2 = arith.muli %arg1, %mul3A_1 : i32
    "tpu.region"() ({
      %run_scoped3A = tpu.sem_alloc : memref<!tpu.dma_semaphore, #tpu.memory_space<semaphore_mem>>
      tpu.enqueue_dma source(%arg4 : memref<128x128xf32, #tpu.memory_space<hbm>>) target(%arg12 : memref<128x128xf32, #tpu.memory_space<vmem>>) target_semaphore(%run_scoped3A : memref<!tpu.dma_semaphore, #tpu.memory_space<semaphore_mem>>)
      tpu.wait_dma2 semaphore(%run_scoped3A : memref<!tpu.dma_semaphore, #tpu.memory_space<semaphore_mem>>) src(%arg4 : memref<128x128xf32, #tpu.memory_space<hbm>>) dst(%arg12 : memref<128x128xf32, #tpu.memory_space<vmem>>)
      tpu.yield
    }) : () -> ()
    %add3A_3 = arith.constant 0 : i32
    %add3A_4 = arith.addi %mul3A_2, %add3A_3 : i32
    "tpu.region"() ({
      %run_scoped3A = tpu.sem_alloc : memref<!tpu.dma_semaphore, #tpu.memory_space<semaphore_mem>>
      %dma_start3A = arith.constant 0 : i32
      %dma_start3A_107 = tpu.memref_slice %arg7[%add3A_4, %dma_start3A] : memref<10240x128xf32, #tpu.memory_space<vmem_shared>> -> memref<128x128xf32, #tpu.memory_space<vmem_shared>>
      %dma_start3A_108 = arith.constant 0 : i32
      %dma_start3A_109 = tpu.memref_slice %arg7[%add3A_4, %dma_start3A_108] : memref<10240x128xf32, #tpu.memory_space<vmem_shared>> -> memref<128x128xf32, #tpu.memory_space<vmem_shared>>
      tpu.enqueue_dma source(%arg12 : memref<128x128xf32, #tpu.memory_space<vmem>>) target(%dma_start3A_109 : memref<128x128xf32, #tpu.memory_space<vmem_shared>>) target_semaphore(%run_scoped3A : memref<!tpu.dma_semaphore, #tpu.memory_space<semaphore_mem>>)
      %dma_wait3A = arith.constant 0 : i32
      %dma_wait3A_110 = tpu.memref_slice %arg7[%add3A_4, %dma_wait3A] : memref<10240x128xf32, #tpu.memory_space<vmem_shared>> -> memref<128x128xf32, #tpu.memory_space<vmem_shared>>
      %dma_wait3A_111 = arith.constant 0 : i32
      %dma_wait3A_112 = tpu.memref_slice %arg7[%add3A_4, %dma_wait3A_111] : memref<10240x128xf32, #tpu.memory_space<vmem_shared>> -> memref<128x128xf32, #tpu.memory_space<vmem_shared>>
      tpu.wait_dma2 semaphore(%run_scoped3A : memref<!tpu.dma_semaphore, #tpu.memory_space<semaphore_mem>>) src(%arg12 : memref<128x128xf32, #tpu.memory_space<vmem>>) dst(%dma_wait3A_112 : memref<128x128xf32, #tpu.memory_space<vmem_shared>>)
      tpu.yield
    }) : () -> ()
    %add3A_5 = arith.constant 128 : i32
    %add3A_6 = arith.addi %mul3A_2, %add3A_5 : i32
    "tpu.region"() ({
      %run_scoped3A = tpu.sem_alloc : memref<!tpu.dma_semaphore, #tpu.memory_space<semaphore_mem>>
      %dma_start3A = arith.constant 0 : i32
      %dma_start3A_107 = tpu.memref_slice %arg7[%add3A_6, %dma_start3A] : memref<10240x128xf32, #tpu.memory_space<vmem_shared>> -> memref<128x128xf32, #tpu.memory_space<vmem_shared>>
      %dma_start3A_108 = arith.constant 0 : i32
      %dma_start3A_109 = tpu.memref_slice %arg7[%add3A_6, %dma_start3A_108] : memref<10240x128xf32, #tpu.memory_space<vmem_shared>> -> memref<128x128xf32, #tpu.memory_space<vmem_shared>>
      tpu.enqueue_dma source(%arg12 : memref<128x128xf32, #tpu.memory_space<vmem>>) target(%dma_start3A_109 : memref<128x128xf32, #tpu.memory_space<vmem_shared>>) target_semaphore(%run_scoped3A : memref<!tpu.dma_semaphore, #tpu.memory_space<semaphore_mem>>)
      %dma_wait3A = arith.constant 0 : i32
      %dma_wait3A_110 = tpu.memref_slice %arg7[%add3A_6, %dma_wait3A] : memref<10240x128xf32, #tpu.memory_space<vmem_shared>> -> memref<128x128xf32, #tpu.memory_space<vmem_shared>>
      %dma_wait3A_111 = arith.constant 0 : i32
      %dma_wait3A_112 = tpu.memref_slice %arg7[%add3A_6, %dma_wait3A_111] : memref<10240x128xf32, #tpu.memory_space<vmem_shared>> -> memref<128x128xf32, #tpu.memory_space<vmem_shared>>
      tpu.wait_dma2 semaphore(%run_scoped3A : memref<!tpu.dma_semaphore, #tpu.memory_space<semaphore_mem>>) src(%arg12 : memref<128x128xf32, #tpu.memory_space<vmem>>) dst(%dma_wait3A_112 : memref<128x128xf32, #tpu.memory_space<vmem_shared>>)
      tpu.yield
    }) : () -> ()
    %add3A_7 = arith.constant 256 : i32
    %add3A_8 = arith.addi %mul3A_2, %add3A_7 : i32
    "tpu.region"() ({
      %run_scoped3A = tpu.sem_alloc : memref<!tpu.dma_semaphore, #tpu.memory_space<semaphore_mem>>
      %dma_start3A = arith.constant 0 : i32
      %dma_start3A_107 = tpu.memref_slice %arg7[%add3A_8, %dma_start3A] : memref<10240x128xf32, #tpu.memory_space<vmem_shared>> -> memref<128x128xf32, #tpu.memory_space<vmem_shared>>
      %dma_start3A_108 = arith.constant 0 : i32
      %dma_start3A_109 = tpu.memref_slice %arg7[%add3A_8, %dma_start3A_108] : memref<10240x128xf32, #tpu.memory_space<vmem_shared>> -> memref<128x128xf32, #tpu.memory_space<vmem_shared>>
      tpu.enqueue_dma source(%arg12 : memref<128x128xf32, #tpu.memory_space<vmem>>) target(%dma_start3A_109 : memref<128x128xf32, #tpu.memory_space<vmem_shared>>) target_semaphore(%run_scoped3A : memref<!tpu.dma_semaphore, #tpu.memory_space<semaphore_mem>>)
      %dma_wait3A = arith.constant 0 : i32
      %dma_wait3A_110 = tpu.memref_slice %arg7[%add3A_8, %dma_wait3A] : memref<10240x128xf32, #tpu.memory_space<vmem_shared>> -> memref<128x128xf32, #tpu.memory_space<vmem_shared>>
      %dma_wait3A_111 = arith.constant 0 : i32
      %dma_wait3A_112 = tpu.memref_slice %arg7[%add3A_8, %dma_wait3A_111] : memref<10240x128xf32, #tpu.memory_space<vmem_shared>> -> memref<128x128xf32, #tpu.memory_space<vmem_shared>>
      tpu.wait_dma2 semaphore(%run_scoped3A : memref<!tpu.dma_semaphore, #tpu.memory_space<semaphore_mem>>) src(%arg12 : memref<128x128xf32, #tpu.memory_space<vmem>>) dst(%dma_wait3A_112 : memref<128x128xf32, #tpu.memory_space<vmem_shared>>)
      tpu.yield
    }) : () -> ()
    %add3A_9 = arith.constant 384 : i32
    %add3A_10 = arith.addi %mul3A_2, %add3A_9 : i32
    "tpu.region"() ({
      %run_scoped3A = tpu.sem_alloc : memref<!tpu.dma_semaphore, #tpu.memory_space<semaphore_mem>>
      %dma_start3A = arith.constant 0 : i32
      %dma_start3A_107 = tpu.memref_slice %arg7[%add3A_10, %dma_start3A] : memref<10240x128xf32, #tpu.memory_space<vmem_shared>> -> memref<128x128xf32, #tpu.memory_space<vmem_shared>>
      %dma_start3A_108 = arith.constant 0 : i32
      %dma_start3A_109 = tpu.memref_slice %arg7[%add3A_10, %dma_start3A_108] : memref<10240x128xf32, #tpu.memory_space<vmem_shared>> -> memref<128x128xf32, #tpu.memory_space<vmem_shared>>
      tpu.enqueue_dma source(%arg12 : memref<128x128xf32, #tpu.memory_space<vmem>>) target(%dma_start3A_109 : memref<128x128xf32, #tpu.memory_space<vmem_shared>>) target_semaphore(%run_scoped3A : memref<!tpu.dma_semaphore, #tpu.memory_space<semaphore_mem>>)
      %dma_wait3A = arith.constant 0 : i32
      %dma_wait3A_110 = tpu.memref_slice %arg7[%add3A_10, %dma_wait3A] : memref<10240x128xf32, #tpu.memory_space<vmem_shared>> -> memref<128x128xf32, #tpu.memory_space<vmem_shared>>
      %dma_wait3A_111 = arith.constant 0 : i32
      %dma_wait3A_112 = tpu.memref_slice %arg7[%add3A_10, %dma_wait3A_111] : memref<10240x128xf32, #tpu.memory_space<vmem_shared>> -> memref<128x128xf32, #tpu.memory_space<vmem_shared>>
      tpu.wait_dma2 semaphore(%run_scoped3A : memref<!tpu.dma_semaphore, #tpu.memory_space<semaphore_mem>>) src(%arg12 : memref<128x128xf32, #tpu.memory_space<vmem>>) dst(%dma_wait3A_112 : memref<128x128xf32, #tpu.memory_space<vmem_shared>>)
      tpu.yield
    }) : () -> ()
    %add3A_11 = arith.constant 512 : i32
    %add3A_12 = arith.addi %mul3A_2, %add3A_11 : i32
    "tpu.region"() ({
      %run_scoped3A = tpu.sem_alloc : memref<!tpu.dma_semaphore, #tpu.memory_space<semaphore_mem>>
      %dma_start3A = arith.constant 0 : i32
      %dma_start3A_107 = tpu.memref_slice %arg7[%add3A_12, %dma_start3A] : memref<10240x128xf32, #tpu.memory_space<vmem_shared>> -> memref<128x128xf32, #tpu.memory_space<vmem_shared>>
      %dma_start3A_108 = arith.constant 0 : i32
      %dma_start3A_109 = tpu.memref_slice %arg7[%add3A_12, %dma_start3A_108] : memref<10240x128xf32, #tpu.memory_space<vmem_shared>> -> memref<128x128xf32, #tpu.memory_space<vmem_shared>>
      tpu.enqueue_dma source(%arg12 : memref<128x128xf32, #tpu.memory_space<vmem>>) target(%dma_start3A_109 : memref<128x128xf32, #tpu.memory_space<vmem_shared>>) target_semaphore(%run_scoped3A : memref<!tpu.dma_semaphore, #tpu.memory_space<semaphore_mem>>)
      %dma_wait3A = arith.constant 0 : i32
      %dma_wait3A_110 = tpu.memref_slice %arg7[%add3A_12, %dma_wait3A] : memref<10240x128xf32, #tpu.memory_space<vmem_shared>> -> memref<128x128xf32, #tpu.memory_space<vmem_shared>>
      %dma_wait3A_111 = arith.constant 0 : i32
      %dma_wait3A_112 = tpu.memref_slice %arg7[%add3A_12, %dma_wait3A_111] : memref<10240x128xf32, #tpu.memory_space<vmem_shared>> -> memref<128x128xf32, #tpu.memory_space<vmem_shared>>
      tpu.wait_dma2 semaphore(%run_scoped3A : memref<!tpu.dma_semaphore, #tpu.memory_space<semaphore_mem>>) src(%arg12 : memref<128x128xf32, #tpu.memory_space<vmem>>) dst(%dma_wait3A_112 : memref<128x128xf32, #tpu.memory_space<vmem_shared>>)
      tpu.yield
    }) : () -> ()
    "tpu.region"() ({
      %run_scoped3A = tpu.sem_alloc : memref<!tpu.dma_semaphore, #tpu.memory_space<semaphore_mem>>
      %dma_start3A = arith.constant 0 : i32
      %dma_start3A_107 = arith.constant 0 : i32
      %dma_start3A_108 = tpu.memref_slice %arg4[%dma_start3A, %dma_start3A_107] : memref<128x128xf32, #tpu.memory_space<hbm>> -> memref<80x128xf32, #tpu.memory_space<hbm>>
      %dma_start3A_109 = arith.constant 0 : i32
      %dma_start3A_110 = arith.constant 0 : i32
      %dma_start3A_111 = tpu.memref_slice %arg4[%dma_start3A_109, %dma_start3A_110] : memref<128x128xf32, #tpu.memory_space<hbm>> -> memref<80x128xf32, #tpu.memory_space<hbm>>
      tpu.enqueue_dma source(%dma_start3A_111 : memref<80x128xf32, #tpu.memory_space<hbm>>) target(%arg14 : memref<80x128xf32, #tpu.memory_space<vmem>>) target_semaphore(%run_scoped3A : memref<!tpu.dma_semaphore, #tpu.memory_space<semaphore_mem>>)
      %dma_wait3A = arith.constant 0 : i32
      %dma_wait3A_112 = arith.constant 0 : i32
      %dma_wait3A_113 = tpu.memref_slice %arg4[%dma_wait3A, %dma_wait3A_112] : memref<128x128xf32, #tpu.memory_space<hbm>> -> memref<80x128xf32, #tpu.memory_space<hbm>>
      %dma_wait3A_114 = arith.constant 0 : i32
      %dma_wait3A_115 = arith.constant 0 : i32
      %dma_wait3A_116 = tpu.memref_slice %arg4[%dma_wait3A_114, %dma_wait3A_115] : memref<128x128xf32, #tpu.memory_space<hbm>> -> memref<80x128xf32, #tpu.memory_space<hbm>>
      tpu.wait_dma2 semaphore(%run_scoped3A : memref<!tpu.dma_semaphore, #tpu.memory_space<semaphore_mem>>) src(%dma_wait3A_116 : memref<80x128xf32, #tpu.memory_space<hbm>>) dst(%arg14 : memref<80x128xf32, #tpu.memory_space<vmem>>)
      tpu.yield
    }) : () -> ()
    %iota3A = tpu.iota {dimensions = array<i32: 0>} : vector<16xi32>
    %add3A_13 = arith.constant 0 : i32
    %add3A_14 = vector.broadcast %add3A_13 : i32 to vector<16xi32>
    %add3A_15 = arith.addi %iota3A, %add3A_14 : vector<16xi32>
    %swap3A = arith.constant 0 : index
    %swap3A_16 = tpu.vector_load %arg15[%swap3A] {strides = array<i32>} : memref<80xi32, #tpu.memory_space<vmem>>, vector<16xi32>,
    tpu.vector_store %arg15[%swap3A], %add3A_15 {strides = array<i32>} : memref<80xi32, #tpu.memory_space<vmem>>, vector<16xi32>,
    %iota3A_17 = tpu.iota {dimensions = array<i32: 0>} : vector<16xi32>
    %add3A_18 = arith.constant 16 : i32
    %add3A_19 = vector.broadcast %add3A_18 : i32 to vector<16xi32>
    %add3A_20 = arith.addi %iota3A_17, %add3A_19 : vector<16xi32>
    %swap3A_21 = arith.constant 16 : index
    %swap3A_22 = tpu.vector_load %arg15[%swap3A_21] {strides = array<i32>} : memref<80xi32, #tpu.memory_space<vmem>>, vector<16xi32>,
    tpu.vector_store %arg15[%swap3A_21], %add3A_20 {strides = array<i32>} : memref<80xi32, #tpu.memory_space<vmem>>, vector<16xi32>,
    %iota3A_23 = tpu.iota {dimensions = array<i32: 0>} : vector<16xi32>
    %add3A_24 = arith.constant 32 : i32
    %add3A_25 = vector.broadcast %add3A_24 : i32 to vector<16xi32>
    %add3A_26 = arith.addi %iota3A_23, %add3A_25 : vector<16xi32>
    %swap3A_27 = arith.constant 32 : index
    %swap3A_28 = tpu.vector_load %arg15[%swap3A_27] {strides = array<i32>} : memref<80xi32, #tpu.memory_space<vmem>>, vector<16xi32>,
    tpu.vector_store %arg15[%swap3A_27], %add3A_26 {strides = array<i32>} : memref<80xi32, #tpu.memory_space<vmem>>, vector<16xi32>,
    %iota3A_29 = tpu.iota {dimensions = array<i32: 0>} : vector<16xi32>
    %add3A_30 = arith.constant 48 : i32
    %add3A_31 = vector.broadcast %add3A_30 : i32 to vector<16xi32>
    %add3A_32 = arith.addi %iota3A_29, %add3A_31 : vector<16xi32>
    %swap3A_33 = arith.constant 48 : index
    %swap3A_34 = tpu.vector_load %arg15[%swap3A_33] {strides = array<i32>} : memref<80xi32, #tpu.memory_space<vmem>>, vector<16xi32>,
    tpu.vector_store %arg15[%swap3A_33], %add3A_32 {strides = array<i32>} : memref<80xi32, #tpu.memory_space<vmem>>, vector<16xi32>,
    %iota3A_35 = tpu.iota {dimensions = array<i32: 0>} : vector<16xi32>
    %add3A_36 = arith.constant 64 : i32
    %add3A_37 = vector.broadcast %add3A_36 : i32 to vector<16xi32>
    %add3A_38 = arith.addi %iota3A_35, %add3A_37 : vector<16xi32>
    %swap3A_39 = arith.constant 64 : index
    %swap3A_40 = tpu.vector_load %arg15[%swap3A_39] {strides = array<i32>} : memref<80xi32, #tpu.memory_space<vmem>>, vector<16xi32>,
    tpu.vector_store %arg15[%swap3A_39], %add3A_38 {strides = array<i32>} : memref<80xi32, #tpu.memory_space<vmem>>, vector<16xi32>,
    %eq3A = arith.constant 0 : i32
    %eq3A_41 = arith.cmpi eq, %arg1, %eq3A : i32
    %convert_element_type3A = arith.extui %eq3A_41 : i1 to i32
    %cond3A = arith.constant 0 : i32
    %cond3A_42 = arith.cmpi ne, %convert_element_type3A, %cond3A : i32
    scf.if %cond3A_42 {
      "tpu.region"() ({
        %run_scoped3A = tpu.sem_alloc : memref<!tpu.dma_semaphore, #tpu.memory_space<semaphore_mem>>
        tpu.enqueue_dma source(%arg14 : memref<80x128xf32, #tpu.memory_space<vmem>>) target(%arg16 : memref<80x128xf32, #tpu.memory_space<vmem_shared>>) target_semaphore(%run_scoped3A : memref<!tpu.dma_semaphore, #tpu.memory_space<semaphore_mem>>)
        tpu.wait_dma2 semaphore(%run_scoped3A : memref<!tpu.dma_semaphore, #tpu.memory_space<semaphore_mem>>) src(%arg14 : memref<80x128xf32, #tpu.memory_space<vmem>>) dst(%arg16 : memref<80x128xf32, #tpu.memory_space<vmem_shared>>)
        tpu.yield
      }) : () -> ()
    } else {
    }
    %barrier3A = arith.constant 0 : index
    tpu.barrier barrier_id(%barrier3A)
    %broadcast_in_dim3A = arith.constant 1.000000e+00 : f32
    %broadcast_in_dim3A_43 = vector.broadcast %broadcast_in_dim3A : f32 to vector<16xf32>
    %add3A_44 = arith.constant 0 : i32
    %add3A_45 = arith.addi %add3A_44, %add3A : i32
    %lt3A = arith.constant 625 : i32
    %lt3A_46 = arith.cmpi slt, %add3A_45, %lt3A : i32
    %convert_element_type3A_47 = arith.extui %lt3A_46 : i1 to i32
    %cond3A_48 = arith.constant 0 : i32
    %cond3A_49 = arith.cmpi ne, %convert_element_type3A_47, %cond3A_48 : i32
    scf.if %cond3A_49 {
      %add3A_107 = arith.constant 0 : i32
      %add3A_108 = arith.addi %add3A_107, %add3A : i32
      %dma_start3A = arith.constant 0 : i32
      %dma_start3A_109 = arith.constant 0 : i32
      %dma_start3A_110 = tpu.memref_slice %arg3[%add3A_108, %dma_start3A, %dma_start3A_109] : memref<625x8x128xi32, #tpu.memory_space<hbm>> -> memref<1x8x128xi32, #tpu.memory_space<hbm>>
      %dma_start3A_111 = tpu.memref_squeeze %dma_start3A_110 : memref<1x8x128xi32, #tpu.memory_space<hbm>> -> memref<8x128xi32, #tpu.memory_space<hbm>>
      %dma_start3A_112 = arith.constant 0 : i32
      %dma_start3A_113 = arith.constant 0 : i32
      %dma_start3A_114 = tpu.memref_slice %arg3[%add3A_108, %dma_start3A_112, %dma_start3A_113] : memref<625x8x128xi32, #tpu.memory_space<hbm>> -> memref<1x8x128xi32, #tpu.memory_space<hbm>>
      %dma_start3A_115 = tpu.memref_squeeze %dma_start3A_114 : memref<1x8x128xi32, #tpu.memory_space<hbm>> -> memref<8x128xi32, #tpu.memory_space<hbm>>
      tpu.enqueue_dma source(%dma_start3A_115 : memref<8x128xi32, #tpu.memory_space<hbm>>) target(%arg8 : memref<8x128xi32, #tpu.memory_space<vmem>>) target_semaphore(%arg19 : memref<!tpu.dma_semaphore, #tpu.memory_space<semaphore_mem>>)
    } else {
    }
    %add3A_50 = arith.constant 0 : i32
    %add3A_51 = arith.addi %add3A_50, %add3A : i32
    %lt3A_52 = arith.constant 625 : i32
    %lt3A_53 = arith.cmpi slt, %add3A_51, %lt3A_52 : i32
    %convert_element_type3A_54 = arith.extui %lt3A_53 : i1 to i32
    %cond3A_55 = arith.constant 0 : i32
    %cond3A_56 = arith.cmpi ne, %convert_element_type3A_54, %cond3A_55 : i32
    scf.if %cond3A_56 {
      %add3A_107 = arith.constant 0 : i32
      %add3A_108 = arith.addi %add3A_107, %add3A : i32
      %dma_wait3A = arith.constant 0 : i32
      %dma_wait3A_109 = arith.constant 0 : i32
      %dma_wait3A_110 = tpu.memref_slice %arg3[%add3A_108, %dma_wait3A, %dma_wait3A_109] : memref<625x8x128xi32, #tpu.memory_space<hbm>> -> memref<1x8x128xi32, #tpu.memory_space<hbm>>
      %dma_wait3A_111 = tpu.memref_squeeze %dma_wait3A_110 : memref<1x8x128xi32, #tpu.memory_space<hbm>> -> memref<8x128xi32, #tpu.memory_space<hbm>>
      %dma_wait3A_112 = arith.constant 0 : i32
      %dma_wait3A_113 = arith.constant 0 : i32
      %dma_wait3A_114 = tpu.memref_slice %arg3[%add3A_108, %dma_wait3A_112, %dma_wait3A_113] : memref<625x8x128xi32, #tpu.memory_space<hbm>> -> memref<1x8x128xi32, #tpu.memory_space<hbm>>
      %dma_wait3A_115 = tpu.memref_squeeze %dma_wait3A_114 : memref<1x8x128xi32, #tpu.memory_space<hbm>> -> memref<8x128xi32, #tpu.memory_space<hbm>>
      tpu.wait_dma2 semaphore(%arg19 : memref<!tpu.dma_semaphore, #tpu.memory_space<semaphore_mem>>) src(%dma_wait3A_115 : memref<8x128xi32, #tpu.memory_space<hbm>>) dst(%arg8 : memref<8x128xi32, #tpu.memory_space<vmem>>)
    } else {
    }
    %add3A_57 = arith.constant 32 : i32
    %add3A_58 = arith.addi %add3A_57, %add3A : i32
    %lt3A_59 = arith.constant 625 : i32
    %lt3A_60 = arith.cmpi slt, %add3A_58, %lt3A_59 : i32
    %convert_element_type3A_61 = arith.extui %lt3A_60 : i1 to i32
    %cond3A_62 = arith.constant 0 : i32
    %cond3A_63 = arith.cmpi ne, %convert_element_type3A_61, %cond3A_62 : i32
    scf.if %cond3A_63 {
      %add3A_107 = arith.constant 32 : i32
      %add3A_108 = arith.addi %add3A_107, %add3A : i32
      %dma_start3A = arith.constant 0 : i32
      %dma_start3A_109 = arith.constant 0 : i32
      %dma_start3A_110 = tpu.memref_slice %arg3[%add3A_108, %dma_start3A, %dma_start3A_109] : memref<625x8x128xi32, #tpu.memory_space<hbm>> -> memref<1x8x128xi32, #tpu.memory_space<hbm>>
      %dma_start3A_111 = tpu.memref_squeeze %dma_start3A_110 : memref<1x8x128xi32, #tpu.memory_space<hbm>> -> memref<8x128xi32, #tpu.memory_space<hbm>>
      %dma_start3A_112 = arith.constant 0 : i32
      %dma_start3A_113 = arith.constant 0 : i32
      %dma_start3A_114 = tpu.memref_slice %arg3[%add3A_108, %dma_start3A_112, %dma_start3A_113] : memref<625x8x128xi32, #tpu.memory_space<hbm>> -> memref<1x8x128xi32, #tpu.memory_space<hbm>>
      %dma_start3A_115 = tpu.memref_squeeze %dma_start3A_114 : memref<1x8x128xi32, #tpu.memory_space<hbm>> -> memref<8x128xi32, #tpu.memory_space<hbm>>
      tpu.enqueue_dma source(%dma_start3A_115 : memref<8x128xi32, #tpu.memory_space<hbm>>) target(%arg9 : memref<8x128xi32, #tpu.memory_space<vmem>>) target_semaphore(%arg20 : memref<!tpu.dma_semaphore, #tpu.memory_space<semaphore_mem>>)
    } else {
    }
    %add3A_64 = arith.constant 0 : i32
    %add3A_65 = arith.addi %add3A_64, %add3A : i32
    %lt3A_66 = arith.constant 625 : i32
    %lt3A_67 = arith.cmpi slt, %add3A_65, %lt3A_66 : i32
    %convert_element_type3A_68 = arith.extui %lt3A_67 : i1 to i32
    %cond3A_69 = arith.constant 0 : i32
    %cond3A_70 = arith.cmpi ne, %convert_element_type3A_68, %cond3A_69 : i32
    scf.if %cond3A_70 {
      %dma_start3A = arith.constant 0 : i32
      %dma_start3A_107 = arith.constant 0 : i32
      %dma_start3A_108 = tpu.memref_slice %arg8[%dma_start3A, %dma_start3A_107] : memref<8x128xi32, #tpu.memory_space<vmem>> -> memref<1x128xi32, #tpu.memory_space<vmem>>
      %dma_start3A_109 = tpu.memref_squeeze %dma_start3A_108 : memref<1x128xi32, #tpu.memory_space<vmem>> -> memref<128xi32, #tpu.memory_space<vmem>>
      %dma_start3A_110 = arith.constant 0 : i32
      %dma_start3A_111 = arith.constant 0 : i32
      %dma_start3A_112 = tpu.memref_slice %arg2[%dma_start3A_110, %dma_start3A_111] : memref<10000x128xf32, #tpu.memory_space<hbm>> -> memref<10000x128xf32, #tpu.memory_space<hbm>>
      tpu.enqueue_indirect_dma source(%dma_start3A_112 : memref<10000x128xf32, #tpu.memory_space<hbm>>) target(%arg12 : memref<128x128xf32, #tpu.memory_space<vmem>>) offsets(%dma_start3A_109 : memref<128xi32, #tpu.memory_space<vmem>>) semaphore(%arg17 : memref<!tpu.dma_semaphore, #tpu.memory_space<semaphore_mem>>)
    } else {
    }
    %scan3A = arith.constant 0 : i32
    %scan3A_71 = arith.constant 0 : i32
    %scan3A_72 = arith.constant 5 : i32
    %scan3A_73 = arith.addi %scan3A_71, %scan3A_72 : i32
    %scan3A_74 = arith.constant 1 : i32
    scf.for %scan3A_107 = %scan3A_71 to %scan3A_73 step %scan3A_74  : i32 {
      %mul3A_108 = arith.constant 4 : i32
      %mul3A_109 = arith.muli %mul3A_108, %scan3A_107 : i32
      %add3A_110 = arith.constant 1 : i32
      %add3A_111 = arith.addi %mul3A_109, %add3A_110 : i32
      %add3A_112 = arith.constant 2 : i32
      %add3A_113 = arith.addi %mul3A_109, %add3A_112 : i32
      %add3A_114 = arith.constant 3 : i32
      %add3A_115 = arith.addi %mul3A_109, %add3A_114 : i32
      %add3A_116 = arith.constant 4 : i32
      %add3A_117 = arith.addi %mul3A_109, %add3A_116 : i32
      %add3A_118 = arith.constant 5 : i32
      %add3A_119 = arith.addi %mul3A_109, %add3A_118 : i32
      %mul3A_120 = arith.constant 32 : i32
      %mul3A_121 = arith.muli %mul3A_109, %mul3A_120 : i32
      %add3A_122 = arith.addi %mul3A_121, %add3A : i32
      %lt3A_123 = arith.constant 625 : i32
      %lt3A_124 = arith.cmpi slt, %add3A_122, %lt3A_123 : i32
      %convert_element_type3A_125 = arith.extui %lt3A_124 : i1 to i32
      %cond3A_126 = arith.constant 0 : i32
      %cond3A_127 = arith.cmpi ne, %convert_element_type3A_125, %cond3A_126 : i32
      scf.if %cond3A_127 {
        %dma_start3A = arith.constant 1 : i32
        %dma_start3A_472 = arith.constant 0 : i32
        %dma_start3A_473 = tpu.memref_slice %arg8[%dma_start3A, %dma_start3A_472] : memref<8x128xi32, #tpu.memory_space<vmem>> -> memref<1x128xi32, #tpu.memory_space<vmem>>
        %dma_start3A_474 = tpu.memref_squeeze %dma_start3A_473 : memref<1x128xi32, #tpu.memory_space<vmem>> -> memref<128xi32, #tpu.memory_space<vmem>>
        %dma_start3A_475 = arith.constant 0 : i32
        %dma_start3A_476 = arith.constant 0 : i32
        %dma_start3A_477 = tpu.memref_slice %arg2[%dma_start3A_475, %dma_start3A_476] : memref<10000x128xf32, #tpu.memory_space<hbm>> -> memref<10000x128xf32, #tpu.memory_space<hbm>>
        tpu.enqueue_indirect_dma source(%dma_start3A_477 : memref<10000x128xf32, #tpu.memory_space<hbm>>) target(%arg13 : memref<128x128xf32, #tpu.memory_space<vmem>>) offsets(%dma_start3A_474 : memref<128xi32, #tpu.memory_space<vmem>>) semaphore(%arg18 : memref<!tpu.dma_semaphore, #tpu.memory_space<semaphore_mem>>)
      } else {
      }
      %mul3A_128 = arith.constant 32 : i32
      %mul3A_129 = arith.muli %mul3A_109, %mul3A_128 : i32
      %add3A_130 = arith.addi %mul3A_129, %add3A : i32
      %lt3A_131 = arith.constant 625 : i32
      %lt3A_132 = arith.cmpi slt, %add3A_130, %lt3A_131 : i32
      %convert_element_type3A_133 = arith.extui %lt3A_132 : i1 to i32
      %cond3A_134 = arith.constant 0 : i32
      %cond3A_135 = arith.cmpi ne, %convert_element_type3A_133, %cond3A_134 : i32
      scf.if %cond3A_135 {
        %get3A = arith.constant 4 : i32
        %get3A_472 = arith.index_cast %get3A : i32 to index
        %get3A_473 = arith.constant 0 : index
        %get3A_474 = tpu.vector_load %arg8[%get3A_472, %get3A_473] {strides = array<i32>} : memref<8x128xi32, #tpu.memory_space<vmem>>, vector<16xi32>,
        %shift_right_logical3A = arith.constant 7 : i32
        %shift_right_logical3A_475 = vector.broadcast %shift_right_logical3A : i32 to vector<16xi32>
        %shift_right_logical3A_476 = arith.shrui %get3A_474, %shift_right_logical3A_475 : vector<16xi32>
        %and3A = arith.constant 127 : i32
        %and3A_477 = vector.broadcast %and3A : i32 to vector<16xi32>
        %and3A_478 = arith.andi %get3A_474, %and3A_477 : vector<16xi32>
        tpu.vector_store_idx %arg14[%shift_right_logical3A_476, %and3A_478], %broadcast_in_dim3A_43 {add = true} : memref<80x128xf32, #tpu.memory_space<vmem>>[vector<16xi32>, vector<16xi32>], vector<16xf32>,
        %get3A_479 = arith.constant 4 : i32
        %get3A_480 = arith.index_cast %get3A_479 : i32 to index
        %get3A_481 = arith.constant 16 : index
        %get3A_482 = tpu.vector_load %arg8[%get3A_480, %get3A_481] {strides = array<i32>} : memref<8x128xi32, #tpu.memory_space<vmem>>, vector<16xi32>,
        %shift_right_logical3A_483 = arith.constant 7 : i32
        %shift_right_logical3A_484 = vector.broadcast %shift_right_logical3A_483 : i32 to vector<16xi32>
        %shift_right_logical3A_485 = arith.shrui %get3A_482, %shift_right_logical3A_484 : vector<16xi32>
        %and3A_486 = arith.constant 127 : i32
        %and3A_487 = vector.broadcast %and3A_486 : i32 to vector<16xi32>
        %and3A_488 = arith.andi %get3A_482, %and3A_487 : vector<16xi32>
        tpu.vector_store_idx %arg14[%shift_right_logical3A_485, %and3A_488], %broadcast_in_dim3A_43 {add = true} : memref<80x128xf32, #tpu.memory_space<vmem>>[vector<16xi32>, vector<16xi32>], vector<16xf32>,
        %get3A_489 = arith.constant 4 : i32
        %get3A_490 = arith.index_cast %get3A_489 : i32 to index
        %get3A_491 = arith.constant 32 : index
        %get3A_492 = tpu.vector_load %arg8[%get3A_490, %get3A_491] {strides = array<i32>} : memref<8x128xi32, #tpu.memory_space<vmem>>, vector<16xi32>,
        %shift_right_logical3A_493 = arith.constant 7 : i32
        %shift_right_logical3A_494 = vector.broadcast %shift_right_logical3A_493 : i32 to vector<16xi32>
        %shift_right_logical3A_495 = arith.shrui %get3A_492, %shift_right_logical3A_494 : vector<16xi32>
        %and3A_496 = arith.constant 127 : i32
        %and3A_497 = vector.broadcast %and3A_496 : i32 to vector<16xi32>
        %and3A_498 = arith.andi %get3A_492, %and3A_497 : vector<16xi32>
        tpu.vector_store_idx %arg14[%shift_right_logical3A_495, %and3A_498], %broadcast_in_dim3A_43 {add = true} : memref<80x128xf32, #tpu.memory_space<vmem>>[vector<16xi32>, vector<16xi32>], vector<16xf32>,
        %get3A_499 = arith.constant 4 : i32
        %get3A_500 = arith.index_cast %get3A_499 : i32 to index
        %get3A_501 = arith.constant 48 : index
        %get3A_502 = tpu.vector_load %arg8[%get3A_500, %get3A_501] {strides = array<i32>} : memref<8x128xi32, #tpu.memory_space<vmem>>, vector<16xi32>,
        %shift_right_logical3A_503 = arith.constant 7 : i32
        %shift_right_logical3A_504 = vector.broadcast %shift_right_logical3A_503 : i32 to vector<16xi32>
        %shift_right_logical3A_505 = arith.shrui %get3A_502, %shift_right_logical3A_504 : vector<16xi32>
        %and3A_506 = arith.constant 127 : i32
        %and3A_507 = vector.broadcast %and3A_506 : i32 to vector<16xi32>
        %and3A_508 = arith.andi %get3A_502, %and3A_507 : vector<16xi32>
        tpu.vector_store_idx %arg14[%shift_right_logical3A_505, %and3A_508], %broadcast_in_dim3A_43 {add = true} : memref<80x128xf32, #tpu.memory_space<vmem>>[vector<16xi32>, vector<16xi32>], vector<16xf32>,
        %get3A_509 = arith.constant 4 : i32
        %get3A_510 = arith.index_cast %get3A_509 : i32 to index
        %get3A_511 = arith.constant 64 : index
        %get3A_512 = tpu.vector_load %arg8[%get3A_510, %get3A_511] {strides = array<i32>} : memref<8x128xi32, #tpu.memory_space<vmem>>, vector<16xi32>,
        %shift_right_logical3A_513 = arith.constant 7 : i32
        %shift_right_logical3A_514 = vector.broadcast %shift_right_logical3A_513 : i32 to vector<16xi32>
        %shift_right_logical3A_515 = arith.shrui %get3A_512, %shift_right_logical3A_514 : vector<16xi32>
        %and3A_516 = arith.constant 127 : i32
        %and3A_517 = vector.broadcast %and3A_516 : i32 to vector<16xi32>
        %and3A_518 = arith.andi %get3A_512, %and3A_517 : vector<16xi32>
        tpu.vector_store_idx %arg14[%shift_right_logical3A_515, %and3A_518], %broadcast_in_dim3A_43 {add = true} : memref<80x128xf32, #tpu.memory_space<vmem>>[vector<16xi32>, vector<16xi32>], vector<16xf32>,
        %get3A_519 = arith.constant 4 : i32
        %get3A_520 = arith.index_cast %get3A_519 : i32 to index
        %get3A_521 = arith.constant 80 : index
        %get3A_522 = tpu.vector_load %arg8[%get3A_520, %get3A_521] {strides = array<i32>} : memref<8x128xi32, #tpu.memory_space<vmem>>, vector<16xi32>,
        %shift_right_logical3A_523 = arith.constant 7 : i32
        %shift_right_logical3A_524 = vector.broadcast %shift_right_logical3A_523 : i32 to vector<16xi32>
        %shift_right_logical3A_525 = arith.shrui %get3A_522, %shift_right_logical3A_524 : vector<16xi32>
        %and3A_526 = arith.constant 127 : i32
        %and3A_527 = vector.broadcast %and3A_526 : i32 to vector<16xi32>
        %and3A_528 = arith.andi %get3A_522, %and3A_527 : vector<16xi32>
        tpu.vector_store_idx %arg14[%shift_right_logical3A_525, %and3A_528], %broadcast_in_dim3A_43 {add = true} : memref<80x128xf32, #tpu.memory_space<vmem>>[vector<16xi32>, vector<16xi32>], vector<16xf32>,
        %get3A_529 = arith.constant 4 : i32
        %get3A_530 = arith.index_cast %get3A_529 : i32 to index
        %get3A_531 = arith.constant 96 : index
        %get3A_532 = tpu.vector_load %arg8[%get3A_530, %get3A_531] {strides = array<i32>} : memref<8x128xi32, #tpu.memory_space<vmem>>, vector<16xi32>,
        %shift_right_logical3A_533 = arith.constant 7 : i32
        %shift_right_logical3A_534 = vector.broadcast %shift_right_logical3A_533 : i32 to vector<16xi32>
        %shift_right_logical3A_535 = arith.shrui %get3A_532, %shift_right_logical3A_534 : vector<16xi32>
        %and3A_536 = arith.constant 127 : i32
        %and3A_537 = vector.broadcast %and3A_536 : i32 to vector<16xi32>
        %and3A_538 = arith.andi %get3A_532, %and3A_537 : vector<16xi32>
        tpu.vector_store_idx %arg14[%shift_right_logical3A_535, %and3A_538], %broadcast_in_dim3A_43 {add = true} : memref<80x128xf32, #tpu.memory_space<vmem>>[vector<16xi32>, vector<16xi32>], vector<16xf32>,
        %get3A_539 = arith.constant 4 : i32
        %get3A_540 = arith.index_cast %get3A_539 : i32 to index
        %get3A_541 = arith.constant 112 : index
        %get3A_542 = tpu.vector_load %arg8[%get3A_540, %get3A_541] {strides = array<i32>} : memref<8x128xi32, #tpu.memory_space<vmem>>, vector<16xi32>,
        %shift_right_logical3A_543 = arith.constant 7 : i32
        %shift_right_logical3A_544 = vector.broadcast %shift_right_logical3A_543 : i32 to vector<16xi32>
        %shift_right_logical3A_545 = arith.shrui %get3A_542, %shift_right_logical3A_544 : vector<16xi32>
        %and3A_546 = arith.constant 127 : i32
        %and3A_547 = vector.broadcast %and3A_546 : i32 to vector<16xi32>
        %and3A_548 = arith.andi %get3A_542, %and3A_547 : vector<16xi32>
        tpu.vector_store_idx %arg14[%shift_right_logical3A_545, %and3A_548], %broadcast_in_dim3A_43 {add = true} : memref<80x128xf32, #tpu.memory_space<vmem>>[vector<16xi32>, vector<16xi32>], vector<16xf32>,
        %get3A_549 = arith.constant 5 : i32
        %get3A_550 = arith.index_cast %get3A_549 : i32 to index
        %get3A_551 = arith.constant 0 : index
        %get3A_552 = tpu.vector_load %arg8[%get3A_550, %get3A_551] {strides = array<i32>} : memref<8x128xi32, #tpu.memory_space<vmem>>, vector<16xi32>,
        %shift_right_logical3A_553 = arith.constant 7 : i32
        %shift_right_logical3A_554 = vector.broadcast %shift_right_logical3A_553 : i32 to vector<16xi32>
        %shift_right_logical3A_555 = arith.shrui %get3A_552, %shift_right_logical3A_554 : vector<16xi32>
        %and3A_556 = arith.constant 127 : i32
        %and3A_557 = vector.broadcast %and3A_556 : i32 to vector<16xi32>
        %and3A_558 = arith.andi %get3A_552, %and3A_557 : vector<16xi32>
        tpu.vector_store_idx %arg14[%shift_right_logical3A_555, %and3A_558], %broadcast_in_dim3A_43 {add = true} : memref<80x128xf32, #tpu.memory_space<vmem>>[vector<16xi32>, vector<16xi32>], vector<16xf32>,
        %get3A_559 = arith.constant 5 : i32
        %get3A_560 = arith.index_cast %get3A_559 : i32 to index
        %get3A_561 = arith.constant 16 : index
        %get3A_562 = tpu.vector_load %arg8[%get3A_560, %get3A_561] {strides = array<i32>} : memref<8x128xi32, #tpu.memory_space<vmem>>, vector<16xi32>,
        %shift_right_logical3A_563 = arith.constant 7 : i32
        %shift_right_logical3A_564 = vector.broadcast %shift_right_logical3A_563 : i32 to vector<16xi32>
        %shift_right_logical3A_565 = arith.shrui %get3A_562, %shift_right_logical3A_564 : vector<16xi32>
        %and3A_566 = arith.constant 127 : i32
        %and3A_567 = vector.broadcast %and3A_566 : i32 to vector<16xi32>
        %and3A_568 = arith.andi %get3A_562, %and3A_567 : vector<16xi32>
        tpu.vector_store_idx %arg14[%shift_right_logical3A_565, %and3A_568], %broadcast_in_dim3A_43 {add = true} : memref<80x128xf32, #tpu.memory_space<vmem>>[vector<16xi32>, vector<16xi32>], vector<16xf32>,
        %get3A_569 = arith.constant 5 : i32
        %get3A_570 = arith.index_cast %get3A_569 : i32 to index
        %get3A_571 = arith.constant 32 : index
        %get3A_572 = tpu.vector_load %arg8[%get3A_570, %get3A_571] {strides = array<i32>} : memref<8x128xi32, #tpu.memory_space<vmem>>, vector<16xi32>,
        %shift_right_logical3A_573 = arith.constant 7 : i32
        %shift_right_logical3A_574 = vector.broadcast %shift_right_logical3A_573 : i32 to vector<16xi32>
        %shift_right_logical3A_575 = arith.shrui %get3A_572, %shift_right_logical3A_574 : vector<16xi32>
        %and3A_576 = arith.constant 127 : i32
        %and3A_577 = vector.broadcast %and3A_576 : i32 to vector<16xi32>
        %and3A_578 = arith.andi %get3A_572, %and3A_577 : vector<16xi32>
        tpu.vector_store_idx %arg14[%shift_right_logical3A_575, %and3A_578], %broadcast_in_dim3A_43 {add = true} : memref<80x128xf32, #tpu.memory_space<vmem>>[vector<16xi32>, vector<16xi32>], vector<16xf32>,
        %get3A_579 = arith.constant 5 : i32
        %get3A_580 = arith.index_cast %get3A_579 : i32 to index
        %get3A_581 = arith.constant 48 : index
        %get3A_582 = tpu.vector_load %arg8[%get3A_580, %get3A_581] {strides = array<i32>} : memref<8x128xi32, #tpu.memory_space<vmem>>, vector<16xi32>,
        %shift_right_logical3A_583 = arith.constant 7 : i32
        %shift_right_logical3A_584 = vector.broadcast %shift_right_logical3A_583 : i32 to vector<16xi32>
        %shift_right_logical3A_585 = arith.shrui %get3A_582, %shift_right_logical3A_584 : vector<16xi32>
        %and3A_586 = arith.constant 127 : i32
        %and3A_587 = vector.broadcast %and3A_586 : i32 to vector<16xi32>
        %and3A_588 = arith.andi %get3A_582, %and3A_587 : vector<16xi32>
        tpu.vector_store_idx %arg14[%shift_right_logical3A_585, %and3A_588], %broadcast_in_dim3A_43 {add = true} : memref<80x128xf32, #tpu.memory_space<vmem>>[vector<16xi32>, vector<16xi32>], vector<16xf32>,
        %get3A_589 = arith.constant 5 : i32
        %get3A_590 = arith.index_cast %get3A_589 : i32 to index
        %get3A_591 = arith.constant 64 : index
        %get3A_592 = tpu.vector_load %arg8[%get3A_590, %get3A_591] {strides = array<i32>} : memref<8x128xi32, #tpu.memory_space<vmem>>, vector<16xi32>,
        %shift_right_logical3A_593 = arith.constant 7 : i32
        %shift_right_logical3A_594 = vector.broadcast %shift_right_logical3A_593 : i32 to vector<16xi32>
        %shift_right_logical3A_595 = arith.shrui %get3A_592, %shift_right_logical3A_594 : vector<16xi32>
        %and3A_596 = arith.constant 127 : i32
        %and3A_597 = vector.broadcast %and3A_596 : i32 to vector<16xi32>
        %and3A_598 = arith.andi %get3A_592, %and3A_597 : vector<16xi32>
        tpu.vector_store_idx %arg14[%shift_right_logical3A_595, %and3A_598], %broadcast_in_dim3A_43 {add = true} : memref<80x128xf32, #tpu.memory_space<vmem>>[vector<16xi32>, vector<16xi32>], vector<16xf32>,
        %get3A_599 = arith.constant 5 : i32
        %get3A_600 = arith.index_cast %get3A_599 : i32 to index
        %get3A_601 = arith.constant 80 : index
        %get3A_602 = tpu.vector_load %arg8[%get3A_600, %get3A_601] {strides = array<i32>} : memref<8x128xi32, #tpu.memory_space<vmem>>, vector<16xi32>,
        %shift_right_logical3A_603 = arith.constant 7 : i32
        %shift_right_logical3A_604 = vector.broadcast %shift_right_logical3A_603 : i32 to vector<16xi32>
        %shift_right_logical3A_605 = arith.shrui %get3A_602, %shift_right_logical3A_604 : vector<16xi32>
        %and3A_606 = arith.constant 127 : i32
        %and3A_607 = vector.broadcast %and3A_606 : i32 to vector<16xi32>
        %and3A_608 = arith.andi %get3A_602, %and3A_607 : vector<16xi32>
        tpu.vector_store_idx %arg14[%shift_right_logical3A_605, %and3A_608], %broadcast_in_dim3A_43 {add = true} : memref<80x128xf32, #tpu.memory_space<vmem>>[vector<16xi32>, vector<16xi32>], vector<16xf32>,
        %get3A_609 = arith.constant 5 : i32
        %get3A_610 = arith.index_cast %get3A_609 : i32 to index
        %get3A_611 = arith.constant 96 : index
        %get3A_612 = tpu.vector_load %arg8[%get3A_610, %get3A_611] {strides = array<i32>} : memref<8x128xi32, #tpu.memory_space<vmem>>, vector<16xi32>,
        %shift_right_logical3A_613 = arith.constant 7 : i32
        %shift_right_logical3A_614 = vector.broadcast %shift_right_logical3A_613 : i32 to vector<16xi32>
        %shift_right_logical3A_615 = arith.shrui %get3A_612, %shift_right_logical3A_614 : vector<16xi32>
        %and3A_616 = arith.constant 127 : i32
        %and3A_617 = vector.broadcast %and3A_616 : i32 to vector<16xi32>
        %and3A_618 = arith.andi %get3A_612, %and3A_617 : vector<16xi32>
        tpu.vector_store_idx %arg14[%shift_right_logical3A_615, %and3A_618], %broadcast_in_dim3A_43 {add = true} : memref<80x128xf32, #tpu.memory_space<vmem>>[vector<16xi32>, vector<16xi32>], vector<16xf32>,
        %get3A_619 = arith.constant 5 : i32
        %get3A_620 = arith.index_cast %get3A_619 : i32 to index
        %get3A_621 = arith.constant 112 : index
        %get3A_622 = tpu.vector_load %arg8[%get3A_620, %get3A_621] {strides = array<i32>} : memref<8x128xi32, #tpu.memory_space<vmem>>, vector<16xi32>,
        %shift_right_logical3A_623 = arith.constant 7 : i32
        %shift_right_logical3A_624 = vector.broadcast %shift_right_logical3A_623 : i32 to vector<16xi32>
        %shift_right_logical3A_625 = arith.shrui %get3A_622, %shift_right_logical3A_624 : vector<16xi32>
        %and3A_626 = arith.constant 127 : i32
        %and3A_627 = vector.broadcast %and3A_626 : i32 to vector<16xi32>
        %and3A_628 = arith.andi %get3A_622, %and3A_627 : vector<16xi32>
        tpu.vector_store_idx %arg14[%shift_right_logical3A_625, %and3A_628], %broadcast_in_dim3A_43 {add = true} : memref<80x128xf32, #tpu.memory_space<vmem>>[vector<16xi32>, vector<16xi32>], vector<16xf32>,
        %get3A_629 = arith.constant 6 : i32
        %get3A_630 = arith.index_cast %get3A_629 : i32 to index
        %get3A_631 = arith.constant 0 : index
        %get3A_632 = tpu.vector_load %arg8[%get3A_630, %get3A_631] {strides = array<i32>} : memref<8x128xi32, #tpu.memory_space<vmem>>, vector<16xi32>,
        %shift_right_logical3A_633 = arith.constant 7 : i32
        %shift_right_logical3A_634 = vector.broadcast %shift_right_logical3A_633 : i32 to vector<16xi32>
        %shift_right_logical3A_635 = arith.shrui %get3A_632, %shift_right_logical3A_634 : vector<16xi32>
        %and3A_636 = arith.constant 127 : i32
        %and3A_637 = vector.broadcast %and3A_636 : i32 to vector<16xi32>
        %and3A_638 = arith.andi %get3A_632, %and3A_637 : vector<16xi32>
        tpu.vector_store_idx %arg14[%shift_right_logical3A_635, %and3A_638], %broadcast_in_dim3A_43 {add = true} : memref<80x128xf32, #tpu.memory_space<vmem>>[vector<16xi32>, vector<16xi32>], vector<16xf32>,
        %get3A_639 = arith.constant 6 : i32
        %get3A_640 = arith.index_cast %get3A_639 : i32 to index
        %get3A_641 = arith.constant 16 : index
        %get3A_642 = tpu.vector_load %arg8[%get3A_640, %get3A_641] {strides = array<i32>} : memref<8x128xi32, #tpu.memory_space<vmem>>, vector<16xi32>,
        %shift_right_logical3A_643 = arith.constant 7 : i32
        %shift_right_logical3A_644 = vector.broadcast %shift_right_logical3A_643 : i32 to vector<16xi32>
        %shift_right_logical3A_645 = arith.shrui %get3A_642, %shift_right_logical3A_644 : vector<16xi32>
        %and3A_646 = arith.constant 127 : i32
        %and3A_647 = vector.broadcast %and3A_646 : i32 to vector<16xi32>
        %and3A_648 = arith.andi %get3A_642, %and3A_647 : vector<16xi32>
        tpu.vector_store_idx %arg14[%shift_right_logical3A_645, %and3A_648], %broadcast_in_dim3A_43 {add = true} : memref<80x128xf32, #tpu.memory_space<vmem>>[vector<16xi32>, vector<16xi32>], vector<16xf32>,
        %get3A_649 = arith.constant 6 : i32
        %get3A_650 = arith.index_cast %get3A_649 : i32 to index
        %get3A_651 = arith.constant 32 : index
        %get3A_652 = tpu.vector_load %arg8[%get3A_650, %get3A_651] {strides = array<i32>} : memref<8x128xi32, #tpu.memory_space<vmem>>, vector<16xi32>,
        %shift_right_logical3A_653 = arith.constant 7 : i32
        %shift_right_logical3A_654 = vector.broadcast %shift_right_logical3A_653 : i32 to vector<16xi32>
        %shift_right_logical3A_655 = arith.shrui %get3A_652, %shift_right_logical3A_654 : vector<16xi32>
        %and3A_656 = arith.constant 127 : i32
        %and3A_657 = vector.broadcast %and3A_656 : i32 to vector<16xi32>
        %and3A_658 = arith.andi %get3A_652, %and3A_657 : vector<16xi32>
        tpu.vector_store_idx %arg14[%shift_right_logical3A_655, %and3A_658], %broadcast_in_dim3A_43 {add = true} : memref<80x128xf32, #tpu.memory_space<vmem>>[vector<16xi32>, vector<16xi32>], vector<16xf32>,
        %get3A_659 = arith.constant 6 : i32
        %get3A_660 = arith.index_cast %get3A_659 : i32 to index
        %get3A_661 = arith.constant 48 : index
        %get3A_662 = tpu.vector_load %arg8[%get3A_660, %get3A_661] {strides = array<i32>} : memref<8x128xi32, #tpu.memory_space<vmem>>, vector<16xi32>,
        %shift_right_logical3A_663 = arith.constant 7 : i32
        %shift_right_logical3A_664 = vector.broadcast %shift_right_logical3A_663 : i32 to vector<16xi32>
        %shift_right_logical3A_665 = arith.shrui %get3A_662, %shift_right_logical3A_664 : vector<16xi32>
        %and3A_666 = arith.constant 127 : i32
        %and3A_667 = vector.broadcast %and3A_666 : i32 to vector<16xi32>
        %and3A_668 = arith.andi %get3A_662, %and3A_667 : vector<16xi32>
        tpu.vector_store_idx %arg14[%shift_right_logical3A_665, %and3A_668], %broadcast_in_dim3A_43 {add = true} : memref<80x128xf32, #tpu.memory_space<vmem>>[vector<16xi32>, vector<16xi32>], vector<16xf32>,
        %get3A_669 = arith.constant 6 : i32
        %get3A_670 = arith.index_cast %get3A_669 : i32 to index
        %get3A_671 = arith.constant 64 : index
        %get3A_672 = tpu.vector_load %arg8[%get3A_670, %get3A_671] {strides = array<i32>} : memref<8x128xi32, #tpu.memory_space<vmem>>, vector<16xi32>,
        %shift_right_logical3A_673 = arith.constant 7 : i32
        %shift_right_logical3A_674 = vector.broadcast %shift_right_logical3A_673 : i32 to vector<16xi32>
        %shift_right_logical3A_675 = arith.shrui %get3A_672, %shift_right_logical3A_674 : vector<16xi32>
        %and3A_676 = arith.constant 127 : i32
        %and3A_677 = vector.broadcast %and3A_676 : i32 to vector<16xi32>
        %and3A_678 = arith.andi %get3A_672, %and3A_677 : vector<16xi32>
        tpu.vector_store_idx %arg14[%shift_right_logical3A_675, %and3A_678], %broadcast_in_dim3A_43 {add = true} : memref<80x128xf32, #tpu.memory_space<vmem>>[vector<16xi32>, vector<16xi32>], vector<16xf32>,
        %get3A_679 = arith.constant 6 : i32
        %get3A_680 = arith.index_cast %get3A_679 : i32 to index
        %get3A_681 = arith.constant 80 : index
        %get3A_682 = tpu.vector_load %arg8[%get3A_680, %get3A_681] {strides = array<i32>} : memref<8x128xi32, #tpu.memory_space<vmem>>, vector<16xi32>,
        %shift_right_logical3A_683 = arith.constant 7 : i32
        %shift_right_logical3A_684 = vector.broadcast %shift_right_logical3A_683 : i32 to vector<16xi32>
        %shift_right_logical3A_685 = arith.shrui %get3A_682, %shift_right_logical3A_684 : vector<16xi32>
        %and3A_686 = arith.constant 127 : i32
        %and3A_687 = vector.broadcast %and3A_686 : i32 to vector<16xi32>
        %and3A_688 = arith.andi %get3A_682, %and3A_687 : vector<16xi32>
        tpu.vector_store_idx %arg14[%shift_right_logical3A_685, %and3A_688], %broadcast_in_dim3A_43 {add = true} : memref<80x128xf32, #tpu.memory_space<vmem>>[vector<16xi32>, vector<16xi32>], vector<16xf32>,
        %get3A_689 = arith.constant 6 : i32
        %get3A_690 = arith.index_cast %get3A_689 : i32 to index
        %get3A_691 = arith.constant 96 : index
        %get3A_692 = tpu.vector_load %arg8[%get3A_690, %get3A_691] {strides = array<i32>} : memref<8x128xi32, #tpu.memory_space<vmem>>, vector<16xi32>,
        %shift_right_logical3A_693 = arith.constant 7 : i32
        %shift_right_logical3A_694 = vector.broadcast %shift_right_logical3A_693 : i32 to vector<16xi32>
        %shift_right_logical3A_695 = arith.shrui %get3A_692, %shift_right_logical3A_694 : vector<16xi32>
        %and3A_696 = arith.constant 127 : i32
        %and3A_697 = vector.broadcast %and3A_696 : i32 to vector<16xi32>
        %and3A_698 = arith.andi %get3A_692, %and3A_697 : vector<16xi32>
        tpu.vector_store_idx %arg14[%shift_right_logical3A_695, %and3A_698], %broadcast_in_dim3A_43 {add = true} : memref<80x128xf32, #tpu.memory_space<vmem>>[vector<16xi32>, vector<16xi32>], vector<16xf32>,
        %get3A_699 = arith.constant 6 : i32
        %get3A_700 = arith.index_cast %get3A_699 : i32 to index
        %get3A_701 = arith.constant 112 : index
        %get3A_702 = tpu.vector_load %arg8[%get3A_700, %get3A_701] {strides = array<i32>} : memref<8x128xi32, #tpu.memory_space<vmem>>, vector<16xi32>,
        %shift_right_logical3A_703 = arith.constant 7 : i32
        %shift_right_logical3A_704 = vector.broadcast %shift_right_logical3A_703 : i32 to vector<16xi32>
        %shift_right_logical3A_705 = arith.shrui %get3A_702, %shift_right_logical3A_704 : vector<16xi32>
        %and3A_706 = arith.constant 127 : i32
        %and3A_707 = vector.broadcast %and3A_706 : i32 to vector<16xi32>
        %and3A_708 = arith.andi %get3A_702, %and3A_707 : vector<16xi32>
        tpu.vector_store_idx %arg14[%shift_right_logical3A_705, %and3A_708], %broadcast_in_dim3A_43 {add = true} : memref<80x128xf32, #tpu.memory_space<vmem>>[vector<16xi32>, vector<16xi32>], vector<16xf32>,
        %get3A_709 = arith.constant 7 : i32
        %get3A_710 = arith.index_cast %get3A_709 : i32 to index
        %get3A_711 = arith.constant 0 : index
        %get3A_712 = tpu.vector_load %arg8[%get3A_710, %get3A_711] {strides = array<i32>} : memref<8x128xi32, #tpu.memory_space<vmem>>, vector<16xi32>,
        %shift_right_logical3A_713 = arith.constant 7 : i32
        %shift_right_logical3A_714 = vector.broadcast %shift_right_logical3A_713 : i32 to vector<16xi32>
        %shift_right_logical3A_715 = arith.shrui %get3A_712, %shift_right_logical3A_714 : vector<16xi32>
        %and3A_716 = arith.constant 127 : i32
        %and3A_717 = vector.broadcast %and3A_716 : i32 to vector<16xi32>
        %and3A_718 = arith.andi %get3A_712, %and3A_717 : vector<16xi32>
        tpu.vector_store_idx %arg14[%shift_right_logical3A_715, %and3A_718], %broadcast_in_dim3A_43 {add = true} : memref<80x128xf32, #tpu.memory_space<vmem>>[vector<16xi32>, vector<16xi32>], vector<16xf32>,
        %get3A_719 = arith.constant 7 : i32
        %get3A_720 = arith.index_cast %get3A_719 : i32 to index
        %get3A_721 = arith.constant 16 : index
        %get3A_722 = tpu.vector_load %arg8[%get3A_720, %get3A_721] {strides = array<i32>} : memref<8x128xi32, #tpu.memory_space<vmem>>, vector<16xi32>,
        %shift_right_logical3A_723 = arith.constant 7 : i32
        %shift_right_logical3A_724 = vector.broadcast %shift_right_logical3A_723 : i32 to vector<16xi32>
        %shift_right_logical3A_725 = arith.shrui %get3A_722, %shift_right_logical3A_724 : vector<16xi32>
        %and3A_726 = arith.constant 127 : i32
        %and3A_727 = vector.broadcast %and3A_726 : i32 to vector<16xi32>
        %and3A_728 = arith.andi %get3A_722, %and3A_727 : vector<16xi32>
        tpu.vector_store_idx %arg14[%shift_right_logical3A_725, %and3A_728], %broadcast_in_dim3A_43 {add = true} : memref<80x128xf32, #tpu.memory_space<vmem>>[vector<16xi32>, vector<16xi32>], vector<16xf32>,
        %get3A_729 = arith.constant 7 : i32
        %get3A_730 = arith.index_cast %get3A_729 : i32 to index
        %get3A_731 = arith.constant 32 : index
        %get3A_732 = tpu.vector_load %arg8[%get3A_730, %get3A_731] {strides = array<i32>} : memref<8x128xi32, #tpu.memory_space<vmem>>, vector<16xi32>,
        %shift_right_logical3A_733 = arith.constant 7 : i32
        %shift_right_logical3A_734 = vector.broadcast %shift_right_logical3A_733 : i32 to vector<16xi32>
        %shift_right_logical3A_735 = arith.shrui %get3A_732, %shift_right_logical3A_734 : vector<16xi32>
        %and3A_736 = arith.constant 127 : i32
        %and3A_737 = vector.broadcast %and3A_736 : i32 to vector<16xi32>
        %and3A_738 = arith.andi %get3A_732, %and3A_737 : vector<16xi32>
        tpu.vector_store_idx %arg14[%shift_right_logical3A_735, %and3A_738], %broadcast_in_dim3A_43 {add = true} : memref<80x128xf32, #tpu.memory_space<vmem>>[vector<16xi32>, vector<16xi32>], vector<16xf32>,
        %get3A_739 = arith.constant 7 : i32
        %get3A_740 = arith.index_cast %get3A_739 : i32 to index
        %get3A_741 = arith.constant 48 : index
        %get3A_742 = tpu.vector_load %arg8[%get3A_740, %get3A_741] {strides = array<i32>} : memref<8x128xi32, #tpu.memory_space<vmem>>, vector<16xi32>,
        %shift_right_logical3A_743 = arith.constant 7 : i32
        %shift_right_logical3A_744 = vector.broadcast %shift_right_logical3A_743 : i32 to vector<16xi32>
        %shift_right_logical3A_745 = arith.shrui %get3A_742, %shift_right_logical3A_744 : vector<16xi32>
        %and3A_746 = arith.constant 127 : i32
        %and3A_747 = vector.broadcast %and3A_746 : i32 to vector<16xi32>
        %and3A_748 = arith.andi %get3A_742, %and3A_747 : vector<16xi32>
        tpu.vector_store_idx %arg14[%shift_right_logical3A_745, %and3A_748], %broadcast_in_dim3A_43 {add = true} : memref<80x128xf32, #tpu.memory_space<vmem>>[vector<16xi32>, vector<16xi32>], vector<16xf32>,
        %get3A_749 = arith.constant 7 : i32
        %get3A_750 = arith.index_cast %get3A_749 : i32 to index
        %get3A_751 = arith.constant 64 : index
        %get3A_752 = tpu.vector_load %arg8[%get3A_750, %get3A_751] {strides = array<i32>} : memref<8x128xi32, #tpu.memory_space<vmem>>, vector<16xi32>,
        %shift_right_logical3A_753 = arith.constant 7 : i32
        %shift_right_logical3A_754 = vector.broadcast %shift_right_logical3A_753 : i32 to vector<16xi32>
        %shift_right_logical3A_755 = arith.shrui %get3A_752, %shift_right_logical3A_754 : vector<16xi32>
        %and3A_756 = arith.constant 127 : i32
        %and3A_757 = vector.broadcast %and3A_756 : i32 to vector<16xi32>
        %and3A_758 = arith.andi %get3A_752, %and3A_757 : vector<16xi32>
        tpu.vector_store_idx %arg14[%shift_right_logical3A_755, %and3A_758], %broadcast_in_dim3A_43 {add = true} : memref<80x128xf32, #tpu.memory_space<vmem>>[vector<16xi32>, vector<16xi32>], vector<16xf32>,
        %get3A_759 = arith.constant 7 : i32
        %get3A_760 = arith.index_cast %get3A_759 : i32 to index
        %get3A_761 = arith.constant 80 : index
        %get3A_762 = tpu.vector_load %arg8[%get3A_760, %get3A_761] {strides = array<i32>} : memref<8x128xi32, #tpu.memory_space<vmem>>, vector<16xi32>,
        %shift_right_logical3A_763 = arith.constant 7 : i32
        %shift_right_logical3A_764 = vector.broadcast %shift_right_logical3A_763 : i32 to vector<16xi32>
        %shift_right_logical3A_765 = arith.shrui %get3A_762, %shift_right_logical3A_764 : vector<16xi32>
        %and3A_766 = arith.constant 127 : i32
        %and3A_767 = vector.broadcast %and3A_766 : i32 to vector<16xi32>
        %and3A_768 = arith.andi %get3A_762, %and3A_767 : vector<16xi32>
        tpu.vector_store_idx %arg14[%shift_right_logical3A_765, %and3A_768], %broadcast_in_dim3A_43 {add = true} : memref<80x128xf32, #tpu.memory_space<vmem>>[vector<16xi32>, vector<16xi32>], vector<16xf32>,
        %get3A_769 = arith.constant 7 : i32
        %get3A_770 = arith.index_cast %get3A_769 : i32 to index
        %get3A_771 = arith.constant 96 : index
        %get3A_772 = tpu.vector_load %arg8[%get3A_770, %get3A_771] {strides = array<i32>} : memref<8x128xi32, #tpu.memory_space<vmem>>, vector<16xi32>,
        %shift_right_logical3A_773 = arith.constant 7 : i32
        %shift_right_logical3A_774 = vector.broadcast %shift_right_logical3A_773 : i32 to vector<16xi32>
        %shift_right_logical3A_775 = arith.shrui %get3A_772, %shift_right_logical3A_774 : vector<16xi32>
        %and3A_776 = arith.constant 127 : i32
        %and3A_777 = vector.broadcast %and3A_776 : i32 to vector<16xi32>
        %and3A_778 = arith.andi %get3A_772, %and3A_777 : vector<16xi32>
        tpu.vector_store_idx %arg14[%shift_right_logical3A_775, %and3A_778], %broadcast_in_dim3A_43 {add = true} : memref<80x128xf32, #tpu.memory_space<vmem>>[vector<16xi32>, vector<16xi32>], vector<16xf32>,
        %get3A_779 = arith.constant 7 : i32
        %get3A_780 = arith.index_cast %get3A_779 : i32 to index
        %get3A_781 = arith.constant 112 : index
        %get3A_782 = tpu.vector_load %arg8[%get3A_780, %get3A_781] {strides = array<i32>} : memref<8x128xi32, #tpu.memory_space<vmem>>, vector<16xi32>,
        %shift_right_logical3A_783 = arith.constant 7 : i32
        %shift_right_logical3A_784 = vector.broadcast %shift_right_logical3A_783 : i32 to vector<16xi32>
        %shift_right_logical3A_785 = arith.shrui %get3A_782, %shift_right_logical3A_784 : vector<16xi32>
        %and3A_786 = arith.constant 127 : i32
        %and3A_787 = vector.broadcast %and3A_786 : i32 to vector<16xi32>
        %and3A_788 = arith.andi %get3A_782, %and3A_787 : vector<16xi32>
        tpu.vector_store_idx %arg14[%shift_right_logical3A_785, %and3A_788], %broadcast_in_dim3A_43 {add = true} : memref<80x128xf32, #tpu.memory_space<vmem>>[vector<16xi32>, vector<16xi32>], vector<16xf32>,
      } else {
      }
      %mul3A_136 = arith.constant 32 : i32
      %mul3A_137 = arith.muli %add3A_111, %mul3A_136 : i32
      %add3A_138 = arith.addi %mul3A_137, %add3A : i32
      %lt3A_139 = arith.constant 625 : i32
      %lt3A_140 = arith.cmpi slt, %add3A_138, %lt3A_139 : i32
      %convert_element_type3A_141 = arith.extui %lt3A_140 : i1 to i32
      %cond3A_142 = arith.constant 0 : i32
      %cond3A_143 = arith.cmpi ne, %convert_element_type3A_141, %cond3A_142 : i32
      scf.if %cond3A_143 {
        %mul3A_472 = arith.constant 32 : i32
        %mul3A_473 = arith.muli %add3A_111, %mul3A_472 : i32
        %add3A_474 = arith.addi %mul3A_473, %add3A : i32
        %dma_wait3A = arith.constant 0 : i32
        %dma_wait3A_475 = arith.constant 0 : i32
        %dma_wait3A_476 = tpu.memref_slice %arg3[%add3A_474, %dma_wait3A, %dma_wait3A_475] : memref<625x8x128xi32, #tpu.memory_space<hbm>> -> memref<1x8x128xi32, #tpu.memory_space<hbm>>
        %dma_wait3A_477 = tpu.memref_squeeze %dma_wait3A_476 : memref<1x8x128xi32, #tpu.memory_space<hbm>> -> memref<8x128xi32, #tpu.memory_space<hbm>>
        %dma_wait3A_478 = arith.constant 0 : i32
        %dma_wait3A_479 = arith.constant 0 : i32
        %dma_wait3A_480 = tpu.memref_slice %arg3[%add3A_474, %dma_wait3A_478, %dma_wait3A_479] : memref<625x8x128xi32, #tpu.memory_space<hbm>> -> memref<1x8x128xi32, #tpu.memory_space<hbm>>
        %dma_wait3A_481 = tpu.memref_squeeze %dma_wait3A_480 : memref<1x8x128xi32, #tpu.memory_space<hbm>> -> memref<8x128xi32, #tpu.memory_space<hbm>>
        tpu.wait_dma2 semaphore(%arg20 : memref<!tpu.dma_semaphore, #tpu.memory_space<semaphore_mem>>) src(%dma_wait3A_481 : memref<8x128xi32, #tpu.memory_space<hbm>>) dst(%arg9 : memref<8x128xi32, #tpu.memory_space<vmem>>)
      } else {
      }
      %mul3A_144 = arith.constant 32 : i32
      %mul3A_145 = arith.muli %add3A_113, %mul3A_144 : i32
      %add3A_146 = arith.addi %mul3A_145, %add3A : i32
      %lt3A_147 = arith.constant 625 : i32
      %lt3A_148 = arith.cmpi slt, %add3A_146, %lt3A_147 : i32
      %convert_element_type3A_149 = arith.extui %lt3A_148 : i1 to i32
      %cond3A_150 = arith.constant 0 : i32
      %cond3A_151 = arith.cmpi ne, %convert_element_type3A_149, %cond3A_150 : i32
      scf.if %cond3A_151 {
        %mul3A_472 = arith.constant 32 : i32
        %mul3A_473 = arith.muli %add3A_113, %mul3A_472 : i32
        %add3A_474 = arith.addi %mul3A_473, %add3A : i32
        %dma_start3A = arith.constant 0 : i32
        %dma_start3A_475 = arith.constant 0 : i32
        %dma_start3A_476 = tpu.memref_slice %arg3[%add3A_474, %dma_start3A, %dma_start3A_475] : memref<625x8x128xi32, #tpu.memory_space<hbm>> -> memref<1x8x128xi32, #tpu.memory_space<hbm>>
        %dma_start3A_477 = tpu.memref_squeeze %dma_start3A_476 : memref<1x8x128xi32, #tpu.memory_space<hbm>> -> memref<8x128xi32, #tpu.memory_space<hbm>>
        %dma_start3A_478 = arith.constant 0 : i32
        %dma_start3A_479 = arith.constant 0 : i32
        %dma_start3A_480 = tpu.memref_slice %arg3[%add3A_474, %dma_start3A_478, %dma_start3A_479] : memref<625x8x128xi32, #tpu.memory_space<hbm>> -> memref<1x8x128xi32, #tpu.memory_space<hbm>>
        %dma_start3A_481 = tpu.memref_squeeze %dma_start3A_480 : memref<1x8x128xi32, #tpu.memory_space<hbm>> -> memref<8x128xi32, #tpu.memory_space<hbm>>
        tpu.enqueue_dma source(%dma_start3A_481 : memref<8x128xi32, #tpu.memory_space<hbm>>) target(%arg10 : memref<8x128xi32, #tpu.memory_space<vmem>>) target_semaphore(%arg21 : memref<!tpu.dma_semaphore, #tpu.memory_space<semaphore_mem>>)
      } else {
      }
      %mul3A_152 = arith.constant 32 : i32
      %mul3A_153 = arith.muli %mul3A_109, %mul3A_152 : i32
      %add3A_154 = arith.addi %mul3A_153, %add3A : i32
      %lt3A_155 = arith.constant 625 : i32
      %lt3A_156 = arith.cmpi slt, %add3A_154, %lt3A_155 : i32
      %convert_element_type3A_157 = arith.extui %lt3A_156 : i1 to i32
      %cond3A_158 = arith.constant 0 : i32
      %cond3A_159 = arith.cmpi ne, %convert_element_type3A_157, %cond3A_158 : i32
      scf.if %cond3A_159 {
        %dma_wait3A = arith.constant 0 : i32
        %dma_wait3A_472 = arith.constant 0 : i32
        %dma_wait3A_473 = tpu.memref_slice %arg8[%dma_wait3A, %dma_wait3A_472] : memref<8x128xi32, #tpu.memory_space<vmem>> -> memref<1x128xi32, #tpu.memory_space<vmem>>
        %dma_wait3A_474 = tpu.memref_squeeze %dma_wait3A_473 : memref<1x128xi32, #tpu.memory_space<vmem>> -> memref<128xi32, #tpu.memory_space<vmem>>
        %dma_wait3A_475 = arith.constant 0 : i32
        %dma_wait3A_476 = arith.constant 0 : i32
        %dma_wait3A_477 = tpu.memref_slice %arg2[%dma_wait3A_475, %dma_wait3A_476] : memref<10000x128xf32, #tpu.memory_space<hbm>> -> memref<10000x128xf32, #tpu.memory_space<hbm>>
        tpu.wait_indirect_dma semaphore(%arg17 : memref<!tpu.dma_semaphore, #tpu.memory_space<semaphore_mem>>) src(%dma_wait3A_477 : memref<10000x128xf32, #tpu.memory_space<hbm>>) dst(%arg12 : memref<128x128xf32, #tpu.memory_space<vmem>>)
        %run_scoped3A = arith.constant 4 : i32
        "tpu.region"() ({
          %run_scoped3A_478 = tpu.sem_alloc : memref<!tpu.dma_semaphore, #tpu.memory_space<semaphore_mem>>
          %dma_start3A = arith.constant 0 : i32
          %dma_start3A_479 = tpu.memref_slice %arg8[%run_scoped3A, %dma_start3A] : memref<8x128xi32, #tpu.memory_space<vmem>> -> memref<1x128xi32, #tpu.memory_space<vmem>>
          %dma_start3A_480 = tpu.memref_squeeze %dma_start3A_479 : memref<1x128xi32, #tpu.memory_space<vmem>> -> memref<128xi32, #tpu.memory_space<vmem>>
          %dma_start3A_481 = arith.constant 0 : i32
          %dma_start3A_482 = arith.constant 0 : i32
          %dma_start3A_483 = tpu.memref_slice %arg7[%dma_start3A_481, %dma_start3A_482] : memref<10240x128xf32, #tpu.memory_space<vmem_shared>> -> memref<10240x128xf32, #tpu.memory_space<vmem_shared>>
          tpu.enqueue_indirect_dma source(%arg12 : memref<128x128xf32, #tpu.memory_space<vmem>>) target(%dma_start3A_483 : memref<10240x128xf32, #tpu.memory_space<vmem_shared>>) offsets(%dma_start3A_480 : memref<128xi32, #tpu.memory_space<vmem>>) semaphore(%run_scoped3A_478 : memref<!tpu.dma_semaphore, #tpu.memory_space<semaphore_mem>>) {add = true}
          %dma_wait3A_484 = arith.constant 0 : i32
          %dma_wait3A_485 = tpu.memref_slice %arg8[%run_scoped3A, %dma_wait3A_484] : memref<8x128xi32, #tpu.memory_space<vmem>> -> memref<1x128xi32, #tpu.memory_space<vmem>>
          %dma_wait3A_486 = tpu.memref_squeeze %dma_wait3A_485 : memref<1x128xi32, #tpu.memory_space<vmem>> -> memref<128xi32, #tpu.memory_space<vmem>>
          %dma_wait3A_487 = arith.constant 0 : i32
          %dma_wait3A_488 = arith.constant 0 : i32
          %dma_wait3A_489 = tpu.memref_slice %arg7[%dma_wait3A_487, %dma_wait3A_488] : memref<10240x128xf32, #tpu.memory_space<vmem_shared>> -> memref<10240x128xf32, #tpu.memory_space<vmem_shared>>
          tpu.wait_indirect_dma semaphore(%run_scoped3A_478 : memref<!tpu.dma_semaphore, #tpu.memory_space<semaphore_mem>>) src(%arg12 : memref<128x128xf32, #tpu.memory_space<vmem>>) dst(%dma_wait3A_489 : memref<10240x128xf32, #tpu.memory_space<vmem_shared>>)
          tpu.yield
        }) : () -> ()
      } else {
      }
      %mul3A_160 = arith.constant 32 : i32
      %mul3A_161 = arith.muli %mul3A_109, %mul3A_160 : i32
      %add3A_162 = arith.addi %mul3A_161, %add3A : i32
      %lt3A_163 = arith.constant 625 : i32
      %lt3A_164 = arith.cmpi slt, %add3A_162, %lt3A_163 : i32
      %convert_element_type3A_165 = arith.extui %lt3A_164 : i1 to i32
      %cond3A_166 = arith.constant 0 : i32
      %cond3A_167 = arith.cmpi ne, %convert_element_type3A_165, %cond3A_166 : i32
      scf.if %cond3A_167 {
        %dma_start3A = arith.constant 2 : i32
        %dma_start3A_472 = arith.constant 0 : i32
        %dma_start3A_473 = tpu.memref_slice %arg8[%dma_start3A, %dma_start3A_472] : memref<8x128xi32, #tpu.memory_space<vmem>> -> memref<1x128xi32, #tpu.memory_space<vmem>>
        %dma_start3A_474 = tpu.memref_squeeze %dma_start3A_473 : memref<1x128xi32, #tpu.memory_space<vmem>> -> memref<128xi32, #tpu.memory_space<vmem>>
        %dma_start3A_475 = arith.constant 0 : i32
        %dma_start3A_476 = arith.constant 0 : i32
        %dma_start3A_477 = tpu.memref_slice %arg2[%dma_start3A_475, %dma_start3A_476] : memref<10000x128xf32, #tpu.memory_space<hbm>> -> memref<10000x128xf32, #tpu.memory_space<hbm>>
        tpu.enqueue_indirect_dma source(%dma_start3A_477 : memref<10000x128xf32, #tpu.memory_space<hbm>>) target(%arg12 : memref<128x128xf32, #tpu.memory_space<vmem>>) offsets(%dma_start3A_474 : memref<128xi32, #tpu.memory_space<vmem>>) semaphore(%arg17 : memref<!tpu.dma_semaphore, #tpu.memory_space<semaphore_mem>>)
      } else {
      }
      %mul3A_168 = arith.constant 32 : i32
      %mul3A_169 = arith.muli %mul3A_109, %mul3A_168 : i32
      %add3A_170 = arith.addi %mul3A_169, %add3A : i32
      %lt3A_171 = arith.constant 625 : i32
      %lt3A_172 = arith.cmpi slt, %add3A_170, %lt3A_171 : i32
      %convert_element_type3A_173 = arith.extui %lt3A_172 : i1 to i32
      %cond3A_174 = arith.constant 0 : i32
      %cond3A_175 = arith.cmpi ne, %convert_element_type3A_173, %cond3A_174 : i32
      scf.if %cond3A_175 {
        %dma_wait3A = arith.constant 1 : i32
        %dma_wait3A_472 = arith.constant 0 : i32
        %dma_wait3A_473 = tpu.memref_slice %arg8[%dma_wait3A, %dma_wait3A_472] : memref<8x128xi32, #tpu.memory_space<vmem>> -> memref<1x128xi32, #tpu.memory_space<vmem>>
        %dma_wait3A_474 = tpu.memref_squeeze %dma_wait3A_473 : memref<1x128xi32, #tpu.memory_space<vmem>> -> memref<128xi32, #tpu.memory_space<vmem>>
        %dma_wait3A_475 = arith.constant 0 : i32
        %dma_wait3A_476 = arith.constant 0 : i32
        %dma_wait3A_477 = tpu.memref_slice %arg2[%dma_wait3A_475, %dma_wait3A_476] : memref<10000x128xf32, #tpu.memory_space<hbm>> -> memref<10000x128xf32, #tpu.memory_space<hbm>>
        tpu.wait_indirect_dma semaphore(%arg18 : memref<!tpu.dma_semaphore, #tpu.memory_space<semaphore_mem>>) src(%dma_wait3A_477 : memref<10000x128xf32, #tpu.memory_space<hbm>>) dst(%arg13 : memref<128x128xf32, #tpu.memory_space<vmem>>)
        %run_scoped3A = arith.constant 5 : i32
        "tpu.region"() ({
          %run_scoped3A_478 = tpu.sem_alloc : memref<!tpu.dma_semaphore, #tpu.memory_space<semaphore_mem>>
          %dma_start3A = arith.constant 0 : i32
          %dma_start3A_479 = tpu.memref_slice %arg8[%run_scoped3A, %dma_start3A] : memref<8x128xi32, #tpu.memory_space<vmem>> -> memref<1x128xi32, #tpu.memory_space<vmem>>
          %dma_start3A_480 = tpu.memref_squeeze %dma_start3A_479 : memref<1x128xi32, #tpu.memory_space<vmem>> -> memref<128xi32, #tpu.memory_space<vmem>>
          %dma_start3A_481 = arith.constant 0 : i32
          %dma_start3A_482 = arith.constant 0 : i32
          %dma_start3A_483 = tpu.memref_slice %arg7[%dma_start3A_481, %dma_start3A_482] : memref<10240x128xf32, #tpu.memory_space<vmem_shared>> -> memref<10240x128xf32, #tpu.memory_space<vmem_shared>>
          tpu.enqueue_indirect_dma source(%arg13 : memref<128x128xf32, #tpu.memory_space<vmem>>) target(%dma_start3A_483 : memref<10240x128xf32, #tpu.memory_space<vmem_shared>>) offsets(%dma_start3A_480 : memref<128xi32, #tpu.memory_space<vmem>>) semaphore(%run_scoped3A_478 : memref<!tpu.dma_semaphore, #tpu.memory_space<semaphore_mem>>) {add = true}
          %dma_wait3A_484 = arith.constant 0 : i32
          %dma_wait3A_485 = tpu.memref_slice %arg8[%run_scoped3A, %dma_wait3A_484] : memref<8x128xi32, #tpu.memory_space<vmem>> -> memref<1x128xi32, #tpu.memory_space<vmem>>
          %dma_wait3A_486 = tpu.memref_squeeze %dma_wait3A_485 : memref<1x128xi32, #tpu.memory_space<vmem>> -> memref<128xi32, #tpu.memory_space<vmem>>
          %dma_wait3A_487 = arith.constant 0 : i32
          %dma_wait3A_488 = arith.constant 0 : i32
          %dma_wait3A_489 = tpu.memref_slice %arg7[%dma_wait3A_487, %dma_wait3A_488] : memref<10240x128xf32, #tpu.memory_space<vmem_shared>> -> memref<10240x128xf32, #tpu.memory_space<vmem_shared>>
          tpu.wait_indirect_dma semaphore(%run_scoped3A_478 : memref<!tpu.dma_semaphore, #tpu.memory_space<semaphore_mem>>) src(%arg13 : memref<128x128xf32, #tpu.memory_space<vmem>>) dst(%dma_wait3A_489 : memref<10240x128xf32, #tpu.memory_space<vmem_shared>>)
          tpu.yield
        }) : () -> ()
      } else {
      }
      %mul3A_176 = arith.constant 32 : i32
      %mul3A_177 = arith.muli %mul3A_109, %mul3A_176 : i32
      %add3A_178 = arith.addi %mul3A_177, %add3A : i32
      %lt3A_179 = arith.constant 625 : i32
      %lt3A_180 = arith.cmpi slt, %add3A_178, %lt3A_179 : i32
      %convert_element_type3A_181 = arith.extui %lt3A_180 : i1 to i32
      %cond3A_182 = arith.constant 0 : i32
      %cond3A_183 = arith.cmpi ne, %convert_element_type3A_181, %cond3A_182 : i32
      scf.if %cond3A_183 {
        %dma_start3A = arith.constant 3 : i32
        %dma_start3A_472 = arith.constant 0 : i32
        %dma_start3A_473 = tpu.memref_slice %arg8[%dma_start3A, %dma_start3A_472] : memref<8x128xi32, #tpu.memory_space<vmem>> -> memref<1x128xi32, #tpu.memory_space<vmem>>
        %dma_start3A_474 = tpu.memref_squeeze %dma_start3A_473 : memref<1x128xi32, #tpu.memory_space<vmem>> -> memref<128xi32, #tpu.memory_space<vmem>>
        %dma_start3A_475 = arith.constant 0 : i32
        %dma_start3A_476 = arith.constant 0 : i32
        %dma_start3A_477 = tpu.memref_slice %arg2[%dma_start3A_475, %dma_start3A_476] : memref<10000x128xf32, #tpu.memory_space<hbm>> -> memref<10000x128xf32, #tpu.memory_space<hbm>>
        tpu.enqueue_indirect_dma source(%dma_start3A_477 : memref<10000x128xf32, #tpu.memory_space<hbm>>) target(%arg13 : memref<128x128xf32, #tpu.memory_space<vmem>>) offsets(%dma_start3A_474 : memref<128xi32, #tpu.memory_space<vmem>>) semaphore(%arg18 : memref<!tpu.dma_semaphore, #tpu.memory_space<semaphore_mem>>)
      } else {
      }
      %mul3A_184 = arith.constant 32 : i32
      %mul3A_185 = arith.muli %mul3A_109, %mul3A_184 : i32
      %add3A_186 = arith.addi %mul3A_185, %add3A : i32
      %lt3A_187 = arith.constant 625 : i32
      %lt3A_188 = arith.cmpi slt, %add3A_186, %lt3A_187 : i32
      %convert_element_type3A_189 = arith.extui %lt3A_188 : i1 to i32
      %cond3A_190 = arith.constant 0 : i32
      %cond3A_191 = arith.cmpi ne, %convert_element_type3A_189, %cond3A_190 : i32
      scf.if %cond3A_191 {
        %dma_wait3A = arith.constant 2 : i32
        %dma_wait3A_472 = arith.constant 0 : i32
        %dma_wait3A_473 = tpu.memref_slice %arg8[%dma_wait3A, %dma_wait3A_472] : memref<8x128xi32, #tpu.memory_space<vmem>> -> memref<1x128xi32, #tpu.memory_space<vmem>>
        %dma_wait3A_474 = tpu.memref_squeeze %dma_wait3A_473 : memref<1x128xi32, #tpu.memory_space<vmem>> -> memref<128xi32, #tpu.memory_space<vmem>>
        %dma_wait3A_475 = arith.constant 0 : i32
        %dma_wait3A_476 = arith.constant 0 : i32
        %dma_wait3A_477 = tpu.memref_slice %arg2[%dma_wait3A_475, %dma_wait3A_476] : memref<10000x128xf32, #tpu.memory_space<hbm>> -> memref<10000x128xf32, #tpu.memory_space<hbm>>
        tpu.wait_indirect_dma semaphore(%arg17 : memref<!tpu.dma_semaphore, #tpu.memory_space<semaphore_mem>>) src(%dma_wait3A_477 : memref<10000x128xf32, #tpu.memory_space<hbm>>) dst(%arg12 : memref<128x128xf32, #tpu.memory_space<vmem>>)
        %run_scoped3A = arith.constant 6 : i32
        "tpu.region"() ({
          %run_scoped3A_478 = tpu.sem_alloc : memref<!tpu.dma_semaphore, #tpu.memory_space<semaphore_mem>>
          %dma_start3A = arith.constant 0 : i32
          %dma_start3A_479 = tpu.memref_slice %arg8[%run_scoped3A, %dma_start3A] : memref<8x128xi32, #tpu.memory_space<vmem>> -> memref<1x128xi32, #tpu.memory_space<vmem>>
          %dma_start3A_480 = tpu.memref_squeeze %dma_start3A_479 : memref<1x128xi32, #tpu.memory_space<vmem>> -> memref<128xi32, #tpu.memory_space<vmem>>
          %dma_start3A_481 = arith.constant 0 : i32
          %dma_start3A_482 = arith.constant 0 : i32
          %dma_start3A_483 = tpu.memref_slice %arg7[%dma_start3A_481, %dma_start3A_482] : memref<10240x128xf32, #tpu.memory_space<vmem_shared>> -> memref<10240x128xf32, #tpu.memory_space<vmem_shared>>
          tpu.enqueue_indirect_dma source(%arg12 : memref<128x128xf32, #tpu.memory_space<vmem>>) target(%dma_start3A_483 : memref<10240x128xf32, #tpu.memory_space<vmem_shared>>) offsets(%dma_start3A_480 : memref<128xi32, #tpu.memory_space<vmem>>) semaphore(%run_scoped3A_478 : memref<!tpu.dma_semaphore, #tpu.memory_space<semaphore_mem>>) {add = true}
          %dma_wait3A_484 = arith.constant 0 : i32
          %dma_wait3A_485 = tpu.memref_slice %arg8[%run_scoped3A, %dma_wait3A_484] : memref<8x128xi32, #tpu.memory_space<vmem>> -> memref<1x128xi32, #tpu.memory_space<vmem>>
          %dma_wait3A_486 = tpu.memref_squeeze %dma_wait3A_485 : memref<1x128xi32, #tpu.memory_space<vmem>> -> memref<128xi32, #tpu.memory_space<vmem>>
          %dma_wait3A_487 = arith.constant 0 : i32
          %dma_wait3A_488 = arith.constant 0 : i32
          %dma_wait3A_489 = tpu.memref_slice %arg7[%dma_wait3A_487, %dma_wait3A_488] : memref<10240x128xf32, #tpu.memory_space<vmem_shared>> -> memref<10240x128xf32, #tpu.memory_space<vmem_shared>>
          tpu.wait_indirect_dma semaphore(%run_scoped3A_478 : memref<!tpu.dma_semaphore, #tpu.memory_space<semaphore_mem>>) src(%arg12 : memref<128x128xf32, #tpu.memory_space<vmem>>) dst(%dma_wait3A_489 : memref<10240x128xf32, #tpu.memory_space<vmem_shared>>)
          tpu.yield
        }) : () -> ()
      } else {
      }
      %mul3A_192 = arith.constant 32 : i32
      %mul3A_193 = arith.muli %add3A_111, %mul3A_192 : i32
      %add3A_194 = arith.addi %mul3A_193, %add3A : i32
      %lt3A_195 = arith.constant 625 : i32
      %lt3A_196 = arith.cmpi slt, %add3A_194, %lt3A_195 : i32
      %convert_element_type3A_197 = arith.extui %lt3A_196 : i1 to i32
      %cond3A_198 = arith.constant 0 : i32
      %cond3A_199 = arith.cmpi ne, %convert_element_type3A_197, %cond3A_198 : i32
      scf.if %cond3A_199 {
        %dma_start3A = arith.constant 0 : i32
        %dma_start3A_472 = arith.constant 0 : i32
        %dma_start3A_473 = tpu.memref_slice %arg9[%dma_start3A, %dma_start3A_472] : memref<8x128xi32, #tpu.memory_space<vmem>> -> memref<1x128xi32, #tpu.memory_space<vmem>>
        %dma_start3A_474 = tpu.memref_squeeze %dma_start3A_473 : memref<1x128xi32, #tpu.memory_space<vmem>> -> memref<128xi32, #tpu.memory_space<vmem>>
        %dma_start3A_475 = arith.constant 0 : i32
        %dma_start3A_476 = arith.constant 0 : i32
        %dma_start3A_477 = tpu.memref_slice %arg2[%dma_start3A_475, %dma_start3A_476] : memref<10000x128xf32, #tpu.memory_space<hbm>> -> memref<10000x128xf32, #tpu.memory_space<hbm>>
        tpu.enqueue_indirect_dma source(%dma_start3A_477 : memref<10000x128xf32, #tpu.memory_space<hbm>>) target(%arg12 : memref<128x128xf32, #tpu.memory_space<vmem>>) offsets(%dma_start3A_474 : memref<128xi32, #tpu.memory_space<vmem>>) semaphore(%arg17 : memref<!tpu.dma_semaphore, #tpu.memory_space<semaphore_mem>>)
      } else {
      }
      %mul3A_200 = arith.constant 32 : i32
      %mul3A_201 = arith.muli %add3A_111, %mul3A_200 : i32
      %add3A_202 = arith.addi %mul3A_201, %add3A : i32
      %lt3A_203 = arith.constant 625 : i32
      %lt3A_204 = arith.cmpi slt, %add3A_202, %lt3A_203 : i32
      %convert_element_type3A_205 = arith.extui %lt3A_204 : i1 to i32
      %cond3A_206 = arith.constant 0 : i32
      %cond3A_207 = arith.cmpi ne, %convert_element_type3A_205, %cond3A_206 : i32
      scf.if %cond3A_207 {
        %get3A = arith.constant 4 : i32
        %get3A_472 = arith.index_cast %get3A : i32 to index
        %get3A_473 = arith.constant 0 : index
        %get3A_474 = tpu.vector_load %arg9[%get3A_472, %get3A_473] {strides = array<i32>} : memref<8x128xi32, #tpu.memory_space<vmem>>, vector<16xi32>,
        %shift_right_logical3A = arith.constant 7 : i32
        %shift_right_logical3A_475 = vector.broadcast %shift_right_logical3A : i32 to vector<16xi32>
        %shift_right_logical3A_476 = arith.shrui %get3A_474, %shift_right_logical3A_475 : vector<16xi32>
        %and3A = arith.constant 127 : i32
        %and3A_477 = vector.broadcast %and3A : i32 to vector<16xi32>
        %and3A_478 = arith.andi %get3A_474, %and3A_477 : vector<16xi32>
        tpu.vector_store_idx %arg14[%shift_right_logical3A_476, %and3A_478], %broadcast_in_dim3A_43 {add = true} : memref<80x128xf32, #tpu.memory_space<vmem>>[vector<16xi32>, vector<16xi32>], vector<16xf32>,
        %get3A_479 = arith.constant 4 : i32
        %get3A_480 = arith.index_cast %get3A_479 : i32 to index
        %get3A_481 = arith.constant 16 : index
        %get3A_482 = tpu.vector_load %arg9[%get3A_480, %get3A_481] {strides = array<i32>} : memref<8x128xi32, #tpu.memory_space<vmem>>, vector<16xi32>,
        %shift_right_logical3A_483 = arith.constant 7 : i32
        %shift_right_logical3A_484 = vector.broadcast %shift_right_logical3A_483 : i32 to vector<16xi32>
        %shift_right_logical3A_485 = arith.shrui %get3A_482, %shift_right_logical3A_484 : vector<16xi32>
        %and3A_486 = arith.constant 127 : i32
        %and3A_487 = vector.broadcast %and3A_486 : i32 to vector<16xi32>
        %and3A_488 = arith.andi %get3A_482, %and3A_487 : vector<16xi32>
        tpu.vector_store_idx %arg14[%shift_right_logical3A_485, %and3A_488], %broadcast_in_dim3A_43 {add = true} : memref<80x128xf32, #tpu.memory_space<vmem>>[vector<16xi32>, vector<16xi32>], vector<16xf32>,
        %get3A_489 = arith.constant 4 : i32
        %get3A_490 = arith.index_cast %get3A_489 : i32 to index
        %get3A_491 = arith.constant 32 : index
        %get3A_492 = tpu.vector_load %arg9[%get3A_490, %get3A_491] {strides = array<i32>} : memref<8x128xi32, #tpu.memory_space<vmem>>, vector<16xi32>,
        %shift_right_logical3A_493 = arith.constant 7 : i32
        %shift_right_logical3A_494 = vector.broadcast %shift_right_logical3A_493 : i32 to vector<16xi32>
        %shift_right_logical3A_495 = arith.shrui %get3A_492, %shift_right_logical3A_494 : vector<16xi32>
        %and3A_496 = arith.constant 127 : i32
        %and3A_497 = vector.broadcast %and3A_496 : i32 to vector<16xi32>
        %and3A_498 = arith.andi %get3A_492, %and3A_497 : vector<16xi32>
        tpu.vector_store_idx %arg14[%shift_right_logical3A_495, %and3A_498], %broadcast_in_dim3A_43 {add = true} : memref<80x128xf32, #tpu.memory_space<vmem>>[vector<16xi32>, vector<16xi32>], vector<16xf32>,
        %get3A_499 = arith.constant 4 : i32
        %get3A_500 = arith.index_cast %get3A_499 : i32 to index
        %get3A_501 = arith.constant 48 : index
        %get3A_502 = tpu.vector_load %arg9[%get3A_500, %get3A_501] {strides = array<i32>} : memref<8x128xi32, #tpu.memory_space<vmem>>, vector<16xi32>,
        %shift_right_logical3A_503 = arith.constant 7 : i32
        %shift_right_logical3A_504 = vector.broadcast %shift_right_logical3A_503 : i32 to vector<16xi32>
        %shift_right_logical3A_505 = arith.shrui %get3A_502, %shift_right_logical3A_504 : vector<16xi32>
        %and3A_506 = arith.constant 127 : i32
        %and3A_507 = vector.broadcast %and3A_506 : i32 to vector<16xi32>
        %and3A_508 = arith.andi %get3A_502, %and3A_507 : vector<16xi32>
        tpu.vector_store_idx %arg14[%shift_right_logical3A_505, %and3A_508], %broadcast_in_dim3A_43 {add = true} : memref<80x128xf32, #tpu.memory_space<vmem>>[vector<16xi32>, vector<16xi32>], vector<16xf32>,
        %get3A_509 = arith.constant 4 : i32
        %get3A_510 = arith.index_cast %get3A_509 : i32 to index
        %get3A_511 = arith.constant 64 : index
        %get3A_512 = tpu.vector_load %arg9[%get3A_510, %get3A_511] {strides = array<i32>} : memref<8x128xi32, #tpu.memory_space<vmem>>, vector<16xi32>,
        %shift_right_logical3A_513 = arith.constant 7 : i32
        %shift_right_logical3A_514 = vector.broadcast %shift_right_logical3A_513 : i32 to vector<16xi32>
        %shift_right_logical3A_515 = arith.shrui %get3A_512, %shift_right_logical3A_514 : vector<16xi32>
        %and3A_516 = arith.constant 127 : i32
        %and3A_517 = vector.broadcast %and3A_516 : i32 to vector<16xi32>
        %and3A_518 = arith.andi %get3A_512, %and3A_517 : vector<16xi32>
        tpu.vector_store_idx %arg14[%shift_right_logical3A_515, %and3A_518], %broadcast_in_dim3A_43 {add = true} : memref<80x128xf32, #tpu.memory_space<vmem>>[vector<16xi32>, vector<16xi32>], vector<16xf32>,
        %get3A_519 = arith.constant 4 : i32
        %get3A_520 = arith.index_cast %get3A_519 : i32 to index
        %get3A_521 = arith.constant 80 : index
        %get3A_522 = tpu.vector_load %arg9[%get3A_520, %get3A_521] {strides = array<i32>} : memref<8x128xi32, #tpu.memory_space<vmem>>, vector<16xi32>,
        %shift_right_logical3A_523 = arith.constant 7 : i32
        %shift_right_logical3A_524 = vector.broadcast %shift_right_logical3A_523 : i32 to vector<16xi32>
        %shift_right_logical3A_525 = arith.shrui %get3A_522, %shift_right_logical3A_524 : vector<16xi32>
        %and3A_526 = arith.constant 127 : i32
        %and3A_527 = vector.broadcast %and3A_526 : i32 to vector<16xi32>
        %and3A_528 = arith.andi %get3A_522, %and3A_527 : vector<16xi32>
        tpu.vector_store_idx %arg14[%shift_right_logical3A_525, %and3A_528], %broadcast_in_dim3A_43 {add = true} : memref<80x128xf32, #tpu.memory_space<vmem>>[vector<16xi32>, vector<16xi32>], vector<16xf32>,
        %get3A_529 = arith.constant 4 : i32
        %get3A_530 = arith.index_cast %get3A_529 : i32 to index
        %get3A_531 = arith.constant 96 : index
        %get3A_532 = tpu.vector_load %arg9[%get3A_530, %get3A_531] {strides = array<i32>} : memref<8x128xi32, #tpu.memory_space<vmem>>, vector<16xi32>,
        %shift_right_logical3A_533 = arith.constant 7 : i32
        %shift_right_logical3A_534 = vector.broadcast %shift_right_logical3A_533 : i32 to vector<16xi32>
        %shift_right_logical3A_535 = arith.shrui %get3A_532, %shift_right_logical3A_534 : vector<16xi32>
        %and3A_536 = arith.constant 127 : i32
        %and3A_537 = vector.broadcast %and3A_536 : i32 to vector<16xi32>
        %and3A_538 = arith.andi %get3A_532, %and3A_537 : vector<16xi32>
        tpu.vector_store_idx %arg14[%shift_right_logical3A_535, %and3A_538], %broadcast_in_dim3A_43 {add = true} : memref<80x128xf32, #tpu.memory_space<vmem>>[vector<16xi32>, vector<16xi32>], vector<16xf32>,
        %get3A_539 = arith.constant 4 : i32
        %get3A_540 = arith.index_cast %get3A_539 : i32 to index
        %get3A_541 = arith.constant 112 : index
        %get3A_542 = tpu.vector_load %arg9[%get3A_540, %get3A_541] {strides = array<i32>} : memref<8x128xi32, #tpu.memory_space<vmem>>, vector<16xi32>,
        %shift_right_logical3A_543 = arith.constant 7 : i32
        %shift_right_logical3A_544 = vector.broadcast %shift_right_logical3A_543 : i32 to vector<16xi32>
        %shift_right_logical3A_545 = arith.shrui %get3A_542, %shift_right_logical3A_544 : vector<16xi32>
        %and3A_546 = arith.constant 127 : i32
        %and3A_547 = vector.broadcast %and3A_546 : i32 to vector<16xi32>
        %and3A_548 = arith.andi %get3A_542, %and3A_547 : vector<16xi32>
        tpu.vector_store_idx %arg14[%shift_right_logical3A_545, %and3A_548], %broadcast_in_dim3A_43 {add = true} : memref<80x128xf32, #tpu.memory_space<vmem>>[vector<16xi32>, vector<16xi32>], vector<16xf32>,
        %get3A_549 = arith.constant 5 : i32
        %get3A_550 = arith.index_cast %get3A_549 : i32 to index
        %get3A_551 = arith.constant 0 : index
        %get3A_552 = tpu.vector_load %arg9[%get3A_550, %get3A_551] {strides = array<i32>} : memref<8x128xi32, #tpu.memory_space<vmem>>, vector<16xi32>,
        %shift_right_logical3A_553 = arith.constant 7 : i32
        %shift_right_logical3A_554 = vector.broadcast %shift_right_logical3A_553 : i32 to vector<16xi32>
        %shift_right_logical3A_555 = arith.shrui %get3A_552, %shift_right_logical3A_554 : vector<16xi32>
        %and3A_556 = arith.constant 127 : i32
        %and3A_557 = vector.broadcast %and3A_556 : i32 to vector<16xi32>
        %and3A_558 = arith.andi %get3A_552, %and3A_557 : vector<16xi32>
        tpu.vector_store_idx %arg14[%shift_right_logical3A_555, %and3A_558], %broadcast_in_dim3A_43 {add = true} : memref<80x128xf32, #tpu.memory_space<vmem>>[vector<16xi32>, vector<16xi32>], vector<16xf32>,
        %get3A_559 = arith.constant 5 : i32
        %get3A_560 = arith.index_cast %get3A_559 : i32 to index
        %get3A_561 = arith.constant 16 : index
        %get3A_562 = tpu.vector_load %arg9[%get3A_560, %get3A_561] {strides = array<i32>} : memref<8x128xi32, #tpu.memory_space<vmem>>, vector<16xi32>,
        %shift_right_logical3A_563 = arith.constant 7 : i32
        %shift_right_logical3A_564 = vector.broadcast %shift_right_logical3A_563 : i32 to vector<16xi32>
        %shift_right_logical3A_565 = arith.shrui %get3A_562, %shift_right_logical3A_564 : vector<16xi32>
        %and3A_566 = arith.constant 127 : i32
        %and3A_567 = vector.broadcast %and3A_566 : i32 to vector<16xi32>
        %and3A_568 = arith.andi %get3A_562, %and3A_567 : vector<16xi32>
        tpu.vector_store_idx %arg14[%shift_right_logical3A_565, %and3A_568], %broadcast_in_dim3A_43 {add = true} : memref<80x128xf32, #tpu.memory_space<vmem>>[vector<16xi32>, vector<16xi32>], vector<16xf32>,
        %get3A_569 = arith.constant 5 : i32
        %get3A_570 = arith.index_cast %get3A_569 : i32 to index
        %get3A_571 = arith.constant 32 : index
        %get3A_572 = tpu.vector_load %arg9[%get3A_570, %get3A_571] {strides = array<i32>} : memref<8x128xi32, #tpu.memory_space<vmem>>, vector<16xi32>,
        %shift_right_logical3A_573 = arith.constant 7 : i32
        %shift_right_logical3A_574 = vector.broadcast %shift_right_logical3A_573 : i32 to vector<16xi32>
        %shift_right_logical3A_575 = arith.shrui %get3A_572, %shift_right_logical3A_574 : vector<16xi32>
        %and3A_576 = arith.constant 127 : i32
        %and3A_577 = vector.broadcast %and3A_576 : i32 to vector<16xi32>
        %and3A_578 = arith.andi %get3A_572, %and3A_577 : vector<16xi32>
        tpu.vector_store_idx %arg14[%shift_right_logical3A_575, %and3A_578], %broadcast_in_dim3A_43 {add = true} : memref<80x128xf32, #tpu.memory_space<vmem>>[vector<16xi32>, vector<16xi32>], vector<16xf32>,
        %get3A_579 = arith.constant 5 : i32
        %get3A_580 = arith.index_cast %get3A_579 : i32 to index
        %get3A_581 = arith.constant 48 : index
        %get3A_582 = tpu.vector_load %arg9[%get3A_580, %get3A_581] {strides = array<i32>} : memref<8x128xi32, #tpu.memory_space<vmem>>, vector<16xi32>,
        %shift_right_logical3A_583 = arith.constant 7 : i32
        %shift_right_logical3A_584 = vector.broadcast %shift_right_logical3A_583 : i32 to vector<16xi32>
        %shift_right_logical3A_585 = arith.shrui %get3A_582, %shift_right_logical3A_584 : vector<16xi32>
        %and3A_586 = arith.constant 127 : i32
        %and3A_587 = vector.broadcast %and3A_586 : i32 to vector<16xi32>
        %and3A_588 = arith.andi %get3A_582, %and3A_587 : vector<16xi32>
        tpu.vector_store_idx %arg14[%shift_right_logical3A_585, %and3A_588], %broadcast_in_dim3A_43 {add = true} : memref<80x128xf32, #tpu.memory_space<vmem>>[vector<16xi32>, vector<16xi32>], vector<16xf32>,
        %get3A_589 = arith.constant 5 : i32
        %get3A_590 = arith.index_cast %get3A_589 : i32 to index
        %get3A_591 = arith.constant 64 : index
        %get3A_592 = tpu.vector_load %arg9[%get3A_590, %get3A_591] {strides = array<i32>} : memref<8x128xi32, #tpu.memory_space<vmem>>, vector<16xi32>,
        %shift_right_logical3A_593 = arith.constant 7 : i32
        %shift_right_logical3A_594 = vector.broadcast %shift_right_logical3A_593 : i32 to vector<16xi32>
        %shift_right_logical3A_595 = arith.shrui %get3A_592, %shift_right_logical3A_594 : vector<16xi32>
        %and3A_596 = arith.constant 127 : i32
        %and3A_597 = vector.broadcast %and3A_596 : i32 to vector<16xi32>
        %and3A_598 = arith.andi %get3A_592, %and3A_597 : vector<16xi32>
        tpu.vector_store_idx %arg14[%shift_right_logical3A_595, %and3A_598], %broadcast_in_dim3A_43 {add = true} : memref<80x128xf32, #tpu.memory_space<vmem>>[vector<16xi32>, vector<16xi32>], vector<16xf32>,
        %get3A_599 = arith.constant 5 : i32
        %get3A_600 = arith.index_cast %get3A_599 : i32 to index
        %get3A_601 = arith.constant 80 : index
        %get3A_602 = tpu.vector_load %arg9[%get3A_600, %get3A_601] {strides = array<i32>} : memref<8x128xi32, #tpu.memory_space<vmem>>, vector<16xi32>,
        %shift_right_logical3A_603 = arith.constant 7 : i32
        %shift_right_logical3A_604 = vector.broadcast %shift_right_logical3A_603 : i32 to vector<16xi32>
        %shift_right_logical3A_605 = arith.shrui %get3A_602, %shift_right_logical3A_604 : vector<16xi32>
        %and3A_606 = arith.constant 127 : i32
        %and3A_607 = vector.broadcast %and3A_606 : i32 to vector<16xi32>
        %and3A_608 = arith.andi %get3A_602, %and3A_607 : vector<16xi32>
        tpu.vector_store_idx %arg14[%shift_right_logical3A_605, %and3A_608], %broadcast_in_dim3A_43 {add = true} : memref<80x128xf32, #tpu.memory_space<vmem>>[vector<16xi32>, vector<16xi32>], vector<16xf32>,
        %get3A_609 = arith.constant 5 : i32
        %get3A_610 = arith.index_cast %get3A_609 : i32 to index
        %get3A_611 = arith.constant 96 : index
        %get3A_612 = tpu.vector_load %arg9[%get3A_610, %get3A_611] {strides = array<i32>} : memref<8x128xi32, #tpu.memory_space<vmem>>, vector<16xi32>,
        %shift_right_logical3A_613 = arith.constant 7 : i32
        %shift_right_logical3A_614 = vector.broadcast %shift_right_logical3A_613 : i32 to vector<16xi32>
        %shift_right_logical3A_615 = arith.shrui %get3A_612, %shift_right_logical3A_614 : vector<16xi32>
        %and3A_616 = arith.constant 127 : i32
        %and3A_617 = vector.broadcast %and3A_616 : i32 to vector<16xi32>
        %and3A_618 = arith.andi %get3A_612, %and3A_617 : vector<16xi32>
        tpu.vector_store_idx %arg14[%shift_right_logical3A_615, %and3A_618], %broadcast_in_dim3A_43 {add = true} : memref<80x128xf32, #tpu.memory_space<vmem>>[vector<16xi32>, vector<16xi32>], vector<16xf32>,
        %get3A_619 = arith.constant 5 : i32
        %get3A_620 = arith.index_cast %get3A_619 : i32 to index
        %get3A_621 = arith.constant 112 : index
        %get3A_622 = tpu.vector_load %arg9[%get3A_620, %get3A_621] {strides = array<i32>} : memref<8x128xi32, #tpu.memory_space<vmem>>, vector<16xi32>,
        %shift_right_logical3A_623 = arith.constant 7 : i32
        %shift_right_logical3A_624 = vector.broadcast %shift_right_logical3A_623 : i32 to vector<16xi32>
        %shift_right_logical3A_625 = arith.shrui %get3A_622, %shift_right_logical3A_624 : vector<16xi32>
        %and3A_626 = arith.constant 127 : i32
        %and3A_627 = vector.broadcast %and3A_626 : i32 to vector<16xi32>
        %and3A_628 = arith.andi %get3A_622, %and3A_627 : vector<16xi32>
        tpu.vector_store_idx %arg14[%shift_right_logical3A_625, %and3A_628], %broadcast_in_dim3A_43 {add = true} : memref<80x128xf32, #tpu.memory_space<vmem>>[vector<16xi32>, vector<16xi32>], vector<16xf32>,
        %get3A_629 = arith.constant 6 : i32
        %get3A_630 = arith.index_cast %get3A_629 : i32 to index
        %get3A_631 = arith.constant 0 : index
        %get3A_632 = tpu.vector_load %arg9[%get3A_630, %get3A_631] {strides = array<i32>} : memref<8x128xi32, #tpu.memory_space<vmem>>, vector<16xi32>,
        %shift_right_logical3A_633 = arith.constant 7 : i32
        %shift_right_logical3A_634 = vector.broadcast %shift_right_logical3A_633 : i32 to vector<16xi32>
        %shift_right_logical3A_635 = arith.shrui %get3A_632, %shift_right_logical3A_634 : vector<16xi32>
        %and3A_636 = arith.constant 127 : i32
        %and3A_637 = vector.broadcast %and3A_636 : i32 to vector<16xi32>
        %and3A_638 = arith.andi %get3A_632, %and3A_637 : vector<16xi32>
        tpu.vector_store_idx %arg14[%shift_right_logical3A_635, %and3A_638], %broadcast_in_dim3A_43 {add = true} : memref<80x128xf32, #tpu.memory_space<vmem>>[vector<16xi32>, vector<16xi32>], vector<16xf32>,
        %get3A_639 = arith.constant 6 : i32
        %get3A_640 = arith.index_cast %get3A_639 : i32 to index
        %get3A_641 = arith.constant 16 : index
        %get3A_642 = tpu.vector_load %arg9[%get3A_640, %get3A_641] {strides = array<i32>} : memref<8x128xi32, #tpu.memory_space<vmem>>, vector<16xi32>,
        %shift_right_logical3A_643 = arith.constant 7 : i32
        %shift_right_logical3A_644 = vector.broadcast %shift_right_logical3A_643 : i32 to vector<16xi32>
        %shift_right_logical3A_645 = arith.shrui %get3A_642, %shift_right_logical3A_644 : vector<16xi32>
        %and3A_646 = arith.constant 127 : i32
        %and3A_647 = vector.broadcast %and3A_646 : i32 to vector<16xi32>
        %and3A_648 = arith.andi %get3A_642, %and3A_647 : vector<16xi32>
        tpu.vector_store_idx %arg14[%shift_right_logical3A_645, %and3A_648], %broadcast_in_dim3A_43 {add = true} : memref<80x128xf32, #tpu.memory_space<vmem>>[vector<16xi32>, vector<16xi32>], vector<16xf32>,
        %get3A_649 = arith.constant 6 : i32
        %get3A_650 = arith.index_cast %get3A_649 : i32 to index
        %get3A_651 = arith.constant 32 : index
        %get3A_652 = tpu.vector_load %arg9[%get3A_650, %get3A_651] {strides = array<i32>} : memref<8x128xi32, #tpu.memory_space<vmem>>, vector<16xi32>,
        %shift_right_logical3A_653 = arith.constant 7 : i32
        %shift_right_logical3A_654 = vector.broadcast %shift_right_logical3A_653 : i32 to vector<16xi32>
        %shift_right_logical3A_655 = arith.shrui %get3A_652, %shift_right_logical3A_654 : vector<16xi32>
        %and3A_656 = arith.constant 127 : i32
        %and3A_657 = vector.broadcast %and3A_656 : i32 to vector<16xi32>
        %and3A_658 = arith.andi %get3A_652, %and3A_657 : vector<16xi32>
        tpu.vector_store_idx %arg14[%shift_right_logical3A_655, %and3A_658], %broadcast_in_dim3A_43 {add = true} : memref<80x128xf32, #tpu.memory_space<vmem>>[vector<16xi32>, vector<16xi32>], vector<16xf32>,
        %get3A_659 = arith.constant 6 : i32
        %get3A_660 = arith.index_cast %get3A_659 : i32 to index
        %get3A_661 = arith.constant 48 : index
        %get3A_662 = tpu.vector_load %arg9[%get3A_660, %get3A_661] {strides = array<i32>} : memref<8x128xi32, #tpu.memory_space<vmem>>, vector<16xi32>,
        %shift_right_logical3A_663 = arith.constant 7 : i32
        %shift_right_logical3A_664 = vector.broadcast %shift_right_logical3A_663 : i32 to vector<16xi32>
        %shift_right_logical3A_665 = arith.shrui %get3A_662, %shift_right_logical3A_664 : vector<16xi32>
        %and3A_666 = arith.constant 127 : i32
        %and3A_667 = vector.broadcast %and3A_666 : i32 to vector<16xi32>
        %and3A_668 = arith.andi %get3A_662, %and3A_667 : vector<16xi32>
        tpu.vector_store_idx %arg14[%shift_right_logical3A_665, %and3A_668], %broadcast_in_dim3A_43 {add = true} : memref<80x128xf32, #tpu.memory_space<vmem>>[vector<16xi32>, vector<16xi32>], vector<16xf32>,
        %get3A_669 = arith.constant 6 : i32
        %get3A_670 = arith.index_cast %get3A_669 : i32 to index
        %get3A_671 = arith.constant 64 : index
        %get3A_672 = tpu.vector_load %arg9[%get3A_670, %get3A_671] {strides = array<i32>} : memref<8x128xi32, #tpu.memory_space<vmem>>, vector<16xi32>,
        %shift_right_logical3A_673 = arith.constant 7 : i32
        %shift_right_logical3A_674 = vector.broadcast %shift_right_logical3A_673 : i32 to vector<16xi32>
        %shift_right_logical3A_675 = arith.shrui %get3A_672, %shift_right_logical3A_674 : vector<16xi32>
        %and3A_676 = arith.constant 127 : i32
        %and3A_677 = vector.broadcast %and3A_676 : i32 to vector<16xi32>
        %and3A_678 = arith.andi %get3A_672, %and3A_677 : vector<16xi32>
        tpu.vector_store_idx %arg14[%shift_right_logical3A_675, %and3A_678], %broadcast_in_dim3A_43 {add = true} : memref<80x128xf32, #tpu.memory_space<vmem>>[vector<16xi32>, vector<16xi32>], vector<16xf32>,
        %get3A_679 = arith.constant 6 : i32
        %get3A_680 = arith.index_cast %get3A_679 : i32 to index
        %get3A_681 = arith.constant 80 : index
        %get3A_682 = tpu.vector_load %arg9[%get3A_680, %get3A_681] {strides = array<i32>} : memref<8x128xi32, #tpu.memory_space<vmem>>, vector<16xi32>,
        %shift_right_logical3A_683 = arith.constant 7 : i32
        %shift_right_logical3A_684 = vector.broadcast %shift_right_logical3A_683 : i32 to vector<16xi32>
        %shift_right_logical3A_685 = arith.shrui %get3A_682, %shift_right_logical3A_684 : vector<16xi32>
        %and3A_686 = arith.constant 127 : i32
        %and3A_687 = vector.broadcast %and3A_686 : i32 to vector<16xi32>
        %and3A_688 = arith.andi %get3A_682, %and3A_687 : vector<16xi32>
        tpu.vector_store_idx %arg14[%shift_right_logical3A_685, %and3A_688], %broadcast_in_dim3A_43 {add = true} : memref<80x128xf32, #tpu.memory_space<vmem>>[vector<16xi32>, vector<16xi32>], vector<16xf32>,
        %get3A_689 = arith.constant 6 : i32
        %get3A_690 = arith.index_cast %get3A_689 : i32 to index
        %get3A_691 = arith.constant 96 : index
        %get3A_692 = tpu.vector_load %arg9[%get3A_690, %get3A_691] {strides = array<i32>} : memref<8x128xi32, #tpu.memory_space<vmem>>, vector<16xi32>,
        %shift_right_logical3A_693 = arith.constant 7 : i32
        %shift_right_logical3A_694 = vector.broadcast %shift_right_logical3A_693 : i32 to vector<16xi32>
        %shift_right_logical3A_695 = arith.shrui %get3A_692, %shift_right_logical3A_694 : vector<16xi32>
        %and3A_696 = arith.constant 127 : i32
        %and3A_697 = vector.broadcast %and3A_696 : i32 to vector<16xi32>
        %and3A_698 = arith.andi %get3A_692, %and3A_697 : vector<16xi32>
        tpu.vector_store_idx %arg14[%shift_right_logical3A_695, %and3A_698], %broadcast_in_dim3A_43 {add = true} : memref<80x128xf32, #tpu.memory_space<vmem>>[vector<16xi32>, vector<16xi32>], vector<16xf32>,
        %get3A_699 = arith.constant 6 : i32
        %get3A_700 = arith.index_cast %get3A_699 : i32 to index
        %get3A_701 = arith.constant 112 : index
        %get3A_702 = tpu.vector_load %arg9[%get3A_700, %get3A_701] {strides = array<i32>} : memref<8x128xi32, #tpu.memory_space<vmem>>, vector<16xi32>,
        %shift_right_logical3A_703 = arith.constant 7 : i32
        %shift_right_logical3A_704 = vector.broadcast %shift_right_logical3A_703 : i32 to vector<16xi32>
        %shift_right_logical3A_705 = arith.shrui %get3A_702, %shift_right_logical3A_704 : vector<16xi32>
        %and3A_706 = arith.constant 127 : i32
        %and3A_707 = vector.broadcast %and3A_706 : i32 to vector<16xi32>
        %and3A_708 = arith.andi %get3A_702, %and3A_707 : vector<16xi32>
        tpu.vector_store_idx %arg14[%shift_right_logical3A_705, %and3A_708], %broadcast_in_dim3A_43 {add = true} : memref<80x128xf32, #tpu.memory_space<vmem>>[vector<16xi32>, vector<16xi32>], vector<16xf32>,
        %get3A_709 = arith.constant 7 : i32
        %get3A_710 = arith.index_cast %get3A_709 : i32 to index
        %get3A_711 = arith.constant 0 : index
        %get3A_712 = tpu.vector_load %arg9[%get3A_710, %get3A_711] {strides = array<i32>} : memref<8x128xi32, #tpu.memory_space<vmem>>, vector<16xi32>,
        %shift_right_logical3A_713 = arith.constant 7 : i32
        %shift_right_logical3A_714 = vector.broadcast %shift_right_logical3A_713 : i32 to vector<16xi32>
        %shift_right_logical3A_715 = arith.shrui %get3A_712, %shift_right_logical3A_714 : vector<16xi32>
        %and3A_716 = arith.constant 127 : i32
        %and3A_717 = vector.broadcast %and3A_716 : i32 to vector<16xi32>
        %and3A_718 = arith.andi %get3A_712, %and3A_717 : vector<16xi32>
        tpu.vector_store_idx %arg14[%shift_right_logical3A_715, %and3A_718], %broadcast_in_dim3A_43 {add = true} : memref<80x128xf32, #tpu.memory_space<vmem>>[vector<16xi32>, vector<16xi32>], vector<16xf32>,
        %get3A_719 = arith.constant 7 : i32
        %get3A_720 = arith.index_cast %get3A_719 : i32 to index
        %get3A_721 = arith.constant 16 : index
        %get3A_722 = tpu.vector_load %arg9[%get3A_720, %get3A_721] {strides = array<i32>} : memref<8x128xi32, #tpu.memory_space<vmem>>, vector<16xi32>,
        %shift_right_logical3A_723 = arith.constant 7 : i32
        %shift_right_logical3A_724 = vector.broadcast %shift_right_logical3A_723 : i32 to vector<16xi32>
        %shift_right_logical3A_725 = arith.shrui %get3A_722, %shift_right_logical3A_724 : vector<16xi32>
        %and3A_726 = arith.constant 127 : i32
        %and3A_727 = vector.broadcast %and3A_726 : i32 to vector<16xi32>
        %and3A_728 = arith.andi %get3A_722, %and3A_727 : vector<16xi32>
        tpu.vector_store_idx %arg14[%shift_right_logical3A_725, %and3A_728], %broadcast_in_dim3A_43 {add = true} : memref<80x128xf32, #tpu.memory_space<vmem>>[vector<16xi32>, vector<16xi32>], vector<16xf32>,
        %get3A_729 = arith.constant 7 : i32
        %get3A_730 = arith.index_cast %get3A_729 : i32 to index
        %get3A_731 = arith.constant 32 : index
        %get3A_732 = tpu.vector_load %arg9[%get3A_730, %get3A_731] {strides = array<i32>} : memref<8x128xi32, #tpu.memory_space<vmem>>, vector<16xi32>,
        %shift_right_logical3A_733 = arith.constant 7 : i32
        %shift_right_logical3A_734 = vector.broadcast %shift_right_logical3A_733 : i32 to vector<16xi32>
        %shift_right_logical3A_735 = arith.shrui %get3A_732, %shift_right_logical3A_734 : vector<16xi32>
        %and3A_736 = arith.constant 127 : i32
        %and3A_737 = vector.broadcast %and3A_736 : i32 to vector<16xi32>
        %and3A_738 = arith.andi %get3A_732, %and3A_737 : vector<16xi32>
        tpu.vector_store_idx %arg14[%shift_right_logical3A_735, %and3A_738], %broadcast_in_dim3A_43 {add = true} : memref<80x128xf32, #tpu.memory_space<vmem>>[vector<16xi32>, vector<16xi32>], vector<16xf32>,
        %get3A_739 = arith.constant 7 : i32
        %get3A_740 = arith.index_cast %get3A_739 : i32 to index
        %get3A_741 = arith.constant 48 : index
        %get3A_742 = tpu.vector_load %arg9[%get3A_740, %get3A_741] {strides = array<i32>} : memref<8x128xi32, #tpu.memory_space<vmem>>, vector<16xi32>,
        %shift_right_logical3A_743 = arith.constant 7 : i32
        %shift_right_logical3A_744 = vector.broadcast %shift_right_logical3A_743 : i32 to vector<16xi32>
        %shift_right_logical3A_745 = arith.shrui %get3A_742, %shift_right_logical3A_744 : vector<16xi32>
        %and3A_746 = arith.constant 127 : i32
        %and3A_747 = vector.broadcast %and3A_746 : i32 to vector<16xi32>
        %and3A_748 = arith.andi %get3A_742, %and3A_747 : vector<16xi32>
        tpu.vector_store_idx %arg14[%shift_right_logical3A_745, %and3A_748], %broadcast_in_dim3A_43 {add = true} : memref<80x128xf32, #tpu.memory_space<vmem>>[vector<16xi32>, vector<16xi32>], vector<16xf32>,
        %get3A_749 = arith.constant 7 : i32
        %get3A_750 = arith.index_cast %get3A_749 : i32 to index
        %get3A_751 = arith.constant 64 : index
        %get3A_752 = tpu.vector_load %arg9[%get3A_750, %get3A_751] {strides = array<i32>} : memref<8x128xi32, #tpu.memory_space<vmem>>, vector<16xi32>,
        %shift_right_logical3A_753 = arith.constant 7 : i32
        %shift_right_logical3A_754 = vector.broadcast %shift_right_logical3A_753 : i32 to vector<16xi32>
        %shift_right_logical3A_755 = arith.shrui %get3A_752, %shift_right_logical3A_754 : vector<16xi32>
        %and3A_756 = arith.constant 127 : i32
        %and3A_757 = vector.broadcast %and3A_756 : i32 to vector<16xi32>
        %and3A_758 = arith.andi %get3A_752, %and3A_757 : vector<16xi32>
        tpu.vector_store_idx %arg14[%shift_right_logical3A_755, %and3A_758], %broadcast_in_dim3A_43 {add = true} : memref<80x128xf32, #tpu.memory_space<vmem>>[vector<16xi32>, vector<16xi32>], vector<16xf32>,
        %get3A_759 = arith.constant 7 : i32
        %get3A_760 = arith.index_cast %get3A_759 : i32 to index
        %get3A_761 = arith.constant 80 : index
        %get3A_762 = tpu.vector_load %arg9[%get3A_760, %get3A_761] {strides = array<i32>} : memref<8x128xi32, #tpu.memory_space<vmem>>, vector<16xi32>,
        %shift_right_logical3A_763 = arith.constant 7 : i32
        %shift_right_logical3A_764 = vector.broadcast %shift_right_logical3A_763 : i32 to vector<16xi32>
        %shift_right_logical3A_765 = arith.shrui %get3A_762, %shift_right_logical3A_764 : vector<16xi32>
        %and3A_766 = arith.constant 127 : i32
        %and3A_767 = vector.broadcast %and3A_766 : i32 to vector<16xi32>
        %and3A_768 = arith.andi %get3A_762, %and3A_767 : vector<16xi32>
        tpu.vector_store_idx %arg14[%shift_right_logical3A_765, %and3A_768], %broadcast_in_dim3A_43 {add = true} : memref<80x128xf32, #tpu.memory_space<vmem>>[vector<16xi32>, vector<16xi32>], vector<16xf32>,
        %get3A_769 = arith.constant 7 : i32
        %get3A_770 = arith.index_cast %get3A_769 : i32 to index
        %get3A_771 = arith.constant 96 : index
        %get3A_772 = tpu.vector_load %arg9[%get3A_770, %get3A_771] {strides = array<i32>} : memref<8x128xi32, #tpu.memory_space<vmem>>, vector<16xi32>,
        %shift_right_logical3A_773 = arith.constant 7 : i32
        %shift_right_logical3A_774 = vector.broadcast %shift_right_logical3A_773 : i32 to vector<16xi32>
        %shift_right_logical3A_775 = arith.shrui %get3A_772, %shift_right_logical3A_774 : vector<16xi32>
        %and3A_776 = arith.constant 127 : i32
        %and3A_777 = vector.broadcast %and3A_776 : i32 to vector<16xi32>
        %and3A_778 = arith.andi %get3A_772, %and3A_777 : vector<16xi32>
        tpu.vector_store_idx %arg14[%shift_right_logical3A_775, %and3A_778], %broadcast_in_dim3A_43 {add = true} : memref<80x128xf32, #tpu.memory_space<vmem>>[vector<16xi32>, vector<16xi32>], vector<16xf32>,
        %get3A_779 = arith.constant 7 : i32
        %get3A_780 = arith.index_cast %get3A_779 : i32 to index
        %get3A_781 = arith.constant 112 : index
        %get3A_782 = tpu.vector_load %arg9[%get3A_780, %get3A_781] {strides = array<i32>} : memref<8x128xi32, #tpu.memory_space<vmem>>, vector<16xi32>,
        %shift_right_logical3A_783 = arith.constant 7 : i32
        %shift_right_logical3A_784 = vector.broadcast %shift_right_logical3A_783 : i32 to vector<16xi32>
        %shift_right_logical3A_785 = arith.shrui %get3A_782, %shift_right_logical3A_784 : vector<16xi32>
        %and3A_786 = arith.constant 127 : i32
        %and3A_787 = vector.broadcast %and3A_786 : i32 to vector<16xi32>
        %and3A_788 = arith.andi %get3A_782, %and3A_787 : vector<16xi32>
        tpu.vector_store_idx %arg14[%shift_right_logical3A_785, %and3A_788], %broadcast_in_dim3A_43 {add = true} : memref<80x128xf32, #tpu.memory_space<vmem>>[vector<16xi32>, vector<16xi32>], vector<16xf32>,
      } else {
      }
      %mul3A_208 = arith.constant 32 : i32
      %mul3A_209 = arith.muli %add3A_115, %mul3A_208 : i32
      %add3A_210 = arith.addi %mul3A_209, %add3A : i32
      %lt3A_211 = arith.constant 625 : i32
      %lt3A_212 = arith.cmpi slt, %add3A_210, %lt3A_211 : i32
      %convert_element_type3A_213 = arith.extui %lt3A_212 : i1 to i32
      %cond3A_214 = arith.constant 0 : i32
      %cond3A_215 = arith.cmpi ne, %convert_element_type3A_213, %cond3A_214 : i32
      scf.if %cond3A_215 {
        %mul3A_472 = arith.constant 32 : i32
        %mul3A_473 = arith.muli %add3A_115, %mul3A_472 : i32
        %add3A_474 = arith.addi %mul3A_473, %add3A : i32
        %dma_start3A = arith.constant 0 : i32
        %dma_start3A_475 = arith.constant 0 : i32
        %dma_start3A_476 = tpu.memref_slice %arg3[%add3A_474, %dma_start3A, %dma_start3A_475] : memref<625x8x128xi32, #tpu.memory_space<hbm>> -> memref<1x8x128xi32, #tpu.memory_space<hbm>>
        %dma_start3A_477 = tpu.memref_squeeze %dma_start3A_476 : memref<1x8x128xi32, #tpu.memory_space<hbm>> -> memref<8x128xi32, #tpu.memory_space<hbm>>
        %dma_start3A_478 = arith.constant 0 : i32
        %dma_start3A_479 = arith.constant 0 : i32
        %dma_start3A_480 = tpu.memref_slice %arg3[%add3A_474, %dma_start3A_478, %dma_start3A_479] : memref<625x8x128xi32, #tpu.memory_space<hbm>> -> memref<1x8x128xi32, #tpu.memory_space<hbm>>
        %dma_start3A_481 = tpu.memref_squeeze %dma_start3A_480 : memref<1x8x128xi32, #tpu.memory_space<hbm>> -> memref<8x128xi32, #tpu.memory_space<hbm>>
        tpu.enqueue_dma source(%dma_start3A_481 : memref<8x128xi32, #tpu.memory_space<hbm>>) target(%arg11 : memref<8x128xi32, #tpu.memory_space<vmem>>) target_semaphore(%arg22 : memref<!tpu.dma_semaphore, #tpu.memory_space<semaphore_mem>>)
      } else {
      }
      %mul3A_216 = arith.constant 32 : i32
      %mul3A_217 = arith.muli %mul3A_109, %mul3A_216 : i32
      %add3A_218 = arith.addi %mul3A_217, %add3A : i32
      %lt3A_219 = arith.constant 625 : i32
      %lt3A_220 = arith.cmpi slt, %add3A_218, %lt3A_219 : i32
      %convert_element_type3A_221 = arith.extui %lt3A_220 : i1 to i32
      %cond3A_222 = arith.constant 0 : i32
      %cond3A_223 = arith.cmpi ne, %convert_element_type3A_221, %cond3A_222 : i32
      scf.if %cond3A_223 {
        %dma_wait3A = arith.constant 3 : i32
        %dma_wait3A_472 = arith.constant 0 : i32
        %dma_wait3A_473 = tpu.memref_slice %arg8[%dma_wait3A, %dma_wait3A_472] : memref<8x128xi32, #tpu.memory_space<vmem>> -> memref<1x128xi32, #tpu.memory_space<vmem>>
        %dma_wait3A_474 = tpu.memref_squeeze %dma_wait3A_473 : memref<1x128xi32, #tpu.memory_space<vmem>> -> memref<128xi32, #tpu.memory_space<vmem>>
        %dma_wait3A_475 = arith.constant 0 : i32
        %dma_wait3A_476 = arith.constant 0 : i32
        %dma_wait3A_477 = tpu.memref_slice %arg2[%dma_wait3A_475, %dma_wait3A_476] : memref<10000x128xf32, #tpu.memory_space<hbm>> -> memref<10000x128xf32, #tpu.memory_space<hbm>>
        tpu.wait_indirect_dma semaphore(%arg18 : memref<!tpu.dma_semaphore, #tpu.memory_space<semaphore_mem>>) src(%dma_wait3A_477 : memref<10000x128xf32, #tpu.memory_space<hbm>>) dst(%arg13 : memref<128x128xf32, #tpu.memory_space<vmem>>)
        %run_scoped3A = arith.constant 7 : i32
        "tpu.region"() ({
          %run_scoped3A_478 = tpu.sem_alloc : memref<!tpu.dma_semaphore, #tpu.memory_space<semaphore_mem>>
          %dma_start3A = arith.constant 0 : i32
          %dma_start3A_479 = tpu.memref_slice %arg8[%run_scoped3A, %dma_start3A] : memref<8x128xi32, #tpu.memory_space<vmem>> -> memref<1x128xi32, #tpu.memory_space<vmem>>
          %dma_start3A_480 = tpu.memref_squeeze %dma_start3A_479 : memref<1x128xi32, #tpu.memory_space<vmem>> -> memref<128xi32, #tpu.memory_space<vmem>>
          %dma_start3A_481 = arith.constant 0 : i32
          %dma_start3A_482 = arith.constant 0 : i32
          %dma_start3A_483 = tpu.memref_slice %arg7[%dma_start3A_481, %dma_start3A_482] : memref<10240x128xf32, #tpu.memory_space<vmem_shared>> -> memref<10240x128xf32, #tpu.memory_space<vmem_shared>>
          tpu.enqueue_indirect_dma source(%arg13 : memref<128x128xf32, #tpu.memory_space<vmem>>) target(%dma_start3A_483 : memref<10240x128xf32, #tpu.memory_space<vmem_shared>>) offsets(%dma_start3A_480 : memref<128xi32, #tpu.memory_space<vmem>>) semaphore(%run_scoped3A_478 : memref<!tpu.dma_semaphore, #tpu.memory_space<semaphore_mem>>) {add = true}
          %dma_wait3A_484 = arith.constant 0 : i32
          %dma_wait3A_485 = tpu.memref_slice %arg8[%run_scoped3A, %dma_wait3A_484] : memref<8x128xi32, #tpu.memory_space<vmem>> -> memref<1x128xi32, #tpu.memory_space<vmem>>
          %dma_wait3A_486 = tpu.memref_squeeze %dma_wait3A_485 : memref<1x128xi32, #tpu.memory_space<vmem>> -> memref<128xi32, #tpu.memory_space<vmem>>
          %dma_wait3A_487 = arith.constant 0 : i32
          %dma_wait3A_488 = arith.constant 0 : i32
          %dma_wait3A_489 = tpu.memref_slice %arg7[%dma_wait3A_487, %dma_wait3A_488] : memref<10240x128xf32, #tpu.memory_space<vmem_shared>> -> memref<10240x128xf32, #tpu.memory_space<vmem_shared>>
          tpu.wait_indirect_dma semaphore(%run_scoped3A_478 : memref<!tpu.dma_semaphore, #tpu.memory_space<semaphore_mem>>) src(%arg13 : memref<128x128xf32, #tpu.memory_space<vmem>>) dst(%dma_wait3A_489 : memref<10240x128xf32, #tpu.memory_space<vmem_shared>>)
          tpu.yield
        }) : () -> ()
      } else {
      }
      %mul3A_224 = arith.constant 32 : i32
      %mul3A_225 = arith.muli %add3A_111, %mul3A_224 : i32
      %add3A_226 = arith.addi %mul3A_225, %add3A : i32
      %lt3A_227 = arith.constant 625 : i32
      %lt3A_228 = arith.cmpi slt, %add3A_226, %lt3A_227 : i32
      %convert_element_type3A_229 = arith.extui %lt3A_228 : i1 to i32
      %cond3A_230 = arith.constant 0 : i32
      %cond3A_231 = arith.cmpi ne, %convert_element_type3A_229, %cond3A_230 : i32
      scf.if %cond3A_231 {
        %dma_start3A = arith.constant 1 : i32
        %dma_start3A_472 = arith.constant 0 : i32
        %dma_start3A_473 = tpu.memref_slice %arg9[%dma_start3A, %dma_start3A_472] : memref<8x128xi32, #tpu.memory_space<vmem>> -> memref<1x128xi32, #tpu.memory_space<vmem>>
        %dma_start3A_474 = tpu.memref_squeeze %dma_start3A_473 : memref<1x128xi32, #tpu.memory_space<vmem>> -> memref<128xi32, #tpu.memory_space<vmem>>
        %dma_start3A_475 = arith.constant 0 : i32
        %dma_start3A_476 = arith.constant 0 : i32
        %dma_start3A_477 = tpu.memref_slice %arg2[%dma_start3A_475, %dma_start3A_476] : memref<10000x128xf32, #tpu.memory_space<hbm>> -> memref<10000x128xf32, #tpu.memory_space<hbm>>
        tpu.enqueue_indirect_dma source(%dma_start3A_477 : memref<10000x128xf32, #tpu.memory_space<hbm>>) target(%arg13 : memref<128x128xf32, #tpu.memory_space<vmem>>) offsets(%dma_start3A_474 : memref<128xi32, #tpu.memory_space<vmem>>) semaphore(%arg18 : memref<!tpu.dma_semaphore, #tpu.memory_space<semaphore_mem>>)
      } else {
      }
      %mul3A_232 = arith.constant 32 : i32
      %mul3A_233 = arith.muli %add3A_111, %mul3A_232 : i32
      %add3A_234 = arith.addi %mul3A_233, %add3A : i32
      %lt3A_235 = arith.constant 625 : i32
      %lt3A_236 = arith.cmpi slt, %add3A_234, %lt3A_235 : i32
      %convert_element_type3A_237 = arith.extui %lt3A_236 : i1 to i32
      %cond3A_238 = arith.constant 0 : i32
      %cond3A_239 = arith.cmpi ne, %convert_element_type3A_237, %cond3A_238 : i32
      scf.if %cond3A_239 {
        %dma_wait3A = arith.constant 0 : i32
        %dma_wait3A_472 = arith.constant 0 : i32
        %dma_wait3A_473 = tpu.memref_slice %arg9[%dma_wait3A, %dma_wait3A_472] : memref<8x128xi32, #tpu.memory_space<vmem>> -> memref<1x128xi32, #tpu.memory_space<vmem>>
        %dma_wait3A_474 = tpu.memref_squeeze %dma_wait3A_473 : memref<1x128xi32, #tpu.memory_space<vmem>> -> memref<128xi32, #tpu.memory_space<vmem>>
        %dma_wait3A_475 = arith.constant 0 : i32
        %dma_wait3A_476 = arith.constant 0 : i32
        %dma_wait3A_477 = tpu.memref_slice %arg2[%dma_wait3A_475, %dma_wait3A_476] : memref<10000x128xf32, #tpu.memory_space<hbm>> -> memref<10000x128xf32, #tpu.memory_space<hbm>>
        tpu.wait_indirect_dma semaphore(%arg17 : memref<!tpu.dma_semaphore, #tpu.memory_space<semaphore_mem>>) src(%dma_wait3A_477 : memref<10000x128xf32, #tpu.memory_space<hbm>>) dst(%arg12 : memref<128x128xf32, #tpu.memory_space<vmem>>)
        %run_scoped3A = arith.constant 4 : i32
        "tpu.region"() ({
          %run_scoped3A_478 = tpu.sem_alloc : memref<!tpu.dma_semaphore, #tpu.memory_space<semaphore_mem>>
          %dma_start3A = arith.constant 0 : i32
          %dma_start3A_479 = tpu.memref_slice %arg9[%run_scoped3A, %dma_start3A] : memref<8x128xi32, #tpu.memory_space<vmem>> -> memref<1x128xi32, #tpu.memory_space<vmem>>
          %dma_start3A_480 = tpu.memref_squeeze %dma_start3A_479 : memref<1x128xi32, #tpu.memory_space<vmem>> -> memref<128xi32, #tpu.memory_space<vmem>>
          %dma_start3A_481 = arith.constant 0 : i32
          %dma_start3A_482 = arith.constant 0 : i32
          %dma_start3A_483 = tpu.memref_slice %arg7[%dma_start3A_481, %dma_start3A_482] : memref<10240x128xf32, #tpu.memory_space<vmem_shared>> -> memref<10240x128xf32, #tpu.memory_space<vmem_shared>>
          tpu.enqueue_indirect_dma source(%arg12 : memref<128x128xf32, #tpu.memory_space<vmem>>) target(%dma_start3A_483 : memref<10240x128xf32, #tpu.memory_space<vmem_shared>>) offsets(%dma_start3A_480 : memref<128xi32, #tpu.memory_space<vmem>>) semaphore(%run_scoped3A_478 : memref<!tpu.dma_semaphore, #tpu.memory_space<semaphore_mem>>) {add = true}
          %dma_wait3A_484 = arith.constant 0 : i32
          %dma_wait3A_485 = tpu.memref_slice %arg9[%run_scoped3A, %dma_wait3A_484] : memref<8x128xi32, #tpu.memory_space<vmem>> -> memref<1x128xi32, #tpu.memory_space<vmem>>
          %dma_wait3A_486 = tpu.memref_squeeze %dma_wait3A_485 : memref<1x128xi32, #tpu.memory_space<vmem>> -> memref<128xi32, #tpu.memory_space<vmem>>
          %dma_wait3A_487 = arith.constant 0 : i32
          %dma_wait3A_488 = arith.constant 0 : i32
          %dma_wait3A_489 = tpu.memref_slice %arg7[%dma_wait3A_487, %dma_wait3A_488] : memref<10240x128xf32, #tpu.memory_space<vmem_shared>> -> memref<10240x128xf32, #tpu.memory_space<vmem_shared>>
          tpu.wait_indirect_dma semaphore(%run_scoped3A_478 : memref<!tpu.dma_semaphore, #tpu.memory_space<semaphore_mem>>) src(%arg12 : memref<128x128xf32, #tpu.memory_space<vmem>>) dst(%dma_wait3A_489 : memref<10240x128xf32, #tpu.memory_space<vmem_shared>>)
          tpu.yield
        }) : () -> ()
      } else {
      }
      %mul3A_240 = arith.constant 32 : i32
      %mul3A_241 = arith.muli %add3A_111, %mul3A_240 : i32
      %add3A_242 = arith.addi %mul3A_241, %add3A : i32
      %lt3A_243 = arith.constant 625 : i32
      %lt3A_244 = arith.cmpi slt, %add3A_242, %lt3A_243 : i32
      %convert_element_type3A_245 = arith.extui %lt3A_244 : i1 to i32
      %cond3A_246 = arith.constant 0 : i32
      %cond3A_247 = arith.cmpi ne, %convert_element_type3A_245, %cond3A_246 : i32
      scf.if %cond3A_247 {
        %dma_start3A = arith.constant 2 : i32
        %dma_start3A_472 = arith.constant 0 : i32
        %dma_start3A_473 = tpu.memref_slice %arg9[%dma_start3A, %dma_start3A_472] : memref<8x128xi32, #tpu.memory_space<vmem>> -> memref<1x128xi32, #tpu.memory_space<vmem>>
        %dma_start3A_474 = tpu.memref_squeeze %dma_start3A_473 : memref<1x128xi32, #tpu.memory_space<vmem>> -> memref<128xi32, #tpu.memory_space<vmem>>
        %dma_start3A_475 = arith.constant 0 : i32
        %dma_start3A_476 = arith.constant 0 : i32
        %dma_start3A_477 = tpu.memref_slice %arg2[%dma_start3A_475, %dma_start3A_476] : memref<10000x128xf32, #tpu.memory_space<hbm>> -> memref<10000x128xf32, #tpu.memory_space<hbm>>
        tpu.enqueue_indirect_dma source(%dma_start3A_477 : memref<10000x128xf32, #tpu.memory_space<hbm>>) target(%arg12 : memref<128x128xf32, #tpu.memory_space<vmem>>) offsets(%dma_start3A_474 : memref<128xi32, #tpu.memory_space<vmem>>) semaphore(%arg17 : memref<!tpu.dma_semaphore, #tpu.memory_space<semaphore_mem>>)
      } else {
      }
      %mul3A_248 = arith.constant 32 : i32
      %mul3A_249 = arith.muli %add3A_113, %mul3A_248 : i32
      %add3A_250 = arith.addi %mul3A_249, %add3A : i32
      %lt3A_251 = arith.constant 625 : i32
      %lt3A_252 = arith.cmpi slt, %add3A_250, %lt3A_251 : i32
      %convert_element_type3A_253 = arith.extui %lt3A_252 : i1 to i32
      %cond3A_254 = arith.constant 0 : i32
      %cond3A_255 = arith.cmpi ne, %convert_element_type3A_253, %cond3A_254 : i32
      scf.if %cond3A_255 {
        %mul3A_472 = arith.constant 32 : i32
        %mul3A_473 = arith.muli %add3A_113, %mul3A_472 : i32
        %add3A_474 = arith.addi %mul3A_473, %add3A : i32
        %dma_wait3A = arith.constant 0 : i32
        %dma_wait3A_475 = arith.constant 0 : i32
        %dma_wait3A_476 = tpu.memref_slice %arg3[%add3A_474, %dma_wait3A, %dma_wait3A_475] : memref<625x8x128xi32, #tpu.memory_space<hbm>> -> memref<1x8x128xi32, #tpu.memory_space<hbm>>
        %dma_wait3A_477 = tpu.memref_squeeze %dma_wait3A_476 : memref<1x8x128xi32, #tpu.memory_space<hbm>> -> memref<8x128xi32, #tpu.memory_space<hbm>>
        %dma_wait3A_478 = arith.constant 0 : i32
        %dma_wait3A_479 = arith.constant 0 : i32
        %dma_wait3A_480 = tpu.memref_slice %arg3[%add3A_474, %dma_wait3A_478, %dma_wait3A_479] : memref<625x8x128xi32, #tpu.memory_space<hbm>> -> memref<1x8x128xi32, #tpu.memory_space<hbm>>
        %dma_wait3A_481 = tpu.memref_squeeze %dma_wait3A_480 : memref<1x8x128xi32, #tpu.memory_space<hbm>> -> memref<8x128xi32, #tpu.memory_space<hbm>>
        tpu.wait_dma2 semaphore(%arg21 : memref<!tpu.dma_semaphore, #tpu.memory_space<semaphore_mem>>) src(%dma_wait3A_481 : memref<8x128xi32, #tpu.memory_space<hbm>>) dst(%arg10 : memref<8x128xi32, #tpu.memory_space<vmem>>)
      } else {
      }
      %mul3A_256 = arith.constant 32 : i32
      %mul3A_257 = arith.muli %add3A_111, %mul3A_256 : i32
      %add3A_258 = arith.addi %mul3A_257, %add3A : i32
      %lt3A_259 = arith.constant 625 : i32
      %lt3A_260 = arith.cmpi slt, %add3A_258, %lt3A_259 : i32
      %convert_element_type3A_261 = arith.extui %lt3A_260 : i1 to i32
      %cond3A_262 = arith.constant 0 : i32
      %cond3A_263 = arith.cmpi ne, %convert_element_type3A_261, %cond3A_262 : i32
      scf.if %cond3A_263 {
        %dma_wait3A = arith.constant 1 : i32
        %dma_wait3A_472 = arith.constant 0 : i32
        %dma_wait3A_473 = tpu.memref_slice %arg9[%dma_wait3A, %dma_wait3A_472] : memref<8x128xi32, #tpu.memory_space<vmem>> -> memref<1x128xi32, #tpu.memory_space<vmem>>
        %dma_wait3A_474 = tpu.memref_squeeze %dma_wait3A_473 : memref<1x128xi32, #tpu.memory_space<vmem>> -> memref<128xi32, #tpu.memory_space<vmem>>
        %dma_wait3A_475 = arith.constant 0 : i32
        %dma_wait3A_476 = arith.constant 0 : i32
        %dma_wait3A_477 = tpu.memref_slice %arg2[%dma_wait3A_475, %dma_wait3A_476] : memref<10000x128xf32, #tpu.memory_space<hbm>> -> memref<10000x128xf32, #tpu.memory_space<hbm>>
        tpu.wait_indirect_dma semaphore(%arg18 : memref<!tpu.dma_semaphore, #tpu.memory_space<semaphore_mem>>) src(%dma_wait3A_477 : memref<10000x128xf32, #tpu.memory_space<hbm>>) dst(%arg13 : memref<128x128xf32, #tpu.memory_space<vmem>>)
        %run_scoped3A = arith.constant 5 : i32
        "tpu.region"() ({
          %run_scoped3A_478 = tpu.sem_alloc : memref<!tpu.dma_semaphore, #tpu.memory_space<semaphore_mem>>
          %dma_start3A = arith.constant 0 : i32
          %dma_start3A_479 = tpu.memref_slice %arg9[%run_scoped3A, %dma_start3A] : memref<8x128xi32, #tpu.memory_space<vmem>> -> memref<1x128xi32, #tpu.memory_space<vmem>>
          %dma_start3A_480 = tpu.memref_squeeze %dma_start3A_479 : memref<1x128xi32, #tpu.memory_space<vmem>> -> memref<128xi32, #tpu.memory_space<vmem>>
          %dma_start3A_481 = arith.constant 0 : i32
          %dma_start3A_482 = arith.constant 0 : i32
          %dma_start3A_483 = tpu.memref_slice %arg7[%dma_start3A_481, %dma_start3A_482] : memref<10240x128xf32, #tpu.memory_space<vmem_shared>> -> memref<10240x128xf32, #tpu.memory_space<vmem_shared>>
          tpu.enqueue_indirect_dma source(%arg13 : memref<128x128xf32, #tpu.memory_space<vmem>>) target(%dma_start3A_483 : memref<10240x128xf32, #tpu.memory_space<vmem_shared>>) offsets(%dma_start3A_480 : memref<128xi32, #tpu.memory_space<vmem>>) semaphore(%run_scoped3A_478 : memref<!tpu.dma_semaphore, #tpu.memory_space<semaphore_mem>>) {add = true}
          %dma_wait3A_484 = arith.constant 0 : i32
          %dma_wait3A_485 = tpu.memref_slice %arg9[%run_scoped3A, %dma_wait3A_484] : memref<8x128xi32, #tpu.memory_space<vmem>> -> memref<1x128xi32, #tpu.memory_space<vmem>>
          %dma_wait3A_486 = tpu.memref_squeeze %dma_wait3A_485 : memref<1x128xi32, #tpu.memory_space<vmem>> -> memref<128xi32, #tpu.memory_space<vmem>>
          %dma_wait3A_487 = arith.constant 0 : i32
          %dma_wait3A_488 = arith.constant 0 : i32
          %dma_wait3A_489 = tpu.memref_slice %arg7[%dma_wait3A_487, %dma_wait3A_488] : memref<10240x128xf32, #tpu.memory_space<vmem_shared>> -> memref<10240x128xf32, #tpu.memory_space<vmem_shared>>
          tpu.wait_indirect_dma semaphore(%run_scoped3A_478 : memref<!tpu.dma_semaphore, #tpu.memory_space<semaphore_mem>>) src(%arg13 : memref<128x128xf32, #tpu.memory_space<vmem>>) dst(%dma_wait3A_489 : memref<10240x128xf32, #tpu.memory_space<vmem_shared>>)
          tpu.yield
        }) : () -> ()
      } else {
      }
      %mul3A_264 = arith.constant 32 : i32
      %mul3A_265 = arith.muli %add3A_111, %mul3A_264 : i32
      %add3A_266 = arith.addi %mul3A_265, %add3A : i32
      %lt3A_267 = arith.constant 625 : i32
      %lt3A_268 = arith.cmpi slt, %add3A_266, %lt3A_267 : i32
      %convert_element_type3A_269 = arith.extui %lt3A_268 : i1 to i32
      %cond3A_270 = arith.constant 0 : i32
      %cond3A_271 = arith.cmpi ne, %convert_element_type3A_269, %cond3A_270 : i32
      scf.if %cond3A_271 {
        %dma_start3A = arith.constant 3 : i32
        %dma_start3A_472 = arith.constant 0 : i32
        %dma_start3A_473 = tpu.memref_slice %arg9[%dma_start3A, %dma_start3A_472] : memref<8x128xi32, #tpu.memory_space<vmem>> -> memref<1x128xi32, #tpu.memory_space<vmem>>
        %dma_start3A_474 = tpu.memref_squeeze %dma_start3A_473 : memref<1x128xi32, #tpu.memory_space<vmem>> -> memref<128xi32, #tpu.memory_space<vmem>>
        %dma_start3A_475 = arith.constant 0 : i32
        %dma_start3A_476 = arith.constant 0 : i32
        %dma_start3A_477 = tpu.memref_slice %arg2[%dma_start3A_475, %dma_start3A_476] : memref<10000x128xf32, #tpu.memory_space<hbm>> -> memref<10000x128xf32, #tpu.memory_space<hbm>>
        tpu.enqueue_indirect_dma source(%dma_start3A_477 : memref<10000x128xf32, #tpu.memory_space<hbm>>) target(%arg13 : memref<128x128xf32, #tpu.memory_space<vmem>>) offsets(%dma_start3A_474 : memref<128xi32, #tpu.memory_space<vmem>>) semaphore(%arg18 : memref<!tpu.dma_semaphore, #tpu.memory_space<semaphore_mem>>)
      } else {
      }
      %mul3A_272 = arith.constant 32 : i32
      %mul3A_273 = arith.muli %add3A_111, %mul3A_272 : i32
      %add3A_274 = arith.addi %mul3A_273, %add3A : i32
      %lt3A_275 = arith.constant 625 : i32
      %lt3A_276 = arith.cmpi slt, %add3A_274, %lt3A_275 : i32
      %convert_element_type3A_277 = arith.extui %lt3A_276 : i1 to i32
      %cond3A_278 = arith.constant 0 : i32
      %cond3A_279 = arith.cmpi ne, %convert_element_type3A_277, %cond3A_278 : i32
      scf.if %cond3A_279 {
        %dma_wait3A = arith.constant 2 : i32
        %dma_wait3A_472 = arith.constant 0 : i32
        %dma_wait3A_473 = tpu.memref_slice %arg9[%dma_wait3A, %dma_wait3A_472] : memref<8x128xi32, #tpu.memory_space<vmem>> -> memref<1x128xi32, #tpu.memory_space<vmem>>
        %dma_wait3A_474 = tpu.memref_squeeze %dma_wait3A_473 : memref<1x128xi32, #tpu.memory_space<vmem>> -> memref<128xi32, #tpu.memory_space<vmem>>
        %dma_wait3A_475 = arith.constant 0 : i32
        %dma_wait3A_476 = arith.constant 0 : i32
        %dma_wait3A_477 = tpu.memref_slice %arg2[%dma_wait3A_475, %dma_wait3A_476] : memref<10000x128xf32, #tpu.memory_space<hbm>> -> memref<10000x128xf32, #tpu.memory_space<hbm>>
        tpu.wait_indirect_dma semaphore(%arg17 : memref<!tpu.dma_semaphore, #tpu.memory_space<semaphore_mem>>) src(%dma_wait3A_477 : memref<10000x128xf32, #tpu.memory_space<hbm>>) dst(%arg12 : memref<128x128xf32, #tpu.memory_space<vmem>>)
        %run_scoped3A = arith.constant 6 : i32
        "tpu.region"() ({
          %run_scoped3A_478 = tpu.sem_alloc : memref<!tpu.dma_semaphore, #tpu.memory_space<semaphore_mem>>
          %dma_start3A = arith.constant 0 : i32
          %dma_start3A_479 = tpu.memref_slice %arg9[%run_scoped3A, %dma_start3A] : memref<8x128xi32, #tpu.memory_space<vmem>> -> memref<1x128xi32, #tpu.memory_space<vmem>>
          %dma_start3A_480 = tpu.memref_squeeze %dma_start3A_479 : memref<1x128xi32, #tpu.memory_space<vmem>> -> memref<128xi32, #tpu.memory_space<vmem>>
          %dma_start3A_481 = arith.constant 0 : i32
          %dma_start3A_482 = arith.constant 0 : i32
          %dma_start3A_483 = tpu.memref_slice %arg7[%dma_start3A_481, %dma_start3A_482] : memref<10240x128xf32, #tpu.memory_space<vmem_shared>> -> memref<10240x128xf32, #tpu.memory_space<vmem_shared>>
          tpu.enqueue_indirect_dma source(%arg12 : memref<128x128xf32, #tpu.memory_space<vmem>>) target(%dma_start3A_483 : memref<10240x128xf32, #tpu.memory_space<vmem_shared>>) offsets(%dma_start3A_480 : memref<128xi32, #tpu.memory_space<vmem>>) semaphore(%run_scoped3A_478 : memref<!tpu.dma_semaphore, #tpu.memory_space<semaphore_mem>>) {add = true}
          %dma_wait3A_484 = arith.constant 0 : i32
          %dma_wait3A_485 = tpu.memref_slice %arg9[%run_scoped3A, %dma_wait3A_484] : memref<8x128xi32, #tpu.memory_space<vmem>> -> memref<1x128xi32, #tpu.memory_space<vmem>>
          %dma_wait3A_486 = tpu.memref_squeeze %dma_wait3A_485 : memref<1x128xi32, #tpu.memory_space<vmem>> -> memref<128xi32, #tpu.memory_space<vmem>>
          %dma_wait3A_487 = arith.constant 0 : i32
          %dma_wait3A_488 = arith.constant 0 : i32
          %dma_wait3A_489 = tpu.memref_slice %arg7[%dma_wait3A_487, %dma_wait3A_488] : memref<10240x128xf32, #tpu.memory_space<vmem_shared>> -> memref<10240x128xf32, #tpu.memory_space<vmem_shared>>
          tpu.wait_indirect_dma semaphore(%run_scoped3A_478 : memref<!tpu.dma_semaphore, #tpu.memory_space<semaphore_mem>>) src(%arg12 : memref<128x128xf32, #tpu.memory_space<vmem>>) dst(%dma_wait3A_489 : memref<10240x128xf32, #tpu.memory_space<vmem_shared>>)
          tpu.yield
        }) : () -> ()
      } else {
      }
      %mul3A_280 = arith.constant 32 : i32
      %mul3A_281 = arith.muli %add3A_113, %mul3A_280 : i32
      %add3A_282 = arith.addi %mul3A_281, %add3A : i32
      %lt3A_283 = arith.constant 625 : i32
      %lt3A_284 = arith.cmpi slt, %add3A_282, %lt3A_283 : i32
      %convert_element_type3A_285 = arith.extui %lt3A_284 : i1 to i32
      %cond3A_286 = arith.constant 0 : i32
      %cond3A_287 = arith.cmpi ne, %convert_element_type3A_285, %cond3A_286 : i32
      scf.if %cond3A_287 {
        %dma_start3A = arith.constant 0 : i32
        %dma_start3A_472 = arith.constant 0 : i32
        %dma_start3A_473 = tpu.memref_slice %arg10[%dma_start3A, %dma_start3A_472] : memref<8x128xi32, #tpu.memory_space<vmem>> -> memref<1x128xi32, #tpu.memory_space<vmem>>
        %dma_start3A_474 = tpu.memref_squeeze %dma_start3A_473 : memref<1x128xi32, #tpu.memory_space<vmem>> -> memref<128xi32, #tpu.memory_space<vmem>>
        %dma_start3A_475 = arith.constant 0 : i32
        %dma_start3A_476 = arith.constant 0 : i32
        %dma_start3A_477 = tpu.memref_slice %arg2[%dma_start3A_475, %dma_start3A_476] : memref<10000x128xf32, #tpu.memory_space<hbm>> -> memref<10000x128xf32, #tpu.memory_space<hbm>>
        tpu.enqueue_indirect_dma source(%dma_start3A_477 : memref<10000x128xf32, #tpu.memory_space<hbm>>) target(%arg12 : memref<128x128xf32, #tpu.memory_space<vmem>>) offsets(%dma_start3A_474 : memref<128xi32, #tpu.memory_space<vmem>>) semaphore(%arg17 : memref<!tpu.dma_semaphore, #tpu.memory_space<semaphore_mem>>)
      } else {
      }
      %mul3A_288 = arith.constant 32 : i32
      %mul3A_289 = arith.muli %add3A_113, %mul3A_288 : i32
      %add3A_290 = arith.addi %mul3A_289, %add3A : i32
      %lt3A_291 = arith.constant 625 : i32
      %lt3A_292 = arith.cmpi slt, %add3A_290, %lt3A_291 : i32
      %convert_element_type3A_293 = arith.extui %lt3A_292 : i1 to i32
      %cond3A_294 = arith.constant 0 : i32
      %cond3A_295 = arith.cmpi ne, %convert_element_type3A_293, %cond3A_294 : i32
      scf.if %cond3A_295 {
        %get3A = arith.constant 4 : i32
        %get3A_472 = arith.index_cast %get3A : i32 to index
        %get3A_473 = arith.constant 0 : index
        %get3A_474 = tpu.vector_load %arg10[%get3A_472, %get3A_473] {strides = array<i32>} : memref<8x128xi32, #tpu.memory_space<vmem>>, vector<16xi32>,
        %shift_right_logical3A = arith.constant 7 : i32
        %shift_right_logical3A_475 = vector.broadcast %shift_right_logical3A : i32 to vector<16xi32>
        %shift_right_logical3A_476 = arith.shrui %get3A_474, %shift_right_logical3A_475 : vector<16xi32>
        %and3A = arith.constant 127 : i32
        %and3A_477 = vector.broadcast %and3A : i32 to vector<16xi32>
        %and3A_478 = arith.andi %get3A_474, %and3A_477 : vector<16xi32>
        tpu.vector_store_idx %arg14[%shift_right_logical3A_476, %and3A_478], %broadcast_in_dim3A_43 {add = true} : memref<80x128xf32, #tpu.memory_space<vmem>>[vector<16xi32>, vector<16xi32>], vector<16xf32>,
        %get3A_479 = arith.constant 4 : i32
        %get3A_480 = arith.index_cast %get3A_479 : i32 to index
        %get3A_481 = arith.constant 16 : index
        %get3A_482 = tpu.vector_load %arg10[%get3A_480, %get3A_481] {strides = array<i32>} : memref<8x128xi32, #tpu.memory_space<vmem>>, vector<16xi32>,
        %shift_right_logical3A_483 = arith.constant 7 : i32
        %shift_right_logical3A_484 = vector.broadcast %shift_right_logical3A_483 : i32 to vector<16xi32>
        %shift_right_logical3A_485 = arith.shrui %get3A_482, %shift_right_logical3A_484 : vector<16xi32>
        %and3A_486 = arith.constant 127 : i32
        %and3A_487 = vector.broadcast %and3A_486 : i32 to vector<16xi32>
        %and3A_488 = arith.andi %get3A_482, %and3A_487 : vector<16xi32>
        tpu.vector_store_idx %arg14[%shift_right_logical3A_485, %and3A_488], %broadcast_in_dim3A_43 {add = true} : memref<80x128xf32, #tpu.memory_space<vmem>>[vector<16xi32>, vector<16xi32>], vector<16xf32>,
        %get3A_489 = arith.constant 4 : i32
        %get3A_490 = arith.index_cast %get3A_489 : i32 to index
        %get3A_491 = arith.constant 32 : index
        %get3A_492 = tpu.vector_load %arg10[%get3A_490, %get3A_491] {strides = array<i32>} : memref<8x128xi32, #tpu.memory_space<vmem>>, vector<16xi32>,
        %shift_right_logical3A_493 = arith.constant 7 : i32
        %shift_right_logical3A_494 = vector.broadcast %shift_right_logical3A_493 : i32 to vector<16xi32>
        %shift_right_logical3A_495 = arith.shrui %get3A_492, %shift_right_logical3A_494 : vector<16xi32>
        %and3A_496 = arith.constant 127 : i32
        %and3A_497 = vector.broadcast %and3A_496 : i32 to vector<16xi32>
        %and3A_498 = arith.andi %get3A_492, %and3A_497 : vector<16xi32>
        tpu.vector_store_idx %arg14[%shift_right_logical3A_495, %and3A_498], %broadcast_in_dim3A_43 {add = true} : memref<80x128xf32, #tpu.memory_space<vmem>>[vector<16xi32>, vector<16xi32>], vector<16xf32>,
        %get3A_499 = arith.constant 4 : i32
        %get3A_500 = arith.index_cast %get3A_499 : i32 to index
        %get3A_501 = arith.constant 48 : index
        %get3A_502 = tpu.vector_load %arg10[%get3A_500, %get3A_501] {strides = array<i32>} : memref<8x128xi32, #tpu.memory_space<vmem>>, vector<16xi32>,
        %shift_right_logical3A_503 = arith.constant 7 : i32
        %shift_right_logical3A_504 = vector.broadcast %shift_right_logical3A_503 : i32 to vector<16xi32>
        %shift_right_logical3A_505 = arith.shrui %get3A_502, %shift_right_logical3A_504 : vector<16xi32>
        %and3A_506 = arith.constant 127 : i32
        %and3A_507 = vector.broadcast %and3A_506 : i32 to vector<16xi32>
        %and3A_508 = arith.andi %get3A_502, %and3A_507 : vector<16xi32>
        tpu.vector_store_idx %arg14[%shift_right_logical3A_505, %and3A_508], %broadcast_in_dim3A_43 {add = true} : memref<80x128xf32, #tpu.memory_space<vmem>>[vector<16xi32>, vector<16xi32>], vector<16xf32>,
        %get3A_509 = arith.constant 4 : i32
        %get3A_510 = arith.index_cast %get3A_509 : i32 to index
        %get3A_511 = arith.constant 64 : index
        %get3A_512 = tpu.vector_load %arg10[%get3A_510, %get3A_511] {strides = array<i32>} : memref<8x128xi32, #tpu.memory_space<vmem>>, vector<16xi32>,
        %shift_right_logical3A_513 = arith.constant 7 : i32
        %shift_right_logical3A_514 = vector.broadcast %shift_right_logical3A_513 : i32 to vector<16xi32>
        %shift_right_logical3A_515 = arith.shrui %get3A_512, %shift_right_logical3A_514 : vector<16xi32>
        %and3A_516 = arith.constant 127 : i32
        %and3A_517 = vector.broadcast %and3A_516 : i32 to vector<16xi32>
        %and3A_518 = arith.andi %get3A_512, %and3A_517 : vector<16xi32>
        tpu.vector_store_idx %arg14[%shift_right_logical3A_515, %and3A_518], %broadcast_in_dim3A_43 {add = true} : memref<80x128xf32, #tpu.memory_space<vmem>>[vector<16xi32>, vector<16xi32>], vector<16xf32>,
        %get3A_519 = arith.constant 4 : i32
        %get3A_520 = arith.index_cast %get3A_519 : i32 to index
        %get3A_521 = arith.constant 80 : index
        %get3A_522 = tpu.vector_load %arg10[%get3A_520, %get3A_521] {strides = array<i32>} : memref<8x128xi32, #tpu.memory_space<vmem>>, vector<16xi32>,
        %shift_right_logical3A_523 = arith.constant 7 : i32
        %shift_right_logical3A_524 = vector.broadcast %shift_right_logical3A_523 : i32 to vector<16xi32>
        %shift_right_logical3A_525 = arith.shrui %get3A_522, %shift_right_logical3A_524 : vector<16xi32>
        %and3A_526 = arith.constant 127 : i32
        %and3A_527 = vector.broadcast %and3A_526 : i32 to vector<16xi32>
        %and3A_528 = arith.andi %get3A_522, %and3A_527 : vector<16xi32>
        tpu.vector_store_idx %arg14[%shift_right_logical3A_525, %and3A_528], %broadcast_in_dim3A_43 {add = true} : memref<80x128xf32, #tpu.memory_space<vmem>>[vector<16xi32>, vector<16xi32>], vector<16xf32>,
        %get3A_529 = arith.constant 4 : i32
        %get3A_530 = arith.index_cast %get3A_529 : i32 to index
        %get3A_531 = arith.constant 96 : index
        %get3A_532 = tpu.vector_load %arg10[%get3A_530, %get3A_531] {strides = array<i32>} : memref<8x128xi32, #tpu.memory_space<vmem>>, vector<16xi32>,
        %shift_right_logical3A_533 = arith.constant 7 : i32
        %shift_right_logical3A_534 = vector.broadcast %shift_right_logical3A_533 : i32 to vector<16xi32>
        %shift_right_logical3A_535 = arith.shrui %get3A_532, %shift_right_logical3A_534 : vector<16xi32>
        %and3A_536 = arith.constant 127 : i32
        %and3A_537 = vector.broadcast %and3A_536 : i32 to vector<16xi32>
        %and3A_538 = arith.andi %get3A_532, %and3A_537 : vector<16xi32>
        tpu.vector_store_idx %arg14[%shift_right_logical3A_535, %and3A_538], %broadcast_in_dim3A_43 {add = true} : memref<80x128xf32, #tpu.memory_space<vmem>>[vector<16xi32>, vector<16xi32>], vector<16xf32>,
        %get3A_539 = arith.constant 4 : i32
        %get3A_540 = arith.index_cast %get3A_539 : i32 to index
        %get3A_541 = arith.constant 112 : index
        %get3A_542 = tpu.vector_load %arg10[%get3A_540, %get3A_541] {strides = array<i32>} : memref<8x128xi32, #tpu.memory_space<vmem>>, vector<16xi32>,
        %shift_right_logical3A_543 = arith.constant 7 : i32
        %shift_right_logical3A_544 = vector.broadcast %shift_right_logical3A_543 : i32 to vector<16xi32>
        %shift_right_logical3A_545 = arith.shrui %get3A_542, %shift_right_logical3A_544 : vector<16xi32>
        %and3A_546 = arith.constant 127 : i32
        %and3A_547 = vector.broadcast %and3A_546 : i32 to vector<16xi32>
        %and3A_548 = arith.andi %get3A_542, %and3A_547 : vector<16xi32>
        tpu.vector_store_idx %arg14[%shift_right_logical3A_545, %and3A_548], %broadcast_in_dim3A_43 {add = true} : memref<80x128xf32, #tpu.memory_space<vmem>>[vector<16xi32>, vector<16xi32>], vector<16xf32>,
        %get3A_549 = arith.constant 5 : i32
        %get3A_550 = arith.index_cast %get3A_549 : i32 to index
        %get3A_551 = arith.constant 0 : index
        %get3A_552 = tpu.vector_load %arg10[%get3A_550, %get3A_551] {strides = array<i32>} : memref<8x128xi32, #tpu.memory_space<vmem>>, vector<16xi32>,
        %shift_right_logical3A_553 = arith.constant 7 : i32
        %shift_right_logical3A_554 = vector.broadcast %shift_right_logical3A_553 : i32 to vector<16xi32>
        %shift_right_logical3A_555 = arith.shrui %get3A_552, %shift_right_logical3A_554 : vector<16xi32>
        %and3A_556 = arith.constant 127 : i32
        %and3A_557 = vector.broadcast %and3A_556 : i32 to vector<16xi32>
        %and3A_558 = arith.andi %get3A_552, %and3A_557 : vector<16xi32>
        tpu.vector_store_idx %arg14[%shift_right_logical3A_555, %and3A_558], %broadcast_in_dim3A_43 {add = true} : memref<80x128xf32, #tpu.memory_space<vmem>>[vector<16xi32>, vector<16xi32>], vector<16xf32>,
        %get3A_559 = arith.constant 5 : i32
        %get3A_560 = arith.index_cast %get3A_559 : i32 to index
        %get3A_561 = arith.constant 16 : index
        %get3A_562 = tpu.vector_load %arg10[%get3A_560, %get3A_561] {strides = array<i32>} : memref<8x128xi32, #tpu.memory_space<vmem>>, vector<16xi32>,
        %shift_right_logical3A_563 = arith.constant 7 : i32
        %shift_right_logical3A_564 = vector.broadcast %shift_right_logical3A_563 : i32 to vector<16xi32>
        %shift_right_logical3A_565 = arith.shrui %get3A_562, %shift_right_logical3A_564 : vector<16xi32>
        %and3A_566 = arith.constant 127 : i32
        %and3A_567 = vector.broadcast %and3A_566 : i32 to vector<16xi32>
        %and3A_568 = arith.andi %get3A_562, %and3A_567 : vector<16xi32>
        tpu.vector_store_idx %arg14[%shift_right_logical3A_565, %and3A_568], %broadcast_in_dim3A_43 {add = true} : memref<80x128xf32, #tpu.memory_space<vmem>>[vector<16xi32>, vector<16xi32>], vector<16xf32>,
        %get3A_569 = arith.constant 5 : i32
        %get3A_570 = arith.index_cast %get3A_569 : i32 to index
        %get3A_571 = arith.constant 32 : index
        %get3A_572 = tpu.vector_load %arg10[%get3A_570, %get3A_571] {strides = array<i32>} : memref<8x128xi32, #tpu.memory_space<vmem>>, vector<16xi32>,
        %shift_right_logical3A_573 = arith.constant 7 : i32
        %shift_right_logical3A_574 = vector.broadcast %shift_right_logical3A_573 : i32 to vector<16xi32>
        %shift_right_logical3A_575 = arith.shrui %get3A_572, %shift_right_logical3A_574 : vector<16xi32>
        %and3A_576 = arith.constant 127 : i32
        %and3A_577 = vector.broadcast %and3A_576 : i32 to vector<16xi32>
        %and3A_578 = arith.andi %get3A_572, %and3A_577 : vector<16xi32>
        tpu.vector_store_idx %arg14[%shift_right_logical3A_575, %and3A_578], %broadcast_in_dim3A_43 {add = true} : memref<80x128xf32, #tpu.memory_space<vmem>>[vector<16xi32>, vector<16xi32>], vector<16xf32>,
        %get3A_579 = arith.constant 5 : i32
        %get3A_580 = arith.index_cast %get3A_579 : i32 to index
        %get3A_581 = arith.constant 48 : index
        %get3A_582 = tpu.vector_load %arg10[%get3A_580, %get3A_581] {strides = array<i32>} : memref<8x128xi32, #tpu.memory_space<vmem>>, vector<16xi32>,
        %shift_right_logical3A_583 = arith.constant 7 : i32
        %shift_right_logical3A_584 = vector.broadcast %shift_right_logical3A_583 : i32 to vector<16xi32>
        %shift_right_logical3A_585 = arith.shrui %get3A_582, %shift_right_logical3A_584 : vector<16xi32>
        %and3A_586 = arith.constant 127 : i32
        %and3A_587 = vector.broadcast %and3A_586 : i32 to vector<16xi32>
        %and3A_588 = arith.andi %get3A_582, %and3A_587 : vector<16xi32>
        tpu.vector_store_idx %arg14[%shift_right_logical3A_585, %and3A_588], %broadcast_in_dim3A_43 {add = true} : memref<80x128xf32, #tpu.memory_space<vmem>>[vector<16xi32>, vector<16xi32>], vector<16xf32>,
        %get3A_589 = arith.constant 5 : i32
        %get3A_590 = arith.index_cast %get3A_589 : i32 to index
        %get3A_591 = arith.constant 64 : index
        %get3A_592 = tpu.vector_load %arg10[%get3A_590, %get3A_591] {strides = array<i32>} : memref<8x128xi32, #tpu.memory_space<vmem>>, vector<16xi32>,
        %shift_right_logical3A_593 = arith.constant 7 : i32
        %shift_right_logical3A_594 = vector.broadcast %shift_right_logical3A_593 : i32 to vector<16xi32>
        %shift_right_logical3A_595 = arith.shrui %get3A_592, %shift_right_logical3A_594 : vector<16xi32>
        %and3A_596 = arith.constant 127 : i32
        %and3A_597 = vector.broadcast %and3A_596 : i32 to vector<16xi32>
        %and3A_598 = arith.andi %get3A_592, %and3A_597 : vector<16xi32>
        tpu.vector_store_idx %arg14[%shift_right_logical3A_595, %and3A_598], %broadcast_in_dim3A_43 {add = true} : memref<80x128xf32, #tpu.memory_space<vmem>>[vector<16xi32>, vector<16xi32>], vector<16xf32>,
        %get3A_599 = arith.constant 5 : i32
        %get3A_600 = arith.index_cast %get3A_599 : i32 to index
        %get3A_601 = arith.constant 80 : index
        %get3A_602 = tpu.vector_load %arg10[%get3A_600, %get3A_601] {strides = array<i32>} : memref<8x128xi32, #tpu.memory_space<vmem>>, vector<16xi32>,
        %shift_right_logical3A_603 = arith.constant 7 : i32
        %shift_right_logical3A_604 = vector.broadcast %shift_right_logical3A_603 : i32 to vector<16xi32>
        %shift_right_logical3A_605 = arith.shrui %get3A_602, %shift_right_logical3A_604 : vector<16xi32>
        %and3A_606 = arith.constant 127 : i32
        %and3A_607 = vector.broadcast %and3A_606 : i32 to vector<16xi32>
        %and3A_608 = arith.andi %get3A_602, %and3A_607 : vector<16xi32>
        tpu.vector_store_idx %arg14[%shift_right_logical3A_605, %and3A_608], %broadcast_in_dim3A_43 {add = true} : memref<80x128xf32, #tpu.memory_space<vmem>>[vector<16xi32>, vector<16xi32>], vector<16xf32>,
        %get3A_609 = arith.constant 5 : i32
        %get3A_610 = arith.index_cast %get3A_609 : i32 to index
        %get3A_611 = arith.constant 96 : index
        %get3A_612 = tpu.vector_load %arg10[%get3A_610, %get3A_611] {strides = array<i32>} : memref<8x128xi32, #tpu.memory_space<vmem>>, vector<16xi32>,
        %shift_right_logical3A_613 = arith.constant 7 : i32
        %shift_right_logical3A_614 = vector.broadcast %shift_right_logical3A_613 : i32 to vector<16xi32>
        %shift_right_logical3A_615 = arith.shrui %get3A_612, %shift_right_logical3A_614 : vector<16xi32>
        %and3A_616 = arith.constant 127 : i32
        %and3A_617 = vector.broadcast %and3A_616 : i32 to vector<16xi32>
        %and3A_618 = arith.andi %get3A_612, %and3A_617 : vector<16xi32>
        tpu.vector_store_idx %arg14[%shift_right_logical3A_615, %and3A_618], %broadcast_in_dim3A_43 {add = true} : memref<80x128xf32, #tpu.memory_space<vmem>>[vector<16xi32>, vector<16xi32>], vector<16xf32>,
        %get3A_619 = arith.constant 5 : i32
        %get3A_620 = arith.index_cast %get3A_619 : i32 to index
        %get3A_621 = arith.constant 112 : index
        %get3A_622 = tpu.vector_load %arg10[%get3A_620, %get3A_621] {strides = array<i32>} : memref<8x128xi32, #tpu.memory_space<vmem>>, vector<16xi32>,
        %shift_right_logical3A_623 = arith.constant 7 : i32
        %shift_right_logical3A_624 = vector.broadcast %shift_right_logical3A_623 : i32 to vector<16xi32>
        %shift_right_logical3A_625 = arith.shrui %get3A_622, %shift_right_logical3A_624 : vector<16xi32>
        %and3A_626 = arith.constant 127 : i32
        %and3A_627 = vector.broadcast %and3A_626 : i32 to vector<16xi32>
        %and3A_628 = arith.andi %get3A_622, %and3A_627 : vector<16xi32>
        tpu.vector_store_idx %arg14[%shift_right_logical3A_625, %and3A_628], %broadcast_in_dim3A_43 {add = true} : memref<80x128xf32, #tpu.memory_space<vmem>>[vector<16xi32>, vector<16xi32>], vector<16xf32>,
        %get3A_629 = arith.constant 6 : i32
        %get3A_630 = arith.index_cast %get3A_629 : i32 to index
        %get3A_631 = arith.constant 0 : index
        %get3A_632 = tpu.vector_load %arg10[%get3A_630, %get3A_631] {strides = array<i32>} : memref<8x128xi32, #tpu.memory_space<vmem>>, vector<16xi32>,
        %shift_right_logical3A_633 = arith.constant 7 : i32
        %shift_right_logical3A_634 = vector.broadcast %shift_right_logical3A_633 : i32 to vector<16xi32>
        %shift_right_logical3A_635 = arith.shrui %get3A_632, %shift_right_logical3A_634 : vector<16xi32>
        %and3A_636 = arith.constant 127 : i32
        %and3A_637 = vector.broadcast %and3A_636 : i32 to vector<16xi32>
        %and3A_638 = arith.andi %get3A_632, %and3A_637 : vector<16xi32>
        tpu.vector_store_idx %arg14[%shift_right_logical3A_635, %and3A_638], %broadcast_in_dim3A_43 {add = true} : memref<80x128xf32, #tpu.memory_space<vmem>>[vector<16xi32>, vector<16xi32>], vector<16xf32>,
        %get3A_639 = arith.constant 6 : i32
        %get3A_640 = arith.index_cast %get3A_639 : i32 to index
        %get3A_641 = arith.constant 16 : index
        %get3A_642 = tpu.vector_load %arg10[%get3A_640, %get3A_641] {strides = array<i32>} : memref<8x128xi32, #tpu.memory_space<vmem>>, vector<16xi32>,
        %shift_right_logical3A_643 = arith.constant 7 : i32
        %shift_right_logical3A_644 = vector.broadcast %shift_right_logical3A_643 : i32 to vector<16xi32>
        %shift_right_logical3A_645 = arith.shrui %get3A_642, %shift_right_logical3A_644 : vector<16xi32>
        %and3A_646 = arith.constant 127 : i32
        %and3A_647 = vector.broadcast %and3A_646 : i32 to vector<16xi32>
        %and3A_648 = arith.andi %get3A_642, %and3A_647 : vector<16xi32>
        tpu.vector_store_idx %arg14[%shift_right_logical3A_645, %and3A_648], %broadcast_in_dim3A_43 {add = true} : memref<80x128xf32, #tpu.memory_space<vmem>>[vector<16xi32>, vector<16xi32>], vector<16xf32>,
        %get3A_649 = arith.constant 6 : i32
        %get3A_650 = arith.index_cast %get3A_649 : i32 to index
        %get3A_651 = arith.constant 32 : index
        %get3A_652 = tpu.vector_load %arg10[%get3A_650, %get3A_651] {strides = array<i32>} : memref<8x128xi32, #tpu.memory_space<vmem>>, vector<16xi32>,
        %shift_right_logical3A_653 = arith.constant 7 : i32
        %shift_right_logical3A_654 = vector.broadcast %shift_right_logical3A_653 : i32 to vector<16xi32>
        %shift_right_logical3A_655 = arith.shrui %get3A_652, %shift_right_logical3A_654 : vector<16xi32>
        %and3A_656 = arith.constant 127 : i32
        %and3A_657 = vector.broadcast %and3A_656 : i32 to vector<16xi32>
        %and3A_658 = arith.andi %get3A_652, %and3A_657 : vector<16xi32>
        tpu.vector_store_idx %arg14[%shift_right_logical3A_655, %and3A_658], %broadcast_in_dim3A_43 {add = true} : memref<80x128xf32, #tpu.memory_space<vmem>>[vector<16xi32>, vector<16xi32>], vector<16xf32>,
        %get3A_659 = arith.constant 6 : i32
        %get3A_660 = arith.index_cast %get3A_659 : i32 to index
        %get3A_661 = arith.constant 48 : index
        %get3A_662 = tpu.vector_load %arg10[%get3A_660, %get3A_661] {strides = array<i32>} : memref<8x128xi32, #tpu.memory_space<vmem>>, vector<16xi32>,
        %shift_right_logical3A_663 = arith.constant 7 : i32
        %shift_right_logical3A_664 = vector.broadcast %shift_right_logical3A_663 : i32 to vector<16xi32>
        %shift_right_logical3A_665 = arith.shrui %get3A_662, %shift_right_logical3A_664 : vector<16xi32>
        %and3A_666 = arith.constant 127 : i32
        %and3A_667 = vector.broadcast %and3A_666 : i32 to vector<16xi32>
        %and3A_668 = arith.andi %get3A_662, %and3A_667 : vector<16xi32>
        tpu.vector_store_idx %arg14[%shift_right_logical3A_665, %and3A_668], %broadcast_in_dim3A_43 {add = true} : memref<80x128xf32, #tpu.memory_space<vmem>>[vector<16xi32>, vector<16xi32>], vector<16xf32>,
        %get3A_669 = arith.constant 6 : i32
        %get3A_670 = arith.index_cast %get3A_669 : i32 to index
        %get3A_671 = arith.constant 64 : index
        %get3A_672 = tpu.vector_load %arg10[%get3A_670, %get3A_671] {strides = array<i32>} : memref<8x128xi32, #tpu.memory_space<vmem>>, vector<16xi32>,
        %shift_right_logical3A_673 = arith.constant 7 : i32
        %shift_right_logical3A_674 = vector.broadcast %shift_right_logical3A_673 : i32 to vector<16xi32>
        %shift_right_logical3A_675 = arith.shrui %get3A_672, %shift_right_logical3A_674 : vector<16xi32>
        %and3A_676 = arith.constant 127 : i32
        %and3A_677 = vector.broadcast %and3A_676 : i32 to vector<16xi32>
        %and3A_678 = arith.andi %get3A_672, %and3A_677 : vector<16xi32>
        tpu.vector_store_idx %arg14[%shift_right_logical3A_675, %and3A_678], %broadcast_in_dim3A_43 {add = true} : memref<80x128xf32, #tpu.memory_space<vmem>>[vector<16xi32>, vector<16xi32>], vector<16xf32>,
        %get3A_679 = arith.constant 6 : i32
        %get3A_680 = arith.index_cast %get3A_679 : i32 to index
        %get3A_681 = arith.constant 80 : index
        %get3A_682 = tpu.vector_load %arg10[%get3A_680, %get3A_681] {strides = array<i32>} : memref<8x128xi32, #tpu.memory_space<vmem>>, vector<16xi32>,
        %shift_right_logical3A_683 = arith.constant 7 : i32
        %shift_right_logical3A_684 = vector.broadcast %shift_right_logical3A_683 : i32 to vector<16xi32>
        %shift_right_logical3A_685 = arith.shrui %get3A_682, %shift_right_logical3A_684 : vector<16xi32>
        %and3A_686 = arith.constant 127 : i32
        %and3A_687 = vector.broadcast %and3A_686 : i32 to vector<16xi32>
        %and3A_688 = arith.andi %get3A_682, %and3A_687 : vector<16xi32>
        tpu.vector_store_idx %arg14[%shift_right_logical3A_685, %and3A_688], %broadcast_in_dim3A_43 {add = true} : memref<80x128xf32, #tpu.memory_space<vmem>>[vector<16xi32>, vector<16xi32>], vector<16xf32>,
        %get3A_689 = arith.constant 6 : i32
        %get3A_690 = arith.index_cast %get3A_689 : i32 to index
        %get3A_691 = arith.constant 96 : index
        %get3A_692 = tpu.vector_load %arg10[%get3A_690, %get3A_691] {strides = array<i32>} : memref<8x128xi32, #tpu.memory_space<vmem>>, vector<16xi32>,
        %shift_right_logical3A_693 = arith.constant 7 : i32
        %shift_right_logical3A_694 = vector.broadcast %shift_right_logical3A_693 : i32 to vector<16xi32>
        %shift_right_logical3A_695 = arith.shrui %get3A_692, %shift_right_logical3A_694 : vector<16xi32>
        %and3A_696 = arith.constant 127 : i32
        %and3A_697 = vector.broadcast %and3A_696 : i32 to vector<16xi32>
        %and3A_698 = arith.andi %get3A_692, %and3A_697 : vector<16xi32>
        tpu.vector_store_idx %arg14[%shift_right_logical3A_695, %and3A_698], %broadcast_in_dim3A_43 {add = true} : memref<80x128xf32, #tpu.memory_space<vmem>>[vector<16xi32>, vector<16xi32>], vector<16xf32>,
        %get3A_699 = arith.constant 6 : i32
        %get3A_700 = arith.index_cast %get3A_699 : i32 to index
        %get3A_701 = arith.constant 112 : index
        %get3A_702 = tpu.vector_load %arg10[%get3A_700, %get3A_701] {strides = array<i32>} : memref<8x128xi32, #tpu.memory_space<vmem>>, vector<16xi32>,
        %shift_right_logical3A_703 = arith.constant 7 : i32
        %shift_right_logical3A_704 = vector.broadcast %shift_right_logical3A_703 : i32 to vector<16xi32>
        %shift_right_logical3A_705 = arith.shrui %get3A_702, %shift_right_logical3A_704 : vector<16xi32>
        %and3A_706 = arith.constant 127 : i32
        %and3A_707 = vector.broadcast %and3A_706 : i32 to vector<16xi32>
        %and3A_708 = arith.andi %get3A_702, %and3A_707 : vector<16xi32>
        tpu.vector_store_idx %arg14[%shift_right_logical3A_705, %and3A_708], %broadcast_in_dim3A_43 {add = true} : memref<80x128xf32, #tpu.memory_space<vmem>>[vector<16xi32>, vector<16xi32>], vector<16xf32>,
        %get3A_709 = arith.constant 7 : i32
        %get3A_710 = arith.index_cast %get3A_709 : i32 to index
        %get3A_711 = arith.constant 0 : index
        %get3A_712 = tpu.vector_load %arg10[%get3A_710, %get3A_711] {strides = array<i32>} : memref<8x128xi32, #tpu.memory_space<vmem>>, vector<16xi32>,
        %shift_right_logical3A_713 = arith.constant 7 : i32
        %shift_right_logical3A_714 = vector.broadcast %shift_right_logical3A_713 : i32 to vector<16xi32>
        %shift_right_logical3A_715 = arith.shrui %get3A_712, %shift_right_logical3A_714 : vector<16xi32>
        %and3A_716 = arith.constant 127 : i32
        %and3A_717 = vector.broadcast %and3A_716 : i32 to vector<16xi32>
        %and3A_718 = arith.andi %get3A_712, %and3A_717 : vector<16xi32>
        tpu.vector_store_idx %arg14[%shift_right_logical3A_715, %and3A_718], %broadcast_in_dim3A_43 {add = true} : memref<80x128xf32, #tpu.memory_space<vmem>>[vector<16xi32>, vector<16xi32>], vector<16xf32>,
        %get3A_719 = arith.constant 7 : i32
        %get3A_720 = arith.index_cast %get3A_719 : i32 to index
        %get3A_721 = arith.constant 16 : index
        %get3A_722 = tpu.vector_load %arg10[%get3A_720, %get3A_721] {strides = array<i32>} : memref<8x128xi32, #tpu.memory_space<vmem>>, vector<16xi32>,
        %shift_right_logical3A_723 = arith.constant 7 : i32
        %shift_right_logical3A_724 = vector.broadcast %shift_right_logical3A_723 : i32 to vector<16xi32>
        %shift_right_logical3A_725 = arith.shrui %get3A_722, %shift_right_logical3A_724 : vector<16xi32>
        %and3A_726 = arith.constant 127 : i32
        %and3A_727 = vector.broadcast %and3A_726 : i32 to vector<16xi32>
        %and3A_728 = arith.andi %get3A_722, %and3A_727 : vector<16xi32>
        tpu.vector_store_idx %arg14[%shift_right_logical3A_725, %and3A_728], %broadcast_in_dim3A_43 {add = true} : memref<80x128xf32, #tpu.memory_space<vmem>>[vector<16xi32>, vector<16xi32>], vector<16xf32>,
        %get3A_729 = arith.constant 7 : i32
        %get3A_730 = arith.index_cast %get3A_729 : i32 to index
        %get3A_731 = arith.constant 32 : index
        %get3A_732 = tpu.vector_load %arg10[%get3A_730, %get3A_731] {strides = array<i32>} : memref<8x128xi32, #tpu.memory_space<vmem>>, vector<16xi32>,
        %shift_right_logical3A_733 = arith.constant 7 : i32
        %shift_right_logical3A_734 = vector.broadcast %shift_right_logical3A_733 : i32 to vector<16xi32>
        %shift_right_logical3A_735 = arith.shrui %get3A_732, %shift_right_logical3A_734 : vector<16xi32>
        %and3A_736 = arith.constant 127 : i32
        %and3A_737 = vector.broadcast %and3A_736 : i32 to vector<16xi32>
        %and3A_738 = arith.andi %get3A_732, %and3A_737 : vector<16xi32>
        tpu.vector_store_idx %arg14[%shift_right_logical3A_735, %and3A_738], %broadcast_in_dim3A_43 {add = true} : memref<80x128xf32, #tpu.memory_space<vmem>>[vector<16xi32>, vector<16xi32>], vector<16xf32>,
        %get3A_739 = arith.constant 7 : i32
        %get3A_740 = arith.index_cast %get3A_739 : i32 to index
        %get3A_741 = arith.constant 48 : index
        %get3A_742 = tpu.vector_load %arg10[%get3A_740, %get3A_741] {strides = array<i32>} : memref<8x128xi32, #tpu.memory_space<vmem>>, vector<16xi32>,
        %shift_right_logical3A_743 = arith.constant 7 : i32
        %shift_right_logical3A_744 = vector.broadcast %shift_right_logical3A_743 : i32 to vector<16xi32>
        %shift_right_logical3A_745 = arith.shrui %get3A_742, %shift_right_logical3A_744 : vector<16xi32>
        %and3A_746 = arith.constant 127 : i32
        %and3A_747 = vector.broadcast %and3A_746 : i32 to vector<16xi32>
        %and3A_748 = arith.andi %get3A_742, %and3A_747 : vector<16xi32>
        tpu.vector_store_idx %arg14[%shift_right_logical3A_745, %and3A_748], %broadcast_in_dim3A_43 {add = true} : memref<80x128xf32, #tpu.memory_space<vmem>>[vector<16xi32>, vector<16xi32>], vector<16xf32>,
        %get3A_749 = arith.constant 7 : i32
        %get3A_750 = arith.index_cast %get3A_749 : i32 to index
        %get3A_751 = arith.constant 64 : index
        %get3A_752 = tpu.vector_load %arg10[%get3A_750, %get3A_751] {strides = array<i32>} : memref<8x128xi32, #tpu.memory_space<vmem>>, vector<16xi32>,
        %shift_right_logical3A_753 = arith.constant 7 : i32
        %shift_right_logical3A_754 = vector.broadcast %shift_right_logical3A_753 : i32 to vector<16xi32>
        %shift_right_logical3A_755 = arith.shrui %get3A_752, %shift_right_logical3A_754 : vector<16xi32>
        %and3A_756 = arith.constant 127 : i32
        %and3A_757 = vector.broadcast %and3A_756 : i32 to vector<16xi32>
        %and3A_758 = arith.andi %get3A_752, %and3A_757 : vector<16xi32>
        tpu.vector_store_idx %arg14[%shift_right_logical3A_755, %and3A_758], %broadcast_in_dim3A_43 {add = true} : memref<80x128xf32, #tpu.memory_space<vmem>>[vector<16xi32>, vector<16xi32>], vector<16xf32>,
        %get3A_759 = arith.constant 7 : i32
        %get3A_760 = arith.index_cast %get3A_759 : i32 to index
        %get3A_761 = arith.constant 80 : index
        %get3A_762 = tpu.vector_load %arg10[%get3A_760, %get3A_761] {strides = array<i32>} : memref<8x128xi32, #tpu.memory_space<vmem>>, vector<16xi32>,
        %shift_right_logical3A_763 = arith.constant 7 : i32
        %shift_right_logical3A_764 = vector.broadcast %shift_right_logical3A_763 : i32 to vector<16xi32>
        %shift_right_logical3A_765 = arith.shrui %get3A_762, %shift_right_logical3A_764 : vector<16xi32>
        %and3A_766 = arith.constant 127 : i32
        %and3A_767 = vector.broadcast %and3A_766 : i32 to vector<16xi32>
        %and3A_768 = arith.andi %get3A_762, %and3A_767 : vector<16xi32>
        tpu.vector_store_idx %arg14[%shift_right_logical3A_765, %and3A_768], %broadcast_in_dim3A_43 {add = true} : memref<80x128xf32, #tpu.memory_space<vmem>>[vector<16xi32>, vector<16xi32>], vector<16xf32>,
        %get3A_769 = arith.constant 7 : i32
        %get3A_770 = arith.index_cast %get3A_769 : i32 to index
        %get3A_771 = arith.constant 96 : index
        %get3A_772 = tpu.vector_load %arg10[%get3A_770, %get3A_771] {strides = array<i32>} : memref<8x128xi32, #tpu.memory_space<vmem>>, vector<16xi32>,
        %shift_right_logical3A_773 = arith.constant 7 : i32
        %shift_right_logical3A_774 = vector.broadcast %shift_right_logical3A_773 : i32 to vector<16xi32>
        %shift_right_logical3A_775 = arith.shrui %get3A_772, %shift_right_logical3A_774 : vector<16xi32>
        %and3A_776 = arith.constant 127 : i32
        %and3A_777 = vector.broadcast %and3A_776 : i32 to vector<16xi32>
        %and3A_778 = arith.andi %get3A_772, %and3A_777 : vector<16xi32>
        tpu.vector_store_idx %arg14[%shift_right_logical3A_775, %and3A_778], %broadcast_in_dim3A_43 {add = true} : memref<80x128xf32, #tpu.memory_space<vmem>>[vector<16xi32>, vector<16xi32>], vector<16xf32>,
        %get3A_779 = arith.constant 7 : i32
        %get3A_780 = arith.index_cast %get3A_779 : i32 to index
        %get3A_781 = arith.constant 112 : index
        %get3A_782 = tpu.vector_load %arg10[%get3A_780, %get3A_781] {strides = array<i32>} : memref<8x128xi32, #tpu.memory_space<vmem>>, vector<16xi32>,
        %shift_right_logical3A_783 = arith.constant 7 : i32
        %shift_right_logical3A_784 = vector.broadcast %shift_right_logical3A_783 : i32 to vector<16xi32>
        %shift_right_logical3A_785 = arith.shrui %get3A_782, %shift_right_logical3A_784 : vector<16xi32>
        %and3A_786 = arith.constant 127 : i32
        %and3A_787 = vector.broadcast %and3A_786 : i32 to vector<16xi32>
        %and3A_788 = arith.andi %get3A_782, %and3A_787 : vector<16xi32>
        tpu.vector_store_idx %arg14[%shift_right_logical3A_785, %and3A_788], %broadcast_in_dim3A_43 {add = true} : memref<80x128xf32, #tpu.memory_space<vmem>>[vector<16xi32>, vector<16xi32>], vector<16xf32>,
      } else {
      }
      %mul3A_296 = arith.constant 32 : i32
      %mul3A_297 = arith.muli %add3A_117, %mul3A_296 : i32
      %add3A_298 = arith.addi %mul3A_297, %add3A : i32
      %lt3A_299 = arith.constant 625 : i32
      %lt3A_300 = arith.cmpi slt, %add3A_298, %lt3A_299 : i32
      %convert_element_type3A_301 = arith.extui %lt3A_300 : i1 to i32
      %cond3A_302 = arith.constant 0 : i32
      %cond3A_303 = arith.cmpi ne, %convert_element_type3A_301, %cond3A_302 : i32
      scf.if %cond3A_303 {
        %mul3A_472 = arith.constant 32 : i32
        %mul3A_473 = arith.muli %add3A_117, %mul3A_472 : i32
        %add3A_474 = arith.addi %mul3A_473, %add3A : i32
        %dma_start3A = arith.constant 0 : i32
        %dma_start3A_475 = arith.constant 0 : i32
        %dma_start3A_476 = tpu.memref_slice %arg3[%add3A_474, %dma_start3A, %dma_start3A_475] : memref<625x8x128xi32, #tpu.memory_space<hbm>> -> memref<1x8x128xi32, #tpu.memory_space<hbm>>
        %dma_start3A_477 = tpu.memref_squeeze %dma_start3A_476 : memref<1x8x128xi32, #tpu.memory_space<hbm>> -> memref<8x128xi32, #tpu.memory_space<hbm>>
        %dma_start3A_478 = arith.constant 0 : i32
        %dma_start3A_479 = arith.constant 0 : i32
        %dma_start3A_480 = tpu.memref_slice %arg3[%add3A_474, %dma_start3A_478, %dma_start3A_479] : memref<625x8x128xi32, #tpu.memory_space<hbm>> -> memref<1x8x128xi32, #tpu.memory_space<hbm>>
        %dma_start3A_481 = tpu.memref_squeeze %dma_start3A_480 : memref<1x8x128xi32, #tpu.memory_space<hbm>> -> memref<8x128xi32, #tpu.memory_space<hbm>>
        tpu.enqueue_dma source(%dma_start3A_481 : memref<8x128xi32, #tpu.memory_space<hbm>>) target(%arg8 : memref<8x128xi32, #tpu.memory_space<vmem>>) target_semaphore(%arg19 : memref<!tpu.dma_semaphore, #tpu.memory_space<semaphore_mem>>)
      } else {
      }
      %mul3A_304 = arith.constant 32 : i32
      %mul3A_305 = arith.muli %add3A_111, %mul3A_304 : i32
      %add3A_306 = arith.addi %mul3A_305, %add3A : i32
      %lt3A_307 = arith.constant 625 : i32
      %lt3A_308 = arith.cmpi slt, %add3A_306, %lt3A_307 : i32
      %convert_element_type3A_309 = arith.extui %lt3A_308 : i1 to i32
      %cond3A_310 = arith.constant 0 : i32
      %cond3A_311 = arith.cmpi ne, %convert_element_type3A_309, %cond3A_310 : i32
      scf.if %cond3A_311 {
        %dma_wait3A = arith.constant 3 : i32
        %dma_wait3A_472 = arith.constant 0 : i32
        %dma_wait3A_473 = tpu.memref_slice %arg9[%dma_wait3A, %dma_wait3A_472] : memref<8x128xi32, #tpu.memory_space<vmem>> -> memref<1x128xi32, #tpu.memory_space<vmem>>
        %dma_wait3A_474 = tpu.memref_squeeze %dma_wait3A_473 : memref<1x128xi32, #tpu.memory_space<vmem>> -> memref<128xi32, #tpu.memory_space<vmem>>
        %dma_wait3A_475 = arith.constant 0 : i32
        %dma_wait3A_476 = arith.constant 0 : i32
        %dma_wait3A_477 = tpu.memref_slice %arg2[%dma_wait3A_475, %dma_wait3A_476] : memref<10000x128xf32, #tpu.memory_space<hbm>> -> memref<10000x128xf32, #tpu.memory_space<hbm>>
        tpu.wait_indirect_dma semaphore(%arg18 : memref<!tpu.dma_semaphore, #tpu.memory_space<semaphore_mem>>) src(%dma_wait3A_477 : memref<10000x128xf32, #tpu.memory_space<hbm>>) dst(%arg13 : memref<128x128xf32, #tpu.memory_space<vmem>>)
        %run_scoped3A = arith.constant 7 : i32
        "tpu.region"() ({
          %run_scoped3A_478 = tpu.sem_alloc : memref<!tpu.dma_semaphore, #tpu.memory_space<semaphore_mem>>
          %dma_start3A = arith.constant 0 : i32
          %dma_start3A_479 = tpu.memref_slice %arg9[%run_scoped3A, %dma_start3A] : memref<8x128xi32, #tpu.memory_space<vmem>> -> memref<1x128xi32, #tpu.memory_space<vmem>>
          %dma_start3A_480 = tpu.memref_squeeze %dma_start3A_479 : memref<1x128xi32, #tpu.memory_space<vmem>> -> memref<128xi32, #tpu.memory_space<vmem>>
          %dma_start3A_481 = arith.constant 0 : i32
          %dma_start3A_482 = arith.constant 0 : i32
          %dma_start3A_483 = tpu.memref_slice %arg7[%dma_start3A_481, %dma_start3A_482] : memref<10240x128xf32, #tpu.memory_space<vmem_shared>> -> memref<10240x128xf32, #tpu.memory_space<vmem_shared>>
          tpu.enqueue_indirect_dma source(%arg13 : memref<128x128xf32, #tpu.memory_space<vmem>>) target(%dma_start3A_483 : memref<10240x128xf32, #tpu.memory_space<vmem_shared>>) offsets(%dma_start3A_480 : memref<128xi32, #tpu.memory_space<vmem>>) semaphore(%run_scoped3A_478 : memref<!tpu.dma_semaphore, #tpu.memory_space<semaphore_mem>>) {add = true}
          %dma_wait3A_484 = arith.constant 0 : i32
          %dma_wait3A_485 = tpu.memref_slice %arg9[%run_scoped3A, %dma_wait3A_484] : memref<8x128xi32, #tpu.memory_space<vmem>> -> memref<1x128xi32, #tpu.memory_space<vmem>>
          %dma_wait3A_486 = tpu.memref_squeeze %dma_wait3A_485 : memref<1x128xi32, #tpu.memory_space<vmem>> -> memref<128xi32, #tpu.memory_space<vmem>>
          %dma_wait3A_487 = arith.constant 0 : i32
          %dma_wait3A_488 = arith.constant 0 : i32
          %dma_wait3A_489 = tpu.memref_slice %arg7[%dma_wait3A_487, %dma_wait3A_488] : memref<10240x128xf32, #tpu.memory_space<vmem_shared>> -> memref<10240x128xf32, #tpu.memory_space<vmem_shared>>
          tpu.wait_indirect_dma semaphore(%run_scoped3A_478 : memref<!tpu.dma_semaphore, #tpu.memory_space<semaphore_mem>>) src(%arg13 : memref<128x128xf32, #tpu.memory_space<vmem>>) dst(%dma_wait3A_489 : memref<10240x128xf32, #tpu.memory_space<vmem_shared>>)
          tpu.yield
        }) : () -> ()
      } else {
      }
      %mul3A_312 = arith.constant 32 : i32
      %mul3A_313 = arith.muli %add3A_113, %mul3A_312 : i32
      %add3A_314 = arith.addi %mul3A_313, %add3A : i32
      %lt3A_315 = arith.constant 625 : i32
      %lt3A_316 = arith.cmpi slt, %add3A_314, %lt3A_315 : i32
      %convert_element_type3A_317 = arith.extui %lt3A_316 : i1 to i32
      %cond3A_318 = arith.constant 0 : i32
      %cond3A_319 = arith.cmpi ne, %convert_element_type3A_317, %cond3A_318 : i32
      scf.if %cond3A_319 {
        %dma_start3A = arith.constant 1 : i32
        %dma_start3A_472 = arith.constant 0 : i32
        %dma_start3A_473 = tpu.memref_slice %arg10[%dma_start3A, %dma_start3A_472] : memref<8x128xi32, #tpu.memory_space<vmem>> -> memref<1x128xi32, #tpu.memory_space<vmem>>
        %dma_start3A_474 = tpu.memref_squeeze %dma_start3A_473 : memref<1x128xi32, #tpu.memory_space<vmem>> -> memref<128xi32, #tpu.memory_space<vmem>>
        %dma_start3A_475 = arith.constant 0 : i32
        %dma_start3A_476 = arith.constant 0 : i32
        %dma_start3A_477 = tpu.memref_slice %arg2[%dma_start3A_475, %dma_start3A_476] : memref<10000x128xf32, #tpu.memory_space<hbm>> -> memref<10000x128xf32, #tpu.memory_space<hbm>>
        tpu.enqueue_indirect_dma source(%dma_start3A_477 : memref<10000x128xf32, #tpu.memory_space<hbm>>) target(%arg13 : memref<128x128xf32, #tpu.memory_space<vmem>>) offsets(%dma_start3A_474 : memref<128xi32, #tpu.memory_space<vmem>>) semaphore(%arg18 : memref<!tpu.dma_semaphore, #tpu.memory_space<semaphore_mem>>)
      } else {
      }
      %mul3A_320 = arith.constant 32 : i32
      %mul3A_321 = arith.muli %add3A_113, %mul3A_320 : i32
      %add3A_322 = arith.addi %mul3A_321, %add3A : i32
      %lt3A_323 = arith.constant 625 : i32
      %lt3A_324 = arith.cmpi slt, %add3A_322, %lt3A_323 : i32
      %convert_element_type3A_325 = arith.extui %lt3A_324 : i1 to i32
      %cond3A_326 = arith.constant 0 : i32
      %cond3A_327 = arith.cmpi ne, %convert_element_type3A_325, %cond3A_326 : i32
      scf.if %cond3A_327 {
        %dma_wait3A = arith.constant 0 : i32
        %dma_wait3A_472 = arith.constant 0 : i32
        %dma_wait3A_473 = tpu.memref_slice %arg10[%dma_wait3A, %dma_wait3A_472] : memref<8x128xi32, #tpu.memory_space<vmem>> -> memref<1x128xi32, #tpu.memory_space<vmem>>
        %dma_wait3A_474 = tpu.memref_squeeze %dma_wait3A_473 : memref<1x128xi32, #tpu.memory_space<vmem>> -> memref<128xi32, #tpu.memory_space<vmem>>
        %dma_wait3A_475 = arith.constant 0 : i32
        %dma_wait3A_476 = arith.constant 0 : i32
        %dma_wait3A_477 = tpu.memref_slice %arg2[%dma_wait3A_475, %dma_wait3A_476] : memref<10000x128xf32, #tpu.memory_space<hbm>> -> memref<10000x128xf32, #tpu.memory_space<hbm>>
        tpu.wait_indirect_dma semaphore(%arg17 : memref<!tpu.dma_semaphore, #tpu.memory_space<semaphore_mem>>) src(%dma_wait3A_477 : memref<10000x128xf32, #tpu.memory_space<hbm>>) dst(%arg12 : memref<128x128xf32, #tpu.memory_space<vmem>>)
        %run_scoped3A = arith.constant 4 : i32
        "tpu.region"() ({
          %run_scoped3A_478 = tpu.sem_alloc : memref<!tpu.dma_semaphore, #tpu.memory_space<semaphore_mem>>
          %dma_start3A = arith.constant 0 : i32
          %dma_start3A_479 = tpu.memref_slice %arg10[%run_scoped3A, %dma_start3A] : memref<8x128xi32, #tpu.memory_space<vmem>> -> memref<1x128xi32, #tpu.memory_space<vmem>>
          %dma_start3A_480 = tpu.memref_squeeze %dma_start3A_479 : memref<1x128xi32, #tpu.memory_space<vmem>> -> memref<128xi32, #tpu.memory_space<vmem>>
          %dma_start3A_481 = arith.constant 0 : i32
          %dma_start3A_482 = arith.constant 0 : i32
          %dma_start3A_483 = tpu.memref_slice %arg7[%dma_start3A_481, %dma_start3A_482] : memref<10240x128xf32, #tpu.memory_space<vmem_shared>> -> memref<10240x128xf32, #tpu.memory_space<vmem_shared>>
          tpu.enqueue_indirect_dma source(%arg12 : memref<128x128xf32, #tpu.memory_space<vmem>>) target(%dma_start3A_483 : memref<10240x128xf32, #tpu.memory_space<vmem_shared>>) offsets(%dma_start3A_480 : memref<128xi32, #tpu.memory_space<vmem>>) semaphore(%run_scoped3A_478 : memref<!tpu.dma_semaphore, #tpu.memory_space<semaphore_mem>>) {add = true}
          %dma_wait3A_484 = arith.constant 0 : i32
          %dma_wait3A_485 = tpu.memref_slice %arg10[%run_scoped3A, %dma_wait3A_484] : memref<8x128xi32, #tpu.memory_space<vmem>> -> memref<1x128xi32, #tpu.memory_space<vmem>>
          %dma_wait3A_486 = tpu.memref_squeeze %dma_wait3A_485 : memref<1x128xi32, #tpu.memory_space<vmem>> -> memref<128xi32, #tpu.memory_space<vmem>>
          %dma_wait3A_487 = arith.constant 0 : i32
          %dma_wait3A_488 = arith.constant 0 : i32
          %dma_wait3A_489 = tpu.memref_slice %arg7[%dma_wait3A_487, %dma_wait3A_488] : memref<10240x128xf32, #tpu.memory_space<vmem_shared>> -> memref<10240x128xf32, #tpu.memory_space<vmem_shared>>
          tpu.wait_indirect_dma semaphore(%run_scoped3A_478 : memref<!tpu.dma_semaphore, #tpu.memory_space<semaphore_mem>>) src(%arg12 : memref<128x128xf32, #tpu.memory_space<vmem>>) dst(%dma_wait3A_489 : memref<10240x128xf32, #tpu.memory_space<vmem_shared>>)
          tpu.yield
        }) : () -> ()
      } else {
      }
      %mul3A_328 = arith.constant 32 : i32
      %mul3A_329 = arith.muli %add3A_113, %mul3A_328 : i32
      %add3A_330 = arith.addi %mul3A_329, %add3A : i32
      %lt3A_331 = arith.constant 625 : i32
      %lt3A_332 = arith.cmpi slt, %add3A_330, %lt3A_331 : i32
      %convert_element_type3A_333 = arith.extui %lt3A_332 : i1 to i32
      %cond3A_334 = arith.constant 0 : i32
      %cond3A_335 = arith.cmpi ne, %convert_element_type3A_333, %cond3A_334 : i32
      scf.if %cond3A_335 {
        %dma_start3A = arith.constant 2 : i32
        %dma_start3A_472 = arith.constant 0 : i32
        %dma_start3A_473 = tpu.memref_slice %arg10[%dma_start3A, %dma_start3A_472] : memref<8x128xi32, #tpu.memory_space<vmem>> -> memref<1x128xi32, #tpu.memory_space<vmem>>
        %dma_start3A_474 = tpu.memref_squeeze %dma_start3A_473 : memref<1x128xi32, #tpu.memory_space<vmem>> -> memref<128xi32, #tpu.memory_space<vmem>>
        %dma_start3A_475 = arith.constant 0 : i32
        %dma_start3A_476 = arith.constant 0 : i32
        %dma_start3A_477 = tpu.memref_slice %arg2[%dma_start3A_475, %dma_start3A_476] : memref<10000x128xf32, #tpu.memory_space<hbm>> -> memref<10000x128xf32, #tpu.memory_space<hbm>>
        tpu.enqueue_indirect_dma source(%dma_start3A_477 : memref<10000x128xf32, #tpu.memory_space<hbm>>) target(%arg12 : memref<128x128xf32, #tpu.memory_space<vmem>>) offsets(%dma_start3A_474 : memref<128xi32, #tpu.memory_space<vmem>>) semaphore(%arg17 : memref<!tpu.dma_semaphore, #tpu.memory_space<semaphore_mem>>)
      } else {
      }
      %mul3A_336 = arith.constant 32 : i32
      %mul3A_337 = arith.muli %add3A_115, %mul3A_336 : i32
      %add3A_338 = arith.addi %mul3A_337, %add3A : i32
      %lt3A_339 = arith.constant 625 : i32
      %lt3A_340 = arith.cmpi slt, %add3A_338, %lt3A_339 : i32
      %convert_element_type3A_341 = arith.extui %lt3A_340 : i1 to i32
      %cond3A_342 = arith.constant 0 : i32
      %cond3A_343 = arith.cmpi ne, %convert_element_type3A_341, %cond3A_342 : i32
      scf.if %cond3A_343 {
        %mul3A_472 = arith.constant 32 : i32
        %mul3A_473 = arith.muli %add3A_115, %mul3A_472 : i32
        %add3A_474 = arith.addi %mul3A_473, %add3A : i32
        %dma_wait3A = arith.constant 0 : i32
        %dma_wait3A_475 = arith.constant 0 : i32
        %dma_wait3A_476 = tpu.memref_slice %arg3[%add3A_474, %dma_wait3A, %dma_wait3A_475] : memref<625x8x128xi32, #tpu.memory_space<hbm>> -> memref<1x8x128xi32, #tpu.memory_space<hbm>>
        %dma_wait3A_477 = tpu.memref_squeeze %dma_wait3A_476 : memref<1x8x128xi32, #tpu.memory_space<hbm>> -> memref<8x128xi32, #tpu.memory_space<hbm>>
        %dma_wait3A_478 = arith.constant 0 : i32
        %dma_wait3A_479 = arith.constant 0 : i32
        %dma_wait3A_480 = tpu.memref_slice %arg3[%add3A_474, %dma_wait3A_478, %dma_wait3A_479] : memref<625x8x128xi32, #tpu.memory_space<hbm>> -> memref<1x8x128xi32, #tpu.memory_space<hbm>>
        %dma_wait3A_481 = tpu.memref_squeeze %dma_wait3A_480 : memref<1x8x128xi32, #tpu.memory_space<hbm>> -> memref<8x128xi32, #tpu.memory_space<hbm>>
        tpu.wait_dma2 semaphore(%arg22 : memref<!tpu.dma_semaphore, #tpu.memory_space<semaphore_mem>>) src(%dma_wait3A_481 : memref<8x128xi32, #tpu.memory_space<hbm>>) dst(%arg11 : memref<8x128xi32, #tpu.memory_space<vmem>>)
      } else {
      }
      %mul3A_344 = arith.constant 32 : i32
      %mul3A_345 = arith.muli %add3A_113, %mul3A_344 : i32
      %add3A_346 = arith.addi %mul3A_345, %add3A : i32
      %lt3A_347 = arith.constant 625 : i32
      %lt3A_348 = arith.cmpi slt, %add3A_346, %lt3A_347 : i32
      %convert_element_type3A_349 = arith.extui %lt3A_348 : i1 to i32
      %cond3A_350 = arith.constant 0 : i32
      %cond3A_351 = arith.cmpi ne, %convert_element_type3A_349, %cond3A_350 : i32
      scf.if %cond3A_351 {
        %dma_wait3A = arith.constant 1 : i32
        %dma_wait3A_472 = arith.constant 0 : i32
        %dma_wait3A_473 = tpu.memref_slice %arg10[%dma_wait3A, %dma_wait3A_472] : memref<8x128xi32, #tpu.memory_space<vmem>> -> memref<1x128xi32, #tpu.memory_space<vmem>>
        %dma_wait3A_474 = tpu.memref_squeeze %dma_wait3A_473 : memref<1x128xi32, #tpu.memory_space<vmem>> -> memref<128xi32, #tpu.memory_space<vmem>>
        %dma_wait3A_475 = arith.constant 0 : i32
        %dma_wait3A_476 = arith.constant 0 : i32
        %dma_wait3A_477 = tpu.memref_slice %arg2[%dma_wait3A_475, %dma_wait3A_476] : memref<10000x128xf32, #tpu.memory_space<hbm>> -> memref<10000x128xf32, #tpu.memory_space<hbm>>
        tpu.wait_indirect_dma semaphore(%arg18 : memref<!tpu.dma_semaphore, #tpu.memory_space<semaphore_mem>>) src(%dma_wait3A_477 : memref<10000x128xf32, #tpu.memory_space<hbm>>) dst(%arg13 : memref<128x128xf32, #tpu.memory_space<vmem>>)
        %run_scoped3A = arith.constant 5 : i32
        "tpu.region"() ({
          %run_scoped3A_478 = tpu.sem_alloc : memref<!tpu.dma_semaphore, #tpu.memory_space<semaphore_mem>>
          %dma_start3A = arith.constant 0 : i32
          %dma_start3A_479 = tpu.memref_slice %arg10[%run_scoped3A, %dma_start3A] : memref<8x128xi32, #tpu.memory_space<vmem>> -> memref<1x128xi32, #tpu.memory_space<vmem>>
          %dma_start3A_480 = tpu.memref_squeeze %dma_start3A_479 : memref<1x128xi32, #tpu.memory_space<vmem>> -> memref<128xi32, #tpu.memory_space<vmem>>
          %dma_start3A_481 = arith.constant 0 : i32
          %dma_start3A_482 = arith.constant 0 : i32
          %dma_start3A_483 = tpu.memref_slice %arg7[%dma_start3A_481, %dma_start3A_482] : memref<10240x128xf32, #tpu.memory_space<vmem_shared>> -> memref<10240x128xf32, #tpu.memory_space<vmem_shared>>
          tpu.enqueue_indirect_dma source(%arg13 : memref<128x128xf32, #tpu.memory_space<vmem>>) target(%dma_start3A_483 : memref<10240x128xf32, #tpu.memory_space<vmem_shared>>) offsets(%dma_start3A_480 : memref<128xi32, #tpu.memory_space<vmem>>) semaphore(%run_scoped3A_478 : memref<!tpu.dma_semaphore, #tpu.memory_space<semaphore_mem>>) {add = true}
          %dma_wait3A_484 = arith.constant 0 : i32
          %dma_wait3A_485 = tpu.memref_slice %arg10[%run_scoped3A, %dma_wait3A_484] : memref<8x128xi32, #tpu.memory_space<vmem>> -> memref<1x128xi32, #tpu.memory_space<vmem>>
          %dma_wait3A_486 = tpu.memref_squeeze %dma_wait3A_485 : memref<1x128xi32, #tpu.memory_space<vmem>> -> memref<128xi32, #tpu.memory_space<vmem>>
          %dma_wait3A_487 = arith.constant 0 : i32
          %dma_wait3A_488 = arith.constant 0 : i32
          %dma_wait3A_489 = tpu.memref_slice %arg7[%dma_wait3A_487, %dma_wait3A_488] : memref<10240x128xf32, #tpu.memory_space<vmem_shared>> -> memref<10240x128xf32, #tpu.memory_space<vmem_shared>>
          tpu.wait_indirect_dma semaphore(%run_scoped3A_478 : memref<!tpu.dma_semaphore, #tpu.memory_space<semaphore_mem>>) src(%arg13 : memref<128x128xf32, #tpu.memory_space<vmem>>) dst(%dma_wait3A_489 : memref<10240x128xf32, #tpu.memory_space<vmem_shared>>)
          tpu.yield
        }) : () -> ()
      } else {
      }
      %mul3A_352 = arith.constant 32 : i32
      %mul3A_353 = arith.muli %add3A_113, %mul3A_352 : i32
      %add3A_354 = arith.addi %mul3A_353, %add3A : i32
      %lt3A_355 = arith.constant 625 : i32
      %lt3A_356 = arith.cmpi slt, %add3A_354, %lt3A_355 : i32
      %convert_element_type3A_357 = arith.extui %lt3A_356 : i1 to i32
      %cond3A_358 = arith.constant 0 : i32
      %cond3A_359 = arith.cmpi ne, %convert_element_type3A_357, %cond3A_358 : i32
      scf.if %cond3A_359 {
        %dma_start3A = arith.constant 3 : i32
        %dma_start3A_472 = arith.constant 0 : i32
        %dma_start3A_473 = tpu.memref_slice %arg10[%dma_start3A, %dma_start3A_472] : memref<8x128xi32, #tpu.memory_space<vmem>> -> memref<1x128xi32, #tpu.memory_space<vmem>>
        %dma_start3A_474 = tpu.memref_squeeze %dma_start3A_473 : memref<1x128xi32, #tpu.memory_space<vmem>> -> memref<128xi32, #tpu.memory_space<vmem>>
        %dma_start3A_475 = arith.constant 0 : i32
        %dma_start3A_476 = arith.constant 0 : i32
        %dma_start3A_477 = tpu.memref_slice %arg2[%dma_start3A_475, %dma_start3A_476] : memref<10000x128xf32, #tpu.memory_space<hbm>> -> memref<10000x128xf32, #tpu.memory_space<hbm>>
        tpu.enqueue_indirect_dma source(%dma_start3A_477 : memref<10000x128xf32, #tpu.memory_space<hbm>>) target(%arg13 : memref<128x128xf32, #tpu.memory_space<vmem>>) offsets(%dma_start3A_474 : memref<128xi32, #tpu.memory_space<vmem>>) semaphore(%arg18 : memref<!tpu.dma_semaphore, #tpu.memory_space<semaphore_mem>>)
      } else {
      }
      %mul3A_360 = arith.constant 32 : i32
      %mul3A_361 = arith.muli %add3A_113, %mul3A_360 : i32
      %add3A_362 = arith.addi %mul3A_361, %add3A : i32
      %lt3A_363 = arith.constant 625 : i32
      %lt3A_364 = arith.cmpi slt, %add3A_362, %lt3A_363 : i32
      %convert_element_type3A_365 = arith.extui %lt3A_364 : i1 to i32
      %cond3A_366 = arith.constant 0 : i32
      %cond3A_367 = arith.cmpi ne, %convert_element_type3A_365, %cond3A_366 : i32
      scf.if %cond3A_367 {
        %dma_wait3A = arith.constant 2 : i32
        %dma_wait3A_472 = arith.constant 0 : i32
        %dma_wait3A_473 = tpu.memref_slice %arg10[%dma_wait3A, %dma_wait3A_472] : memref<8x128xi32, #tpu.memory_space<vmem>> -> memref<1x128xi32, #tpu.memory_space<vmem>>
        %dma_wait3A_474 = tpu.memref_squeeze %dma_wait3A_473 : memref<1x128xi32, #tpu.memory_space<vmem>> -> memref<128xi32, #tpu.memory_space<vmem>>
        %dma_wait3A_475 = arith.constant 0 : i32
        %dma_wait3A_476 = arith.constant 0 : i32
        %dma_wait3A_477 = tpu.memref_slice %arg2[%dma_wait3A_475, %dma_wait3A_476] : memref<10000x128xf32, #tpu.memory_space<hbm>> -> memref<10000x128xf32, #tpu.memory_space<hbm>>
        tpu.wait_indirect_dma semaphore(%arg17 : memref<!tpu.dma_semaphore, #tpu.memory_space<semaphore_mem>>) src(%dma_wait3A_477 : memref<10000x128xf32, #tpu.memory_space<hbm>>) dst(%arg12 : memref<128x128xf32, #tpu.memory_space<vmem>>)
        %run_scoped3A = arith.constant 6 : i32
        "tpu.region"() ({
          %run_scoped3A_478 = tpu.sem_alloc : memref<!tpu.dma_semaphore, #tpu.memory_space<semaphore_mem>>
          %dma_start3A = arith.constant 0 : i32
          %dma_start3A_479 = tpu.memref_slice %arg10[%run_scoped3A, %dma_start3A] : memref<8x128xi32, #tpu.memory_space<vmem>> -> memref<1x128xi32, #tpu.memory_space<vmem>>
          %dma_start3A_480 = tpu.memref_squeeze %dma_start3A_479 : memref<1x128xi32, #tpu.memory_space<vmem>> -> memref<128xi32, #tpu.memory_space<vmem>>
          %dma_start3A_481 = arith.constant 0 : i32
          %dma_start3A_482 = arith.constant 0 : i32
          %dma_start3A_483 = tpu.memref_slice %arg7[%dma_start3A_481, %dma_start3A_482] : memref<10240x128xf32, #tpu.memory_space<vmem_shared>> -> memref<10240x128xf32, #tpu.memory_space<vmem_shared>>
          tpu.enqueue_indirect_dma source(%arg12 : memref<128x128xf32, #tpu.memory_space<vmem>>) target(%dma_start3A_483 : memref<10240x128xf32, #tpu.memory_space<vmem_shared>>) offsets(%dma_start3A_480 : memref<128xi32, #tpu.memory_space<vmem>>) semaphore(%run_scoped3A_478 : memref<!tpu.dma_semaphore, #tpu.memory_space<semaphore_mem>>) {add = true}
          %dma_wait3A_484 = arith.constant 0 : i32
          %dma_wait3A_485 = tpu.memref_slice %arg10[%run_scoped3A, %dma_wait3A_484] : memref<8x128xi32, #tpu.memory_space<vmem>> -> memref<1x128xi32, #tpu.memory_space<vmem>>
          %dma_wait3A_486 = tpu.memref_squeeze %dma_wait3A_485 : memref<1x128xi32, #tpu.memory_space<vmem>> -> memref<128xi32, #tpu.memory_space<vmem>>
          %dma_wait3A_487 = arith.constant 0 : i32
          %dma_wait3A_488 = arith.constant 0 : i32
          %dma_wait3A_489 = tpu.memref_slice %arg7[%dma_wait3A_487, %dma_wait3A_488] : memref<10240x128xf32, #tpu.memory_space<vmem_shared>> -> memref<10240x128xf32, #tpu.memory_space<vmem_shared>>
          tpu.wait_indirect_dma semaphore(%run_scoped3A_478 : memref<!tpu.dma_semaphore, #tpu.memory_space<semaphore_mem>>) src(%arg12 : memref<128x128xf32, #tpu.memory_space<vmem>>) dst(%dma_wait3A_489 : memref<10240x128xf32, #tpu.memory_space<vmem_shared>>)
          tpu.yield
        }) : () -> ()
      } else {
      }
      %mul3A_368 = arith.constant 32 : i32
      %mul3A_369 = arith.muli %add3A_115, %mul3A_368 : i32
      %add3A_370 = arith.addi %mul3A_369, %add3A : i32
      %lt3A_371 = arith.constant 625 : i32
      %lt3A_372 = arith.cmpi slt, %add3A_370, %lt3A_371 : i32
      %convert_element_type3A_373 = arith.extui %lt3A_372 : i1 to i32
      %cond3A_374 = arith.constant 0 : i32
      %cond3A_375 = arith.cmpi ne, %convert_element_type3A_373, %cond3A_374 : i32
      scf.if %cond3A_375 {
        %dma_start3A = arith.constant 0 : i32
        %dma_start3A_472 = arith.constant 0 : i32
        %dma_start3A_473 = tpu.memref_slice %arg11[%dma_start3A, %dma_start3A_472] : memref<8x128xi32, #tpu.memory_space<vmem>> -> memref<1x128xi32, #tpu.memory_space<vmem>>
        %dma_start3A_474 = tpu.memref_squeeze %dma_start3A_473 : memref<1x128xi32, #tpu.memory_space<vmem>> -> memref<128xi32, #tpu.memory_space<vmem>>
        %dma_start3A_475 = arith.constant 0 : i32
        %dma_start3A_476 = arith.constant 0 : i32
        %dma_start3A_477 = tpu.memref_slice %arg2[%dma_start3A_475, %dma_start3A_476] : memref<10000x128xf32, #tpu.memory_space<hbm>> -> memref<10000x128xf32, #tpu.memory_space<hbm>>
        tpu.enqueue_indirect_dma source(%dma_start3A_477 : memref<10000x128xf32, #tpu.memory_space<hbm>>) target(%arg12 : memref<128x128xf32, #tpu.memory_space<vmem>>) offsets(%dma_start3A_474 : memref<128xi32, #tpu.memory_space<vmem>>) semaphore(%arg17 : memref<!tpu.dma_semaphore, #tpu.memory_space<semaphore_mem>>)
      } else {
      }
      %mul3A_376 = arith.constant 32 : i32
      %mul3A_377 = arith.muli %add3A_115, %mul3A_376 : i32
      %add3A_378 = arith.addi %mul3A_377, %add3A : i32
      %lt3A_379 = arith.constant 625 : i32
      %lt3A_380 = arith.cmpi slt, %add3A_378, %lt3A_379 : i32
      %convert_element_type3A_381 = arith.extui %lt3A_380 : i1 to i32
      %cond3A_382 = arith.constant 0 : i32
      %cond3A_383 = arith.cmpi ne, %convert_element_type3A_381, %cond3A_382 : i32
      scf.if %cond3A_383 {
        %get3A = arith.constant 4 : i32
        %get3A_472 = arith.index_cast %get3A : i32 to index
        %get3A_473 = arith.constant 0 : index
        %get3A_474 = tpu.vector_load %arg11[%get3A_472, %get3A_473] {strides = array<i32>} : memref<8x128xi32, #tpu.memory_space<vmem>>, vector<16xi32>,
        %shift_right_logical3A = arith.constant 7 : i32
        %shift_right_logical3A_475 = vector.broadcast %shift_right_logical3A : i32 to vector<16xi32>
        %shift_right_logical3A_476 = arith.shrui %get3A_474, %shift_right_logical3A_475 : vector<16xi32>
        %and3A = arith.constant 127 : i32
        %and3A_477 = vector.broadcast %and3A : i32 to vector<16xi32>
        %and3A_478 = arith.andi %get3A_474, %and3A_477 : vector<16xi32>
        tpu.vector_store_idx %arg14[%shift_right_logical3A_476, %and3A_478], %broadcast_in_dim3A_43 {add = true} : memref<80x128xf32, #tpu.memory_space<vmem>>[vector<16xi32>, vector<16xi32>], vector<16xf32>,
        %get3A_479 = arith.constant 4 : i32
        %get3A_480 = arith.index_cast %get3A_479 : i32 to index
        %get3A_481 = arith.constant 16 : index
        %get3A_482 = tpu.vector_load %arg11[%get3A_480, %get3A_481] {strides = array<i32>} : memref<8x128xi32, #tpu.memory_space<vmem>>, vector<16xi32>,
        %shift_right_logical3A_483 = arith.constant 7 : i32
        %shift_right_logical3A_484 = vector.broadcast %shift_right_logical3A_483 : i32 to vector<16xi32>
        %shift_right_logical3A_485 = arith.shrui %get3A_482, %shift_right_logical3A_484 : vector<16xi32>
        %and3A_486 = arith.constant 127 : i32
        %and3A_487 = vector.broadcast %and3A_486 : i32 to vector<16xi32>
        %and3A_488 = arith.andi %get3A_482, %and3A_487 : vector<16xi32>
        tpu.vector_store_idx %arg14[%shift_right_logical3A_485, %and3A_488], %broadcast_in_dim3A_43 {add = true} : memref<80x128xf32, #tpu.memory_space<vmem>>[vector<16xi32>, vector<16xi32>], vector<16xf32>,
        %get3A_489 = arith.constant 4 : i32
        %get3A_490 = arith.index_cast %get3A_489 : i32 to index
        %get3A_491 = arith.constant 32 : index
        %get3A_492 = tpu.vector_load %arg11[%get3A_490, %get3A_491] {strides = array<i32>} : memref<8x128xi32, #tpu.memory_space<vmem>>, vector<16xi32>,
        %shift_right_logical3A_493 = arith.constant 7 : i32
        %shift_right_logical3A_494 = vector.broadcast %shift_right_logical3A_493 : i32 to vector<16xi32>
        %shift_right_logical3A_495 = arith.shrui %get3A_492, %shift_right_logical3A_494 : vector<16xi32>
        %and3A_496 = arith.constant 127 : i32
        %and3A_497 = vector.broadcast %and3A_496 : i32 to vector<16xi32>
        %and3A_498 = arith.andi %get3A_492, %and3A_497 : vector<16xi32>
        tpu.vector_store_idx %arg14[%shift_right_logical3A_495, %and3A_498], %broadcast_in_dim3A_43 {add = true} : memref<80x128xf32, #tpu.memory_space<vmem>>[vector<16xi32>, vector<16xi32>], vector<16xf32>,
        %get3A_499 = arith.constant 4 : i32
        %get3A_500 = arith.index_cast %get3A_499 : i32 to index
        %get3A_501 = arith.constant 48 : index
        %get3A_502 = tpu.vector_load %arg11[%get3A_500, %get3A_501] {strides = array<i32>} : memref<8x128xi32, #tpu.memory_space<vmem>>, vector<16xi32>,
        %shift_right_logical3A_503 = arith.constant 7 : i32
        %shift_right_logical3A_504 = vector.broadcast %shift_right_logical3A_503 : i32 to vector<16xi32>
        %shift_right_logical3A_505 = arith.shrui %get3A_502, %shift_right_logical3A_504 : vector<16xi32>
        %and3A_506 = arith.constant 127 : i32
        %and3A_507 = vector.broadcast %and3A_506 : i32 to vector<16xi32>
        %and3A_508 = arith.andi %get3A_502, %and3A_507 : vector<16xi32>
        tpu.vector_store_idx %arg14[%shift_right_logical3A_505, %and3A_508], %broadcast_in_dim3A_43 {add = true} : memref<80x128xf32, #tpu.memory_space<vmem>>[vector<16xi32>, vector<16xi32>], vector<16xf32>,
        %get3A_509 = arith.constant 4 : i32
        %get3A_510 = arith.index_cast %get3A_509 : i32 to index
        %get3A_511 = arith.constant 64 : index
        %get3A_512 = tpu.vector_load %arg11[%get3A_510, %get3A_511] {strides = array<i32>} : memref<8x128xi32, #tpu.memory_space<vmem>>, vector<16xi32>,
        %shift_right_logical3A_513 = arith.constant 7 : i32
        %shift_right_logical3A_514 = vector.broadcast %shift_right_logical3A_513 : i32 to vector<16xi32>
        %shift_right_logical3A_515 = arith.shrui %get3A_512, %shift_right_logical3A_514 : vector<16xi32>
        %and3A_516 = arith.constant 127 : i32
        %and3A_517 = vector.broadcast %and3A_516 : i32 to vector<16xi32>
        %and3A_518 = arith.andi %get3A_512, %and3A_517 : vector<16xi32>
        tpu.vector_store_idx %arg14[%shift_right_logical3A_515, %and3A_518], %broadcast_in_dim3A_43 {add = true} : memref<80x128xf32, #tpu.memory_space<vmem>>[vector<16xi32>, vector<16xi32>], vector<16xf32>,
        %get3A_519 = arith.constant 4 : i32
        %get3A_520 = arith.index_cast %get3A_519 : i32 to index
        %get3A_521 = arith.constant 80 : index
        %get3A_522 = tpu.vector_load %arg11[%get3A_520, %get3A_521] {strides = array<i32>} : memref<8x128xi32, #tpu.memory_space<vmem>>, vector<16xi32>,
        %shift_right_logical3A_523 = arith.constant 7 : i32
        %shift_right_logical3A_524 = vector.broadcast %shift_right_logical3A_523 : i32 to vector<16xi32>
        %shift_right_logical3A_525 = arith.shrui %get3A_522, %shift_right_logical3A_524 : vector<16xi32>
        %and3A_526 = arith.constant 127 : i32
        %and3A_527 = vector.broadcast %and3A_526 : i32 to vector<16xi32>
        %and3A_528 = arith.andi %get3A_522, %and3A_527 : vector<16xi32>
        tpu.vector_store_idx %arg14[%shift_right_logical3A_525, %and3A_528], %broadcast_in_dim3A_43 {add = true} : memref<80x128xf32, #tpu.memory_space<vmem>>[vector<16xi32>, vector<16xi32>], vector<16xf32>,
        %get3A_529 = arith.constant 4 : i32
        %get3A_530 = arith.index_cast %get3A_529 : i32 to index
        %get3A_531 = arith.constant 96 : index
        %get3A_532 = tpu.vector_load %arg11[%get3A_530, %get3A_531] {strides = array<i32>} : memref<8x128xi32, #tpu.memory_space<vmem>>, vector<16xi32>,
        %shift_right_logical3A_533 = arith.constant 7 : i32
        %shift_right_logical3A_534 = vector.broadcast %shift_right_logical3A_533 : i32 to vector<16xi32>
        %shift_right_logical3A_535 = arith.shrui %get3A_532, %shift_right_logical3A_534 : vector<16xi32>
        %and3A_536 = arith.constant 127 : i32
        %and3A_537 = vector.broadcast %and3A_536 : i32 to vector<16xi32>
        %and3A_538 = arith.andi %get3A_532, %and3A_537 : vector<16xi32>
        tpu.vector_store_idx %arg14[%shift_right_logical3A_535, %and3A_538], %broadcast_in_dim3A_43 {add = true} : memref<80x128xf32, #tpu.memory_space<vmem>>[vector<16xi32>, vector<16xi32>], vector<16xf32>,
        %get3A_539 = arith.constant 4 : i32
        %get3A_540 = arith.index_cast %get3A_539 : i32 to index
        %get3A_541 = arith.constant 112 : index
        %get3A_542 = tpu.vector_load %arg11[%get3A_540, %get3A_541] {strides = array<i32>} : memref<8x128xi32, #tpu.memory_space<vmem>>, vector<16xi32>,
        %shift_right_logical3A_543 = arith.constant 7 : i32
        %shift_right_logical3A_544 = vector.broadcast %shift_right_logical3A_543 : i32 to vector<16xi32>
        %shift_right_logical3A_545 = arith.shrui %get3A_542, %shift_right_logical3A_544 : vector<16xi32>
        %and3A_546 = arith.constant 127 : i32
        %and3A_547 = vector.broadcast %and3A_546 : i32 to vector<16xi32>
        %and3A_548 = arith.andi %get3A_542, %and3A_547 : vector<16xi32>
        tpu.vector_store_idx %arg14[%shift_right_logical3A_545, %and3A_548], %broadcast_in_dim3A_43 {add = true} : memref<80x128xf32, #tpu.memory_space<vmem>>[vector<16xi32>, vector<16xi32>], vector<16xf32>,
        %get3A_549 = arith.constant 5 : i32
        %get3A_550 = arith.index_cast %get3A_549 : i32 to index
        %get3A_551 = arith.constant 0 : index
        %get3A_552 = tpu.vector_load %arg11[%get3A_550, %get3A_551] {strides = array<i32>} : memref<8x128xi32, #tpu.memory_space<vmem>>, vector<16xi32>,
        %shift_right_logical3A_553 = arith.constant 7 : i32
        %shift_right_logical3A_554 = vector.broadcast %shift_right_logical3A_553 : i32 to vector<16xi32>
        %shift_right_logical3A_555 = arith.shrui %get3A_552, %shift_right_logical3A_554 : vector<16xi32>
        %and3A_556 = arith.constant 127 : i32
        %and3A_557 = vector.broadcast %and3A_556 : i32 to vector<16xi32>
        %and3A_558 = arith.andi %get3A_552, %and3A_557 : vector<16xi32>
        tpu.vector_store_idx %arg14[%shift_right_logical3A_555, %and3A_558], %broadcast_in_dim3A_43 {add = true} : memref<80x128xf32, #tpu.memory_space<vmem>>[vector<16xi32>, vector<16xi32>], vector<16xf32>,
        %get3A_559 = arith.constant 5 : i32
        %get3A_560 = arith.index_cast %get3A_559 : i32 to index
        %get3A_561 = arith.constant 16 : index
        %get3A_562 = tpu.vector_load %arg11[%get3A_560, %get3A_561] {strides = array<i32>} : memref<8x128xi32, #tpu.memory_space<vmem>>, vector<16xi32>,
        %shift_right_logical3A_563 = arith.constant 7 : i32
        %shift_right_logical3A_564 = vector.broadcast %shift_right_logical3A_563 : i32 to vector<16xi32>
        %shift_right_logical3A_565 = arith.shrui %get3A_562, %shift_right_logical3A_564 : vector<16xi32>
        %and3A_566 = arith.constant 127 : i32
        %and3A_567 = vector.broadcast %and3A_566 : i32 to vector<16xi32>
        %and3A_568 = arith.andi %get3A_562, %and3A_567 : vector<16xi32>
        tpu.vector_store_idx %arg14[%shift_right_logical3A_565, %and3A_568], %broadcast_in_dim3A_43 {add = true} : memref<80x128xf32, #tpu.memory_space<vmem>>[vector<16xi32>, vector<16xi32>], vector<16xf32>,
        %get3A_569 = arith.constant 5 : i32
        %get3A_570 = arith.index_cast %get3A_569 : i32 to index
        %get3A_571 = arith.constant 32 : index
        %get3A_572 = tpu.vector_load %arg11[%get3A_570, %get3A_571] {strides = array<i32>} : memref<8x128xi32, #tpu.memory_space<vmem>>, vector<16xi32>,
        %shift_right_logical3A_573 = arith.constant 7 : i32
        %shift_right_logical3A_574 = vector.broadcast %shift_right_logical3A_573 : i32 to vector<16xi32>
        %shift_right_logical3A_575 = arith.shrui %get3A_572, %shift_right_logical3A_574 : vector<16xi32>
        %and3A_576 = arith.constant 127 : i32
        %and3A_577 = vector.broadcast %and3A_576 : i32 to vector<16xi32>
        %and3A_578 = arith.andi %get3A_572, %and3A_577 : vector<16xi32>
        tpu.vector_store_idx %arg14[%shift_right_logical3A_575, %and3A_578], %broadcast_in_dim3A_43 {add = true} : memref<80x128xf32, #tpu.memory_space<vmem>>[vector<16xi32>, vector<16xi32>], vector<16xf32>,
        %get3A_579 = arith.constant 5 : i32
        %get3A_580 = arith.index_cast %get3A_579 : i32 to index
        %get3A_581 = arith.constant 48 : index
        %get3A_582 = tpu.vector_load %arg11[%get3A_580, %get3A_581] {strides = array<i32>} : memref<8x128xi32, #tpu.memory_space<vmem>>, vector<16xi32>,
        %shift_right_logical3A_583 = arith.constant 7 : i32
        %shift_right_logical3A_584 = vector.broadcast %shift_right_logical3A_583 : i32 to vector<16xi32>
        %shift_right_logical3A_585 = arith.shrui %get3A_582, %shift_right_logical3A_584 : vector<16xi32>
        %and3A_586 = arith.constant 127 : i32
        %and3A_587 = vector.broadcast %and3A_586 : i32 to vector<16xi32>
        %and3A_588 = arith.andi %get3A_582, %and3A_587 : vector<16xi32>
        tpu.vector_store_idx %arg14[%shift_right_logical3A_585, %and3A_588], %broadcast_in_dim3A_43 {add = true} : memref<80x128xf32, #tpu.memory_space<vmem>>[vector<16xi32>, vector<16xi32>], vector<16xf32>,
        %get3A_589 = arith.constant 5 : i32
        %get3A_590 = arith.index_cast %get3A_589 : i32 to index
        %get3A_591 = arith.constant 64 : index
        %get3A_592 = tpu.vector_load %arg11[%get3A_590, %get3A_591] {strides = array<i32>} : memref<8x128xi32, #tpu.memory_space<vmem>>, vector<16xi32>,
        %shift_right_logical3A_593 = arith.constant 7 : i32
        %shift_right_logical3A_594 = vector.broadcast %shift_right_logical3A_593 : i32 to vector<16xi32>
        %shift_right_logical3A_595 = arith.shrui %get3A_592, %shift_right_logical3A_594 : vector<16xi32>
        %and3A_596 = arith.constant 127 : i32
        %and3A_597 = vector.broadcast %and3A_596 : i32 to vector<16xi32>
        %and3A_598 = arith.andi %get3A_592, %and3A_597 : vector<16xi32>
        tpu.vector_store_idx %arg14[%shift_right_logical3A_595, %and3A_598], %broadcast_in_dim3A_43 {add = true} : memref<80x128xf32, #tpu.memory_space<vmem>>[vector<16xi32>, vector<16xi32>], vector<16xf32>,
        %get3A_599 = arith.constant 5 : i32
        %get3A_600 = arith.index_cast %get3A_599 : i32 to index
        %get3A_601 = arith.constant 80 : index
        %get3A_602 = tpu.vector_load %arg11[%get3A_600, %get3A_601] {strides = array<i32>} : memref<8x128xi32, #tpu.memory_space<vmem>>, vector<16xi32>,
        %shift_right_logical3A_603 = arith.constant 7 : i32
        %shift_right_logical3A_604 = vector.broadcast %shift_right_logical3A_603 : i32 to vector<16xi32>
        %shift_right_logical3A_605 = arith.shrui %get3A_602, %shift_right_logical3A_604 : vector<16xi32>
        %and3A_606 = arith.constant 127 : i32
        %and3A_607 = vector.broadcast %and3A_606 : i32 to vector<16xi32>
        %and3A_608 = arith.andi %get3A_602, %and3A_607 : vector<16xi32>
        tpu.vector_store_idx %arg14[%shift_right_logical3A_605, %and3A_608], %broadcast_in_dim3A_43 {add = true} : memref<80x128xf32, #tpu.memory_space<vmem>>[vector<16xi32>, vector<16xi32>], vector<16xf32>,
        %get3A_609 = arith.constant 5 : i32
        %get3A_610 = arith.index_cast %get3A_609 : i32 to index
        %get3A_611 = arith.constant 96 : index
        %get3A_612 = tpu.vector_load %arg11[%get3A_610, %get3A_611] {strides = array<i32>} : memref<8x128xi32, #tpu.memory_space<vmem>>, vector<16xi32>,
        %shift_right_logical3A_613 = arith.constant 7 : i32
        %shift_right_logical3A_614 = vector.broadcast %shift_right_logical3A_613 : i32 to vector<16xi32>
        %shift_right_logical3A_615 = arith.shrui %get3A_612, %shift_right_logical3A_614 : vector<16xi32>
        %and3A_616 = arith.constant 127 : i32
        %and3A_617 = vector.broadcast %and3A_616 : i32 to vector<16xi32>
        %and3A_618 = arith.andi %get3A_612, %and3A_617 : vector<16xi32>
        tpu.vector_store_idx %arg14[%shift_right_logical3A_615, %and3A_618], %broadcast_in_dim3A_43 {add = true} : memref<80x128xf32, #tpu.memory_space<vmem>>[vector<16xi32>, vector<16xi32>], vector<16xf32>,
        %get3A_619 = arith.constant 5 : i32
        %get3A_620 = arith.index_cast %get3A_619 : i32 to index
        %get3A_621 = arith.constant 112 : index
        %get3A_622 = tpu.vector_load %arg11[%get3A_620, %get3A_621] {strides = array<i32>} : memref<8x128xi32, #tpu.memory_space<vmem>>, vector<16xi32>,
        %shift_right_logical3A_623 = arith.constant 7 : i32
        %shift_right_logical3A_624 = vector.broadcast %shift_right_logical3A_623 : i32 to vector<16xi32>
        %shift_right_logical3A_625 = arith.shrui %get3A_622, %shift_right_logical3A_624 : vector<16xi32>
        %and3A_626 = arith.constant 127 : i32
        %and3A_627 = vector.broadcast %and3A_626 : i32 to vector<16xi32>
        %and3A_628 = arith.andi %get3A_622, %and3A_627 : vector<16xi32>
        tpu.vector_store_idx %arg14[%shift_right_logical3A_625, %and3A_628], %broadcast_in_dim3A_43 {add = true} : memref<80x128xf32, #tpu.memory_space<vmem>>[vector<16xi32>, vector<16xi32>], vector<16xf32>,
        %get3A_629 = arith.constant 6 : i32
        %get3A_630 = arith.index_cast %get3A_629 : i32 to index
        %get3A_631 = arith.constant 0 : index
        %get3A_632 = tpu.vector_load %arg11[%get3A_630, %get3A_631] {strides = array<i32>} : memref<8x128xi32, #tpu.memory_space<vmem>>, vector<16xi32>,
        %shift_right_logical3A_633 = arith.constant 7 : i32
        %shift_right_logical3A_634 = vector.broadcast %shift_right_logical3A_633 : i32 to vector<16xi32>
        %shift_right_logical3A_635 = arith.shrui %get3A_632, %shift_right_logical3A_634 : vector<16xi32>
        %and3A_636 = arith.constant 127 : i32
        %and3A_637 = vector.broadcast %and3A_636 : i32 to vector<16xi32>
        %and3A_638 = arith.andi %get3A_632, %and3A_637 : vector<16xi32>
        tpu.vector_store_idx %arg14[%shift_right_logical3A_635, %and3A_638], %broadcast_in_dim3A_43 {add = true} : memref<80x128xf32, #tpu.memory_space<vmem>>[vector<16xi32>, vector<16xi32>], vector<16xf32>,
        %get3A_639 = arith.constant 6 : i32
        %get3A_640 = arith.index_cast %get3A_639 : i32 to index
        %get3A_641 = arith.constant 16 : index
        %get3A_642 = tpu.vector_load %arg11[%get3A_640, %get3A_641] {strides = array<i32>} : memref<8x128xi32, #tpu.memory_space<vmem>>, vector<16xi32>,
        %shift_right_logical3A_643 = arith.constant 7 : i32
        %shift_right_logical3A_644 = vector.broadcast %shift_right_logical3A_643 : i32 to vector<16xi32>
        %shift_right_logical3A_645 = arith.shrui %get3A_642, %shift_right_logical3A_644 : vector<16xi32>
        %and3A_646 = arith.constant 127 : i32
        %and3A_647 = vector.broadcast %and3A_646 : i32 to vector<16xi32>
        %and3A_648 = arith.andi %get3A_642, %and3A_647 : vector<16xi32>
        tpu.vector_store_idx %arg14[%shift_right_logical3A_645, %and3A_648], %broadcast_in_dim3A_43 {add = true} : memref<80x128xf32, #tpu.memory_space<vmem>>[vector<16xi32>, vector<16xi32>], vector<16xf32>,
        %get3A_649 = arith.constant 6 : i32
        %get3A_650 = arith.index_cast %get3A_649 : i32 to index
        %get3A_651 = arith.constant 32 : index
        %get3A_652 = tpu.vector_load %arg11[%get3A_650, %get3A_651] {strides = array<i32>} : memref<8x128xi32, #tpu.memory_space<vmem>>, vector<16xi32>,
        %shift_right_logical3A_653 = arith.constant 7 : i32
        %shift_right_logical3A_654 = vector.broadcast %shift_right_logical3A_653 : i32 to vector<16xi32>
        %shift_right_logical3A_655 = arith.shrui %get3A_652, %shift_right_logical3A_654 : vector<16xi32>
        %and3A_656 = arith.constant 127 : i32
        %and3A_657 = vector.broadcast %and3A_656 : i32 to vector<16xi32>
        %and3A_658 = arith.andi %get3A_652, %and3A_657 : vector<16xi32>
        tpu.vector_store_idx %arg14[%shift_right_logical3A_655, %and3A_658], %broadcast_in_dim3A_43 {add = true} : memref<80x128xf32, #tpu.memory_space<vmem>>[vector<16xi32>, vector<16xi32>], vector<16xf32>,
        %get3A_659 = arith.constant 6 : i32
        %get3A_660 = arith.index_cast %get3A_659 : i32 to index
        %get3A_661 = arith.constant 48 : index
        %get3A_662 = tpu.vector_load %arg11[%get3A_660, %get3A_661] {strides = array<i32>} : memref<8x128xi32, #tpu.memory_space<vmem>>, vector<16xi32>,
        %shift_right_logical3A_663 = arith.constant 7 : i32
        %shift_right_logical3A_664 = vector.broadcast %shift_right_logical3A_663 : i32 to vector<16xi32>
        %shift_right_logical3A_665 = arith.shrui %get3A_662, %shift_right_logical3A_664 : vector<16xi32>
        %and3A_666 = arith.constant 127 : i32
        %and3A_667 = vector.broadcast %and3A_666 : i32 to vector<16xi32>
        %and3A_668 = arith.andi %get3A_662, %and3A_667 : vector<16xi32>
        tpu.vector_store_idx %arg14[%shift_right_logical3A_665, %and3A_668], %broadcast_in_dim3A_43 {add = true} : memref<80x128xf32, #tpu.memory_space<vmem>>[vector<16xi32>, vector<16xi32>], vector<16xf32>,
        %get3A_669 = arith.constant 6 : i32
        %get3A_670 = arith.index_cast %get3A_669 : i32 to index
        %get3A_671 = arith.constant 64 : index
        %get3A_672 = tpu.vector_load %arg11[%get3A_670, %get3A_671] {strides = array<i32>} : memref<8x128xi32, #tpu.memory_space<vmem>>, vector<16xi32>,
        %shift_right_logical3A_673 = arith.constant 7 : i32
        %shift_right_logical3A_674 = vector.broadcast %shift_right_logical3A_673 : i32 to vector<16xi32>
        %shift_right_logical3A_675 = arith.shrui %get3A_672, %shift_right_logical3A_674 : vector<16xi32>
        %and3A_676 = arith.constant 127 : i32
        %and3A_677 = vector.broadcast %and3A_676 : i32 to vector<16xi32>
        %and3A_678 = arith.andi %get3A_672, %and3A_677 : vector<16xi32>
        tpu.vector_store_idx %arg14[%shift_right_logical3A_675, %and3A_678], %broadcast_in_dim3A_43 {add = true} : memref<80x128xf32, #tpu.memory_space<vmem>>[vector<16xi32>, vector<16xi32>], vector<16xf32>,
        %get3A_679 = arith.constant 6 : i32
        %get3A_680 = arith.index_cast %get3A_679 : i32 to index
        %get3A_681 = arith.constant 80 : index
        %get3A_682 = tpu.vector_load %arg11[%get3A_680, %get3A_681] {strides = array<i32>} : memref<8x128xi32, #tpu.memory_space<vmem>>, vector<16xi32>,
        %shift_right_logical3A_683 = arith.constant 7 : i32
        %shift_right_logical3A_684 = vector.broadcast %shift_right_logical3A_683 : i32 to vector<16xi32>
        %shift_right_logical3A_685 = arith.shrui %get3A_682, %shift_right_logical3A_684 : vector<16xi32>
        %and3A_686 = arith.constant 127 : i32
        %and3A_687 = vector.broadcast %and3A_686 : i32 to vector<16xi32>
        %and3A_688 = arith.andi %get3A_682, %and3A_687 : vector<16xi32>
        tpu.vector_store_idx %arg14[%shift_right_logical3A_685, %and3A_688], %broadcast_in_dim3A_43 {add = true} : memref<80x128xf32, #tpu.memory_space<vmem>>[vector<16xi32>, vector<16xi32>], vector<16xf32>,
        %get3A_689 = arith.constant 6 : i32
        %get3A_690 = arith.index_cast %get3A_689 : i32 to index
        %get3A_691 = arith.constant 96 : index
        %get3A_692 = tpu.vector_load %arg11[%get3A_690, %get3A_691] {strides = array<i32>} : memref<8x128xi32, #tpu.memory_space<vmem>>, vector<16xi32>,
        %shift_right_logical3A_693 = arith.constant 7 : i32
        %shift_right_logical3A_694 = vector.broadcast %shift_right_logical3A_693 : i32 to vector<16xi32>
        %shift_right_logical3A_695 = arith.shrui %get3A_692, %shift_right_logical3A_694 : vector<16xi32>
        %and3A_696 = arith.constant 127 : i32
        %and3A_697 = vector.broadcast %and3A_696 : i32 to vector<16xi32>
        %and3A_698 = arith.andi %get3A_692, %and3A_697 : vector<16xi32>
        tpu.vector_store_idx %arg14[%shift_right_logical3A_695, %and3A_698], %broadcast_in_dim3A_43 {add = true} : memref<80x128xf32, #tpu.memory_space<vmem>>[vector<16xi32>, vector<16xi32>], vector<16xf32>,
        %get3A_699 = arith.constant 6 : i32
        %get3A_700 = arith.index_cast %get3A_699 : i32 to index
        %get3A_701 = arith.constant 112 : index
        %get3A_702 = tpu.vector_load %arg11[%get3A_700, %get3A_701] {strides = array<i32>} : memref<8x128xi32, #tpu.memory_space<vmem>>, vector<16xi32>,
        %shift_right_logical3A_703 = arith.constant 7 : i32
        %shift_right_logical3A_704 = vector.broadcast %shift_right_logical3A_703 : i32 to vector<16xi32>
        %shift_right_logical3A_705 = arith.shrui %get3A_702, %shift_right_logical3A_704 : vector<16xi32>
        %and3A_706 = arith.constant 127 : i32
        %and3A_707 = vector.broadcast %and3A_706 : i32 to vector<16xi32>
        %and3A_708 = arith.andi %get3A_702, %and3A_707 : vector<16xi32>
        tpu.vector_store_idx %arg14[%shift_right_logical3A_705, %and3A_708], %broadcast_in_dim3A_43 {add = true} : memref<80x128xf32, #tpu.memory_space<vmem>>[vector<16xi32>, vector<16xi32>], vector<16xf32>,
        %get3A_709 = arith.constant 7 : i32
        %get3A_710 = arith.index_cast %get3A_709 : i32 to index
        %get3A_711 = arith.constant 0 : index
        %get3A_712 = tpu.vector_load %arg11[%get3A_710, %get3A_711] {strides = array<i32>} : memref<8x128xi32, #tpu.memory_space<vmem>>, vector<16xi32>,
        %shift_right_logical3A_713 = arith.constant 7 : i32
        %shift_right_logical3A_714 = vector.broadcast %shift_right_logical3A_713 : i32 to vector<16xi32>
        %shift_right_logical3A_715 = arith.shrui %get3A_712, %shift_right_logical3A_714 : vector<16xi32>
        %and3A_716 = arith.constant 127 : i32
        %and3A_717 = vector.broadcast %and3A_716 : i32 to vector<16xi32>
        %and3A_718 = arith.andi %get3A_712, %and3A_717 : vector<16xi32>
        tpu.vector_store_idx %arg14[%shift_right_logical3A_715, %and3A_718], %broadcast_in_dim3A_43 {add = true} : memref<80x128xf32, #tpu.memory_space<vmem>>[vector<16xi32>, vector<16xi32>], vector<16xf32>,
        %get3A_719 = arith.constant 7 : i32
        %get3A_720 = arith.index_cast %get3A_719 : i32 to index
        %get3A_721 = arith.constant 16 : index
        %get3A_722 = tpu.vector_load %arg11[%get3A_720, %get3A_721] {strides = array<i32>} : memref<8x128xi32, #tpu.memory_space<vmem>>, vector<16xi32>,
        %shift_right_logical3A_723 = arith.constant 7 : i32
        %shift_right_logical3A_724 = vector.broadcast %shift_right_logical3A_723 : i32 to vector<16xi32>
        %shift_right_logical3A_725 = arith.shrui %get3A_722, %shift_right_logical3A_724 : vector<16xi32>
        %and3A_726 = arith.constant 127 : i32
        %and3A_727 = vector.broadcast %and3A_726 : i32 to vector<16xi32>
        %and3A_728 = arith.andi %get3A_722, %and3A_727 : vector<16xi32>
        tpu.vector_store_idx %arg14[%shift_right_logical3A_725, %and3A_728], %broadcast_in_dim3A_43 {add = true} : memref<80x128xf32, #tpu.memory_space<vmem>>[vector<16xi32>, vector<16xi32>], vector<16xf32>,
        %get3A_729 = arith.constant 7 : i32
        %get3A_730 = arith.index_cast %get3A_729 : i32 to index
        %get3A_731 = arith.constant 32 : index
        %get3A_732 = tpu.vector_load %arg11[%get3A_730, %get3A_731] {strides = array<i32>} : memref<8x128xi32, #tpu.memory_space<vmem>>, vector<16xi32>,
        %shift_right_logical3A_733 = arith.constant 7 : i32
        %shift_right_logical3A_734 = vector.broadcast %shift_right_logical3A_733 : i32 to vector<16xi32>
        %shift_right_logical3A_735 = arith.shrui %get3A_732, %shift_right_logical3A_734 : vector<16xi32>
        %and3A_736 = arith.constant 127 : i32
        %and3A_737 = vector.broadcast %and3A_736 : i32 to vector<16xi32>
        %and3A_738 = arith.andi %get3A_732, %and3A_737 : vector<16xi32>
        tpu.vector_store_idx %arg14[%shift_right_logical3A_735, %and3A_738], %broadcast_in_dim3A_43 {add = true} : memref<80x128xf32, #tpu.memory_space<vmem>>[vector<16xi32>, vector<16xi32>], vector<16xf32>,
        %get3A_739 = arith.constant 7 : i32
        %get3A_740 = arith.index_cast %get3A_739 : i32 to index
        %get3A_741 = arith.constant 48 : index
        %get3A_742 = tpu.vector_load %arg11[%get3A_740, %get3A_741] {strides = array<i32>} : memref<8x128xi32, #tpu.memory_space<vmem>>, vector<16xi32>,
        %shift_right_logical3A_743 = arith.constant 7 : i32
        %shift_right_logical3A_744 = vector.broadcast %shift_right_logical3A_743 : i32 to vector<16xi32>
        %shift_right_logical3A_745 = arith.shrui %get3A_742, %shift_right_logical3A_744 : vector<16xi32>
        %and3A_746 = arith.constant 127 : i32
        %and3A_747 = vector.broadcast %and3A_746 : i32 to vector<16xi32>
        %and3A_748 = arith.andi %get3A_742, %and3A_747 : vector<16xi32>
        tpu.vector_store_idx %arg14[%shift_right_logical3A_745, %and3A_748], %broadcast_in_dim3A_43 {add = true} : memref<80x128xf32, #tpu.memory_space<vmem>>[vector<16xi32>, vector<16xi32>], vector<16xf32>,
        %get3A_749 = arith.constant 7 : i32
        %get3A_750 = arith.index_cast %get3A_749 : i32 to index
        %get3A_751 = arith.constant 64 : index
        %get3A_752 = tpu.vector_load %arg11[%get3A_750, %get3A_751] {strides = array<i32>} : memref<8x128xi32, #tpu.memory_space<vmem>>, vector<16xi32>,
        %shift_right_logical3A_753 = arith.constant 7 : i32
        %shift_right_logical3A_754 = vector.broadcast %shift_right_logical3A_753 : i32 to vector<16xi32>
        %shift_right_logical3A_755 = arith.shrui %get3A_752, %shift_right_logical3A_754 : vector<16xi32>
        %and3A_756 = arith.constant 127 : i32
        %and3A_757 = vector.broadcast %and3A_756 : i32 to vector<16xi32>
        %and3A_758 = arith.andi %get3A_752, %and3A_757 : vector<16xi32>
        tpu.vector_store_idx %arg14[%shift_right_logical3A_755, %and3A_758], %broadcast_in_dim3A_43 {add = true} : memref<80x128xf32, #tpu.memory_space<vmem>>[vector<16xi32>, vector<16xi32>], vector<16xf32>,
        %get3A_759 = arith.constant 7 : i32
        %get3A_760 = arith.index_cast %get3A_759 : i32 to index
        %get3A_761 = arith.constant 80 : index
        %get3A_762 = tpu.vector_load %arg11[%get3A_760, %get3A_761] {strides = array<i32>} : memref<8x128xi32, #tpu.memory_space<vmem>>, vector<16xi32>,
        %shift_right_logical3A_763 = arith.constant 7 : i32
        %shift_right_logical3A_764 = vector.broadcast %shift_right_logical3A_763 : i32 to vector<16xi32>
        %shift_right_logical3A_765 = arith.shrui %get3A_762, %shift_right_logical3A_764 : vector<16xi32>
        %and3A_766 = arith.constant 127 : i32
        %and3A_767 = vector.broadcast %and3A_766 : i32 to vector<16xi32>
        %and3A_768 = arith.andi %get3A_762, %and3A_767 : vector<16xi32>
        tpu.vector_store_idx %arg14[%shift_right_logical3A_765, %and3A_768], %broadcast_in_dim3A_43 {add = true} : memref<80x128xf32, #tpu.memory_space<vmem>>[vector<16xi32>, vector<16xi32>], vector<16xf32>,
        %get3A_769 = arith.constant 7 : i32
        %get3A_770 = arith.index_cast %get3A_769 : i32 to index
        %get3A_771 = arith.constant 96 : index
        %get3A_772 = tpu.vector_load %arg11[%get3A_770, %get3A_771] {strides = array<i32>} : memref<8x128xi32, #tpu.memory_space<vmem>>, vector<16xi32>,
        %shift_right_logical3A_773 = arith.constant 7 : i32
        %shift_right_logical3A_774 = vector.broadcast %shift_right_logical3A_773 : i32 to vector<16xi32>
        %shift_right_logical3A_775 = arith.shrui %get3A_772, %shift_right_logical3A_774 : vector<16xi32>
        %and3A_776 = arith.constant 127 : i32
        %and3A_777 = vector.broadcast %and3A_776 : i32 to vector<16xi32>
        %and3A_778 = arith.andi %get3A_772, %and3A_777 : vector<16xi32>
        tpu.vector_store_idx %arg14[%shift_right_logical3A_775, %and3A_778], %broadcast_in_dim3A_43 {add = true} : memref<80x128xf32, #tpu.memory_space<vmem>>[vector<16xi32>, vector<16xi32>], vector<16xf32>,
        %get3A_779 = arith.constant 7 : i32
        %get3A_780 = arith.index_cast %get3A_779 : i32 to index
        %get3A_781 = arith.constant 112 : index
        %get3A_782 = tpu.vector_load %arg11[%get3A_780, %get3A_781] {strides = array<i32>} : memref<8x128xi32, #tpu.memory_space<vmem>>, vector<16xi32>,
        %shift_right_logical3A_783 = arith.constant 7 : i32
        %shift_right_logical3A_784 = vector.broadcast %shift_right_logical3A_783 : i32 to vector<16xi32>
        %shift_right_logical3A_785 = arith.shrui %get3A_782, %shift_right_logical3A_784 : vector<16xi32>
        %and3A_786 = arith.constant 127 : i32
        %and3A_787 = vector.broadcast %and3A_786 : i32 to vector<16xi32>
        %and3A_788 = arith.andi %get3A_782, %and3A_787 : vector<16xi32>
        tpu.vector_store_idx %arg14[%shift_right_logical3A_785, %and3A_788], %broadcast_in_dim3A_43 {add = true} : memref<80x128xf32, #tpu.memory_space<vmem>>[vector<16xi32>, vector<16xi32>], vector<16xf32>,
      } else {
      }
      %mul3A_384 = arith.constant 32 : i32
      %mul3A_385 = arith.muli %add3A_119, %mul3A_384 : i32
      %add3A_386 = arith.addi %mul3A_385, %add3A : i32
      %lt3A_387 = arith.constant 625 : i32
      %lt3A_388 = arith.cmpi slt, %add3A_386, %lt3A_387 : i32
      %convert_element_type3A_389 = arith.extui %lt3A_388 : i1 to i32
      %cond3A_390 = arith.constant 0 : i32
      %cond3A_391 = arith.cmpi ne, %convert_element_type3A_389, %cond3A_390 : i32
      scf.if %cond3A_391 {
        %mul3A_472 = arith.constant 32 : i32
        %mul3A_473 = arith.muli %add3A_119, %mul3A_472 : i32
        %add3A_474 = arith.addi %mul3A_473, %add3A : i32
        %dma_start3A = arith.constant 0 : i32
        %dma_start3A_475 = arith.constant 0 : i32
        %dma_start3A_476 = tpu.memref_slice %arg3[%add3A_474, %dma_start3A, %dma_start3A_475] : memref<625x8x128xi32, #tpu.memory_space<hbm>> -> memref<1x8x128xi32, #tpu.memory_space<hbm>>
        %dma_start3A_477 = tpu.memref_squeeze %dma_start3A_476 : memref<1x8x128xi32, #tpu.memory_space<hbm>> -> memref<8x128xi32, #tpu.memory_space<hbm>>
        %dma_start3A_478 = arith.constant 0 : i32
        %dma_start3A_479 = arith.constant 0 : i32
        %dma_start3A_480 = tpu.memref_slice %arg3[%add3A_474, %dma_start3A_478, %dma_start3A_479] : memref<625x8x128xi32, #tpu.memory_space<hbm>> -> memref<1x8x128xi32, #tpu.memory_space<hbm>>
        %dma_start3A_481 = tpu.memref_squeeze %dma_start3A_480 : memref<1x8x128xi32, #tpu.memory_space<hbm>> -> memref<8x128xi32, #tpu.memory_space<hbm>>
        tpu.enqueue_dma source(%dma_start3A_481 : memref<8x128xi32, #tpu.memory_space<hbm>>) target(%arg9 : memref<8x128xi32, #tpu.memory_space<vmem>>) target_semaphore(%arg20 : memref<!tpu.dma_semaphore, #tpu.memory_space<semaphore_mem>>)
      } else {
      }
      %mul3A_392 = arith.constant 32 : i32
      %mul3A_393 = arith.muli %add3A_113, %mul3A_392 : i32
      %add3A_394 = arith.addi %mul3A_393, %add3A : i32
      %lt3A_395 = arith.constant 625 : i32
      %lt3A_396 = arith.cmpi slt, %add3A_394, %lt3A_395 : i32
      %convert_element_type3A_397 = arith.extui %lt3A_396 : i1 to i32
      %cond3A_398 = arith.constant 0 : i32
      %cond3A_399 = arith.cmpi ne, %convert_element_type3A_397, %cond3A_398 : i32
      scf.if %cond3A_399 {
        %dma_wait3A = arith.constant 3 : i32
        %dma_wait3A_472 = arith.constant 0 : i32
        %dma_wait3A_473 = tpu.memref_slice %arg10[%dma_wait3A, %dma_wait3A_472] : memref<8x128xi32, #tpu.memory_space<vmem>> -> memref<1x128xi32, #tpu.memory_space<vmem>>
        %dma_wait3A_474 = tpu.memref_squeeze %dma_wait3A_473 : memref<1x128xi32, #tpu.memory_space<vmem>> -> memref<128xi32, #tpu.memory_space<vmem>>
        %dma_wait3A_475 = arith.constant 0 : i32
        %dma_wait3A_476 = arith.constant 0 : i32
        %dma_wait3A_477 = tpu.memref_slice %arg2[%dma_wait3A_475, %dma_wait3A_476] : memref<10000x128xf32, #tpu.memory_space<hbm>> -> memref<10000x128xf32, #tpu.memory_space<hbm>>
        tpu.wait_indirect_dma semaphore(%arg18 : memref<!tpu.dma_semaphore, #tpu.memory_space<semaphore_mem>>) src(%dma_wait3A_477 : memref<10000x128xf32, #tpu.memory_space<hbm>>) dst(%arg13 : memref<128x128xf32, #tpu.memory_space<vmem>>)
        %run_scoped3A = arith.constant 7 : i32
        "tpu.region"() ({
          %run_scoped3A_478 = tpu.sem_alloc : memref<!tpu.dma_semaphore, #tpu.memory_space<semaphore_mem>>
          %dma_start3A = arith.constant 0 : i32
          %dma_start3A_479 = tpu.memref_slice %arg10[%run_scoped3A, %dma_start3A] : memref<8x128xi32, #tpu.memory_space<vmem>> -> memref<1x128xi32, #tpu.memory_space<vmem>>
          %dma_start3A_480 = tpu.memref_squeeze %dma_start3A_479 : memref<1x128xi32, #tpu.memory_space<vmem>> -> memref<128xi32, #tpu.memory_space<vmem>>
          %dma_start3A_481 = arith.constant 0 : i32
          %dma_start3A_482 = arith.constant 0 : i32
          %dma_start3A_483 = tpu.memref_slice %arg7[%dma_start3A_481, %dma_start3A_482] : memref<10240x128xf32, #tpu.memory_space<vmem_shared>> -> memref<10240x128xf32, #tpu.memory_space<vmem_shared>>
          tpu.enqueue_indirect_dma source(%arg13 : memref<128x128xf32, #tpu.memory_space<vmem>>) target(%dma_start3A_483 : memref<10240x128xf32, #tpu.memory_space<vmem_shared>>) offsets(%dma_start3A_480 : memref<128xi32, #tpu.memory_space<vmem>>) semaphore(%run_scoped3A_478 : memref<!tpu.dma_semaphore, #tpu.memory_space<semaphore_mem>>) {add = true}
          %dma_wait3A_484 = arith.constant 0 : i32
          %dma_wait3A_485 = tpu.memref_slice %arg10[%run_scoped3A, %dma_wait3A_484] : memref<8x128xi32, #tpu.memory_space<vmem>> -> memref<1x128xi32, #tpu.memory_space<vmem>>
          %dma_wait3A_486 = tpu.memref_squeeze %dma_wait3A_485 : memref<1x128xi32, #tpu.memory_space<vmem>> -> memref<128xi32, #tpu.memory_space<vmem>>
          %dma_wait3A_487 = arith.constant 0 : i32
          %dma_wait3A_488 = arith.constant 0 : i32
          %dma_wait3A_489 = tpu.memref_slice %arg7[%dma_wait3A_487, %dma_wait3A_488] : memref<10240x128xf32, #tpu.memory_space<vmem_shared>> -> memref<10240x128xf32, #tpu.memory_space<vmem_shared>>
          tpu.wait_indirect_dma semaphore(%run_scoped3A_478 : memref<!tpu.dma_semaphore, #tpu.memory_space<semaphore_mem>>) src(%arg13 : memref<128x128xf32, #tpu.memory_space<vmem>>) dst(%dma_wait3A_489 : memref<10240x128xf32, #tpu.memory_space<vmem_shared>>)
          tpu.yield
        }) : () -> ()
      } else {
      }
      %mul3A_400 = arith.constant 32 : i32
      %mul3A_401 = arith.muli %add3A_115, %mul3A_400 : i32
      %add3A_402 = arith.addi %mul3A_401, %add3A : i32
      %lt3A_403 = arith.constant 625 : i32
      %lt3A_404 = arith.cmpi slt, %add3A_402, %lt3A_403 : i32
      %convert_element_type3A_405 = arith.extui %lt3A_404 : i1 to i32
      %cond3A_406 = arith.constant 0 : i32
      %cond3A_407 = arith.cmpi ne, %convert_element_type3A_405, %cond3A_406 : i32
      scf.if %cond3A_407 {
        %dma_start3A = arith.constant 1 : i32
        %dma_start3A_472 = arith.constant 0 : i32
        %dma_start3A_473 = tpu.memref_slice %arg11[%dma_start3A, %dma_start3A_472] : memref<8x128xi32, #tpu.memory_space<vmem>> -> memref<1x128xi32, #tpu.memory_space<vmem>>
        %dma_start3A_474 = tpu.memref_squeeze %dma_start3A_473 : memref<1x128xi32, #tpu.memory_space<vmem>> -> memref<128xi32, #tpu.memory_space<vmem>>
        %dma_start3A_475 = arith.constant 0 : i32
        %dma_start3A_476 = arith.constant 0 : i32
        %dma_start3A_477 = tpu.memref_slice %arg2[%dma_start3A_475, %dma_start3A_476] : memref<10000x128xf32, #tpu.memory_space<hbm>> -> memref<10000x128xf32, #tpu.memory_space<hbm>>
        tpu.enqueue_indirect_dma source(%dma_start3A_477 : memref<10000x128xf32, #tpu.memory_space<hbm>>) target(%arg13 : memref<128x128xf32, #tpu.memory_space<vmem>>) offsets(%dma_start3A_474 : memref<128xi32, #tpu.memory_space<vmem>>) semaphore(%arg18 : memref<!tpu.dma_semaphore, #tpu.memory_space<semaphore_mem>>)
      } else {
      }
      %mul3A_408 = arith.constant 32 : i32
      %mul3A_409 = arith.muli %add3A_115, %mul3A_408 : i32
      %add3A_410 = arith.addi %mul3A_409, %add3A : i32
      %lt3A_411 = arith.constant 625 : i32
      %lt3A_412 = arith.cmpi slt, %add3A_410, %lt3A_411 : i32
      %convert_element_type3A_413 = arith.extui %lt3A_412 : i1 to i32
      %cond3A_414 = arith.constant 0 : i32
      %cond3A_415 = arith.cmpi ne, %convert_element_type3A_413, %cond3A_414 : i32
      scf.if %cond3A_415 {
        %dma_wait3A = arith.constant 0 : i32
        %dma_wait3A_472 = arith.constant 0 : i32
        %dma_wait3A_473 = tpu.memref_slice %arg11[%dma_wait3A, %dma_wait3A_472] : memref<8x128xi32, #tpu.memory_space<vmem>> -> memref<1x128xi32, #tpu.memory_space<vmem>>
        %dma_wait3A_474 = tpu.memref_squeeze %dma_wait3A_473 : memref<1x128xi32, #tpu.memory_space<vmem>> -> memref<128xi32, #tpu.memory_space<vmem>>
        %dma_wait3A_475 = arith.constant 0 : i32
        %dma_wait3A_476 = arith.constant 0 : i32
        %dma_wait3A_477 = tpu.memref_slice %arg2[%dma_wait3A_475, %dma_wait3A_476] : memref<10000x128xf32, #tpu.memory_space<hbm>> -> memref<10000x128xf32, #tpu.memory_space<hbm>>
        tpu.wait_indirect_dma semaphore(%arg17 : memref<!tpu.dma_semaphore, #tpu.memory_space<semaphore_mem>>) src(%dma_wait3A_477 : memref<10000x128xf32, #tpu.memory_space<hbm>>) dst(%arg12 : memref<128x128xf32, #tpu.memory_space<vmem>>)
        %run_scoped3A = arith.constant 4 : i32
        "tpu.region"() ({
          %run_scoped3A_478 = tpu.sem_alloc : memref<!tpu.dma_semaphore, #tpu.memory_space<semaphore_mem>>
          %dma_start3A = arith.constant 0 : i32
          %dma_start3A_479 = tpu.memref_slice %arg11[%run_scoped3A, %dma_start3A] : memref<8x128xi32, #tpu.memory_space<vmem>> -> memref<1x128xi32, #tpu.memory_space<vmem>>
          %dma_start3A_480 = tpu.memref_squeeze %dma_start3A_479 : memref<1x128xi32, #tpu.memory_space<vmem>> -> memref<128xi32, #tpu.memory_space<vmem>>
          %dma_start3A_481 = arith.constant 0 : i32
          %dma_start3A_482 = arith.constant 0 : i32
          %dma_start3A_483 = tpu.memref_slice %arg7[%dma_start3A_481, %dma_start3A_482] : memref<10240x128xf32, #tpu.memory_space<vmem_shared>> -> memref<10240x128xf32, #tpu.memory_space<vmem_shared>>
          tpu.enqueue_indirect_dma source(%arg12 : memref<128x128xf32, #tpu.memory_space<vmem>>) target(%dma_start3A_483 : memref<10240x128xf32, #tpu.memory_space<vmem_shared>>) offsets(%dma_start3A_480 : memref<128xi32, #tpu.memory_space<vmem>>) semaphore(%run_scoped3A_478 : memref<!tpu.dma_semaphore, #tpu.memory_space<semaphore_mem>>) {add = true}
          %dma_wait3A_484 = arith.constant 0 : i32
          %dma_wait3A_485 = tpu.memref_slice %arg11[%run_scoped3A, %dma_wait3A_484] : memref<8x128xi32, #tpu.memory_space<vmem>> -> memref<1x128xi32, #tpu.memory_space<vmem>>
          %dma_wait3A_486 = tpu.memref_squeeze %dma_wait3A_485 : memref<1x128xi32, #tpu.memory_space<vmem>> -> memref<128xi32, #tpu.memory_space<vmem>>
          %dma_wait3A_487 = arith.constant 0 : i32
          %dma_wait3A_488 = arith.constant 0 : i32
          %dma_wait3A_489 = tpu.memref_slice %arg7[%dma_wait3A_487, %dma_wait3A_488] : memref<10240x128xf32, #tpu.memory_space<vmem_shared>> -> memref<10240x128xf32, #tpu.memory_space<vmem_shared>>
          tpu.wait_indirect_dma semaphore(%run_scoped3A_478 : memref<!tpu.dma_semaphore, #tpu.memory_space<semaphore_mem>>) src(%arg12 : memref<128x128xf32, #tpu.memory_space<vmem>>) dst(%dma_wait3A_489 : memref<10240x128xf32, #tpu.memory_space<vmem_shared>>)
          tpu.yield
        }) : () -> ()
      } else {
      }
      %mul3A_416 = arith.constant 32 : i32
      %mul3A_417 = arith.muli %add3A_115, %mul3A_416 : i32
      %add3A_418 = arith.addi %mul3A_417, %add3A : i32
      %lt3A_419 = arith.constant 625 : i32
      %lt3A_420 = arith.cmpi slt, %add3A_418, %lt3A_419 : i32
      %convert_element_type3A_421 = arith.extui %lt3A_420 : i1 to i32
      %cond3A_422 = arith.constant 0 : i32
      %cond3A_423 = arith.cmpi ne, %convert_element_type3A_421, %cond3A_422 : i32
      scf.if %cond3A_423 {
        %dma_start3A = arith.constant 2 : i32
        %dma_start3A_472 = arith.constant 0 : i32
        %dma_start3A_473 = tpu.memref_slice %arg11[%dma_start3A, %dma_start3A_472] : memref<8x128xi32, #tpu.memory_space<vmem>> -> memref<1x128xi32, #tpu.memory_space<vmem>>
        %dma_start3A_474 = tpu.memref_squeeze %dma_start3A_473 : memref<1x128xi32, #tpu.memory_space<vmem>> -> memref<128xi32, #tpu.memory_space<vmem>>
        %dma_start3A_475 = arith.constant 0 : i32
        %dma_start3A_476 = arith.constant 0 : i32
        %dma_start3A_477 = tpu.memref_slice %arg2[%dma_start3A_475, %dma_start3A_476] : memref<10000x128xf32, #tpu.memory_space<hbm>> -> memref<10000x128xf32, #tpu.memory_space<hbm>>
        tpu.enqueue_indirect_dma source(%dma_start3A_477 : memref<10000x128xf32, #tpu.memory_space<hbm>>) target(%arg12 : memref<128x128xf32, #tpu.memory_space<vmem>>) offsets(%dma_start3A_474 : memref<128xi32, #tpu.memory_space<vmem>>) semaphore(%arg17 : memref<!tpu.dma_semaphore, #tpu.memory_space<semaphore_mem>>)
      } else {
      }
      %mul3A_424 = arith.constant 32 : i32
      %mul3A_425 = arith.muli %add3A_117, %mul3A_424 : i32
      %add3A_426 = arith.addi %mul3A_425, %add3A : i32
      %lt3A_427 = arith.constant 625 : i32
      %lt3A_428 = arith.cmpi slt, %add3A_426, %lt3A_427 : i32
      %convert_element_type3A_429 = arith.extui %lt3A_428 : i1 to i32
      %cond3A_430 = arith.constant 0 : i32
      %cond3A_431 = arith.cmpi ne, %convert_element_type3A_429, %cond3A_430 : i32
      scf.if %cond3A_431 {
        %mul3A_472 = arith.constant 32 : i32
        %mul3A_473 = arith.muli %add3A_117, %mul3A_472 : i32
        %add3A_474 = arith.addi %mul3A_473, %add3A : i32
        %dma_wait3A = arith.constant 0 : i32
        %dma_wait3A_475 = arith.constant 0 : i32
        %dma_wait3A_476 = tpu.memref_slice %arg3[%add3A_474, %dma_wait3A, %dma_wait3A_475] : memref<625x8x128xi32, #tpu.memory_space<hbm>> -> memref<1x8x128xi32, #tpu.memory_space<hbm>>
        %dma_wait3A_477 = tpu.memref_squeeze %dma_wait3A_476 : memref<1x8x128xi32, #tpu.memory_space<hbm>> -> memref<8x128xi32, #tpu.memory_space<hbm>>
        %dma_wait3A_478 = arith.constant 0 : i32
        %dma_wait3A_479 = arith.constant 0 : i32
        %dma_wait3A_480 = tpu.memref_slice %arg3[%add3A_474, %dma_wait3A_478, %dma_wait3A_479] : memref<625x8x128xi32, #tpu.memory_space<hbm>> -> memref<1x8x128xi32, #tpu.memory_space<hbm>>
        %dma_wait3A_481 = tpu.memref_squeeze %dma_wait3A_480 : memref<1x8x128xi32, #tpu.memory_space<hbm>> -> memref<8x128xi32, #tpu.memory_space<hbm>>
        tpu.wait_dma2 semaphore(%arg19 : memref<!tpu.dma_semaphore, #tpu.memory_space<semaphore_mem>>) src(%dma_wait3A_481 : memref<8x128xi32, #tpu.memory_space<hbm>>) dst(%arg8 : memref<8x128xi32, #tpu.memory_space<vmem>>)
      } else {
      }
      %mul3A_432 = arith.constant 32 : i32
      %mul3A_433 = arith.muli %add3A_115, %mul3A_432 : i32
      %add3A_434 = arith.addi %mul3A_433, %add3A : i32
      %lt3A_435 = arith.constant 625 : i32
      %lt3A_436 = arith.cmpi slt, %add3A_434, %lt3A_435 : i32
      %convert_element_type3A_437 = arith.extui %lt3A_436 : i1 to i32
      %cond3A_438 = arith.constant 0 : i32
      %cond3A_439 = arith.cmpi ne, %convert_element_type3A_437, %cond3A_438 : i32
      scf.if %cond3A_439 {
        %dma_wait3A = arith.constant 1 : i32
        %dma_wait3A_472 = arith.constant 0 : i32
        %dma_wait3A_473 = tpu.memref_slice %arg11[%dma_wait3A, %dma_wait3A_472] : memref<8x128xi32, #tpu.memory_space<vmem>> -> memref<1x128xi32, #tpu.memory_space<vmem>>
        %dma_wait3A_474 = tpu.memref_squeeze %dma_wait3A_473 : memref<1x128xi32, #tpu.memory_space<vmem>> -> memref<128xi32, #tpu.memory_space<vmem>>
        %dma_wait3A_475 = arith.constant 0 : i32
        %dma_wait3A_476 = arith.constant 0 : i32
        %dma_wait3A_477 = tpu.memref_slice %arg2[%dma_wait3A_475, %dma_wait3A_476] : memref<10000x128xf32, #tpu.memory_space<hbm>> -> memref<10000x128xf32, #tpu.memory_space<hbm>>
        tpu.wait_indirect_dma semaphore(%arg18 : memref<!tpu.dma_semaphore, #tpu.memory_space<semaphore_mem>>) src(%dma_wait3A_477 : memref<10000x128xf32, #tpu.memory_space<hbm>>) dst(%arg13 : memref<128x128xf32, #tpu.memory_space<vmem>>)
        %run_scoped3A = arith.constant 5 : i32
        "tpu.region"() ({
          %run_scoped3A_478 = tpu.sem_alloc : memref<!tpu.dma_semaphore, #tpu.memory_space<semaphore_mem>>
          %dma_start3A = arith.constant 0 : i32
          %dma_start3A_479 = tpu.memref_slice %arg11[%run_scoped3A, %dma_start3A] : memref<8x128xi32, #tpu.memory_space<vmem>> -> memref<1x128xi32, #tpu.memory_space<vmem>>
          %dma_start3A_480 = tpu.memref_squeeze %dma_start3A_479 : memref<1x128xi32, #tpu.memory_space<vmem>> -> memref<128xi32, #tpu.memory_space<vmem>>
          %dma_start3A_481 = arith.constant 0 : i32
          %dma_start3A_482 = arith.constant 0 : i32
          %dma_start3A_483 = tpu.memref_slice %arg7[%dma_start3A_481, %dma_start3A_482] : memref<10240x128xf32, #tpu.memory_space<vmem_shared>> -> memref<10240x128xf32, #tpu.memory_space<vmem_shared>>
          tpu.enqueue_indirect_dma source(%arg13 : memref<128x128xf32, #tpu.memory_space<vmem>>) target(%dma_start3A_483 : memref<10240x128xf32, #tpu.memory_space<vmem_shared>>) offsets(%dma_start3A_480 : memref<128xi32, #tpu.memory_space<vmem>>) semaphore(%run_scoped3A_478 : memref<!tpu.dma_semaphore, #tpu.memory_space<semaphore_mem>>) {add = true}
          %dma_wait3A_484 = arith.constant 0 : i32
          %dma_wait3A_485 = tpu.memref_slice %arg11[%run_scoped3A, %dma_wait3A_484] : memref<8x128xi32, #tpu.memory_space<vmem>> -> memref<1x128xi32, #tpu.memory_space<vmem>>
          %dma_wait3A_486 = tpu.memref_squeeze %dma_wait3A_485 : memref<1x128xi32, #tpu.memory_space<vmem>> -> memref<128xi32, #tpu.memory_space<vmem>>
          %dma_wait3A_487 = arith.constant 0 : i32
          %dma_wait3A_488 = arith.constant 0 : i32
          %dma_wait3A_489 = tpu.memref_slice %arg7[%dma_wait3A_487, %dma_wait3A_488] : memref<10240x128xf32, #tpu.memory_space<vmem_shared>> -> memref<10240x128xf32, #tpu.memory_space<vmem_shared>>
          tpu.wait_indirect_dma semaphore(%run_scoped3A_478 : memref<!tpu.dma_semaphore, #tpu.memory_space<semaphore_mem>>) src(%arg13 : memref<128x128xf32, #tpu.memory_space<vmem>>) dst(%dma_wait3A_489 : memref<10240x128xf32, #tpu.memory_space<vmem_shared>>)
          tpu.yield
        }) : () -> ()
      } else {
      }
      %mul3A_440 = arith.constant 32 : i32
      %mul3A_441 = arith.muli %add3A_115, %mul3A_440 : i32
      %add3A_442 = arith.addi %mul3A_441, %add3A : i32
      %lt3A_443 = arith.constant 625 : i32
      %lt3A_444 = arith.cmpi slt, %add3A_442, %lt3A_443 : i32
      %convert_element_type3A_445 = arith.extui %lt3A_444 : i1 to i32
      %cond3A_446 = arith.constant 0 : i32
      %cond3A_447 = arith.cmpi ne, %convert_element_type3A_445, %cond3A_446 : i32
      scf.if %cond3A_447 {
        %dma_start3A = arith.constant 3 : i32
        %dma_start3A_472 = arith.constant 0 : i32
        %dma_start3A_473 = tpu.memref_slice %arg11[%dma_start3A, %dma_start3A_472] : memref<8x128xi32, #tpu.memory_space<vmem>> -> memref<1x128xi32, #tpu.memory_space<vmem>>
        %dma_start3A_474 = tpu.memref_squeeze %dma_start3A_473 : memref<1x128xi32, #tpu.memory_space<vmem>> -> memref<128xi32, #tpu.memory_space<vmem>>
        %dma_start3A_475 = arith.constant 0 : i32
        %dma_start3A_476 = arith.constant 0 : i32
        %dma_start3A_477 = tpu.memref_slice %arg2[%dma_start3A_475, %dma_start3A_476] : memref<10000x128xf32, #tpu.memory_space<hbm>> -> memref<10000x128xf32, #tpu.memory_space<hbm>>
        tpu.enqueue_indirect_dma source(%dma_start3A_477 : memref<10000x128xf32, #tpu.memory_space<hbm>>) target(%arg13 : memref<128x128xf32, #tpu.memory_space<vmem>>) offsets(%dma_start3A_474 : memref<128xi32, #tpu.memory_space<vmem>>) semaphore(%arg18 : memref<!tpu.dma_semaphore, #tpu.memory_space<semaphore_mem>>)
      } else {
      }
      %mul3A_448 = arith.constant 32 : i32
      %mul3A_449 = arith.muli %add3A_115, %mul3A_448 : i32
      %add3A_450 = arith.addi %mul3A_449, %add3A : i32
      %lt3A_451 = arith.constant 625 : i32
      %lt3A_452 = arith.cmpi slt, %add3A_450, %lt3A_451 : i32
      %convert_element_type3A_453 = arith.extui %lt3A_452 : i1 to i32
      %cond3A_454 = arith.constant 0 : i32
      %cond3A_455 = arith.cmpi ne, %convert_element_type3A_453, %cond3A_454 : i32
      scf.if %cond3A_455 {
        %dma_wait3A = arith.constant 2 : i32
        %dma_wait3A_472 = arith.constant 0 : i32
        %dma_wait3A_473 = tpu.memref_slice %arg11[%dma_wait3A, %dma_wait3A_472] : memref<8x128xi32, #tpu.memory_space<vmem>> -> memref<1x128xi32, #tpu.memory_space<vmem>>
        %dma_wait3A_474 = tpu.memref_squeeze %dma_wait3A_473 : memref<1x128xi32, #tpu.memory_space<vmem>> -> memref<128xi32, #tpu.memory_space<vmem>>
        %dma_wait3A_475 = arith.constant 0 : i32
        %dma_wait3A_476 = arith.constant 0 : i32
        %dma_wait3A_477 = tpu.memref_slice %arg2[%dma_wait3A_475, %dma_wait3A_476] : memref<10000x128xf32, #tpu.memory_space<hbm>> -> memref<10000x128xf32, #tpu.memory_space<hbm>>
        tpu.wait_indirect_dma semaphore(%arg17 : memref<!tpu.dma_semaphore, #tpu.memory_space<semaphore_mem>>) src(%dma_wait3A_477 : memref<10000x128xf32, #tpu.memory_space<hbm>>) dst(%arg12 : memref<128x128xf32, #tpu.memory_space<vmem>>)
        %run_scoped3A = arith.constant 6 : i32
        "tpu.region"() ({
          %run_scoped3A_478 = tpu.sem_alloc : memref<!tpu.dma_semaphore, #tpu.memory_space<semaphore_mem>>
          %dma_start3A = arith.constant 0 : i32
          %dma_start3A_479 = tpu.memref_slice %arg11[%run_scoped3A, %dma_start3A] : memref<8x128xi32, #tpu.memory_space<vmem>> -> memref<1x128xi32, #tpu.memory_space<vmem>>
          %dma_start3A_480 = tpu.memref_squeeze %dma_start3A_479 : memref<1x128xi32, #tpu.memory_space<vmem>> -> memref<128xi32, #tpu.memory_space<vmem>>
          %dma_start3A_481 = arith.constant 0 : i32
          %dma_start3A_482 = arith.constant 0 : i32
          %dma_start3A_483 = tpu.memref_slice %arg7[%dma_start3A_481, %dma_start3A_482] : memref<10240x128xf32, #tpu.memory_space<vmem_shared>> -> memref<10240x128xf32, #tpu.memory_space<vmem_shared>>
          tpu.enqueue_indirect_dma source(%arg12 : memref<128x128xf32, #tpu.memory_space<vmem>>) target(%dma_start3A_483 : memref<10240x128xf32, #tpu.memory_space<vmem_shared>>) offsets(%dma_start3A_480 : memref<128xi32, #tpu.memory_space<vmem>>) semaphore(%run_scoped3A_478 : memref<!tpu.dma_semaphore, #tpu.memory_space<semaphore_mem>>) {add = true}
          %dma_wait3A_484 = arith.constant 0 : i32
          %dma_wait3A_485 = tpu.memref_slice %arg11[%run_scoped3A, %dma_wait3A_484] : memref<8x128xi32, #tpu.memory_space<vmem>> -> memref<1x128xi32, #tpu.memory_space<vmem>>
          %dma_wait3A_486 = tpu.memref_squeeze %dma_wait3A_485 : memref<1x128xi32, #tpu.memory_space<vmem>> -> memref<128xi32, #tpu.memory_space<vmem>>
          %dma_wait3A_487 = arith.constant 0 : i32
          %dma_wait3A_488 = arith.constant 0 : i32
          %dma_wait3A_489 = tpu.memref_slice %arg7[%dma_wait3A_487, %dma_wait3A_488] : memref<10240x128xf32, #tpu.memory_space<vmem_shared>> -> memref<10240x128xf32, #tpu.memory_space<vmem_shared>>
          tpu.wait_indirect_dma semaphore(%run_scoped3A_478 : memref<!tpu.dma_semaphore, #tpu.memory_space<semaphore_mem>>) src(%arg12 : memref<128x128xf32, #tpu.memory_space<vmem>>) dst(%dma_wait3A_489 : memref<10240x128xf32, #tpu.memory_space<vmem_shared>>)
          tpu.yield
        }) : () -> ()
      } else {
      }
      %mul3A_456 = arith.constant 32 : i32
      %mul3A_457 = arith.muli %add3A_117, %mul3A_456 : i32
      %add3A_458 = arith.addi %mul3A_457, %add3A : i32
      %lt3A_459 = arith.constant 625 : i32
      %lt3A_460 = arith.cmpi slt, %add3A_458, %lt3A_459 : i32
      %convert_element_type3A_461 = arith.extui %lt3A_460 : i1 to i32
      %cond3A_462 = arith.constant 0 : i32
      %cond3A_463 = arith.cmpi ne, %convert_element_type3A_461, %cond3A_462 : i32
      scf.if %cond3A_463 {
        %dma_start3A = arith.constant 0 : i32
        %dma_start3A_472 = arith.constant 0 : i32
        %dma_start3A_473 = tpu.memref_slice %arg8[%dma_start3A, %dma_start3A_472] : memref<8x128xi32, #tpu.memory_space<vmem>> -> memref<1x128xi32, #tpu.memory_space<vmem>>
        %dma_start3A_474 = tpu.memref_squeeze %dma_start3A_473 : memref<1x128xi32, #tpu.memory_space<vmem>> -> memref<128xi32, #tpu.memory_space<vmem>>
        %dma_start3A_475 = arith.constant 0 : i32
        %dma_start3A_476 = arith.constant 0 : i32
        %dma_start3A_477 = tpu.memref_slice %arg2[%dma_start3A_475, %dma_start3A_476] : memref<10000x128xf32, #tpu.memory_space<hbm>> -> memref<10000x128xf32, #tpu.memory_space<hbm>>
        tpu.enqueue_indirect_dma source(%dma_start3A_477 : memref<10000x128xf32, #tpu.memory_space<hbm>>) target(%arg12 : memref<128x128xf32, #tpu.memory_space<vmem>>) offsets(%dma_start3A_474 : memref<128xi32, #tpu.memory_space<vmem>>) semaphore(%arg17 : memref<!tpu.dma_semaphore, #tpu.memory_space<semaphore_mem>>)
      } else {
      }
      %mul3A_464 = arith.constant 32 : i32
      %mul3A_465 = arith.muli %add3A_115, %mul3A_464 : i32
      %add3A_466 = arith.addi %mul3A_465, %add3A : i32
      %lt3A_467 = arith.constant 625 : i32
      %lt3A_468 = arith.cmpi slt, %add3A_466, %lt3A_467 : i32
      %convert_element_type3A_469 = arith.extui %lt3A_468 : i1 to i32
      %cond3A_470 = arith.constant 0 : i32
      %cond3A_471 = arith.cmpi ne, %convert_element_type3A_469, %cond3A_470 : i32
      scf.if %cond3A_471 {
        %dma_wait3A = arith.constant 3 : i32
        %dma_wait3A_472 = arith.constant 0 : i32
        %dma_wait3A_473 = tpu.memref_slice %arg11[%dma_wait3A, %dma_wait3A_472] : memref<8x128xi32, #tpu.memory_space<vmem>> -> memref<1x128xi32, #tpu.memory_space<vmem>>
        %dma_wait3A_474 = tpu.memref_squeeze %dma_wait3A_473 : memref<1x128xi32, #tpu.memory_space<vmem>> -> memref<128xi32, #tpu.memory_space<vmem>>
        %dma_wait3A_475 = arith.constant 0 : i32
        %dma_wait3A_476 = arith.constant 0 : i32
        %dma_wait3A_477 = tpu.memref_slice %arg2[%dma_wait3A_475, %dma_wait3A_476] : memref<10000x128xf32, #tpu.memory_space<hbm>> -> memref<10000x128xf32, #tpu.memory_space<hbm>>
        tpu.wait_indirect_dma semaphore(%arg18 : memref<!tpu.dma_semaphore, #tpu.memory_space<semaphore_mem>>) src(%dma_wait3A_477 : memref<10000x128xf32, #tpu.memory_space<hbm>>) dst(%arg13 : memref<128x128xf32, #tpu.memory_space<vmem>>)
        %run_scoped3A = arith.constant 7 : i32
        "tpu.region"() ({
          %run_scoped3A_478 = tpu.sem_alloc : memref<!tpu.dma_semaphore, #tpu.memory_space<semaphore_mem>>
          %dma_start3A = arith.constant 0 : i32
          %dma_start3A_479 = tpu.memref_slice %arg11[%run_scoped3A, %dma_start3A] : memref<8x128xi32, #tpu.memory_space<vmem>> -> memref<1x128xi32, #tpu.memory_space<vmem>>
          %dma_start3A_480 = tpu.memref_squeeze %dma_start3A_479 : memref<1x128xi32, #tpu.memory_space<vmem>> -> memref<128xi32, #tpu.memory_space<vmem>>
          %dma_start3A_481 = arith.constant 0 : i32
          %dma_start3A_482 = arith.constant 0 : i32
          %dma_start3A_483 = tpu.memref_slice %arg7[%dma_start3A_481, %dma_start3A_482] : memref<10240x128xf32, #tpu.memory_space<vmem_shared>> -> memref<10240x128xf32, #tpu.memory_space<vmem_shared>>
          tpu.enqueue_indirect_dma source(%arg13 : memref<128x128xf32, #tpu.memory_space<vmem>>) target(%dma_start3A_483 : memref<10240x128xf32, #tpu.memory_space<vmem_shared>>) offsets(%dma_start3A_480 : memref<128xi32, #tpu.memory_space<vmem>>) semaphore(%run_scoped3A_478 : memref<!tpu.dma_semaphore, #tpu.memory_space<semaphore_mem>>) {add = true}
          %dma_wait3A_484 = arith.constant 0 : i32
          %dma_wait3A_485 = tpu.memref_slice %arg11[%run_scoped3A, %dma_wait3A_484] : memref<8x128xi32, #tpu.memory_space<vmem>> -> memref<1x128xi32, #tpu.memory_space<vmem>>
          %dma_wait3A_486 = tpu.memref_squeeze %dma_wait3A_485 : memref<1x128xi32, #tpu.memory_space<vmem>> -> memref<128xi32, #tpu.memory_space<vmem>>
          %dma_wait3A_487 = arith.constant 0 : i32
          %dma_wait3A_488 = arith.constant 0 : i32
          %dma_wait3A_489 = tpu.memref_slice %arg7[%dma_wait3A_487, %dma_wait3A_488] : memref<10240x128xf32, #tpu.memory_space<vmem_shared>> -> memref<10240x128xf32, #tpu.memory_space<vmem_shared>>
          tpu.wait_indirect_dma semaphore(%run_scoped3A_478 : memref<!tpu.dma_semaphore, #tpu.memory_space<semaphore_mem>>) src(%arg13 : memref<128x128xf32, #tpu.memory_space<vmem>>) dst(%dma_wait3A_489 : memref<10240x128xf32, #tpu.memory_space<vmem_shared>>)
          tpu.yield
        }) : () -> ()
      } else {
      }
    }
    %scan3A_75 = arith.constant 5 : i32
    "tpu.region"() ({
      %run_scoped3A = tpu.sem_alloc : memref<!tpu.dma_semaphore, #tpu.memory_space<semaphore_mem>>
      %dma_start3A = arith.constant 0 : i32
      %dma_start3A_107 = arith.constant 0 : i32
      %dma_start3A_108 = tpu.memref_slice %arg16[%dma_start3A, %dma_start3A_107] : memref<80x128xf32, #tpu.memory_space<vmem_shared>> -> memref<80x128xf32, #tpu.memory_space<vmem_shared>>
      tpu.enqueue_indirect_dma source(%arg14 : memref<80x128xf32, #tpu.memory_space<vmem>>) target(%dma_start3A_108 : memref<80x128xf32, #tpu.memory_space<vmem_shared>>) offsets(%arg15 : memref<80xi32, #tpu.memory_space<vmem>>) semaphore(%run_scoped3A : memref<!tpu.dma_semaphore, #tpu.memory_space<semaphore_mem>>) {add = true}
      %dma_wait3A = arith.constant 0 : i32
      %dma_wait3A_109 = arith.constant 0 : i32
      %dma_wait3A_110 = tpu.memref_slice %arg16[%dma_wait3A, %dma_wait3A_109] : memref<80x128xf32, #tpu.memory_space<vmem_shared>> -> memref<80x128xf32, #tpu.memory_space<vmem_shared>>
      tpu.wait_indirect_dma semaphore(%run_scoped3A : memref<!tpu.dma_semaphore, #tpu.memory_space<semaphore_mem>>) src(%arg14 : memref<80x128xf32, #tpu.memory_space<vmem>>) dst(%dma_wait3A_110 : memref<80x128xf32, #tpu.memory_space<vmem_shared>>)
      tpu.yield
    }) : () -> ()
    %barrier3A_76 = arith.constant 0 : index
    tpu.barrier barrier_id(%barrier3A_76)
    %add3A_77 = arith.constant 0 : i32
    %add3A_78 = arith.addi %mul3A_2, %add3A_77 : i32
    "tpu.region"() ({
      %run_scoped3A = tpu.sem_alloc : memref<!tpu.dma_semaphore, #tpu.memory_space<semaphore_mem>>
      %dma_start3A = arith.constant 0 : i32
      %dma_start3A_107 = tpu.memref_slice %arg7[%add3A_78, %dma_start3A] : memref<10240x128xf32, #tpu.memory_space<vmem_shared>> -> memref<128x128xf32, #tpu.memory_space<vmem_shared>>
      %dma_start3A_108 = arith.constant 0 : i32
      %dma_start3A_109 = tpu.memref_slice %arg7[%add3A_78, %dma_start3A_108] : memref<10240x128xf32, #tpu.memory_space<vmem_shared>> -> memref<128x128xf32, #tpu.memory_space<vmem_shared>>
      tpu.enqueue_dma source(%dma_start3A_109 : memref<128x128xf32, #tpu.memory_space<vmem_shared>>) target(%arg12 : memref<128x128xf32, #tpu.memory_space<vmem>>) target_semaphore(%run_scoped3A : memref<!tpu.dma_semaphore, #tpu.memory_space<semaphore_mem>>)
      %dma_wait3A = arith.constant 0 : i32
      %dma_wait3A_110 = tpu.memref_slice %arg7[%add3A_78, %dma_wait3A] : memref<10240x128xf32, #tpu.memory_space<vmem_shared>> -> memref<128x128xf32, #tpu.memory_space<vmem_shared>>
      %dma_wait3A_111 = arith.constant 0 : i32
      %dma_wait3A_112 = tpu.memref_slice %arg7[%add3A_78, %dma_wait3A_111] : memref<10240x128xf32, #tpu.memory_space<vmem_shared>> -> memref<128x128xf32, #tpu.memory_space<vmem_shared>>
      tpu.wait_dma2 semaphore(%run_scoped3A : memref<!tpu.dma_semaphore, #tpu.memory_space<semaphore_mem>>) src(%dma_wait3A_112 : memref<128x128xf32, #tpu.memory_space<vmem_shared>>) dst(%arg12 : memref<128x128xf32, #tpu.memory_space<vmem>>)
      tpu.yield
    }) : () -> ()
    %mul3A_79 = arith.constant 10240 : i32
    %mul3A_80 = arith.muli %arg0, %mul3A_79 : i32
    %add3A_81 = arith.addi %mul3A_80, %add3A_78 : i32
    "tpu.region"() ({
      %run_scoped3A = tpu.sem_alloc : memref<!tpu.dma_semaphore, #tpu.memory_space<semaphore_mem>>
      %dma_start3A = arith.constant 0 : i32
      %dma_start3A_107 = tpu.memref_slice %arg5[%add3A_81, %dma_start3A] : memref<20480x128xf32, #tpu.memory_space<hbm>> -> memref<128x128xf32, #tpu.memory_space<hbm>>
      %dma_start3A_108 = arith.constant 0 : i32
      %dma_start3A_109 = tpu.memref_slice %arg5[%add3A_81, %dma_start3A_108] : memref<20480x128xf32, #tpu.memory_space<hbm>> -> memref<128x128xf32, #tpu.memory_space<hbm>>
      tpu.enqueue_dma source(%arg12 : memref<128x128xf32, #tpu.memory_space<vmem>>) target(%dma_start3A_109 : memref<128x128xf32, #tpu.memory_space<hbm>>) target_semaphore(%run_scoped3A : memref<!tpu.dma_semaphore, #tpu.memory_space<semaphore_mem>>)
      %dma_wait3A = arith.constant 0 : i32
      %dma_wait3A_110 = tpu.memref_slice %arg5[%add3A_81, %dma_wait3A] : memref<20480x128xf32, #tpu.memory_space<hbm>> -> memref<128x128xf32, #tpu.memory_space<hbm>>
      %dma_wait3A_111 = arith.constant 0 : i32
      %dma_wait3A_112 = tpu.memref_slice %arg5[%add3A_81, %dma_wait3A_111] : memref<20480x128xf32, #tpu.memory_space<hbm>> -> memref<128x128xf32, #tpu.memory_space<hbm>>
      tpu.wait_dma2 semaphore(%run_scoped3A : memref<!tpu.dma_semaphore, #tpu.memory_space<semaphore_mem>>) src(%arg12 : memref<128x128xf32, #tpu.memory_space<vmem>>) dst(%dma_wait3A_112 : memref<128x128xf32, #tpu.memory_space<hbm>>)
      tpu.yield
    }) : () -> ()
    %add3A_82 = arith.constant 128 : i32
    %add3A_83 = arith.addi %mul3A_2, %add3A_82 : i32
    "tpu.region"() ({
      %run_scoped3A = tpu.sem_alloc : memref<!tpu.dma_semaphore, #tpu.memory_space<semaphore_mem>>
      %dma_start3A = arith.constant 0 : i32
      %dma_start3A_107 = tpu.memref_slice %arg7[%add3A_83, %dma_start3A] : memref<10240x128xf32, #tpu.memory_space<vmem_shared>> -> memref<128x128xf32, #tpu.memory_space<vmem_shared>>
      %dma_start3A_108 = arith.constant 0 : i32
      %dma_start3A_109 = tpu.memref_slice %arg7[%add3A_83, %dma_start3A_108] : memref<10240x128xf32, #tpu.memory_space<vmem_shared>> -> memref<128x128xf32, #tpu.memory_space<vmem_shared>>
      tpu.enqueue_dma source(%dma_start3A_109 : memref<128x128xf32, #tpu.memory_space<vmem_shared>>) target(%arg12 : memref<128x128xf32, #tpu.memory_space<vmem>>) target_semaphore(%run_scoped3A : memref<!tpu.dma_semaphore, #tpu.memory_space<semaphore_mem>>)
      %dma_wait3A = arith.constant 0 : i32
      %dma_wait3A_110 = tpu.memref_slice %arg7[%add3A_83, %dma_wait3A] : memref<10240x128xf32, #tpu.memory_space<vmem_shared>> -> memref<128x128xf32, #tpu.memory_space<vmem_shared>>
      %dma_wait3A_111 = arith.constant 0 : i32
      %dma_wait3A_112 = tpu.memref_slice %arg7[%add3A_83, %dma_wait3A_111] : memref<10240x128xf32, #tpu.memory_space<vmem_shared>> -> memref<128x128xf32, #tpu.memory_space<vmem_shared>>
      tpu.wait_dma2 semaphore(%run_scoped3A : memref<!tpu.dma_semaphore, #tpu.memory_space<semaphore_mem>>) src(%dma_wait3A_112 : memref<128x128xf32, #tpu.memory_space<vmem_shared>>) dst(%arg12 : memref<128x128xf32, #tpu.memory_space<vmem>>)
      tpu.yield
    }) : () -> ()
    %mul3A_84 = arith.constant 10240 : i32
    %mul3A_85 = arith.muli %arg0, %mul3A_84 : i32
    %add3A_86 = arith.addi %mul3A_85, %add3A_83 : i32
    "tpu.region"() ({
      %run_scoped3A = tpu.sem_alloc : memref<!tpu.dma_semaphore, #tpu.memory_space<semaphore_mem>>
      %dma_start3A = arith.constant 0 : i32
      %dma_start3A_107 = tpu.memref_slice %arg5[%add3A_86, %dma_start3A] : memref<20480x128xf32, #tpu.memory_space<hbm>> -> memref<128x128xf32, #tpu.memory_space<hbm>>
      %dma_start3A_108 = arith.constant 0 : i32
      %dma_start3A_109 = tpu.memref_slice %arg5[%add3A_86, %dma_start3A_108] : memref<20480x128xf32, #tpu.memory_space<hbm>> -> memref<128x128xf32, #tpu.memory_space<hbm>>
      tpu.enqueue_dma source(%arg12 : memref<128x128xf32, #tpu.memory_space<vmem>>) target(%dma_start3A_109 : memref<128x128xf32, #tpu.memory_space<hbm>>) target_semaphore(%run_scoped3A : memref<!tpu.dma_semaphore, #tpu.memory_space<semaphore_mem>>)
      %dma_wait3A = arith.constant 0 : i32
      %dma_wait3A_110 = tpu.memref_slice %arg5[%add3A_86, %dma_wait3A] : memref<20480x128xf32, #tpu.memory_space<hbm>> -> memref<128x128xf32, #tpu.memory_space<hbm>>
      %dma_wait3A_111 = arith.constant 0 : i32
      %dma_wait3A_112 = tpu.memref_slice %arg5[%add3A_86, %dma_wait3A_111] : memref<20480x128xf32, #tpu.memory_space<hbm>> -> memref<128x128xf32, #tpu.memory_space<hbm>>
      tpu.wait_dma2 semaphore(%run_scoped3A : memref<!tpu.dma_semaphore, #tpu.memory_space<semaphore_mem>>) src(%arg12 : memref<128x128xf32, #tpu.memory_space<vmem>>) dst(%dma_wait3A_112 : memref<128x128xf32, #tpu.memory_space<hbm>>)
      tpu.yield
    }) : () -> ()
    %add3A_87 = arith.constant 256 : i32
    %add3A_88 = arith.addi %mul3A_2, %add3A_87 : i32
    "tpu.region"() ({
      %run_scoped3A = tpu.sem_alloc : memref<!tpu.dma_semaphore, #tpu.memory_space<semaphore_mem>>
      %dma_start3A = arith.constant 0 : i32
      %dma_start3A_107 = tpu.memref_slice %arg7[%add3A_88, %dma_start3A] : memref<10240x128xf32, #tpu.memory_space<vmem_shared>> -> memref<128x128xf32, #tpu.memory_space<vmem_shared>>
      %dma_start3A_108 = arith.constant 0 : i32
      %dma_start3A_109 = tpu.memref_slice %arg7[%add3A_88, %dma_start3A_108] : memref<10240x128xf32, #tpu.memory_space<vmem_shared>> -> memref<128x128xf32, #tpu.memory_space<vmem_shared>>
      tpu.enqueue_dma source(%dma_start3A_109 : memref<128x128xf32, #tpu.memory_space<vmem_shared>>) target(%arg12 : memref<128x128xf32, #tpu.memory_space<vmem>>) target_semaphore(%run_scoped3A : memref<!tpu.dma_semaphore, #tpu.memory_space<semaphore_mem>>)
      %dma_wait3A = arith.constant 0 : i32
      %dma_wait3A_110 = tpu.memref_slice %arg7[%add3A_88, %dma_wait3A] : memref<10240x128xf32, #tpu.memory_space<vmem_shared>> -> memref<128x128xf32, #tpu.memory_space<vmem_shared>>
      %dma_wait3A_111 = arith.constant 0 : i32
      %dma_wait3A_112 = tpu.memref_slice %arg7[%add3A_88, %dma_wait3A_111] : memref<10240x128xf32, #tpu.memory_space<vmem_shared>> -> memref<128x128xf32, #tpu.memory_space<vmem_shared>>
      tpu.wait_dma2 semaphore(%run_scoped3A : memref<!tpu.dma_semaphore, #tpu.memory_space<semaphore_mem>>) src(%dma_wait3A_112 : memref<128x128xf32, #tpu.memory_space<vmem_shared>>) dst(%arg12 : memref<128x128xf32, #tpu.memory_space<vmem>>)
      tpu.yield
    }) : () -> ()
    %mul3A_89 = arith.constant 10240 : i32
    %mul3A_90 = arith.muli %arg0, %mul3A_89 : i32
    %add3A_91 = arith.addi %mul3A_90, %add3A_88 : i32
    "tpu.region"() ({
      %run_scoped3A = tpu.sem_alloc : memref<!tpu.dma_semaphore, #tpu.memory_space<semaphore_mem>>
      %dma_start3A = arith.constant 0 : i32
      %dma_start3A_107 = tpu.memref_slice %arg5[%add3A_91, %dma_start3A] : memref<20480x128xf32, #tpu.memory_space<hbm>> -> memref<128x128xf32, #tpu.memory_space<hbm>>
      %dma_start3A_108 = arith.constant 0 : i32
      %dma_start3A_109 = tpu.memref_slice %arg5[%add3A_91, %dma_start3A_108] : memref<20480x128xf32, #tpu.memory_space<hbm>> -> memref<128x128xf32, #tpu.memory_space<hbm>>
      tpu.enqueue_dma source(%arg12 : memref<128x128xf32, #tpu.memory_space<vmem>>) target(%dma_start3A_109 : memref<128x128xf32, #tpu.memory_space<hbm>>) target_semaphore(%run_scoped3A : memref<!tpu.dma_semaphore, #tpu.memory_space<semaphore_mem>>)
      %dma_wait3A = arith.constant 0 : i32
      %dma_wait3A_110 = tpu.memref_slice %arg5[%add3A_91, %dma_wait3A] : memref<20480x128xf32, #tpu.memory_space<hbm>> -> memref<128x128xf32, #tpu.memory_space<hbm>>
      %dma_wait3A_111 = arith.constant 0 : i32
      %dma_wait3A_112 = tpu.memref_slice %arg5[%add3A_91, %dma_wait3A_111] : memref<20480x128xf32, #tpu.memory_space<hbm>> -> memref<128x128xf32, #tpu.memory_space<hbm>>
      tpu.wait_dma2 semaphore(%run_scoped3A : memref<!tpu.dma_semaphore, #tpu.memory_space<semaphore_mem>>) src(%arg12 : memref<128x128xf32, #tpu.memory_space<vmem>>) dst(%dma_wait3A_112 : memref<128x128xf32, #tpu.memory_space<hbm>>)
      tpu.yield
    }) : () -> ()
    %add3A_92 = arith.constant 384 : i32
    %add3A_93 = arith.addi %mul3A_2, %add3A_92 : i32
    "tpu.region"() ({
      %run_scoped3A = tpu.sem_alloc : memref<!tpu.dma_semaphore, #tpu.memory_space<semaphore_mem>>
      %dma_start3A = arith.constant 0 : i32
      %dma_start3A_107 = tpu.memref_slice %arg7[%add3A_93, %dma_start3A] : memref<10240x128xf32, #tpu.memory_space<vmem_shared>> -> memref<128x128xf32, #tpu.memory_space<vmem_shared>>
      %dma_start3A_108 = arith.constant 0 : i32
      %dma_start3A_109 = tpu.memref_slice %arg7[%add3A_93, %dma_start3A_108] : memref<10240x128xf32, #tpu.memory_space<vmem_shared>> -> memref<128x128xf32, #tpu.memory_space<vmem_shared>>
      tpu.enqueue_dma source(%dma_start3A_109 : memref<128x128xf32, #tpu.memory_space<vmem_shared>>) target(%arg12 : memref<128x128xf32, #tpu.memory_space<vmem>>) target_semaphore(%run_scoped3A : memref<!tpu.dma_semaphore, #tpu.memory_space<semaphore_mem>>)
      %dma_wait3A = arith.constant 0 : i32
      %dma_wait3A_110 = tpu.memref_slice %arg7[%add3A_93, %dma_wait3A] : memref<10240x128xf32, #tpu.memory_space<vmem_shared>> -> memref<128x128xf32, #tpu.memory_space<vmem_shared>>
      %dma_wait3A_111 = arith.constant 0 : i32
      %dma_wait3A_112 = tpu.memref_slice %arg7[%add3A_93, %dma_wait3A_111] : memref<10240x128xf32, #tpu.memory_space<vmem_shared>> -> memref<128x128xf32, #tpu.memory_space<vmem_shared>>
      tpu.wait_dma2 semaphore(%run_scoped3A : memref<!tpu.dma_semaphore, #tpu.memory_space<semaphore_mem>>) src(%dma_wait3A_112 : memref<128x128xf32, #tpu.memory_space<vmem_shared>>) dst(%arg12 : memref<128x128xf32, #tpu.memory_space<vmem>>)
      tpu.yield
    }) : () -> ()
    %mul3A_94 = arith.constant 10240 : i32
    %mul3A_95 = arith.muli %arg0, %mul3A_94 : i32
    %add3A_96 = arith.addi %mul3A_95, %add3A_93 : i32
    "tpu.region"() ({
      %run_scoped3A = tpu.sem_alloc : memref<!tpu.dma_semaphore, #tpu.memory_space<semaphore_mem>>
      %dma_start3A = arith.constant 0 : i32
      %dma_start3A_107 = tpu.memref_slice %arg5[%add3A_96, %dma_start3A] : memref<20480x128xf32, #tpu.memory_space<hbm>> -> memref<128x128xf32, #tpu.memory_space<hbm>>
      %dma_start3A_108 = arith.constant 0 : i32
      %dma_start3A_109 = tpu.memref_slice %arg5[%add3A_96, %dma_start3A_108] : memref<20480x128xf32, #tpu.memory_space<hbm>> -> memref<128x128xf32, #tpu.memory_space<hbm>>
      tpu.enqueue_dma source(%arg12 : memref<128x128xf32, #tpu.memory_space<vmem>>) target(%dma_start3A_109 : memref<128x128xf32, #tpu.memory_space<hbm>>) target_semaphore(%run_scoped3A : memref<!tpu.dma_semaphore, #tpu.memory_space<semaphore_mem>>)
      %dma_wait3A = arith.constant 0 : i32
      %dma_wait3A_110 = tpu.memref_slice %arg5[%add3A_96, %dma_wait3A] : memref<20480x128xf32, #tpu.memory_space<hbm>> -> memref<128x128xf32, #tpu.memory_space<hbm>>
      %dma_wait3A_111 = arith.constant 0 : i32
      %dma_wait3A_112 = tpu.memref_slice %arg5[%add3A_96, %dma_wait3A_111] : memref<20480x128xf32, #tpu.memory_space<hbm>> -> memref<128x128xf32, #tpu.memory_space<hbm>>
      tpu.wait_dma2 semaphore(%run_scoped3A : memref<!tpu.dma_semaphore, #tpu.memory_space<semaphore_mem>>) src(%arg12 : memref<128x128xf32, #tpu.memory_space<vmem>>) dst(%dma_wait3A_112 : memref<128x128xf32, #tpu.memory_space<hbm>>)
      tpu.yield
    }) : () -> ()
    %add3A_97 = arith.constant 512 : i32
    %add3A_98 = arith.addi %mul3A_2, %add3A_97 : i32
    "tpu.region"() ({
      %run_scoped3A = tpu.sem_alloc : memref<!tpu.dma_semaphore, #tpu.memory_space<semaphore_mem>>
      %dma_start3A = arith.constant 0 : i32
      %dma_start3A_107 = tpu.memref_slice %arg7[%add3A_98, %dma_start3A] : memref<10240x128xf32, #tpu.memory_space<vmem_shared>> -> memref<128x128xf32, #tpu.memory_space<vmem_shared>>
      %dma_start3A_108 = arith.constant 0 : i32
      %dma_start3A_109 = tpu.memref_slice %arg7[%add3A_98, %dma_start3A_108] : memref<10240x128xf32, #tpu.memory_space<vmem_shared>> -> memref<128x128xf32, #tpu.memory_space<vmem_shared>>
      tpu.enqueue_dma source(%dma_start3A_109 : memref<128x128xf32, #tpu.memory_space<vmem_shared>>) target(%arg12 : memref<128x128xf32, #tpu.memory_space<vmem>>) target_semaphore(%run_scoped3A : memref<!tpu.dma_semaphore, #tpu.memory_space<semaphore_mem>>)
      %dma_wait3A = arith.constant 0 : i32
      %dma_wait3A_110 = tpu.memref_slice %arg7[%add3A_98, %dma_wait3A] : memref<10240x128xf32, #tpu.memory_space<vmem_shared>> -> memref<128x128xf32, #tpu.memory_space<vmem_shared>>
      %dma_wait3A_111 = arith.constant 0 : i32
      %dma_wait3A_112 = tpu.memref_slice %arg7[%add3A_98, %dma_wait3A_111] : memref<10240x128xf32, #tpu.memory_space<vmem_shared>> -> memref<128x128xf32, #tpu.memory_space<vmem_shared>>
      tpu.wait_dma2 semaphore(%run_scoped3A : memref<!tpu.dma_semaphore, #tpu.memory_space<semaphore_mem>>) src(%dma_wait3A_112 : memref<128x128xf32, #tpu.memory_space<vmem_shared>>) dst(%arg12 : memref<128x128xf32, #tpu.memory_space<vmem>>)
      tpu.yield
    }) : () -> ()
    %mul3A_99 = arith.constant 10240 : i32
    %mul3A_100 = arith.muli %arg0, %mul3A_99 : i32
    %add3A_101 = arith.addi %mul3A_100, %add3A_98 : i32
    "tpu.region"() ({
      %run_scoped3A = tpu.sem_alloc : memref<!tpu.dma_semaphore, #tpu.memory_space<semaphore_mem>>
      %dma_start3A = arith.constant 0 : i32
      %dma_start3A_107 = tpu.memref_slice %arg5[%add3A_101, %dma_start3A] : memref<20480x128xf32, #tpu.memory_space<hbm>> -> memref<128x128xf32, #tpu.memory_space<hbm>>
      %dma_start3A_108 = arith.constant 0 : i32
      %dma_start3A_109 = tpu.memref_slice %arg5[%add3A_101, %dma_start3A_108] : memref<20480x128xf32, #tpu.memory_space<hbm>> -> memref<128x128xf32, #tpu.memory_space<hbm>>
      tpu.enqueue_dma source(%arg12 : memref<128x128xf32, #tpu.memory_space<vmem>>) target(%dma_start3A_109 : memref<128x128xf32, #tpu.memory_space<hbm>>) target_semaphore(%run_scoped3A : memref<!tpu.dma_semaphore, #tpu.memory_space<semaphore_mem>>)
      %dma_wait3A = arith.constant 0 : i32
      %dma_wait3A_110 = tpu.memref_slice %arg5[%add3A_101, %dma_wait3A] : memref<20480x128xf32, #tpu.memory_space<hbm>> -> memref<128x128xf32, #tpu.memory_space<hbm>>
      %dma_wait3A_111 = arith.constant 0 : i32
      %dma_wait3A_112 = tpu.memref_slice %arg5[%add3A_101, %dma_wait3A_111] : memref<20480x128xf32, #tpu.memory_space<hbm>> -> memref<128x128xf32, #tpu.memory_space<hbm>>
      tpu.wait_dma2 semaphore(%run_scoped3A : memref<!tpu.dma_semaphore, #tpu.memory_space<semaphore_mem>>) src(%arg12 : memref<128x128xf32, #tpu.memory_space<vmem>>) dst(%dma_wait3A_112 : memref<128x128xf32, #tpu.memory_space<hbm>>)
      tpu.yield
    }) : () -> ()
    %eq3A_102 = arith.constant 0 : i32
    %eq3A_103 = arith.cmpi eq, %arg1, %eq3A_102 : i32
    %convert_element_type3A_104 = arith.extui %eq3A_103 : i1 to i32
    %cond3A_105 = arith.constant 0 : i32
    %cond3A_106 = arith.cmpi ne, %convert_element_type3A_104, %cond3A_105 : i32
    scf.if %cond3A_106 {
      "tpu.region"() ({
        %run_scoped3A = tpu.sem_alloc : memref<!tpu.dma_semaphore, #tpu.memory_space<semaphore_mem>>
        tpu.enqueue_dma source(%arg16 : memref<80x128xf32, #tpu.memory_space<vmem_shared>>) target(%arg14 : memref<80x128xf32, #tpu.memory_space<vmem>>) target_semaphore(%run_scoped3A : memref<!tpu.dma_semaphore, #tpu.memory_space<semaphore_mem>>)
        tpu.wait_dma2 semaphore(%run_scoped3A : memref<!tpu.dma_semaphore, #tpu.memory_space<semaphore_mem>>) src(%arg16 : memref<80x128xf32, #tpu.memory_space<vmem_shared>>) dst(%arg14 : memref<80x128xf32, #tpu.memory_space<vmem>>)
        tpu.yield
      }) : () -> ()
      %mul3A_107 = arith.constant 80 : i32
      %mul3A_108 = arith.muli %arg0, %mul3A_107 : i32
      "tpu.region"() ({
        %run_scoped3A = tpu.sem_alloc : memref<!tpu.dma_semaphore, #tpu.memory_space<semaphore_mem>>
        %dma_start3A = arith.constant 0 : i32
        %dma_start3A_109 = tpu.memref_slice %arg6[%mul3A_108, %dma_start3A] : memref<160x128xf32, #tpu.memory_space<hbm>> -> memref<80x128xf32, #tpu.memory_space<hbm>>
        %dma_start3A_110 = arith.constant 0 : i32
        %dma_start3A_111 = tpu.memref_slice %arg6[%mul3A_108, %dma_start3A_110] : memref<160x128xf32, #tpu.memory_space<hbm>> -> memref<80x128xf32, #tpu.memory_space<hbm>>
        tpu.enqueue_dma source(%arg14 : memref<80x128xf32, #tpu.memory_space<vmem>>) target(%dma_start3A_111 : memref<80x128xf32, #tpu.memory_space<hbm>>) target_semaphore(%run_scoped3A : memref<!tpu.dma_semaphore, #tpu.memory_space<semaphore_mem>>)
        %dma_wait3A = arith.constant 0 : i32
        %dma_wait3A_112 = tpu.memref_slice %arg6[%mul3A_108, %dma_wait3A] : memref<160x128xf32, #tpu.memory_space<hbm>> -> memref<80x128xf32, #tpu.memory_space<hbm>>
        %dma_wait3A_113 = arith.constant 0 : i32
        %dma_wait3A_114 = tpu.memref_slice %arg6[%mul3A_108, %dma_wait3A_113] : memref<160x128xf32, #tpu.memory_space<hbm>> -> memref<80x128xf32, #tpu.memory_space<hbm>>
        tpu.wait_dma2 semaphore(%run_scoped3A : memref<!tpu.dma_semaphore, #tpu.memory_space<semaphore_mem>>) src(%arg14 : memref<80x128xf32, #tpu.memory_space<vmem>>) dst(%dma_wait3A_114 : memref<80x128xf32, #tpu.memory_space<hbm>>)
        tpu.yield
      }) : () -> ()
    } else {
    }
    return
  }
}

module attributes {stable_mosaic.version = 14 : i64} {
  func.func @body(%arg0: memref<10000x128xf32, #tpu.memory_space<vmem>>, %arg1: memref<1x10240xi32, #tpu.memory_space<vmem>>, %arg2: memref<128x128xf32, #tpu.memory_space<vmem>>, %arg3: memref<1x128xf32, #tpu.memory_space<vmem>>, %arg4: memref<10000x128xf32, #tpu.memory_space<vmem>>, %arg5: memref<64x1xf32, #tpu.memory_space<vmem>>) attributes {dimension_semantics = [], scalar_prefetch = 0 : i64, scratch_operands = 0 : i64, tpu.core_type = #tpu.core_type<tc>} {
    %get3A = arith.constant 0 : index
    %get3A_0 = arith.constant 0 : index
    %get3A_1 = vector.load %arg0[%get3A, %get3A_0] : memref<10000x128xf32, #tpu.memory_space<vmem>>, vector<10000x128xf32>
    %get3A_2 = arith.constant 0 : index
    %get3A_3 = arith.constant 0 : index
    %get3A_4 = vector.load %arg2[%get3A_2, %get3A_3] : memref<128x128xf32, #tpu.memory_space<vmem>>, vector<128x128xf32>
    %dot_general3A = arith.constant dense<0.000000e+00> : vector<10000x128xf32>
    %dot_general3A_5 = tpu.matmul %get3A_1, %get3A_4, %dot_general3A {dimension_numbers = #tpu.dot_dimension_numbers<[1], [0], [0], [1], [0, 0, 1, 1], [], []>, precision = #tpu.contract_precision<fp32>, transpose_lhs_hint = false} : vector<10000x128xf32>, vector<128x128xf32>, vector<10000x128xf32> -> vector<10000x128xf32>
    %get3A_6 = arith.constant 0 : index
    %get3A_7 = arith.constant 0 : index
    %get3A_8 = vector.load %arg3[%get3A_6, %get3A_7] : memref<1x128xf32, #tpu.memory_space<vmem>>, vector<1x128xf32>
    %add3A = vector.broadcast %get3A_8 : vector<1x128xf32> to vector<10000x128xf32>
    %add3A_9 = arith.addf %dot_general3A_5, %add3A : vector<10000x128xf32>
    %swap3A = arith.constant 0 : index
    %swap3A_10 = arith.constant 0 : index
    %swap3A_11 = vector.load %arg4[%swap3A, %swap3A_10] : memref<10000x128xf32, #tpu.memory_space<vmem>>, vector<10000x128xf32>
    tpu.vector_store %arg4[%swap3A, %swap3A_10], %add3A_9 {strides = array<i32>} : memref<10000x128xf32, #tpu.memory_space<vmem>>, vector<10000x128xf32>,
    %iota3A = tpu.iota {dimensions = array<i32: 0>} : vector<64x1xi32>
    %get3A_12 = arith.constant 0 : index
    %get3A_13 = arith.constant 0 : index
    %get3A_14 = vector.load %arg1[%get3A_12, %get3A_13] : memref<1x10240xi32, #tpu.memory_space<vmem>>, vector<1x10240xi32>
    %eq3A = vector.broadcast %iota3A : vector<64x1xi32> to vector<64x10240xi32>
    %eq3A_15 = vector.broadcast %get3A_14 : vector<1x10240xi32> to vector<64x10240xi32>
    %eq3A_16 = arith.cmpi eq, %eq3A, %eq3A_15 : vector<64x10240xi32>
    %convert_element_type3A = arith.extui %eq3A_16 : vector<64x10240xi1> to vector<64x10240xi32>
    %convert_element_type3A_17 = arith.sitofp %convert_element_type3A : vector<64x10240xi32> to vector<64x10240xf32>
    %reduce_sum3A = arith.constant dense<0.000000e+00> : vector<64xf32>
    %reduce_sum3A_18 = vector.multi_reduction <add>, %convert_element_type3A_17, %reduce_sum3A [1] : vector<64x10240xf32> to vector<64xf32>
    %broadcast_in_dim3A = vector.shape_cast %reduce_sum3A_18 : vector<64xf32> to vector<64x1xf32>
    %swap3A_19 = arith.constant 0 : index
    %swap3A_20 = arith.constant 0 : index
    %swap3A_21 = vector.load %arg5[%swap3A_19, %swap3A_20] : memref<64x1xf32, #tpu.memory_space<vmem>>, vector<64x1xf32>
    tpu.vector_store %arg5[%swap3A_19, %swap3A_20], %broadcast_in_dim3A {strides = array<i32>} : memref<64x1xf32, #tpu.memory_space<vmem>>, vector<64x1xf32>,
    return
  }
}

module attributes {stable_mosaic.version = 14 : i64} {
  func.func @body(%arg0: i32, %arg1: memref<2x1280x128xf32, #tpu.memory_space<vmem>>, %arg2: memref<2x80x128xf32, #tpu.memory_space<vmem>>, %arg3: memref<1280x128xf32, #tpu.memory_space<vmem>>, %arg4: memref<64x1xf32, #tpu.memory_space<vmem>>, %arg5: memref<1x1280xi32, #tpu.memory_space<vmem>>, %arg6: memref<128x128xf32, #tpu.memory_space<vmem>>, %arg7: memref<128x50xf32, #tpu.memory_space<vmem>>, %arg8: memref<1x50xf32, #tpu.memory_space<vmem>>, %arg9: memref<50x10xf32, #tpu.memory_space<vmem>>, %arg10: memref<1x10xf32, #tpu.memory_space<vmem>>, %arg11: memref<1280x128xf32, #tpu.memory_space<vmem>>, %arg12: memref<64x10xf32, #tpu.memory_space<vmem>>, %arg13: memref<64x128xf32, #tpu.memory_space<vmem>>) attributes {dimension_semantics = [#tpu.dimension_semantics<arbitrary>], iteration_bounds = array<i64: 8>, scalar_prefetch = 0 : i64, scratch_operands = 1 : i64, tpu.core_type = #tpu.core_type<tc>, window_params = [{transform_indices = @transform_0, window_bounds = array<i64: 2, 1280, 128>}, {pipeline_mode = #tpu.pipeline_mode<synchronous>, transform_indices = @transform_1, window_bounds = array<i64: 2, 80, 128>}, {transform_indices = @transform_2, window_bounds = array<i64: 1280, 128>}, {pipeline_mode = #tpu.pipeline_mode<synchronous>, transform_indices = @transform_3, window_bounds = array<i64: 64, 1>}, {transform_indices = @transform_4, window_bounds = array<i64: 1, 1280>}, {pipeline_mode = #tpu.pipeline_mode<synchronous>, transform_indices = @transform_5, window_bounds = array<i64: 128, 128>}, {pipeline_mode = #tpu.pipeline_mode<synchronous>, transform_indices = @transform_6, window_bounds = array<i64: 128, 50>}, {pipeline_mode = #tpu.pipeline_mode<synchronous>, transform_indices = @transform_7, window_bounds = array<i64: 1, 50>}, {pipeline_mode = #tpu.pipeline_mode<synchronous>, transform_indices = @transform_8, window_bounds = array<i64: 50, 10>}, {pipeline_mode = #tpu.pipeline_mode<synchronous>, transform_indices = @transform_9, window_bounds = array<i64: 1, 10>}, {transform_indices = @transform_10, window_bounds = array<i64: 1280, 128>}, {pipeline_mode = #tpu.pipeline_mode<synchronous>, transform_indices = @transform_11, window_bounds = array<i64: 64, 10>}]} {
    %get3A = arith.constant 0 : index
    %get3A_0 = arith.constant 0 : index
    %get3A_1 = arith.constant 0 : index
    %get3A_2 = vector.load %arg1[%get3A, %get3A_0, %get3A_1] : memref<2x1280x128xf32, #tpu.memory_space<vmem>>, vector<1x1280x128xf32>
    %get3A_3 = vector.shape_cast %get3A_2 : vector<1x1280x128xf32> to vector<1280x128xf32>
    %get3A_4 = arith.constant 1 : index
    %get3A_5 = arith.constant 0 : index
    %get3A_6 = arith.constant 0 : index
    %get3A_7 = vector.load %arg1[%get3A_4, %get3A_5, %get3A_6] : memref<2x1280x128xf32, #tpu.memory_space<vmem>>, vector<1x1280x128xf32>
    %get3A_8 = vector.shape_cast %get3A_7 : vector<1x1280x128xf32> to vector<1280x128xf32>
    %add3A = arith.addf %get3A_3, %get3A_8 : vector<1280x128xf32>
    %mul3A = arith.constant 10 : i32
    %mul3A_9 = arith.muli %arg0, %mul3A : i32
    %get3A_10 = arith.constant 0 : index
    %get3A_11 = arith.index_cast %mul3A_9 : i32 to index
    %get3A_12 = arith.constant 0 : index
    %get3A_13 = vector.load %arg2[%get3A_10, %get3A_11, %get3A_12] : memref<2x80x128xf32, #tpu.memory_space<vmem>>, vector<1x10x128xf32>
    %get3A_14 = vector.shape_cast %get3A_13 : vector<1x10x128xf32> to vector<10x128xf32>
    %get3A_15 = arith.constant 1 : index
    %get3A_16 = arith.index_cast %mul3A_9 : i32 to index
    %get3A_17 = arith.constant 0 : index
    %get3A_18 = vector.load %arg2[%get3A_15, %get3A_16, %get3A_17] : memref<2x80x128xf32, #tpu.memory_space<vmem>>, vector<1x10x128xf32>
    %get3A_19 = vector.shape_cast %get3A_18 : vector<1x10x128xf32> to vector<10x128xf32>
    %add3A_20 = arith.addf %get3A_14, %get3A_19 : vector<10x128xf32>
    %iota3A = tpu.iota {dimensions = array<i32: 0>} : vector<1280x128xi32>
    %jit3A = arith.constant 128 : i32
    %eq3A = arith.constant 0 : i32
    %eq3A_21 = arith.cmpi eq, %jit3A, %eq3A : i32
    %jit3A_22 = arith.constant 1 : i32
    %select_n3A = arith.select %eq3A_21, %jit3A_22, %jit3A : i32
    %rem3A = vector.broadcast %select_n3A : i32 to vector<1280x128xi32>
    %rem3A_23 = arith.remsi %iota3A, %rem3A : vector<1280x128xi32>
    %ne3A = arith.constant 0 : i32
    %ne3A_24 = vector.broadcast %ne3A : i32 to vector<1280x128xi32>
    %ne3A_25 = arith.cmpi ne, %rem3A_23, %ne3A_24 : vector<1280x128xi32>
    %lt3A = arith.constant 0 : i32
    %lt3A_26 = vector.broadcast %lt3A : i32 to vector<1280x128xi32>
    %lt3A_27 = arith.cmpi slt, %rem3A_23, %lt3A_26 : vector<1280x128xi32>
    %lt3A_28 = arith.constant 0 : i32
    %lt3A_29 = arith.cmpi slt, %select_n3A, %lt3A_28 : i32
    %ne3A_30 = vector.broadcast %lt3A_29 : i1 to vector<1280x128xi1>
    %ne3A_31 = vector.broadcast %ne3A_30 : vector<1280x128xi1> to vector<1280x128xi1>
    %ne3A_32 = arith.xori %lt3A_27, %ne3A_31 : vector<1280x128xi1>
    %and3A = arith.andi %ne3A_32, %ne3A_25 : vector<1280x128xi1>
    %add3A_33 = vector.broadcast %select_n3A : i32 to vector<1280x128xi32>
    %add3A_34 = arith.addi %rem3A_23, %add3A_33 : vector<1280x128xi32>
    %select_n3A_35 = arith.select %and3A, %add3A_34, %rem3A_23 : vector<1280x128xi1>, vector<1280x128xi32>
    %iota3A_36 = tpu.iota {dimensions = array<i32: 1>} : vector<1280x128xi32>
    %eq3A_37 = arith.cmpi eq, %select_n3A_35, %iota3A_36 : vector<1280x128xi32>
    %broadcast_in_dim3A = vector.shape_cast %add3A_20 : vector<10x128xf32> to vector<10x1x128xf32>
    %broadcast_in_dim3A_38 = vector.shape_cast %broadcast_in_dim3A : vector<10x1x128xf32> to vector<10x1x128xf32>
    %broadcast_in_dim3A_39 = vector.broadcast %broadcast_in_dim3A_38 : vector<10x1x128xf32> to vector<10x128x128xf32>
    %reshape3A = vector.shape_cast %broadcast_in_dim3A_39 : vector<10x128x128xf32> to vector<1280x128xf32>
    %jit3A_40 = arith.constant 0.000000e+00 : f32
    %broadcast_in_dim3A_41 = vector.broadcast %jit3A_40 : f32 to vector<1280x128xf32>
    %select_n3A_42 = arith.select %eq3A_37, %reshape3A, %broadcast_in_dim3A_41 : vector<1280x128xi1>, vector<1280x128xf32>
    %reduce_sum3A = arith.constant dense<0.000000e+00> : vector<1280xf32>
    %reduce_sum3A_43 = vector.multi_reduction <add>, %select_n3A_42, %reduce_sum3A [1] : vector<1280x128xf32> to vector<1280xf32>
    %broadcast_in_dim3A_44 = vector.shape_cast %reduce_sum3A_43 : vector<1280xf32> to vector<1280x1xf32>
    %max3A = arith.constant 1.000000e+00 : f32
    %max3A_45 = vector.broadcast %max3A : f32 to vector<1280x1xf32>
    %max3A_46 = arith.maximumf %broadcast_in_dim3A_44, %max3A_45 : vector<1280x1xf32>
    %div3A = vector.broadcast %max3A_46 : vector<1280x1xf32> to vector<1280x128xf32>
    %div3A_47 = arith.divf %add3A, %div3A : vector<1280x128xf32>
    %get3A_48 = arith.constant 0 : index
    %get3A_49 = arith.constant 0 : index
    %get3A_50 = vector.load %arg6[%get3A_48, %get3A_49] : memref<128x128xf32, #tpu.memory_space<vmem>>, vector<128x128xf32>
    %dot_general3A = arith.constant dense<0.000000e+00> : vector<1280x128xf32>
    %dot_general3A_51 = tpu.matmul %div3A_47, %get3A_50, %dot_general3A {dimension_numbers = #tpu.dot_dimension_numbers<[1], [0], [0], [1], [0, 0, 1, 1], [], []>, precision = #tpu.contract_precision<fp32>, transpose_lhs_hint = false} : vector<1280x128xf32>, vector<128x128xf32>, vector<1280x128xf32> -> vector<1280x128xf32>
    %get3A_52 = arith.constant 0 : index
    %get3A_53 = arith.constant 0 : index
    %get3A_54 = vector.load %arg3[%get3A_52, %get3A_53] : memref<1280x128xf32, #tpu.memory_space<vmem>>, vector<1280x128xf32>
    %add3A_55 = arith.addf %dot_general3A_51, %get3A_54 : vector<1280x128xf32>
    %swap3A = arith.constant 0 : index
    %swap3A_56 = arith.constant 0 : index
    %swap3A_57 = vector.load %arg11[%swap3A, %swap3A_56] : memref<1280x128xf32, #tpu.memory_space<vmem>>, vector<1280x128xf32>
    tpu.vector_store %arg11[%swap3A, %swap3A_56], %add3A_55 {strides = array<i32>} : memref<1280x128xf32, #tpu.memory_space<vmem>>, vector<1280x128xf32>,
    %iota3A_58 = tpu.iota {dimensions = array<i32: 0>} : vector<1280x1xi32>
    %mul3A_59 = arith.constant 1280 : i32
    %mul3A_60 = arith.muli %arg0, %mul3A_59 : i32
    %add3A_61 = vector.broadcast %mul3A_60 : i32 to vector<1280x1xi32>
    %add3A_62 = arith.addi %iota3A_58, %add3A_61 : vector<1280x1xi32>
    %lt3A_63 = arith.constant 10000 : i32
    %lt3A_64 = vector.broadcast %lt3A_63 : i32 to vector<1280x1xi32>
    %lt3A_65 = arith.cmpi slt, %add3A_62, %lt3A_64 : vector<1280x1xi32>
    %max3A_66 = arith.constant 0.000000e+00 : f32
    %max3A_67 = vector.broadcast %max3A_66 : f32 to vector<1280x128xf32>
    %max3A_68 = arith.maximumf %add3A_55, %max3A_67 : vector<1280x128xf32>
    %jit3A_69 = arith.constant 0.000000e+00 : f32
    %broadcast_in_dim3A_70 = vector.shape_cast %lt3A_65 : vector<1280x1xi1> to vector<1280x1xi1>
    %broadcast_in_dim3A_71 = vector.broadcast %broadcast_in_dim3A_70 : vector<1280x1xi1> to vector<1280x128xi1>
    %broadcast_in_dim3A_72 = vector.broadcast %jit3A_69 : f32 to vector<1280x128xf32>
    %select_n3A_73 = arith.select %broadcast_in_dim3A_71, %max3A_68, %broadcast_in_dim3A_72 : vector<1280x128xi1>, vector<1280x128xf32>
    %iota3A_74 = tpu.iota {dimensions = array<i32: 0>} : vector<64x1xi32>
    %get3A_75 = arith.constant 0 : index
    %get3A_76 = arith.constant 0 : index
    %get3A_77 = vector.load %arg5[%get3A_75, %get3A_76] : memref<1x1280xi32, #tpu.memory_space<vmem>>, vector<1x1280xi32>
    %eq3A_78 = vector.broadcast %iota3A_74 : vector<64x1xi32> to vector<64x1280xi32>
    %eq3A_79 = vector.broadcast %get3A_77 : vector<1x1280xi32> to vector<64x1280xi32>
    %eq3A_80 = arith.cmpi eq, %eq3A_78, %eq3A_79 : vector<64x1280xi32>
    %convert_element_type3A = arith.extui %eq3A_80 : vector<64x1280xi1> to vector<64x1280xi32>
    %convert_element_type3A_81 = arith.sitofp %convert_element_type3A : vector<64x1280xi32> to vector<64x1280xf32>
    %dot_general3A_82 = arith.constant dense<0.000000e+00> : vector<64x128xf32>
    %dot_general3A_83 = tpu.matmul %convert_element_type3A_81, %select_n3A_73, %dot_general3A_82 {dimension_numbers = #tpu.dot_dimension_numbers<[1], [0], [0], [1], [0, 0, 1, 1], [], []>, precision = #tpu.contract_precision<fp32>, transpose_lhs_hint = false} : vector<64x1280xf32>, vector<1280x128xf32>, vector<64x128xf32> -> vector<64x128xf32>
    %eq3A_84 = arith.constant 0 : i32
    %eq3A_85 = arith.cmpi eq, %arg0, %eq3A_84 : i32
    %convert_element_type3A_86 = arith.extui %eq3A_85 : i1 to i32
    %cond3A = arith.constant 0 : i32
    %cond3A_87 = arith.cmpi ne, %convert_element_type3A_86, %cond3A : i32
    scf.if %cond3A_87 {
      %broadcast_in_dim3A_100 = arith.constant 0.000000e+00 : f32
      %broadcast_in_dim3A_101 = vector.broadcast %broadcast_in_dim3A_100 : f32 to vector<64x128xf32>
      %swap3A_102 = arith.constant 0 : index
      %swap3A_103 = arith.constant 0 : index
      %swap3A_104 = vector.load %arg13[%swap3A_102, %swap3A_103] : memref<64x128xf32, #tpu.memory_space<vmem>>, vector<64x128xf32>
      tpu.vector_store %arg13[%swap3A_102, %swap3A_103], %broadcast_in_dim3A_101 {strides = array<i32>} : memref<64x128xf32, #tpu.memory_space<vmem>>, vector<64x128xf32>,
    } else {
    }
    %get3A_88 = arith.constant 0 : index
    %get3A_89 = arith.constant 0 : index
    %get3A_90 = vector.load %arg13[%get3A_88, %get3A_89] : memref<64x128xf32, #tpu.memory_space<vmem>>, vector<64x128xf32>
    %add3A_91 = arith.addf %get3A_90, %dot_general3A_83 : vector<64x128xf32>
    %swap3A_92 = arith.constant 0 : index
    %swap3A_93 = arith.constant 0 : index
    %swap3A_94 = vector.load %arg13[%swap3A_92, %swap3A_93] : memref<64x128xf32, #tpu.memory_space<vmem>>, vector<64x128xf32>
    tpu.vector_store %arg13[%swap3A_92, %swap3A_93], %add3A_91 {strides = array<i32>} : memref<64x128xf32, #tpu.memory_space<vmem>>, vector<64x128xf32>,
    %eq3A_95 = arith.constant 7 : i32
    %eq3A_96 = arith.cmpi eq, %arg0, %eq3A_95 : i32
    %convert_element_type3A_97 = arith.extui %eq3A_96 : i1 to i32
    %cond3A_98 = arith.constant 0 : i32
    %cond3A_99 = arith.cmpi ne, %convert_element_type3A_97, %cond3A_98 : i32
    scf.if %cond3A_99 {
      %get3A_100 = arith.constant 0 : index
      %get3A_101 = arith.constant 0 : index
      %get3A_102 = vector.load %arg13[%get3A_100, %get3A_101] : memref<64x128xf32, #tpu.memory_space<vmem>>, vector<64x128xf32>
      %get3A_103 = arith.constant 0 : index
      %get3A_104 = arith.constant 0 : index
      %get3A_105 = vector.load %arg4[%get3A_103, %get3A_104] : memref<64x1xf32, #tpu.memory_space<vmem>>, vector<64x1xf32>
      %max3A_106 = arith.constant 1.000000e+00 : f32
      %max3A_107 = vector.broadcast %max3A_106 : f32 to vector<64x1xf32>
      %max3A_108 = arith.maximumf %get3A_105, %max3A_107 : vector<64x1xf32>
      %div3A_109 = vector.broadcast %max3A_108 : vector<64x1xf32> to vector<64x128xf32>
      %div3A_110 = arith.divf %get3A_102, %div3A_109 : vector<64x128xf32>
      %get3A_111 = arith.constant 0 : index
      %get3A_112 = arith.constant 0 : index
      %get3A_113 = vector.load %arg7[%get3A_111, %get3A_112] : memref<128x50xf32, #tpu.memory_space<vmem>>, vector<128x50xf32>
      %dot_general3A_114 = arith.constant dense<0.000000e+00> : vector<64x50xf32>
      %dot_general3A_115 = tpu.matmul %div3A_110, %get3A_113, %dot_general3A_114 {dimension_numbers = #tpu.dot_dimension_numbers<[1], [0], [0], [1], [0, 0, 1, 1], [], []>, precision = #tpu.contract_precision<fp32>, transpose_lhs_hint = false} : vector<64x128xf32>, vector<128x50xf32>, vector<64x50xf32> -> vector<64x50xf32>
      %get3A_116 = arith.constant 0 : index
      %get3A_117 = arith.constant 0 : index
      %get3A_118 = vector.load %arg8[%get3A_116, %get3A_117] : memref<1x50xf32, #tpu.memory_space<vmem>>, vector<1x50xf32>
      %add3A_119 = vector.broadcast %get3A_118 : vector<1x50xf32> to vector<64x50xf32>
      %add3A_120 = arith.addf %dot_general3A_115, %add3A_119 : vector<64x50xf32>
      %max3A_121 = arith.constant 0.000000e+00 : f32
      %max3A_122 = vector.broadcast %max3A_121 : f32 to vector<64x50xf32>
      %max3A_123 = arith.maximumf %add3A_120, %max3A_122 : vector<64x50xf32>
      %get3A_124 = arith.constant 0 : index
      %get3A_125 = arith.constant 0 : index
      %get3A_126 = vector.load %arg9[%get3A_124, %get3A_125] : memref<50x10xf32, #tpu.memory_space<vmem>>, vector<50x10xf32>
      %dot_general3A_127 = arith.constant dense<0.000000e+00> : vector<64x10xf32>
      %dot_general3A_128 = tpu.matmul %max3A_123, %get3A_126, %dot_general3A_127 {dimension_numbers = #tpu.dot_dimension_numbers<[1], [0], [0], [1], [0, 0, 1, 1], [], []>, precision = #tpu.contract_precision<fp32>, transpose_lhs_hint = false} : vector<64x50xf32>, vector<50x10xf32>, vector<64x10xf32> -> vector<64x10xf32>
      %get3A_129 = arith.constant 0 : index
      %get3A_130 = arith.constant 0 : index
      %get3A_131 = vector.load %arg10[%get3A_129, %get3A_130] : memref<1x10xf32, #tpu.memory_space<vmem>>, vector<1x10xf32>
      %add3A_132 = vector.broadcast %get3A_131 : vector<1x10xf32> to vector<64x10xf32>
      %add3A_133 = arith.addf %dot_general3A_128, %add3A_132 : vector<64x10xf32>
      %reduce_max3A = arith.constant dense<0xFF800000> : vector<64xf32>
      %reduce_max3A_134 = vector.multi_reduction <maximumf>, %add3A_133, %reduce_max3A [1] : vector<64x10xf32> to vector<64xf32>
      %broadcast_in_dim3A_135 = vector.shape_cast %reduce_max3A_134 : vector<64xf32> to vector<64x1xf32>
      %sub3A = vector.broadcast %broadcast_in_dim3A_135 : vector<64x1xf32> to vector<64x10xf32>
      %sub3A_136 = arith.subf %add3A_133, %sub3A : vector<64x10xf32>
      %exp3A = math.exp %sub3A_136 : vector<64x10xf32>
      %reduce_sum3A_137 = arith.constant dense<0.000000e+00> : vector<64xf32>
      %reduce_sum3A_138 = vector.multi_reduction <add>, %exp3A, %reduce_sum3A_137 [1] : vector<64x10xf32> to vector<64xf32>
      %broadcast_in_dim3A_139 = vector.shape_cast %reduce_sum3A_138 : vector<64xf32> to vector<64x1xf32>
      %log3A = math.log %broadcast_in_dim3A_139 : vector<64x1xf32>
      %add3A_140 = arith.addf %log3A, %broadcast_in_dim3A_135 : vector<64x1xf32>
      %sub3A_141 = vector.broadcast %add3A_140 : vector<64x1xf32> to vector<64x10xf32>
      %sub3A_142 = arith.subf %add3A_133, %sub3A_141 : vector<64x10xf32>
      %swap3A_143 = arith.constant 0 : index
      %swap3A_144 = arith.constant 0 : index
      %swap3A_145 = vector.load %arg12[%swap3A_143, %swap3A_144] : memref<64x10xf32, #tpu.memory_space<vmem>>, vector<64x10xf32>
      tpu.vector_store %arg12[%swap3A_143, %swap3A_144], %sub3A_142 {strides = array<i32>} : memref<64x10xf32, #tpu.memory_space<vmem>>, vector<64x10xf32>,
    } else {
    }
    return
  }
  func.func @transform_0(%arg0: i32) -> (i32, i32, i32) {
    %c0_i32 = arith.constant 0 : i32
    %c0_i32_0 = arith.constant 0 : i32
    %c0_i32_1 = arith.constant 0 : i32
    return %c0_i32, %arg0, %c0_i32_0 : i32, i32, i32
  }
  func.func @transform_1(%arg0: i32) -> (i32, i32, i32) {
    %c0_i32 = arith.constant 0 : i32
    %c0_i32_0 = arith.constant 0 : i32
    %c0_i32_1 = arith.constant 0 : i32
    %c0_i32_2 = arith.constant 0 : i32
    return %c0_i32, %c0_i32_0, %c0_i32_1 : i32, i32, i32
  }
  func.func @transform_2(%arg0: i32) -> (i32, i32) {
    %c0_i32 = arith.constant 0 : i32
    %c0_i32_0 = arith.constant 0 : i32
    return %arg0, %c0_i32 : i32, i32
  }
  func.func @transform_3(%arg0: i32) -> (i32, i32) {
    %c0_i32 = arith.constant 0 : i32
    %c0_i32_0 = arith.constant 0 : i32
    %c0_i32_1 = arith.constant 0 : i32
    return %c0_i32, %c0_i32_0 : i32, i32
  }
  func.func @transform_4(%arg0: i32) -> (i32, i32) {
    %c0_i32 = arith.constant 0 : i32
    %c0_i32_0 = arith.constant 0 : i32
    return %c0_i32, %arg0 : i32, i32
  }
  func.func @transform_5(%arg0: i32) -> (i32, i32) {
    %c0_i32 = arith.constant 0 : i32
    %c0_i32_0 = arith.constant 0 : i32
    %c0_i32_1 = arith.constant 0 : i32
    return %c0_i32, %c0_i32_0 : i32, i32
  }
  func.func @transform_6(%arg0: i32) -> (i32, i32) {
    %c0_i32 = arith.constant 0 : i32
    %c0_i32_0 = arith.constant 0 : i32
    %c0_i32_1 = arith.constant 0 : i32
    return %c0_i32, %c0_i32_0 : i32, i32
  }
  func.func @transform_7(%arg0: i32) -> (i32, i32) {
    %c0_i32 = arith.constant 0 : i32
    %c0_i32_0 = arith.constant 0 : i32
    %c0_i32_1 = arith.constant 0 : i32
    return %c0_i32, %c0_i32_0 : i32, i32
  }
  func.func @transform_8(%arg0: i32) -> (i32, i32) {
    %c0_i32 = arith.constant 0 : i32
    %c0_i32_0 = arith.constant 0 : i32
    %c0_i32_1 = arith.constant 0 : i32
    return %c0_i32, %c0_i32_0 : i32, i32
  }
  func.func @transform_9(%arg0: i32) -> (i32, i32) {
    %c0_i32 = arith.constant 0 : i32
    %c0_i32_0 = arith.constant 0 : i32
    %c0_i32_1 = arith.constant 0 : i32
    return %c0_i32, %c0_i32_0 : i32, i32
  }
  func.func @transform_10(%arg0: i32) -> (i32, i32) {
    %c0_i32 = arith.constant 0 : i32
    %c0_i32_0 = arith.constant 0 : i32
    return %arg0, %c0_i32 : i32, i32
  }
  func.func @transform_11(%arg0: i32) -> (i32, i32) {
    %c0_i32 = arith.constant 0 : i32
    %c0_i32_0 = arith.constant 0 : i32
    %c0_i32_1 = arith.constant 0 : i32
    return %c0_i32, %c0_i32_0 : i32, i32
  }
}

</mosaic_0001>

<sc_bundles>
// kernel: kernel.5.cloned.1.call-start
scs
__scs_entry_jumppad:
0x0: {  	(pc) =	sbr.rel $0x88, $3  }
0x1: {  	(tag) =	ssettag $0x0;
	lr =	simm.s32 $0x1  }
0x2: {  	[smem:$0x3F97] =	sst lr;
	_ =	strace $0xD0000000  }
0x3: {  	_ = 	snop  }
0x4: {  	_ = 	snop  }
0x5: {  	_ = 	snop  }
0x6: {  	_ = 	snop  }
0x7: {  	_ = 	snop  }
__scs_overlays_trampoline_lowered:
0x8: {  	[smem:$0x3FA6] =	sst s0  }
0x9: {  	[smem:$0x3FA7] =	sst s1  }
0xa: {  	[smem:$0x3FA8] =	sst s2  }
0xb: {  	[smem:$0x3FA9] =	sst s3  }
0xc: {  	[smem:$0x3FAA] =	sst s4  }
0xd: {  	[smem:$0x3FAB] =	sst s5  }
0xe: {  	[smem:$0x3FAC] =	sst s6  }
0xf: {  	[smem:$0x3FAD] =	sst s7  }
0x10: {  	[smem:$0x3FAE] =	sst s8  }
0x11: {  	[smem:$0x3FAF] =	sst s9;
	s0 =	simm.s32 @!p0 $0x0  }
0x12: {  	s1 =	sld [smem:$0x3F95];
	s0 =	simm.s32 @p0 $0x1  }
0x13: {  	[smem:$0x3FB0] =	sst s0;
	s0 =	simm.s32 @!p1 $0x0  }
0x14: {  	s2 =	sld [smem:$0x3F94];
	s0 =	simm.s32 @p1 $0x1  }
0x15: {  	[smem:$0x3FB1] =	sst s0;
	s0 =	simm.s32 @!p2 $0x0  }
0x16: {  	s3 =	sld [smem:$0x3FDB];
	s0 =	simm.s32 @p2 $0x1  }
0x17: {  	s4 =	simm.s32 $0x1BF5;
	[smem:$0x3FB3] =	sst s0  }
0x18: {  	s0 =	sld [smem:$0x3F96];
	_ =	swait.ge [sflag:s4], $0x0  }
0x19: {  	s7 =	sld [smem:$0x3F97]  }
0x1a: {  	s8 =	sadd.s32 $0xFFFFE003, lr  }
0x1b: {  	s9 =	sadd.s32 $0xFFFFFEF7, lr;
	s5 =	simm.s32 $0xFFFFFFFF;
	p2 =	slt.u32 s8, $0xFFFFF086  }
0x1c: {  	p1 =	slt.u32 s9, $0xF7A;
	s5 =	simm.s32 @!p2 $0x0  }
0x1d: {  	s5 =	simm.s32 @p1 $0x1;
	p0 =	seq.s32 s7, s2  }
0x1e: {  	s7 =	smul.u32 @!p0 $0xF7A, s2;
	p2 =	seq.s32 @!p0 s5, $0x0  }
0x1f: {  	s9 =	smul.u32 $0xF7A, s1;
	s8 =	simm.s32 @!p0 $0x1BF5;
	p2 =	por !p2, p0  }
0x20: {  	[sflag:s8] =	ssyncset.s32 @!p0 $0xFFFFF086;
	s6 =	sadd.s32 @!p0 s3, s7;
	s7 =	simm.s32 @!p0 $0x108  }
0x21: {  	s3 =	sadd.s32 s3, s9;
	s6 =	sadd.s32 @!p0 $0x88, s6;
	s7 =	simm.s32 @p2 $0x1082  }
0x22: {  	[simem:s7], [sflag:s8] =	dma.local @!p0 [hbm:s6], $0xF7A  }
0x23: {  	s9 =	sor.u32 $0xD0000000, s2;
	s6 =	simm.s32 $0x108;
	_ =	swait.ge @!p0 [sflag:s8], $0x0  }
0x24: {  	s3 =	sadd.s32 $0x88, s3;
	s6 =	simm.s32 @!p1 $0x1082;
	[sflag:s4] =	ssyncset.s32 $0xFFFFF086  }
0x25: {  	[simem:s6], [sflag:s4] =	dma.local [hbm:s3], $0xF7A  }
0x26: {  	[smem:$0x3F97] =	sst s1;
	(tag) =	ssettag s2;
	_ =	strace s9  }
0x27: {  	s1 =	sld [smem:$0x3FA7]  }
0x28: {  	s2 =	sld [smem:$0x3FA8]  }
0x29: {  	s4 =	sld [smem:$0x3FAA]  }
0x2a: {  	p0 =	seq.s32 s5, $0x0;
	s5 =	sld [smem:$0x3FAB]  }
0x2b: {  	s6 =	sld [smem:$0x3FAC]  }
0x2c: {  	s7 =	sld [smem:$0x3FAD]  }
0x2d: {  	s3 =	simm.s32 $0x108;
	s8 =	sld [smem:$0x3FAE]  }
0x2e: {  	s3 =	simm.s32 @!p0 $0x1082;
	s9 =	sld [smem:$0x3FAF]  }
0x2f: {  	lr =	sadd.s32 s0, s3;
	s0 =	sld [smem:$0x3FA6]  }
0x30: {  	s3 =	sld [smem:$0x3FA9]  }
0x31: {  	[smem:$0x3FB2] =	sst s10  }
0x32: {  	s10 =	sld [smem:$0x3FB0];
	_ =	sdelay $0x3  }
0x33: {  	p0 =	seq.s32 s10, $0x1;
	s10 =	sld [smem:$0x3FB2];
	_ =	sdelay $0x3  }
0x34: {  	[smem:$0x3FB2] =	sst s10  }
0x35: {  	s10 =	sld [smem:$0x3FB1];
	_ =	sdelay $0x3  }
0x36: {  	p1 =	seq.s32 s10, $0x1;
	s10 =	sld [smem:$0x3FB2];
	_ =	sdelay $0x3  }
0x37: {  	[smem:$0x3FB2] =	sst s10  }
0x38: {  	s10 =	sld [smem:$0x3FB3]  }
0x39: {  	_ = 	snop;
	(pc) =	sbr.ind lr, $3  }
0x3a: {  	_ = 	snop  }
0x3b: {  	_ = 	snop  }
0x3c: {  	p2 =	seq.s32 s10, $0x1;
	s10 =	sld [smem:$0x3FB2]  }
0x3d: {  	_ =	shalt  }
0x3e: {  	_ =	shalt  }
0x3f: {  	_ =	shalt  }
0x40: {  	_ =	shalt  }
0x41: {  	_ =	shalt  }
0x42: {  	_ =	shalt  }
0x43: {  	_ =	shalt  }
0x44: {  	_ =	shalt  }
0x45: {  	_ =	shalt  }
0x46: {  	_ =	shalt  }
0x47: {  	_ =	shalt  }
0x48: {  	_ =	shalt  }
0x49: {  	_ =	shalt  }
0x4a: {  	_ =	shalt  }
0x4b: {  	_ =	shalt  }
0x4c: {  	_ =	shalt  }
0x4d: {  	_ =	shalt  }
0x4e: {  	_ =	shalt  }
0x4f: {  	_ =	shalt  }
0x50: {  	_ =	shalt  }
0x51: {  	_ =	shalt  }
0x52: {  	_ =	shalt  }
0x53: {  	_ =	shalt  }
0x54: {  	_ =	shalt  }
0x55: {  	_ =	shalt  }
0x56: {  	_ =	shalt  }
0x57: {  	_ =	shalt  }
0x58: {  	_ =	shalt  }
0x59: {  	_ =	shalt  }
0x5a: {  	_ =	shalt  }
0x5b: {  	_ =	shalt  }
0x5c: {  	_ =	shalt  }
0x5d: {  	_ =	shalt  }
0x5e: {  	_ =	shalt  }
0x5f: {  	_ =	shalt  }
0x60: {  	_ =	shalt  }
0x61: {  	_ =	shalt  }
0x62: {  	_ =	shalt  }
0x63: {  	_ =	shalt  }
0x64: {  	_ =	shalt  }
0x65: {  	_ =	shalt  }
0x66: {  	_ =	shalt  }
0x67: {  	_ =	shalt  }
0x68: {  	_ =	shalt  }
0x69: {  	_ =	shalt  }
0x6a: {  	_ =	shalt  }
0x6b: {  	_ =	shalt  }
0x6c: {  	_ =	shalt  }
0x6d: {  	_ =	shalt  }
0x6e: {  	_ =	shalt  }
0x6f: {  	_ =	shalt  }
0x70: {  	_ =	shalt  }
0x71: {  	_ =	shalt  }
0x72: {  	_ =	shalt  }
0x73: {  	_ =	shalt  }
0x74: {  	_ =	shalt  }
0x75: {  	_ =	shalt  }
0x76: {  	_ =	shalt  }
0x77: {  	_ =	shalt  }
0x78: {  	_ =	shalt  }
0x79: {  	_ =	shalt  }
0x7a: {  	_ =	shalt  }
0x7b: {  	_ =	shalt  }
0x7c: {  	_ =	shalt  }
0x7d: {  	_ =	shalt  }
0x7e: {  	_ =	shalt  }
0x7f: {  	_ =	shalt  }
0x80: {  	_ =	shalt  }
0x81: {  	_ =	shalt  }
0x82: {  	_ =	shalt  }
0x83: {  	_ =	shalt  }
0x84: {  	_ =	shalt  }
0x85: {  	_ =	shalt  }
0x86: {  	_ =	shalt  }
0x87: {  	_ =	shalt  }
.Lfunc_end0:
.L_simem_size_0:
called_computation_lowered:
.L_overlay_start_0:
0x88: {  	s2 =	sld [smem:$0x3FD9]  }
0x89: {  	s3 =	sld [smem:$0x3FFE];
	_ =	sdelay $0x1  }
0x8a: {  	s1 =	srdreg.scid  }
0x8b: {  	s0 =	sand.u32 $0x1, s1  }
0x8c: {  	s14 =	sshll.u32 s0, $0xA;
	s2 =	sadd.s32 s3, s2  }
0x8d: {  	s2 =	sadd.s32 s2, s14  }
0x8e: {  	[smem:$0x3FBE] =	sst s2  }
0x8f: {  	_ = 	snop  }
0x90: {  	s2 =	sld [smem:$0x3FD0];
	_ =	sdelay $0x2  }
0x91: {  	s4 =	simm.s32 $0xA;
	s5 =	simm.s32 $0x10;
	s15 =	sld [smem:$0x3FC9]  }
0x92: {  	[smem:s5], [sflag:s4] =	dma.local [hbm:s2], $0x1  }
0x93: {  	_ =	swait.eq [sflag:s4], $0x1  }
0x94: {  	[sflag:s4] =	ssyncset.done $0x0  }
0x95: {  	[sflag:s4] =	ssyncadd.s32 $0xFFFFFFFF  }
0x96: {  	s16 =	sld [smem:$0x10];
	(tm) =	ssettm $0x1  }
0x97: {  	s17 =	sld [smem:$0x3FFB];
	_ =	sdelay $0x3  }
0x98: {  	_ =	strace s17  }
0x99: {  	s4 =	sld [smem:$0x3FFC];
	_ =	sdelay $0x3  }
0x9a: {  	_ =	strace s4  }
0x9b: {  	s4 =	sld [smem:$0x3FFD];
	_ =	sdelay $0x3  }
0x9c: {  	_ =	strace s4  }
0x9d: {  	_ =	strace $0x8FFFFFFF  }
0x9e: {  	s18 =	sld [smem:$0x3FDB];
	_ =	sdelay $0x1  }
0x9f: {  	s19 =	simm.s32 $_scs_section_size  }
0xa0: {  	s6 =	simm.s32 $_size__tile_overlayer_lowered;
	s7 =	simm.s32 $_tile_overlayer_lowered  }
0xa1: {  	s22 =	simm.s32 $0x1BFF;
	s21 =	sshll.u32 s7, $0x1;
	s4 =	sadd.s32 s19, s18  }
0xa2: {  	s8 =	simm.s32 $0x0;
	s20 =	sshll.u32 s6, $0x1;
	s6 =	sadd.s32 s21, s4  }
0xa3: {  	[timem:s8], [sflag:s22] =	dma.local [hbm:s6], s20  }
0xa4: {  	_ =	swait.ge [sflag:s22], s20  }
0xa5: {  	s5 =	ssub.s32 $0x0, s20;
	[sflag:s22] =	ssyncset.done $0x0  }
0xa6: {  	[sflag:s22] =	ssyncadd.s32 s5;
	_ =	sdelay $0x1  }
0xa7: {  	s23 =	simm.s32 $0x1B8B  }
0xa8: {  	_ =	swait.ge [sflag:s23], $0x1  }
0xa9: {  	[sflag:s23] =	ssyncset.done $0x0  }
0xaa: {  	s25 =	simm.s32 $0x1B8E;
	s24 =	sld [smem:$0x3FFE];
	[sflag:s23] =	ssyncadd.s32 $0xFFFFFFFF  }
0xab: {  	s26 =	simm.s32 $execute0_lowered;
	[smem:$0x3FD2] =	sst s25  }
0xac: {  	s6 =	sshll.u32 s26, $0x1;
	_ =	strace $0x80000046;
	[dreg:$0x1] =	wrdreg $0xFFFFFFFF  }
0xad: {  	s28 =	simm.s32 $_size_execute0_lowered;
	s4 =	sadd.s32 s4, s6;
	[dreg:$0x0] =	wrdreg $0x0  }
0xae: {  	s6 =	sshll.u32 s28, $0x1;
	[dreg:$0x2] =	wrdreg s4  }
0xaf: {  	[dreg:$0x3] =	wrdreg s6  }
0xb0: {  	[dreg:$0x4] =	wrdreg $0xC0  }
0xb1: {  	_ =	task [dreg:s8], $0x5FFFF  }
0xb2: {  	[dreg:$0x1] =	wrdreg $0xFFFFFFFF  }
0xb3: {  	[dreg:$0x0] =	wrdreg $0x60  }
0xb4: {  	[dreg:$0x2] =	wrdreg s15  }
0xb5: {  	[dreg:$0x3] =	wrdreg s16  }
0xb6: {  	[dreg:$0x4] =	wrdreg s24  }
0xb7: {  	[dreg:$0x5] =	wrdreg $0x0  }
0xb8: {  	[dreg:$0x6] =	wrdreg $0x1F8500  }
0xb9: {  	[dreg:$0x7] =	wrdreg $0x9  }
0xba: {  	_ =	task.clear_ibuf [dreg:s8], $0x8FFFF;
	_ =	strace $0x90000046  }
0xbb: {  	s29 =	simm.s32 $0x9;
	_ =	strace $0x80000048  }
0xbc: {  	_ =	swait.ge [sflag:s29], $0x1  }
0xbd: {  	[sflag:s29] =	ssyncadd.s32 $0xFFFFFFFF  }
0xbe: {  	_ =	strace $0x90000048  }
0xbf: {  	_ =	sfence  }
0xc0: {  	s30 =	sld [smem:$0x0];
	_ =	sdelay $0x2  }
0xc1: {  	s31 =	sshll.u32 s1, $0xD;
	s1 =	sshrl.u32 s1, $0x2  }
0xc2: {  	s3 =	sand.u32 $0x4000, s31;
	s1 =	sadd.s32 s1, s30  }
0xc3: {  	s0 =	sor.u32 s3, s0;
	s1 =	sshll.u32 s1, $0x11  }
0xc4: {  	s0 =	sor.u32 s1, s0  }
0xc5: {  	s0 =	sadd.s32 $0x8F2B, s0  }
0xc6: {  	[sflag:s0] =	ssyncadd.remote.s32 $0x1  }
0xc7: {  	_ =	sfence.sel $0xFFFF  }
0xc8: {  	[dreg:$0x0] =	wrdreg $0xFFFFFFFF;
	(pc) =	sbr.abs _section_cstart, $3  }
0xc9: {  	[dreg:$0x1] =	wrdreg $0xFFFFFFFF  }
0xca: {  	_ =	task.clear_ibuf [dreg:s8], $0x2FFFF;
	_ =	strace $0x9FFFFFFF  }
0xcb: {  	(tm) =	ssettm $0x7FFFFFFF  }
tec
execute0_lowered:
.L_overlay_start_1:
0x0: {  	(tag) =	ssettag $0x1  }
0x1: {  	s1 =	rddreg [dreg:$0x0]  }
0x2: {  	s0 =	rddreg [dreg:$0x1]  }
0x3: {  	s3 =	rddreg [dreg:$0x2]  }
0x4: {  	s2 =	rddreg [dreg:$0x3]  }
0x5: {  	s21 =	rddreg [dreg:$0x4]  }
0x6: {  	s4 =	simm.s32 $0x0;
	s5 =	srdreg.scid;
	s7 =	stileid.u32  }
0x7: {  	s29 =	simm.s32 $0x80;
	s31 =	simm.s32 $0x19000;
	s30 =	simm.s32 $0x14A00  }
0x8: {  	[smem:$0x7FF] =	sst s4;
	s5 =	sand.u32 $0x1, s5;
	s9 =	smul.u32 $0x280, s7  }
0x9: {  	s8 =	sadd.s32 $0x2A00, s3;
	s10 =	sadd.s32 $0x3200, s3;
	s12 =	smul.u32 $0x50000, s7  }
0xa: {  	s23 =	sshll.u32 s7, $0x1;
	p0 =	sne.s32 s7, $0x0;
	_ =	strace $0x80000047  }
0xb: {  	s6 =	smul.u32 $0x500, s5;
	[dreg:$0x6] =	wrdreg s8;
	s22 =	ssub.s32 $0x2, s5  }
0xc: {  	s8 =	sor.u32 s5, s23;
	s17 =	smul.u32 $0x2800, s5;
	s11 =	sshrl.u32 s22, $0x1  }
0xd: {  	s24 =	sshrl.u32 s12, $0x2;
	s25 =	sadd.s32 $0x80, s9;
	s13 =	sadd.s32 $0x100, s9  }
0xe: {  	s14 =	sadd.s32 $0x180, s9;
	s16 =	sadd.s32 $0x200, s9;
	s23 =	sshll.u32 s8, $0x7  }
0xf: {  	s3 =	sadd.s32 s6, s3;
	s6 =	ssub.s32 s22, s11;
	s26 =	sadd.s32 s24, s2  }
0x10: {  	s19 =	sshll.u32 s25, $0x7;
	s20 =	sshll.u32 s13, $0x7;
	s15 =	sshll.u32 s14, $0x7  }
0x11: {  	s22 =	sshll.u32 s16, $0x7;
	s9 =	sadd.s32 s9, s17;
	s24 =	sadd.s32 s17, s25  }
0x12: {  	s13 =	sadd.s32 s17, s13;
	s14 =	sadd.s32 s17, s14;
	s17 =	sadd.s32 s17, s16  }
0x13: {  	s16 =	simm.s32 $0x14A80;
	s28 =	sadd.s32 s19, s2;
	s18 =	sadd.s32 s20, s2  }
0x14: {  	s15 =	sadd.s32 s15, s2;
	s19 =	sadd.s32 s22, s2;
	s20 =	sadd.s32 s0, s23  }
0x15: {  	s9 =	sshll.u32 s9, $0x4;
	s12 =	sshll.u32 s24, $0x4;
	s11 =	sshll.u32 s14, $0x4  }
0x16: {  	s22 =	sshll.u32 s17, $0x4;
	s3 =	sadd.s32 $0x53200, s3;
	[dreg:$0x7] =	wrdreg s26  }
0x17: {  	s23 =	sshll.u32 s7, $0x8;
	s6 =	smax.u32 s6, $0x1;
	[dreg:$0xc] =	wrdreg s20  }
0x18: {  	s24 =	sshll.u32 s5, $0x7;
	s17 =	simm.s32 $0x2;
	[dreg:$0x13] =	wrdreg s3  }
0x19: {  	s5 =	simm.s32 $0x5;
	s14 =	simm.s32 $0x14900;
	[dreg:$0x14] =	wrdreg s6  }
0x1a: {  	s7 =	simm.s32 $0x0;
	s25 =	sadd.s32 $0x1000, s20;
	[dreg:$0x8] =	wrdreg s28  }
0x1b: {  	s9 =	sadd.s32 s10, s9;
	s20 =	sadd.s32 s10, s11;
	[dreg:$0xd] =	wrdreg s25  }
0x1c: {  	s0 =	sadd.s32 s23, s0;
	s23 =	simm.s32 $0x7;
	[dreg:$0xe] =	wrdreg s9  }
0x1d: {  	s9 =	sadd.s32 s10, s12;
	[dreg:$0x11] =	wrdreg s20;
	s20 =	sadd.s32 s24, s0  }
0x1e: {  	s25 =	sor.u32 $0xA0, s8;
	s8 =	smov.u32 s18;
	s24 =	simm.s32 $0x1D000  }
0x1f: {  	s0 =	simm.s32 $0x4;
	s12 =	simm.s32 $0x14800;
	[dreg:$0xf] =	wrdreg s9  }
0x20: {  	s18 =	simm.s32 $0x14980;
	s9 =	sshll.u32 s13, $0x4;
	[dreg:$0x15] =	wrdreg s25  }
.Ltmp0:
0x21: {  	[dreg:$0x9] =	wrdreg s8;
	s9 =	sadd.s32 s10, s9;
	(pc) =	sbr.rel .LBB2_1-.Ltmp0, $4  }
0x22: {  	s13 =	simm.s32 $0x1;
	[dreg:$0x10] =	wrdreg s9;
	s9 =	sadd.s32 s10, s22  }
0x23: {  	v0 =	vlaneseq.u32;
	s25 =	simm.s32 $0x14B00;
	s10 =	smov.u32 s19;
	[dreg:$0x12] =	wrdreg s9  }
0x24: {  	v5 =	vimm.f32 $1.000000000e+00;
	v1 =	vor.u32 $0x10, v0;
	s22 =	simm.s32 $0x15000;
	s9 =	smov.u32 s15;
	[dreg:$0xb] =	wrdreg s10  }
0x25: {  	v2 =	vor.u32 $0x20, v0;
	v3 =	vor.u32 $0x30, v0;
	v4 =	vor.u32 $0x40, v0;
	s19 =	simm.s32 $0x14B80;
	s15 =	simm.s32 $0x8;
	[dreg:$0xa] =	wrdreg s9  }
.LBB2_5:
0x26: {  	s21 =	rddreg [dreg:$0x4];
	s3 =	simm.s32 $0x50;
	s6 =	simm.s32 $0x1F800  }
0x27: {  	[spmem:s21] =	stream.indirect.scatter.add.f32 [tilespmem:s24], [sflag:$0x7], $0x80, s6, s3, $0xb8;
	[tilespmem:$0x1FAD0] =	vst v63  }
0x28: {  	_ =	swait.ge [sflag:s23], $0x2800  }
0x29: {  	[sflag:s23] =	ssyncset.done $0x0  }
0x2a: {  	[sflag:s23] =	ssyncadd.s32 $0xFFFFD800  }
0x2b: {  	[bflag:$0x0] =	sbarrier.arrive $0xFFFF  }
0x2c: {  	s26 =	rddreg [dreg:$0x7]  }
0x2d: {  	[tilespmem:s22], [sflag:$0x7] =	stream.linear.gather [spmem:s26], $0x4000, $0x38;
	[tilespmem:$0x1FAD0] =	vst v63  }
0x2e: {  	_ =	swait.ge [sflag:s23], $0x4000  }
0x2f: {  	[sflag:s23] =	ssyncset.done $0x0  }
0x30: {  	s7 =	rddreg [dreg:$0xe];
	[sflag:s23] =	ssyncadd.s32 $0xFFFFC000  }
0x31: {  	[hbm4b:s7+s4] =	stream.linear.scatter [tilespmem:s22], [sflag:$0x7], $0x4000, $0x38;
	[tilespmem:$0x1FAD0] =	vst v63  }
0x32: {  	_ =	swait.ge [sflag:s23], $0x4000  }
0x33: {  	[sflag:s23] =	ssyncset.done $0x0  }
0x34: {  	s28 =	rddreg [dreg:$0x8];
	[sflag:s23] =	ssyncadd.s32 $0xFFFFC000  }
0x35: {  	[tilespmem:s22], [sflag:$0x7] =	stream.linear.gather [spmem:s28], $0x4000, $0x38;
	[tilespmem:$0x1FAD0] =	vst v63  }
0x36: {  	_ =	swait.ge [sflag:s23], $0x4000  }
0x37: {  	[sflag:s23] =	ssyncset.done $0x0  }
0x38: {  	s8 =	rddreg [dreg:$0xf];
	[sflag:s23] =	ssyncadd.s32 $0xFFFFC000  }
0x39: {  	[hbm4b:s8+s4] =	stream.linear.scatter [tilespmem:s22], [sflag:$0x7], $0x4000, $0x38;
	[tilespmem:$0x1FAD0] =	vst v63  }
0x3a: {  	_ =	swait.ge [sflag:s23], $0x4000  }
0x3b: {  	[sflag:s23] =	ssyncset.done $0x0  }
0x3c: {  	s8 =	rddreg [dreg:$0x9];
	[sflag:s23] =	ssyncadd.s32 $0xFFFFC000  }
0x3d: {  	[tilespmem:s22], [sflag:$0x7] =	stream.linear.gather [spmem:s8], $0x4000, $0x38;
	[tilespmem:$0x1FAD0] =	vst v63  }
0x3e: {  	_ =	swait.ge [sflag:s23], $0x4000  }
0x3f: {  	[sflag:s23] =	ssyncset.done $0x0  }
0x40: {  	s9 =	rddreg [dreg:$0x10];
	[sflag:s23] =	ssyncadd.s32 $0xFFFFC000  }
0x41: {  	[hbm4b:s9+s4] =	stream.linear.scatter [tilespmem:s22], [sflag:$0x7], $0x4000, $0x38;
	[tilespmem:$0x1FAD0] =	vst v63  }
0x42: {  	_ =	swait.ge [sflag:s23], $0x4000  }
0x43: {  	[sflag:s23] =	ssyncset.done $0x0  }
0x44: {  	s9 =	rddreg [dreg:$0xa];
	[sflag:s23] =	ssyncadd.s32 $0xFFFFC000  }
0x45: {  	[tilespmem:s22], [sflag:$0x7] =	stream.linear.gather [spmem:s9], $0x4000, $0x38;
	[tilespmem:$0x1FAD0] =	vst v63  }
0x46: {  	_ =	swait.ge [sflag:s23], $0x4000  }
0x47: {  	[sflag:s23] =	ssyncset.done $0x0  }
0x48: {  	s10 =	rddreg [dreg:$0x11];
	[sflag:s23] =	ssyncadd.s32 $0xFFFFC000  }
0x49: {  	[hbm4b:s10+s4] =	stream.linear.scatter [tilespmem:s22], [sflag:$0x7], $0x4000, $0x38;
	[tilespmem:$0x1FAD0] =	vst v63  }
0x4a: {  	_ =	swait.ge [sflag:s23], $0x4000  }
0x4b: {  	[sflag:s23] =	ssyncset.done $0x0  }
0x4c: {  	s10 =	rddreg [dreg:$0xb];
	[sflag:s23] =	ssyncadd.s32 $0xFFFFC000  }
0x4d: {  	[tilespmem:s22], [sflag:$0x7] =	stream.linear.gather [spmem:s10], $0x4000, $0x38;
	[tilespmem:$0x1FAD0] =	vst v63  }
0x4e: {  	_ =	swait.ge [sflag:s23], $0x4000  }
0x4f: {  	[sflag:s23] =	ssyncset.done $0x0  }
0x50: {  	s11 =	rddreg [dreg:$0x12];
	[sflag:s23] =	ssyncadd.s32 $0xFFFFC000  }
0x51: {  	[hbm4b:s11+s4] =	stream.linear.scatter [tilespmem:s22], [sflag:$0x7], $0x4000, $0x38;
	[tilespmem:$0x1FAD0] =	vst v63  }
0x52: {  	_ =	swait.ge [sflag:s23], $0x4000  }
0x53: {  	[sflag:s23] =	ssyncset.done $0x0  }
0x54: {  	s3 =	simm.s32 @!p0 $0x1D000;
	s6 =	simm.s32 @!p0 $0x7;
	[sflag:s23] =	ssyncadd.s32 $0xFFFFC000  }
0x55: {  	[tilespmem:s3], [sflag:$0x7] =	stream.linear.gather @!p0 [spmem:s21], $0x2800, $0x38;
	[tilespmem:$0x1FAD0] =	vst v63  }
0x56: {  	_ =	swait.ge @!p0 [sflag:s6], $0x2800  }
0x57: {  	[sflag:s6] =	ssyncset.done @!p0 $0x0  }
0x58: {  	s7 =	simm.s32 @!p0 $0x0;
	s11 =	rddreg [dreg:$0x13];
	[sflag:s6] =	ssyncadd.s32 @!p0 $0xFFFFD800  }
0x59: {  	[hbm4b:s11+s7] =	stream.linear.scatter @!p0 [tilespmem:s3], [sflag:$0x7], $0x2800, $0x38;
	[tilespmem:$0x1FAD0] =	vst v63  }
0x5a: {  	_ =	swait.ge @!p0 [sflag:s6], $0x2800  }
0x5b: {  	s3 =	rddreg [dreg:$0x16]  }
0x5c: {  	s11 =	rddreg [dreg:$0x14];
	s7 =	sadd.s32 $0x1, s3  }
0x5d: {  	p1 =	sne.s32 s7, s11  }
.Ltmp1:
0x5e: {  	_ = 	snop;
	(pc) =	sbr.rel @!p1 .LBB2_6-.Ltmp1, $3  }
0x5f: {  	_ =	sdelay $0x1  }
0x60: {  	[sflag:s6] =	ssyncset.done @!p0 $0x0  }
0x61: {  	[sflag:s6] =	ssyncadd.s32 @!p0 $0xFFFFD800  }
.LBB2_1:
0x62: {  	[dreg:$0x16] =	wrdreg s7  }
0x63: {  	s3 =	rddreg [dreg:$0x6]  }
0x64: {  	[tilespmem:s22], [sflag:$0x7] =	stream.linear.gather [hbm4b:s3+s4], $0x4000, $0x38;
	[tilespmem:$0x1FAD0] =	vst v63  }
0x65: {  	_ =	swait.ge [sflag:s23], $0x4000  }
0x66: {  	[sflag:s23] =	ssyncset.done $0x0  }
0x67: {  	[sflag:s23] =	ssyncadd.s32 $0xFFFFC000  }
0x68: {  	[spmem:s26] =	stream.linear.scatter [tilespmem:s22], [sflag:$0x7], $0x4000, $0x38;
	[tilespmem:$0x1FAD0] =	vst v63  }
0x69: {  	_ =	swait.ge [sflag:s23], $0x4000  }
0x6a: {  	[sflag:s23] =	ssyncset.done $0x0  }
0x6b: {  	[sflag:s23] =	ssyncadd.s32 $0xFFFFC000  }
0x6c: {  	[spmem:s28] =	stream.linear.scatter [tilespmem:s22], [sflag:$0x7], $0x4000, $0x38;
	[tilespmem:$0x1FAD0] =	vst v63  }
0x6d: {  	_ =	swait.ge [sflag:s23], $0x4000  }
0x6e: {  	[sflag:s23] =	ssyncset.done $0x0  }
0x6f: {  	[sflag:s23] =	ssyncadd.s32 $0xFFFFC000  }
0x70: {  	[spmem:s8] =	stream.linear.scatter [tilespmem:s22], [sflag:$0x7], $0x4000, $0x38;
	[tilespmem:$0x1FAD0] =	vst v63  }
0x71: {  	_ =	swait.ge [sflag:s23], $0x4000  }
0x72: {  	[sflag:s23] =	ssyncset.done $0x0  }
0x73: {  	[sflag:s23] =	ssyncadd.s32 $0xFFFFC000  }
0x74: {  	[spmem:s9] =	stream.linear.scatter [tilespmem:s22], [sflag:$0x7], $0x4000, $0x38;
	[tilespmem:$0x1FAD0] =	vst v63  }
0x75: {  	_ =	swait.ge [sflag:s23], $0x4000  }
0x76: {  	[sflag:s23] =	ssyncset.done $0x0  }
0x77: {  	[sflag:s23] =	ssyncadd.s32 $0xFFFFC000  }
0x78: {  	[spmem:s10] =	stream.linear.scatter [tilespmem:s22], [sflag:$0x7], $0x4000, $0x38;
	[tilespmem:$0x1FAD0] =	vst v63  }
0x79: {  	_ =	swait.ge [sflag:s23], $0x4000  }
0x7a: {  	[sflag:s23] =	ssyncset.done $0x0  }
0x7b: {  	[sflag:s23] =	ssyncadd.s32 $0xFFFFC000  }
0x7c: {  	[tilespmem:s24], [sflag:$0x7] =	stream.linear.gather [hbm4b:s3+s4], $0x2800, $0x38;
	[tilespmem:$0x1FAD0] =	vst v63  }
0x7d: {  	_ =	swait.ge [sflag:s23], $0x2800  }
0x7e: {  	[sflag:s23] =	ssyncset.done $0x0  }
0x7f: {  	[sflag:s23] =	ssyncadd.s32 $0xFFFFD800  }
0x80: {  	[tilespmem:$0x1F800] =	vst v0  }
0x81: {  	[tilespmem:$0x1F810] =	vst v1  }
0x82: {  	[tilespmem:$0x1F820] =	vst v2  }
0x83: {  	[tilespmem:$0x1F830] =	vst v3  }
0x84: {  	s3 =	simm.s32 @!p0 $0x1D000;
	[tilespmem:$0x1F840] =	vst v4  }
0x85: {  	[spmem:s21] =	stream.linear.scatter @!p0 [tilespmem:s3], [sflag:$0x7], $0x2800, $0x38;
	[tilespmem:$0x1FAD0] =	vst v63  }
0x86: {  	s3 =	simm.s32 @!p0 $0x7  }
0x87: {  	_ =	swait.ge @!p0 [sflag:s3], $0x2800  }
0x88: {  	[sflag:s3] =	ssyncset.done @!p0 $0x0  }
0x89: {  	[sflag:s3] =	ssyncadd.s32 @!p0 $0xFFFFD800  }
0x8a: {  	[bflag:$0x0] =	sbarrier.arrive $0xFFFF  }
0x8b: {  	s6 =	simm.s32 $0x14000;
	s21 =	simm.s32 $0x3;
	s11 =	rddreg [dreg:$0xc]  }
0x8c: {  	[tilespmem:s6], [sflag:$0x3] =	stream.linear.gather [hbm4b:s11+s4], $0x400, $0x38;
	[tilespmem:$0x1FAD0] =	vst v63  }
0x8d: {  	_ =	swait.ge [sflag:s21], $0x400  }
.Ltmp2:
0x8e: {  	[sflag:s21] =	ssyncset.done $0x0;
	(pc) =	sbr.rel .LBB2_2-.Ltmp2, $4  }
0x8f: {  	s28 =	simm.s32 $0x14400;
	s26 =	rddreg [dreg:$0xd];
	[sflag:s21] =	ssyncadd.s32 $0xFFFFFC00  }
0x90: {  	[tilespmem:s28], [sflag:$0x4] =	stream.linear.gather [hbm4b:s26+s4], $0x400, $0x38;
	[tilespmem:$0x1FAD0] =	vst v63  }
0x91: {  	s11 =	rddreg [dreg:$0x15];
	s21 =	simm.s32 $0x0  }
0x92: {  	[tilespmem:s22], [sflag:$0x1] =	stream.indirect.gather [hbm4b:s1+s29], $0x80, s6, s29, $0xb8;
	[tilespmem:$0x1FAD0] =	vst v63  }
.LBB2_4:
0x93: {  	p3 =	sgt.u32 s11, $0x270  }
0x94: {  	s26 =	sadd.s32 @!p3 s21, s20  }
0x95: {  	s28 =	simm.s32 @!p3 $0x0;
	s6 =	simm.s32 @!p3 $0x14400;
	s26 =	sadd.s32 @!p3 $0x5000, s26  }
0x96: {  	[tilespmem:s6], [sflag:$0x4] =	stream.linear.gather @!p3 [hbm4b:s26+s28], $0x400, $0x38;
	[tilespmem:$0x1FAD0] =	vst v63  }
0x97: {  	_ =	swait.ge [sflag:s17], $0x4000  }
0x98: {  	[sflag:s17] =	ssyncset.done $0x0  }
0x99: {  	[sflag:s17] =	ssyncadd.s32 $0xFFFFC000  }
0x9a: {  	[spmem:s2] =	stream.indirect.scatter.add.f32 [tilespmem:s31], [sflag:$0x8], $0x80, s19, s29, $0xb8;
	[tilespmem:$0x1FAD0] =	vst v63  }
0x9b: {  	_ =	swait.ge [sflag:s15], $0x4000  }
0x9c: {  	s6 =	simm.s32 @!p1 $0x80;
	[sflag:s15] =	ssyncset.done $0x0  }
0x9d: {  	s26 =	simm.s32 @!p1 $0x14C80;
	s28 =	simm.s32 @!p1 $0x19000;
	[sflag:s15] =	ssyncadd.s32 $0xFFFFC000  }
0x9e: {  	[tilespmem:s28], [sflag:$0x2] =	stream.indirect.gather @!p1 [hbm4b:s1+s6], $0x80, s26, s6, $0xb8;
	[tilespmem:$0x1FAD0] =	vst v63  }
0x9f: {  	s26 =	simm.s32 @!p1 $0x1  }
0xa0: {  	_ =	swait.ge @!p1 [sflag:s26], $0x4000  }
0xa1: {  	[sflag:s26] =	ssyncset.done @!p1 $0x0  }
0xa2: {  	s7 =	simm.s32 @!p1 $0x14E00;
	s8 =	simm.s32 @!p1 $0x15000;
	[sflag:s26] =	ssyncadd.s32 @!p1 $0xFFFFC000  }
0xa3: {  	[spmem:s2] =	stream.indirect.scatter.add.f32 @!p1 [tilespmem:s8], [sflag:$0x8], $0x80, s7, s6, $0xb8;
	[tilespmem:$0x1FAD0] =	vst v63  }
0xa4: {  	s7 =	simm.s32 @!p1 $0x8  }
0xa5: {  	_ =	swait.ge @!p1 [sflag:s7], $0x4000  }
0xa6: {  	[sflag:s7] =	ssyncset.done @!p1 $0x0  }
0xa7: {  	s9 =	simm.s32 @!p1 $0x14D00;
	[sflag:s7] =	ssyncadd.s32 @!p1 $0xFFFFC000  }
0xa8: {  	[tilespmem:s8], [sflag:$0x1] =	stream.indirect.gather @!p1 [hbm4b:s1+s6], $0x80, s9, s6, $0xb8;
	[tilespmem:$0x1FAD0] =	vst v63  }
0xa9: {  	s9 =	simm.s32 @!p2 $0x3  }
0xaa: {  	_ =	swait.ge @!p2 [sflag:s9], $0x400  }
0xab: {  	[sflag:s9] =	ssyncset.done @!p2 $0x0  }
0xac: {  	[sflag:s9] =	ssyncadd.s32 @!p2 $0xFFFFFC00;
	s9 =	simm.s32 @!p1 $0x2  }
0xad: {  	_ =	swait.ge @!p1 [sflag:s9], $0x4000  }
0xae: {  	[sflag:s9] =	ssyncset.done @!p1 $0x0  }
0xaf: {  	s10 =	simm.s32 @!p1 $0x14E80;
	[sflag:s9] =	ssyncadd.s32 @!p1 $0xFFFFC000  }
0xb0: {  	[spmem:s2] =	stream.indirect.scatter.add.f32 @!p1 [tilespmem:s28], [sflag:$0x8], $0x80, s10, s6, $0xb8;
	[tilespmem:$0x1FAD0] =	vst v63  }
0xb1: {  	_ =	swait.ge @!p1 [sflag:s7], $0x4000  }
0xb2: {  	[sflag:s7] =	ssyncset.done @!p1 $0x0  }
0xb3: {  	s10 =	simm.s32 @!p1 $0x14D80;
	[sflag:s7] =	ssyncadd.s32 @!p1 $0xFFFFC000  }
0xb4: {  	[tilespmem:s28], [sflag:$0x2] =	stream.indirect.gather @!p1 [hbm4b:s1+s6], $0x80, s10, s6, $0xb8;
	[tilespmem:$0x1FAD0] =	vst v63  }
0xb5: {  	_ =	swait.ge @!p1 [sflag:s26], $0x4000  }
0xb6: {  	[sflag:s26] =	ssyncset.done @!p1 $0x0  }
0xb7: {  	s10 =	simm.s32 @!p1 $0x14F00;
	[sflag:s26] =	ssyncadd.s32 @!p1 $0xFFFFC000  }
0xb8: {  	[spmem:s2] =	stream.indirect.scatter.add.f32 @!p1 [tilespmem:s8], [sflag:$0x8], $0x80, s10, s6, $0xb8;
	[tilespmem:$0x1FAD0] =	vst v63  }
0xb9: {  	_ =	swait.ge @!p1 [sflag:s7], $0x4000  }
0xba: {  	[sflag:s7] =	ssyncset.done @!p1 $0x0  }
0xbb: {  	s8 =	simm.s32 @!p2 $0x15000;
	[sflag:s7] =	ssyncadd.s32 @!p1 $0xFFFFC000;
	s7 =	simm.s32 @!p2 $0x80  }
0xbc: {  	[tilespmem:s8], [sflag:$0x1] =	stream.indirect.gather @!p2 [hbm4b:s1+s7], $0x80, s3, s7, $0xb8;
	[tilespmem:$0x1FAD0] =	vst v63  }
0xbd: {  	_ =	swait.ge @!p1 [sflag:s9], $0x4000  }
0xbe: {  	s21 =	sadd.s32 $0x4000, s21;
	[sflag:s9] =	ssyncset.done @!p1 $0x0  }
0xbf: {  	s3 =	simm.s32 @!p1 $0x14F80;
	p2 =	sne.s32 s21, $0x14000;
	[sflag:s9] =	ssyncadd.s32 @!p1 $0xFFFFC000  }
0xc0: {  	[spmem:s2] =	stream.indirect.scatter.add.f32 @!p1 [tilespmem:s28], [sflag:$0x7], $0x80, s3, s6, $0xb8;
	[tilespmem:$0x1FAD0] =	vst v63  }
.Ltmp3:
0xc1: {  	_ = 	snop;
	(pc) =	sbr.rel @!p2 .LBB2_5-.Ltmp3, $4  }
0xc2: {  	s3 =	simm.s32 @!p1 $0x7  }
0xc3: {  	_ =	swait.ge @!p1 [sflag:s3], $0x4000  }
0xc4: {  	[sflag:s3] =	ssyncset.done @!p1 $0x0  }
0xc5: {  	s11 =	sadd.s32 $0x80, s11;
	[sflag:s3] =	ssyncadd.s32 @!p1 $0xFFFFC000  }
.LBB2_2:
0xc6: {  	s3 =	simm.s32 $0x14080  }
0xc7: {  	[tilespmem:s31], [sflag:$0x2] =	stream.indirect.gather [hbm4b:s1+s29], $0x80, s3, s29, $0xb8;
	[tilespmem:$0x1FAD0] =	vst v63  }
0xc8: {  	v6 =	vld [tilespmem:$0x14200];
	_ =	sdelay $0x7  }
0xc9: {  	[tilespmem:v6+s24+$0x0] =	vst.idx.add.f32.msk $0xffff, v5  }
0xca: {  	v6 =	vld [tilespmem:$0x14210];
	_ =	sdelay $0x7  }
0xcb: {  	[tilespmem:v6+s24+$0x0] =	vst.idx.add.f32.msk $0xffff, v5  }
0xcc: {  	v6 =	vld [tilespmem:$0x14220];
	_ =	sdelay $0x7  }
0xcd: {  	[tilespmem:v6+s24+$0x0] =	vst.idx.add.f32.msk $0xffff, v5  }
0xce: {  	v6 =	vld [tilespmem:$0x14230];
	_ =	sdelay $0x7  }
0xcf: {  	[tilespmem:v6+s24+$0x0] =	vst.idx.add.f32.msk $0xffff, v5  }
0xd0: {  	v6 =	vld [tilespmem:$0x14240];
	_ =	sdelay $0x7  }
0xd1: {  	[tilespmem:v6+s24+$0x0] =	vst.idx.add.f32.msk $0xffff, v5  }
0xd2: {  	v6 =	vld [tilespmem:$0x14250];
	_ =	sdelay $0x7  }
0xd3: {  	[tilespmem:v6+s24+$0x0] =	vst.idx.add.f32.msk $0xffff, v5  }
0xd4: {  	v6 =	vld [tilespmem:$0x14260];
	_ =	sdelay $0x7  }
0xd5: {  	[tilespmem:v6+s24+$0x0] =	vst.idx.add.f32.msk $0xffff, v5  }
0xd6: {  	v6 =	vld [tilespmem:$0x14270];
	_ =	sdelay $0x7  }
0xd7: {  	[tilespmem:v6+s24+$0x0] =	vst.idx.add.f32.msk $0xffff, v5  }
0xd8: {  	v6 =	vld [tilespmem:$0x14280];
	_ =	sdelay $0x7  }
0xd9: {  	[tilespmem:v6+s24+$0x0] =	vst.idx.add.f32.msk $0xffff, v5  }
0xda: {  	v6 =	vld [tilespmem:$0x14290];
	_ =	sdelay $0x7  }
0xdb: {  	[tilespmem:v6+s24+$0x0] =	vst.idx.add.f32.msk $0xffff, v5  }
0xdc: {  	v6 =	vld [tilespmem:$0x142A0];
	_ =	sdelay $0x7  }
0xdd: {  	[tilespmem:v6+s24+$0x0] =	vst.idx.add.f32.msk $0xffff, v5  }
0xde: {  	v6 =	vld [tilespmem:$0x142B0];
	_ =	sdelay $0x7  }
0xdf: {  	[tilespmem:v6+s24+$0x0] =	vst.idx.add.f32.msk $0xffff, v5  }
0xe0: {  	v6 =	vld [tilespmem:$0x142C0];
	_ =	sdelay $0x7  }
0xe1: {  	[tilespmem:v6+s24+$0x0] =	vst.idx.add.f32.msk $0xffff, v5  }
0xe2: {  	v6 =	vld [tilespmem:$0x142D0];
	_ =	sdelay $0x7  }
0xe3: {  	[tilespmem:v6+s24+$0x0] =	vst.idx.add.f32.msk $0xffff, v5  }
0xe4: {  	v6 =	vld [tilespmem:$0x142E0];
	_ =	sdelay $0x7  }
0xe5: {  	[tilespmem:v6+s24+$0x0] =	vst.idx.add.f32.msk $0xffff, v5  }
0xe6: {  	v6 =	vld [tilespmem:$0x142F0];
	_ =	sdelay $0x7  }
0xe7: {  	[tilespmem:v6+s24+$0x0] =	vst.idx.add.f32.msk $0xffff, v5  }
0xe8: {  	v6 =	vld [tilespmem:$0x14300];
	_ =	sdelay $0x7  }
0xe9: {  	[tilespmem:v6+s24+$0x0] =	vst.idx.add.f32.msk $0xffff, v5  }
0xea: {  	v6 =	vld [tilespmem:$0x14310];
	_ =	sdelay $0x7  }
0xeb: {  	[tilespmem:v6+s24+$0x0] =	vst.idx.add.f32.msk $0xffff, v5  }
0xec: {  	v6 =	vld [tilespmem:$0x14320];
	_ =	sdelay $0x7  }
0xed: {  	[tilespmem:v6+s24+$0x0] =	vst.idx.add.f32.msk $0xffff, v5  }
0xee: {  	v6 =	vld [tilespmem:$0x14330];
	_ =	sdelay $0x7  }
0xef: {  	[tilespmem:v6+s24+$0x0] =	vst.idx.add.f32.msk $0xffff, v5  }
0xf0: {  	v6 =	vld [tilespmem:$0x14340];
	_ =	sdelay $0x7  }
0xf1: {  	[tilespmem:v6+s24+$0x0] =	vst.idx.add.f32.msk $0xffff, v5  }
0xf2: {  	v6 =	vld [tilespmem:$0x14350];
	_ =	sdelay $0x7  }
0xf3: {  	[tilespmem:v6+s24+$0x0] =	vst.idx.add.f32.msk $0xffff, v5  }
0xf4: {  	v6 =	vld [tilespmem:$0x14360];
	_ =	sdelay $0x7  }
0xf5: {  	[tilespmem:v6+s24+$0x0] =	vst.idx.add.f32.msk $0xffff, v5  }
0xf6: {  	v6 =	vld [tilespmem:$0x14370];
	_ =	sdelay $0x7  }
0xf7: {  	[tilespmem:v6+s24+$0x0] =	vst.idx.add.f32.msk $0xffff, v5  }
0xf8: {  	v6 =	vld [tilespmem:$0x14380];
	_ =	sdelay $0x7  }
0xf9: {  	[tilespmem:v6+s24+$0x0] =	vst.idx.add.f32.msk $0xffff, v5  }
0xfa: {  	v6 =	vld [tilespmem:$0x14390];
	_ =	sdelay $0x7  }
0xfb: {  	[tilespmem:v6+s24+$0x0] =	vst.idx.add.f32.msk $0xffff, v5  }
0xfc: {  	v6 =	vld [tilespmem:$0x143A0];
	_ =	sdelay $0x7  }
0xfd: {  	[tilespmem:v6+s24+$0x0] =	vst.idx.add.f32.msk $0xffff, v5  }
0xfe: {  	v6 =	vld [tilespmem:$0x143B0];
	_ =	sdelay $0x7  }
0xff: {  	[tilespmem:v6+s24+$0x0] =	vst.idx.add.f32.msk $0xffff, v5  }
0x100: {  	v6 =	vld [tilespmem:$0x143C0];
	_ =	sdelay $0x7  }
0x101: {  	[tilespmem:v6+s24+$0x0] =	vst.idx.add.f32.msk $0xffff, v5  }
0x102: {  	v6 =	vld [tilespmem:$0x143D0];
	_ =	sdelay $0x7  }
0x103: {  	[tilespmem:v6+s24+$0x0] =	vst.idx.add.f32.msk $0xffff, v5  }
0x104: {  	v6 =	vld [tilespmem:$0x143E0];
	_ =	sdelay $0x7  }
0x105: {  	[tilespmem:v6+s24+$0x0] =	vst.idx.add.f32.msk $0xffff, v5  }
0x106: {  	v6 =	vld [tilespmem:$0x143F0];
	_ =	sdelay $0x7  }
0x107: {  	[tilespmem:v6+s24+$0x0] =	vst.idx.add.f32.msk $0xffff, v5  }
0x108: {  	_ =	swait.ge [sflag:s0], $0x400  }
0x109: {  	s10 =	sadd.s32 s21, s20;
	[sflag:s0] =	ssyncset.done $0x0  }
0x10a: {  	s3 =	sadd.s32 $0x2000, s10;
	[sflag:s0] =	ssyncadd.s32 $0xFFFFFC00  }
0x10b: {  	[tilespmem:s12], [sflag:$0x5] =	stream.linear.gather [hbm4b:s3+s4], $0x400, $0x38;
	[tilespmem:$0x1FAD0] =	vst v63  }
0x10c: {  	_ =	swait.ge [sflag:s13], $0x4000  }
0x10d: {  	[sflag:s13] =	ssyncset.done $0x0  }
0x10e: {  	s26 =	simm.s32 $0x14200;
	[sflag:s13] =	ssyncadd.s32 $0xFFFFC000  }
0x10f: {  	[spmem:s2] =	stream.indirect.scatter.add.f32 [tilespmem:s22], [sflag:$0x8], $0x80, s26, s29, $0xb8;
	[tilespmem:$0x1FAD0] =	vst v63  }
0x110: {  	_ =	swait.ge [sflag:s15], $0x4000  }
0x111: {  	[sflag:s15] =	ssyncset.done $0x0  }
0x112: {  	s28 =	simm.s32 $0x14100;
	[sflag:s15] =	ssyncadd.s32 $0xFFFFC000  }
0x113: {  	[tilespmem:s22], [sflag:$0x1] =	stream.indirect.gather [hbm4b:s1+s29], $0x80, s28, s29, $0xb8;
	[tilespmem:$0x1FAD0] =	vst v63  }
0x114: {  	_ =	swait.ge [sflag:s17], $0x4000  }
0x115: {  	[sflag:s17] =	ssyncset.done $0x0  }
0x116: {  	s6 =	simm.s32 $0x14280;
	[sflag:s17] =	ssyncadd.s32 $0xFFFFC000  }
0x117: {  	[spmem:s2] =	stream.indirect.scatter.add.f32 [tilespmem:s31], [sflag:$0x8], $0x80, s6, s29, $0xb8;
	[tilespmem:$0x1FAD0] =	vst v63  }
0x118: {  	_ =	swait.ge [sflag:s15], $0x4000  }
0x119: {  	[sflag:s15] =	ssyncset.done $0x0  }
0x11a: {  	s7 =	simm.s32 $0x14180;
	[sflag:s15] =	ssyncadd.s32 $0xFFFFC000  }
0x11b: {  	[tilespmem:s31], [sflag:$0x2] =	stream.indirect.gather [hbm4b:s1+s29], $0x80, s7, s29, $0xb8;
	[tilespmem:$0x1FAD0] =	vst v63  }
0x11c: {  	_ =	swait.ge [sflag:s13], $0x4000  }
0x11d: {  	[sflag:s13] =	ssyncset.done $0x0  }
0x11e: {  	s8 =	simm.s32 $0x14300;
	[sflag:s13] =	ssyncadd.s32 $0xFFFFC000  }
0x11f: {  	[spmem:s2] =	stream.indirect.scatter.add.f32 [tilespmem:s22], [sflag:$0x8], $0x80, s8, s29, $0xb8;
	[tilespmem:$0x1FAD0] =	vst v63  }
0x120: {  	_ =	swait.ge [sflag:s15], $0x4000  }
0x121: {  	[sflag:s15] =	ssyncset.done $0x0  }
0x122: {  	s9 =	simm.s32 $0x14400;
	[sflag:s15] =	ssyncadd.s32 $0xFFFFC000  }
0x123: {  	[tilespmem:s22], [sflag:$0x1] =	stream.indirect.gather [hbm4b:s1+s29], $0x80, s9, s29, $0xb8;
	[tilespmem:$0x1FAD0] =	vst v63  }
0x124: {  	v6 =	vld [tilespmem:$0x14600];
	_ =	sdelay $0x7  }
0x125: {  	[tilespmem:v6+s24+$0x0] =	vst.idx.add.f32.msk $0xffff, v5  }
0x126: {  	v6 =	vld [tilespmem:$0x14610];
	_ =	sdelay $0x7  }
0x127: {  	[tilespmem:v6+s24+$0x0] =	vst.idx.add.f32.msk $0xffff, v5  }
0x128: {  	v6 =	vld [tilespmem:$0x14620];
	_ =	sdelay $0x7  }
0x129: {  	[tilespmem:v6+s24+$0x0] =	vst.idx.add.f32.msk $0xffff, v5  }
0x12a: {  	v6 =	vld [tilespmem:$0x14630];
	_ =	sdelay $0x7  }
0x12b: {  	[tilespmem:v6+s24+$0x0] =	vst.idx.add.f32.msk $0xffff, v5  }
0x12c: {  	v6 =	vld [tilespmem:$0x14640];
	_ =	sdelay $0x7  }
0x12d: {  	[tilespmem:v6+s24+$0x0] =	vst.idx.add.f32.msk $0xffff, v5  }
0x12e: {  	v6 =	vld [tilespmem:$0x14650];
	_ =	sdelay $0x7  }
0x12f: {  	[tilespmem:v6+s24+$0x0] =	vst.idx.add.f32.msk $0xffff, v5  }
0x130: {  	v6 =	vld [tilespmem:$0x14660];
	_ =	sdelay $0x7  }
0x131: {  	[tilespmem:v6+s24+$0x0] =	vst.idx.add.f32.msk $0xffff, v5  }
0x132: {  	v6 =	vld [tilespmem:$0x14670];
	_ =	sdelay $0x7  }
0x133: {  	[tilespmem:v6+s24+$0x0] =	vst.idx.add.f32.msk $0xffff, v5  }
0x134: {  	v6 =	vld [tilespmem:$0x14680];
	_ =	sdelay $0x7  }
0x135: {  	[tilespmem:v6+s24+$0x0] =	vst.idx.add.f32.msk $0xffff, v5  }
0x136: {  	v6 =	vld [tilespmem:$0x14690];
	_ =	sdelay $0x7  }
0x137: {  	[tilespmem:v6+s24+$0x0] =	vst.idx.add.f32.msk $0xffff, v5  }
0x138: {  	v6 =	vld [tilespmem:$0x146A0];
	_ =	sdelay $0x7  }
0x139: {  	[tilespmem:v6+s24+$0x0] =	vst.idx.add.f32.msk $0xffff, v5  }
0x13a: {  	v6 =	vld [tilespmem:$0x146B0];
	_ =	sdelay $0x7  }
0x13b: {  	[tilespmem:v6+s24+$0x0] =	vst.idx.add.f32.msk $0xffff, v5  }
0x13c: {  	v6 =	vld [tilespmem:$0x146C0];
	_ =	sdelay $0x7  }
0x13d: {  	[tilespmem:v6+s24+$0x0] =	vst.idx.add.f32.msk $0xffff, v5  }
0x13e: {  	v6 =	vld [tilespmem:$0x146D0];
	_ =	sdelay $0x7  }
0x13f: {  	[tilespmem:v6+s24+$0x0] =	vst.idx.add.f32.msk $0xffff, v5  }
0x140: {  	v6 =	vld [tilespmem:$0x146E0];
	_ =	sdelay $0x7  }
0x141: {  	[tilespmem:v6+s24+$0x0] =	vst.idx.add.f32.msk $0xffff, v5  }
0x142: {  	v6 =	vld [tilespmem:$0x146F0];
	_ =	sdelay $0x7  }
0x143: {  	[tilespmem:v6+s24+$0x0] =	vst.idx.add.f32.msk $0xffff, v5  }
0x144: {  	v6 =	vld [tilespmem:$0x14700];
	_ =	sdelay $0x7  }
0x145: {  	[tilespmem:v6+s24+$0x0] =	vst.idx.add.f32.msk $0xffff, v5  }
0x146: {  	v6 =	vld [tilespmem:$0x14710];
	_ =	sdelay $0x7  }
0x147: {  	[tilespmem:v6+s24+$0x0] =	vst.idx.add.f32.msk $0xffff, v5  }
0x148: {  	v6 =	vld [tilespmem:$0x14720];
	_ =	sdelay $0x7  }
0x149: {  	[tilespmem:v6+s24+$0x0] =	vst.idx.add.f32.msk $0xffff, v5  }
0x14a: {  	v6 =	vld [tilespmem:$0x14730];
	_ =	sdelay $0x7  }
0x14b: {  	[tilespmem:v6+s24+$0x0] =	vst.idx.add.f32.msk $0xffff, v5  }
0x14c: {  	v6 =	vld [tilespmem:$0x14740];
	_ =	sdelay $0x7  }
0x14d: {  	[tilespmem:v6+s24+$0x0] =	vst.idx.add.f32.msk $0xffff, v5  }
0x14e: {  	v6 =	vld [tilespmem:$0x14750];
	_ =	sdelay $0x7  }
0x14f: {  	[tilespmem:v6+s24+$0x0] =	vst.idx.add.f32.msk $0xffff, v5  }
0x150: {  	v6 =	vld [tilespmem:$0x14760];
	_ =	sdelay $0x7  }
0x151: {  	[tilespmem:v6+s24+$0x0] =	vst.idx.add.f32.msk $0xffff, v5  }
0x152: {  	v6 =	vld [tilespmem:$0x14770];
	_ =	sdelay $0x7  }
0x153: {  	[tilespmem:v6+s24+$0x0] =	vst.idx.add.f32.msk $0xffff, v5  }
0x154: {  	v6 =	vld [tilespmem:$0x14780];
	_ =	sdelay $0x7  }
0x155: {  	[tilespmem:v6+s24+$0x0] =	vst.idx.add.f32.msk $0xffff, v5  }
0x156: {  	v6 =	vld [tilespmem:$0x14790];
	_ =	sdelay $0x7  }
0x157: {  	[tilespmem:v6+s24+$0x0] =	vst.idx.add.f32.msk $0xffff, v5  }
0x158: {  	v6 =	vld [tilespmem:$0x147A0];
	_ =	sdelay $0x7  }
0x159: {  	[tilespmem:v6+s24+$0x0] =	vst.idx.add.f32.msk $0xffff, v5  }
0x15a: {  	v6 =	vld [tilespmem:$0x147B0];
	_ =	sdelay $0x7  }
0x15b: {  	[tilespmem:v6+s24+$0x0] =	vst.idx.add.f32.msk $0xffff, v5  }
0x15c: {  	v6 =	vld [tilespmem:$0x147C0];
	_ =	sdelay $0x7  }
0x15d: {  	[tilespmem:v6+s24+$0x0] =	vst.idx.add.f32.msk $0xffff, v5  }
0x15e: {  	v6 =	vld [tilespmem:$0x147D0];
	_ =	sdelay $0x7  }
0x15f: {  	[tilespmem:v6+s24+$0x0] =	vst.idx.add.f32.msk $0xffff, v5  }
0x160: {  	v6 =	vld [tilespmem:$0x147E0];
	_ =	sdelay $0x7  }
0x161: {  	[tilespmem:v6+s24+$0x0] =	vst.idx.add.f32.msk $0xffff, v5  }
0x162: {  	v6 =	vld [tilespmem:$0x147F0];
	_ =	sdelay $0x4  }
0x163: {  	s10 =	sadd.s32 $0xFFFFFFC0, s11  }
0x164: {  	p1 =	sgt.u32 s10, $0x270  }
0x165: {  	s3 =	sadd.s32 @!p1 s21, s20  }
0x166: {  	s3 =	sadd.s32 @!p1 $0x3000, s3;
	s26 =	simm.s32 @!p1 $0x0;
	s28 =	simm.s32 @!p1 $0x14C00;
	[tilespmem:v6+s24+$0x0] =	vst.idx.add.f32.msk $0xffff, v5  }
0x167: {  	[tilespmem:s28], [sflag:$0x6] =	stream.linear.gather @!p1 [hbm4b:s3+s26], $0x400, $0x38;
	[tilespmem:$0x1FAD0] =	vst v63  }
0x168: {  	_ =	swait.ge [sflag:s17], $0x4000  }
0x169: {  	[sflag:s17] =	ssyncset.done $0x0  }
0x16a: {  	s26 =	simm.s32 $0x14380;
	[sflag:s17] =	ssyncadd.s32 $0xFFFFC000  }
0x16b: {  	[spmem:s2] =	stream.indirect.scatter.add.f32 [tilespmem:s31], [sflag:$0x8], $0x80, s26, s29, $0xb8;
	[tilespmem:$0x1FAD0] =	vst v63  }
0x16c: {  	_ =	swait.ge [sflag:s15], $0x4000  }
0x16d: {  	[sflag:s15] =	ssyncset.done $0x0  }
0x16e: {  	s28 =	simm.s32 $0x14480;
	[sflag:s15] =	ssyncadd.s32 $0xFFFFC000  }
0x16f: {  	[tilespmem:s31], [sflag:$0x2] =	stream.indirect.gather [hbm4b:s1+s29], $0x80, s28, s29, $0xb8;
	[tilespmem:$0x1FAD0] =	vst v63  }
0x170: {  	_ =	swait.ge [sflag:s13], $0x4000  }
0x171: {  	[sflag:s13] =	ssyncset.done $0x0  }
0x172: {  	s6 =	simm.s32 $0x14600;
	[sflag:s13] =	ssyncadd.s32 $0xFFFFC000  }
0x173: {  	[spmem:s2] =	stream.indirect.scatter.add.f32 [tilespmem:s22], [sflag:$0x8], $0x80, s6, s29, $0xb8;
	[tilespmem:$0x1FAD0] =	vst v63  }
0x174: {  	_ =	swait.ge [sflag:s15], $0x4000  }
0x175: {  	[sflag:s15] =	ssyncset.done $0x0  }
0x176: {  	s7 =	simm.s32 $0x14500;
	[sflag:s15] =	ssyncadd.s32 $0xFFFFC000  }
0x177: {  	[tilespmem:s22], [sflag:$0x1] =	stream.indirect.gather [hbm4b:s1+s29], $0x80, s7, s29, $0xb8;
	[tilespmem:$0x1FAD0] =	vst v63  }
0x178: {  	_ =	swait.ge [sflag:s5], $0x400  }
0x179: {  	[sflag:s5] =	ssyncset.done $0x0  }
0x17a: {  	[sflag:s5] =	ssyncadd.s32 $0xFFFFFC00  }
0x17b: {  	_ =	swait.ge [sflag:s17], $0x4000  }
0x17c: {  	[sflag:s17] =	ssyncset.done $0x0  }
0x17d: {  	s8 =	simm.s32 $0x14680;
	[sflag:s17] =	ssyncadd.s32 $0xFFFFC000  }
0x17e: {  	[spmem:s2] =	stream.indirect.scatter.add.f32 [tilespmem:s31], [sflag:$0x8], $0x80, s8, s29, $0xb8;
	[tilespmem:$0x1FAD0] =	vst v63  }
0x17f: {  	_ =	swait.ge [sflag:s15], $0x4000  }
0x180: {  	[sflag:s15] =	ssyncset.done $0x0  }
0x181: {  	s9 =	simm.s32 $0x14580;
	[sflag:s15] =	ssyncadd.s32 $0xFFFFC000  }
0x182: {  	[tilespmem:s31], [sflag:$0x2] =	stream.indirect.gather [hbm4b:s1+s29], $0x80, s9, s29, $0xb8;
	[tilespmem:$0x1FAD0] =	vst v63  }
0x183: {  	_ =	swait.ge [sflag:s13], $0x4000  }
0x184: {  	[sflag:s13] =	ssyncset.done $0x0  }
0x185: {  	s10 =	simm.s32 $0x14700;
	[sflag:s13] =	ssyncadd.s32 $0xFFFFC000  }
0x186: {  	[spmem:s2] =	stream.indirect.scatter.add.f32 [tilespmem:s22], [sflag:$0x8], $0x80, s10, s29, $0xb8;
	[tilespmem:$0x1FAD0] =	vst v63  }
0x187: {  	_ =	swait.ge [sflag:s15], $0x4000  }
0x188: {  	[sflag:s15] =	ssyncset.done $0x0  }
0x189: {  	[sflag:s15] =	ssyncadd.s32 $0xFFFFC000  }
0x18a: {  	[tilespmem:s22], [sflag:$0x1] =	stream.indirect.gather [hbm4b:s1+s29], $0x80, s12, s29, $0xb8;
	[tilespmem:$0x1FAD0] =	vst v63  }
0x18b: {  	v6 =	vld [tilespmem:$0x14A00];
	_ =	sdelay $0x7  }
0x18c: {  	[tilespmem:v6+s24+$0x0] =	vst.idx.add.f32.msk $0xffff, v5  }
0x18d: {  	v6 =	vld [tilespmem:$0x14A10];
	_ =	sdelay $0x7  }
0x18e: {  	[tilespmem:v6+s24+$0x0] =	vst.idx.add.f32.msk $0xffff, v5  }
0x18f: {  	v6 =	vld [tilespmem:$0x14A20];
	_ =	sdelay $0x7  }
0x190: {  	[tilespmem:v6+s24+$0x0] =	vst.idx.add.f32.msk $0xffff, v5  }
0x191: {  	v6 =	vld [tilespmem:$0x14A30];
	_ =	sdelay $0x7  }
0x192: {  	[tilespmem:v6+s24+$0x0] =	vst.idx.add.f32.msk $0xffff, v5  }
0x193: {  	v6 =	vld [tilespmem:$0x14A40];
	_ =	sdelay $0x7  }
0x194: {  	[tilespmem:v6+s24+$0x0] =	vst.idx.add.f32.msk $0xffff, v5  }
0x195: {  	v6 =	vld [tilespmem:$0x14A50];
	_ =	sdelay $0x7  }
0x196: {  	[tilespmem:v6+s24+$0x0] =	vst.idx.add.f32.msk $0xffff, v5  }
0x197: {  	v6 =	vld [tilespmem:$0x14A60];
	_ =	sdelay $0x7  }
0x198: {  	[tilespmem:v6+s24+$0x0] =	vst.idx.add.f32.msk $0xffff, v5  }
0x199: {  	v6 =	vld [tilespmem:$0x14A70];
	_ =	sdelay $0x7  }
0x19a: {  	[tilespmem:v6+s24+$0x0] =	vst.idx.add.f32.msk $0xffff, v5  }
0x19b: {  	v6 =	vld [tilespmem:$0x14A80];
	_ =	sdelay $0x7  }
0x19c: {  	[tilespmem:v6+s24+$0x0] =	vst.idx.add.f32.msk $0xffff, v5  }
0x19d: {  	v6 =	vld [tilespmem:$0x14A90];
	_ =	sdelay $0x7  }
0x19e: {  	[tilespmem:v6+s24+$0x0] =	vst.idx.add.f32.msk $0xffff, v5  }
0x19f: {  	v6 =	vld [tilespmem:$0x14AA0];
	_ =	sdelay $0x7  }
0x1a0: {  	[tilespmem:v6+s24+$0x0] =	vst.idx.add.f32.msk $0xffff, v5  }
0x1a1: {  	v6 =	vld [tilespmem:$0x14AB0];
	_ =	sdelay $0x7  }
0x1a2: {  	[tilespmem:v6+s24+$0x0] =	vst.idx.add.f32.msk $0xffff, v5  }
0x1a3: {  	v6 =	vld [tilespmem:$0x14AC0];
	_ =	sdelay $0x7  }
0x1a4: {  	[tilespmem:v6+s24+$0x0] =	vst.idx.add.f32.msk $0xffff, v5  }
0x1a5: {  	v6 =	vld [tilespmem:$0x14AD0];
	_ =	sdelay $0x7  }
0x1a6: {  	[tilespmem:v6+s24+$0x0] =	vst.idx.add.f32.msk $0xffff, v5  }
0x1a7: {  	v6 =	vld [tilespmem:$0x14AE0];
	_ =	sdelay $0x7  }
0x1a8: {  	[tilespmem:v6+s24+$0x0] =	vst.idx.add.f32.msk $0xffff, v5  }
0x1a9: {  	v6 =	vld [tilespmem:$0x14AF0];
	_ =	sdelay $0x7  }
0x1aa: {  	[tilespmem:v6+s24+$0x0] =	vst.idx.add.f32.msk $0xffff, v5  }
0x1ab: {  	v6 =	vld [tilespmem:$0x14B00];
	_ =	sdelay $0x7  }
0x1ac: {  	[tilespmem:v6+s24+$0x0] =	vst.idx.add.f32.msk $0xffff, v5  }
0x1ad: {  	v6 =	vld [tilespmem:$0x14B10];
	_ =	sdelay $0x7  }
0x1ae: {  	[tilespmem:v6+s24+$0x0] =	vst.idx.add.f32.msk $0xffff, v5  }
0x1af: {  	v6 =	vld [tilespmem:$0x14B20];
	_ =	sdelay $0x7  }
0x1b0: {  	[tilespmem:v6+s24+$0x0] =	vst.idx.add.f32.msk $0xffff, v5  }
0x1b1: {  	v6 =	vld [tilespmem:$0x14B30];
	_ =	sdelay $0x7  }
0x1b2: {  	[tilespmem:v6+s24+$0x0] =	vst.idx.add.f32.msk $0xffff, v5  }
0x1b3: {  	v6 =	vld [tilespmem:$0x14B40];
	_ =	sdelay $0x7  }
0x1b4: {  	[tilespmem:v6+s24+$0x0] =	vst.idx.add.f32.msk $0xffff, v5  }
0x1b5: {  	v6 =	vld [tilespmem:$0x14B50];
	_ =	sdelay $0x7  }
0x1b6: {  	[tilespmem:v6+s24+$0x0] =	vst.idx.add.f32.msk $0xffff, v5  }
0x1b7: {  	v6 =	vld [tilespmem:$0x14B60];
	_ =	sdelay $0x7  }
0x1b8: {  	[tilespmem:v6+s24+$0x0] =	vst.idx.add.f32.msk $0xffff, v5  }
0x1b9: {  	v6 =	vld [tilespmem:$0x14B70];
	_ =	sdelay $0x7  }
0x1ba: {  	[tilespmem:v6+s24+$0x0] =	vst.idx.add.f32.msk $0xffff, v5  }
0x1bb: {  	v6 =	vld [tilespmem:$0x14B80];
	_ =	sdelay $0x7  }
0x1bc: {  	[tilespmem:v6+s24+$0x0] =	vst.idx.add.f32.msk $0xffff, v5  }
0x1bd: {  	v6 =	vld [tilespmem:$0x14B90];
	_ =	sdelay $0x7  }
0x1be: {  	[tilespmem:v6+s24+$0x0] =	vst.idx.add.f32.msk $0xffff, v5  }
0x1bf: {  	v6 =	vld [tilespmem:$0x14BA0];
	_ =	sdelay $0x7  }
0x1c0: {  	[tilespmem:v6+s24+$0x0] =	vst.idx.add.f32.msk $0xffff, v5  }
0x1c1: {  	v6 =	vld [tilespmem:$0x14BB0];
	_ =	sdelay $0x7  }
0x1c2: {  	[tilespmem:v6+s24+$0x0] =	vst.idx.add.f32.msk $0xffff, v5  }
0x1c3: {  	v6 =	vld [tilespmem:$0x14BC0];
	_ =	sdelay $0x7  }
0x1c4: {  	[tilespmem:v6+s24+$0x0] =	vst.idx.add.f32.msk $0xffff, v5  }
0x1c5: {  	v6 =	vld [tilespmem:$0x14BD0];
	_ =	sdelay $0x7  }
0x1c6: {  	[tilespmem:v6+s24+$0x0] =	vst.idx.add.f32.msk $0xffff, v5  }
0x1c7: {  	v6 =	vld [tilespmem:$0x14BE0];
	_ =	sdelay $0x7  }
0x1c8: {  	[tilespmem:v6+s24+$0x0] =	vst.idx.add.f32.msk $0xffff, v5  }
0x1c9: {  	v6 =	vld [tilespmem:$0x14BF0];
	_ =	sdelay $0x4  }
0x1ca: {  	s26 =	sadd.s32 $0xFFFFFFE0, s11  }
0x1cb: {  	p2 =	sgt.u32 s26, $0x270  }
0x1cc: {  	s3 =	sadd.s32 @!p2 s21, s20  }
0x1cd: {  	s26 =	sadd.s32 @!p2 $0x4000, s3;
	s3 =	simm.s32 @!p2 $0x14000;
	s28 =	simm.s32 @!p2 $0x0;
	[tilespmem:v6+s24+$0x0] =	vst.idx.add.f32.msk $0xffff, v5  }
0x1ce: {  	[tilespmem:s3], [sflag:$0x3] =	stream.linear.gather @!p2 [hbm4b:s26+s28], $0x400, $0x38;
	[tilespmem:$0x1FAD0] =	vst v63  }
0x1cf: {  	_ =	swait.ge [sflag:s17], $0x4000  }
0x1d0: {  	[sflag:s17] =	ssyncset.done $0x0  }
0x1d1: {  	s6 =	simm.s32 $0x14780;
	[sflag:s17] =	ssyncadd.s32 $0xFFFFC000  }
0x1d2: {  	[spmem:s2] =	stream.indirect.scatter.add.f32 [tilespmem:s31], [sflag:$0x8], $0x80, s6, s29, $0xb8;
	[tilespmem:$0x1FAD0] =	vst v63  }
0x1d3: {  	_ =	swait.ge [sflag:s15], $0x4000  }
0x1d4: {  	[sflag:s15] =	ssyncset.done $0x0  }
0x1d5: {  	s28 =	simm.s32 $0x14880;
	[sflag:s15] =	ssyncadd.s32 $0xFFFFC000  }
0x1d6: {  	[tilespmem:s31], [sflag:$0x2] =	stream.indirect.gather [hbm4b:s1+s29], $0x80, s28, s29, $0xb8;
	[tilespmem:$0x1FAD0] =	vst v63  }
0x1d7: {  	_ =	swait.ge [sflag:s13], $0x4000  }
0x1d8: {  	[sflag:s13] =	ssyncset.done $0x0  }
0x1d9: {  	[sflag:s13] =	ssyncadd.s32 $0xFFFFC000  }
0x1da: {  	[spmem:s2] =	stream.indirect.scatter.add.f32 [tilespmem:s22], [sflag:$0x8], $0x80, s30, s29, $0xb8;
	[tilespmem:$0x1FAD0] =	vst v63  }
0x1db: {  	_ =	swait.ge [sflag:s15], $0x4000  }
0x1dc: {  	[sflag:s15] =	ssyncset.done $0x0  }
0x1dd: {  	s26 =	simm.s32 @!p1 $0x6;
	[sflag:s15] =	ssyncadd.s32 $0xFFFFC000  }
0x1de: {  	[tilespmem:s22], [sflag:$0x1] =	stream.indirect.gather [hbm4b:s1+s29], $0x80, s14, s29, $0xb8;
	[tilespmem:$0x1FAD0] =	vst v63  }
0x1df: {  	_ =	swait.ge @!p1 [sflag:s26], $0x400  }
0x1e0: {  	[sflag:s26] =	ssyncset.done @!p1 $0x0  }
0x1e1: {  	[sflag:s26] =	ssyncadd.s32 @!p1 $0xFFFFFC00  }
0x1e2: {  	_ =	swait.ge [sflag:s17], $0x4000  }
0x1e3: {  	[sflag:s17] =	ssyncset.done $0x0  }
0x1e4: {  	[sflag:s17] =	ssyncadd.s32 $0xFFFFC000  }
0x1e5: {  	[spmem:s2] =	stream.indirect.scatter.add.f32 [tilespmem:s31], [sflag:$0x8], $0x80, s16, s29, $0xb8;
	[tilespmem:$0x1FAD0] =	vst v63  }
0x1e6: {  	_ =	swait.ge [sflag:s15], $0x4000  }
0x1e7: {  	[sflag:s15] =	ssyncset.done $0x0  }
0x1e8: {  	[sflag:s15] =	ssyncadd.s32 $0xFFFFC000  }
0x1e9: {  	[tilespmem:s31], [sflag:$0x2] =	stream.indirect.gather [hbm4b:s1+s29], $0x80, s18, s29, $0xb8;
	[tilespmem:$0x1FAD0] =	vst v63  }
0x1ea: {  	_ =	swait.ge [sflag:s13], $0x4000  }
0x1eb: {  	[sflag:s13] =	ssyncset.done $0x0  }
.Ltmp4:
0x1ec: {  	[sflag:s13] =	ssyncadd.s32 $0xFFFFC000;
	(pc) =	sbr.rel @p1 .LBB2_4-.Ltmp4, $4  }
0x1ed: {  	[spmem:s2] =	stream.indirect.scatter.add.f32 [tilespmem:s22], [sflag:$0x8], $0x80, s25, s29, $0xb8;
	[tilespmem:$0x1FAD0] =	vst v63  }
0x1ee: {  	_ =	swait.ge [sflag:s15], $0x4000  }
0x1ef: {  	[sflag:s15] =	ssyncset.done $0x0  }
0x1f0: {  	[sflag:s15] =	ssyncadd.s32 $0xFFFFC000  }
0x1f1: {  	s6 =	simm.s32 $0x14C00  }
0x1f2: {  	[tilespmem:s22], [sflag:$0x1] =	stream.indirect.gather [hbm4b:s1+s29], $0x80, s6, s29, $0xb8;
	[tilespmem:$0x1FAD0] =	vst v63  }
0x1f3: {  	v6 =	vld [tilespmem:$0x14E00];
	_ =	sdelay $0x7  }
0x1f4: {  	[tilespmem:v6+s24+$0x0] =	vst.idx.add.f32.msk $0xffff, v5  }
0x1f5: {  	v6 =	vld [tilespmem:$0x14E10];
	_ =	sdelay $0x7  }
0x1f6: {  	[tilespmem:v6+s24+$0x0] =	vst.idx.add.f32.msk $0xffff, v5  }
0x1f7: {  	v6 =	vld [tilespmem:$0x14E20];
	_ =	sdelay $0x7  }
0x1f8: {  	[tilespmem:v6+s24+$0x0] =	vst.idx.add.f32.msk $0xffff, v5  }
0x1f9: {  	v6 =	vld [tilespmem:$0x14E30];
	_ =	sdelay $0x7  }
0x1fa: {  	[tilespmem:v6+s24+$0x0] =	vst.idx.add.f32.msk $0xffff, v5  }
0x1fb: {  	v6 =	vld [tilespmem:$0x14E40];
	_ =	sdelay $0x7  }
0x1fc: {  	[tilespmem:v6+s24+$0x0] =	vst.idx.add.f32.msk $0xffff, v5  }
0x1fd: {  	v6 =	vld [tilespmem:$0x14E50];
	_ =	sdelay $0x7  }
0x1fe: {  	[tilespmem:v6+s24+$0x0] =	vst.idx.add.f32.msk $0xffff, v5  }
0x1ff: {  	v6 =	vld [tilespmem:$0x14E60];
	_ =	sdelay $0x7  }
0x200: {  	[tilespmem:v6+s24+$0x0] =	vst.idx.add.f32.msk $0xffff, v5  }
0x201: {  	v6 =	vld [tilespmem:$0x14E70];
	_ =	sdelay $0x7  }
0x202: {  	[tilespmem:v6+s24+$0x0] =	vst.idx.add.f32.msk $0xffff, v5  }
0x203: {  	v6 =	vld [tilespmem:$0x14E80];
	_ =	sdelay $0x7  }
0x204: {  	[tilespmem:v6+s24+$0x0] =	vst.idx.add.f32.msk $0xffff, v5  }
0x205: {  	v6 =	vld [tilespmem:$0x14E90];
	_ =	sdelay $0x7  }
0x206: {  	[tilespmem:v6+s24+$0x0] =	vst.idx.add.f32.msk $0xffff, v5  }
0x207: {  	v6 =	vld [tilespmem:$0x14EA0];
	_ =	sdelay $0x7  }
0x208: {  	[tilespmem:v6+s24+$0x0] =	vst.idx.add.f32.msk $0xffff, v5  }
0x209: {  	v6 =	vld [tilespmem:$0x14EB0];
	_ =	sdelay $0x7  }
0x20a: {  	[tilespmem:v6+s24+$0x0] =	vst.idx.add.f32.msk $0xffff, v5  }
0x20b: {  	v6 =	vld [tilespmem:$0x14EC0];
	_ =	sdelay $0x7  }
0x20c: {  	[tilespmem:v6+s24+$0x0] =	vst.idx.add.f32.msk $0xffff, v5  }
0x20d: {  	v6 =	vld [tilespmem:$0x14ED0];
	_ =	sdelay $0x7  }
0x20e: {  	[tilespmem:v6+s24+$0x0] =	vst.idx.add.f32.msk $0xffff, v5  }
0x20f: {  	v6 =	vld [tilespmem:$0x14EE0];
	_ =	sdelay $0x7  }
0x210: {  	[tilespmem:v6+s24+$0x0] =	vst.idx.add.f32.msk $0xffff, v5  }
0x211: {  	v6 =	vld [tilespmem:$0x14EF0];
	_ =	sdelay $0x7  }
0x212: {  	[tilespmem:v6+s24+$0x0] =	vst.idx.add.f32.msk $0xffff, v5  }
0x213: {  	v6 =	vld [tilespmem:$0x14F00];
	_ =	sdelay $0x7  }
0x214: {  	[tilespmem:v6+s24+$0x0] =	vst.idx.add.f32.msk $0xffff, v5  }
0x215: {  	v6 =	vld [tilespmem:$0x14F10];
	_ =	sdelay $0x7  }
0x216: {  	[tilespmem:v6+s24+$0x0] =	vst.idx.add.f32.msk $0xffff, v5  }
0x217: {  	v6 =	vld [tilespmem:$0x14F20];
	_ =	sdelay $0x7  }
0x218: {  	[tilespmem:v6+s24+$0x0] =	vst.idx.add.f32.msk $0xffff, v5  }
0x219: {  	v6 =	vld [tilespmem:$0x14F30];
	_ =	sdelay $0x7  }
0x21a: {  	[tilespmem:v6+s24+$0x0] =	vst.idx.add.f32.msk $0xffff, v5  }
0x21b: {  	v6 =	vld [tilespmem:$0x14F40];
	_ =	sdelay $0x7  }
0x21c: {  	[tilespmem:v6+s24+$0x0] =	vst.idx.add.f32.msk $0xffff, v5  }
0x21d: {  	v6 =	vld [tilespmem:$0x14F50];
	_ =	sdelay $0x7  }
0x21e: {  	[tilespmem:v6+s24+$0x0] =	vst.idx.add.f32.msk $0xffff, v5  }
0x21f: {  	v6 =	vld [tilespmem:$0x14F60];
	_ =	sdelay $0x7  }
0x220: {  	[tilespmem:v6+s24+$0x0] =	vst.idx.add.f32.msk $0xffff, v5  }
0x221: {  	v6 =	vld [tilespmem:$0x14F70];
	_ =	sdelay $0x7  }
0x222: {  	[tilespmem:v6+s24+$0x0] =	vst.idx.add.f32.msk $0xffff, v5  }
0x223: {  	v6 =	vld [tilespmem:$0x14F80];
	_ =	sdelay $0x7  }
0x224: {  	[tilespmem:v6+s24+$0x0] =	vst.idx.add.f32.msk $0xffff, v5  }
0x225: {  	v6 =	vld [tilespmem:$0x14F90];
	_ =	sdelay $0x7  }
0x226: {  	[tilespmem:v6+s24+$0x0] =	vst.idx.add.f32.msk $0xffff, v5  }
0x227: {  	v6 =	vld [tilespmem:$0x14FA0];
	_ =	sdelay $0x7  }
0x228: {  	[tilespmem:v6+s24+$0x0] =	vst.idx.add.f32.msk $0xffff, v5  }
0x229: {  	v6 =	vld [tilespmem:$0x14FB0];
	_ =	sdelay $0x7  }
0x22a: {  	[tilespmem:v6+s24+$0x0] =	vst.idx.add.f32.msk $0xffff, v5  }
0x22b: {  	v6 =	vld [tilespmem:$0x14FC0];
	_ =	sdelay $0x7  }
0x22c: {  	[tilespmem:v6+s24+$0x0] =	vst.idx.add.f32.msk $0xffff, v5  }
0x22d: {  	v6 =	vld [tilespmem:$0x14FD0];
	_ =	sdelay $0x7  }
0x22e: {  	[tilespmem:v6+s24+$0x0] =	vst.idx.add.f32.msk $0xffff, v5  }
0x22f: {  	v6 =	vld [tilespmem:$0x14FE0];
	_ =	sdelay $0x7  }
0x230: {  	[tilespmem:v6+s24+$0x0] =	vst.idx.add.f32.msk $0xffff, v5  }
0x231: {  	v6 =	vld [tilespmem:$0x14FF0];
	_ =	sdelay $0x3  }
.Ltmp5:
0x232: {  	_ = 	snop;
	(pc) =	sbr.rel .LBB2_4-.Ltmp5, $2  }
0x233: {  	_ =	sdelay $0x2  }
0x234: {  	[tilespmem:v6+s24+$0x0] =	vst.idx.add.f32.msk $0xffff, v5  }
.LBB2_6:
0x235: {  	_ =	sfence.sel $0x180000  }
0x236: {  	[bflag:$0x0] =	sbarrier.arrive $0xFFFF  }
0x237: {  	_ =	strace $0x90000047  }
0x238: {  	[bflag:$0x2] =	sbarrier.arrive $0xFFFF  }
0x239: {  	s0 =	rddreg [dreg:$0x5]  }
0x23a: {  	s0 =	sadd.s32 @!p0 $0x100000, s0  }
0x23b: {  	[sflag:s0] =	ssyncadd.tile.s32 @!p0 $0x1;
	_ =	shalt  }
.Lfunc_end2:
_tile_overlayer_lowered:
.L_overlay_start_2:
0x23c: {  	(tag) =	ssettag $0x2  }
0x23d: {  	s0 =	rddreg [dreg:$0x0];
	s2 =	stileid.u32  }
0x23e: {  	s1 =	rddreg [dreg:$0x1];
	p0 =	sne.s32 s2, $0x0  }
0x23f: {  	s3 =	rddreg [dreg:$0x2];
	[bflag:$0x3] =	sbarrier.arrive $0xFFFF;
	s2 =	simm.s32 @!p0 $0x1C07  }
0x240: {  	[timem:s3], [sflag:s2] =	dma.local @!p0 [hbm:s0], s1  }
0x241: {  	s0 =	simm.s32 @!p0 $0x7  }
0x242: {  	_ =	swait.ge @!p0 [sflag:s0], s1  }
0x243: {  	s1 =	ssub.s32 @!p0 $0x0, s1;
	[sflag:s0] =	ssyncset.done @!p0 $0x0  }
0x244: {  	[sflag:s0] =	ssyncadd.s32 @!p0 s1  }
0x245: {  	[bflag:$0x3] =	sbarrier.arrive $0xFFFF  }
0x246: {  	_ =	shalt  }

</sc_bundles>
